<compile_context>
chip_gen: v7x
topology: tpu7x:2x2x1
jax: 0.10.2.dev20260603
libtpu: 0.0.44.dev20260713+nightly
codegen_flags: <defaults>
</compile_context>

<pallas_src>
import functools

import jax
import jax.numpy as jnp
from jax import lax
from jax.experimental import pallas as pl
from jax.experimental.pallas import tpu as pltpu
from jax.experimental.pallas import tpu_sc as plsc

NC = 2
NS = 16
NW = NC * NS
LANES = 16
GCHUNK = 128
CHUNK = 256
NG_PER = CHUNK // GCHUNK


def kernel(sequence, segment_labels, tok_table, seg_table, pe):
    B, L = sequence.shape
    V, D = tok_table.shape
    N = B * L
    n_groups = CHUNK // LANES
    rows_per_w = N // NW
    n_chunks = rows_per_w // CHUNK
    n_seg = seg_table.shape[0]
    n_jb = D // LANES
    assert N == NW * n_chunks * CHUNK and D % LANES == 0
    assert n_chunks >= 4 and n_chunks % 2 == 1

    seq_flat = sequence.reshape(N).astype(jnp.int32)
    lbl_flat = segment_labels.reshape(N).astype(jnp.int32)
    pe_flat = pe.reshape(pe.shape[1], D)[:L].reshape(L * D)
    seg_flat = seg_table.astype(jnp.float32).reshape(n_seg * D)

    mesh = plsc.VectorSubcoreMesh(core_axis_name="c", subcore_axis_name="s")

    @functools.partial(
        pl.kernel,
        out_type=jax.ShapeDtypeStruct((N, D), jnp.float32),
        mesh=mesh,
        compiler_params=pltpu.CompilerParams(
            needs_layout_passes=False, use_tc_tiling_on_sc=False),
        scratch_types=[
            pltpu.VMEM((n_seg * L * D,), jnp.float32),
            pltpu.VMEM((n_seg * D,), jnp.float32),
            pltpu.VMEM((rows_per_w,), jnp.int32),
            pltpu.VMEM((rows_per_w,), jnp.int32),
            pltpu.VMEM((CHUNK, D), jnp.float32),
            pltpu.VMEM((CHUNK, D), jnp.float32),
            pltpu.SemaphoreType.DMA,
            pltpu.SemaphoreType.DMA,
            pltpu.SemaphoreType.DMA,
            pltpu.SemaphoreType.DMA,
            pltpu.SemaphoreType.DMA,
        ],
    )
    def run(seq_ref, lbl_ref, tok_ref, seg_ref, pe_ref, out_ref,
            combo_v, seg_v, idx_all, lbl_all, rows0, rows1,
            sem_in, sem_g0, sem_g1, sem_o0, sem_o1):
        wid = lax.axis_index("s") * NC + lax.axis_index("c")
        iota = lax.iota(jnp.int32, LANES)
        wbase = wid * rows_per_w

        cp_i = pltpu.async_copy(
            seq_ref.at[pl.ds(wbase, rows_per_w)], idx_all, sem_in)
        cp_l = pltpu.async_copy(
            lbl_ref.at[pl.ds(wbase, rows_per_w)], lbl_all, sem_in)

        pltpu.sync_copy(seg_ref, seg_v)
        for s in range(n_seg):
            pltpu.sync_copy(pe_ref, combo_v.at[pl.ds(s * L * D, L * D)])
        seg_rows = [[seg_v[pl.ds(s * D + jb * LANES, LANES)]
                     for jb in range(n_jb)] for s in range(n_seg)]

        def build_body(l, carry):
            for s in range(n_seg):
                for jb in range(n_jb):
                    sl = pl.ds(s * L * D + l * D + jb * LANES, LANES)
                    combo_v[sl] = combo_v[sl] + seg_rows[s][jb]
            return carry

        lax.fori_loop(0, L, build_body, 0)
        cp_i.wait()
        cp_l.wait()

        rows = (rows0, rows1)
        sem_g = (sem_g0, sem_g1)
        sem_o = (sem_o0, sem_o1)
        col_iotas = [iota + jb * LANES for jb in range(n_jb)]

        def g_issue(loc, p):
            for k in range(NG_PER):
                pltpu.async_copy(
                    tok_ref.at[idx_all.at[pl.ds(loc + k * GCHUNK, GCHUNK)]],
                    rows[p].at[pl.ds(k * GCHUNK, GCHUNK), :], sem_g[p])

        def g_wait(loc, p):
            for k in range(NG_PER):
                pltpu.make_async_copy(
                    tok_ref.at[idx_all.at[pl.ds(loc + k * GCHUNK, GCHUNK)]],
                    rows[p].at[pl.ds(k * GCHUNK, GCHUNK), :], sem_g[p]).wait()

        def o_issue(loc, p):
            pltpu.async_copy(
                rows[p], out_ref.at[pl.ds(wbase + loc, CHUNK), :], sem_o[p])

        def o_wait(loc, p):
            pltpu.make_async_copy(
                rows[p], out_ref.at[pl.ds(wbase + loc, CHUNK), :],
                sem_o[p]).wait()

        def compute_chunk(loc, rows_buf):
            gbase = wbase + loc

            def group_body(g, c2):
                lvec = lax.rem(gbase + g * LANES + iota, L)
                svec = lbl_all[pl.ds(loc + g * LANES, LANES)]
                cvals = (svec * L + lvec) * D
                for r in range(LANES):
                    row = g * LANES + r
                    cbase = cvals.at[jnp.full((LANES,), r, dtype=jnp.int32)].get(
                        mode="promise_in_bounds")
                    for jb in range(n_jb):
                        add = plsc.load_gather(combo_v, [cbase + col_iotas[jb]])
                        plsc.addupdate(
                            rows_buf.at[row, pl.ds(jb * LANES, LANES)], add)
                return c2

            lax.fori_loop(0, n_groups, group_body, 0)

        def steady(i, p):
            q = 1 - p
            loc = i * CHUNK
            o_wait(loc - CHUNK, q)
            g_issue(loc + CHUNK, q)
            g_wait(loc, p)
            compute_chunk(loc, rows[p])
            o_issue(loc, p)

        g_issue(0, 0)
        g_issue(CHUNK, 1)
        g_wait(0, 0)
        compute_chunk(0, rows0)
        o_issue(0, 0)

        def block(k, carry):
            steady(1 + 2 * k, 1)
            steady(2 + 2 * k, 0)
            return carry

        lax.fori_loop(0, (n_chunks - 3) // 2, block, 0)

        steady(n_chunks - 2, 1)

        loc = (n_chunks - 1) * CHUNK
        o_wait(loc - CHUNK, 1)
        g_wait(loc, 0)
        compute_chunk(loc, rows0)
        o_issue(loc, 0)
        o_wait(loc, 0)

    out = run(seq_flat, lbl_flat, tok_table, seg_flat, pe_flat)
    return out.reshape(B, L, D)

# --- scband reference (transcript-rebuilt; emitter-appended) ---
"""Pipeline reference for scband-bertembedding-17394617549278 (READ-ONLY COPY).

The authoritative reference and input builder live on the scoring server;
editing this copy changes nothing except your own understanding.
"""

import jax, jax.numpy as jnp
import numpy as np
import math

VOCAB = 1000000
MAX_LEN = 512
D_EMBED = 64
B, L = 1024, 200

def _make_pe(max_len, d_embed):
    pe = np.zeros((max_len, d_embed), dtype=np.float32)
    position = np.arange(0, max_len, dtype=np.float32)[:, None]
    div_term = np.exp(np.arange(0, d_embed, 2, dtype=np.float32) * -(math.log(10000.0) / d_embed))
    pe[:, 0::2] = np.sin(position * div_term)
    pe[:, 1::2] = np.cos(position * div_term)
    return jnp.asarray(pe)[None, :, :]  # [1, max_len, d_embed]

def setup_inputs(seed: int = 0) -> dict:
    key = jax.random.key(seed)
    k1, k2, k3, k4 = jax.random.split(key, 4)
    sequence = jax.random.randint(k1, (B, L), 0, VOCAB, dtype=jnp.int64) if jax.config.jax_enable_x64 else jax.random.randint(k1, (B, L), 0, VOCAB, dtype=jnp.int32)
    segment_labels = jax.random.randint(k2, (B, L), 0, 3, dtype=jnp.int32)
    tok_table = jax.random.normal(k3, (VOCAB, D_EMBED), dtype=jnp.float32) * 0.02
    tok_table = tok_table.at[0].set(0.0)  # padding_idx=0
    seg_table = jax.random.normal(k4, (3, D_EMBED), dtype=jnp.float32) * 0.02
    seg_table = seg_table.at[0].set(0.0)  # padding_idx=0
    pe = _make_pe(MAX_LEN, D_EMBED)
    return {"sequence": sequence, "segment_labels": segment_labels,
            "tok_table": tok_table, "seg_table": seg_table, "pe": pe}

def reference(sequence, segment_labels, tok_table, seg_table, pe):
    # BERTEmbedding.forward (eval mode: dropout = identity)
    tok = jnp.take(tok_table, sequence, axis=0)            # [B, L, D]
    pos = pe[:, :sequence.shape[1]]                        # [1, L, D]
    seg = jnp.take(seg_table, segment_labels, axis=0)      # [B, L, D]
    return tok + pos + seg

if __name__ == "__main__":
    import jax
    _d = setup_inputs()
    print(jax.jit(kernel)(*tuple(_d.values())))

</pallas_src>

<mosaic_0001>
#map = affine_map<(d0, d1) -> (0)>
#map1 = affine_map<(d0, d1) -> (0, 0)>
module attributes {stable_mosaic.version = 14 : i64} {
  func.func @run(%arg0: i32, %arg1: i32, %arg2: memref<204800xi32, #tpu.memory_space<hbm>>, %arg3: memref<204800xi32, #tpu.memory_space<hbm>>, %arg4: memref<1000000x64xf32, #tpu.memory_space<hbm>>, %arg5: memref<192xf32, #tpu.memory_space<hbm>>, %arg6: memref<12800xf32, #tpu.memory_space<hbm>>, %arg7: memref<204800x64xf32, #tpu.memory_space<hbm>>, %arg8: memref<38400xf32, #tpu.memory_space<vmem>>, %arg9: memref<192xf32, #tpu.memory_space<vmem>>, %arg10: memref<6400xi32, #tpu.memory_space<vmem>>, %arg11: memref<6400xi32, #tpu.memory_space<vmem>>, %arg12: memref<256x64xf32, #tpu.memory_space<vmem>>, %arg13: memref<256x64xf32, #tpu.memory_space<vmem>>, %arg14: memref<!tpu.dma_semaphore, #tpu.memory_space<semaphore_mem>>, %arg15: memref<!tpu.dma_semaphore, #tpu.memory_space<semaphore_mem>>, %arg16: memref<!tpu.dma_semaphore, #tpu.memory_space<semaphore_mem>>, %arg17: memref<!tpu.dma_semaphore, #tpu.memory_space<semaphore_mem>>, %arg18: memref<!tpu.dma_semaphore, #tpu.memory_space<semaphore_mem>>) attributes {dimension_semantics = [#tpu.dimension_semantics<core_parallel>, #tpu.dimension_semantics<subcore_parallel>], iteration_bounds = array<i64: 2, 16>, scalar_prefetch = 0 : i64, scratch_operands = 11 : i64, tpu.core_type = #tpu.core_type<sc_vector_subcore>, window_params = [{transform_indices = #map}, {transform_indices = #map}, {transform_indices = #map1}, {transform_indices = #map}, {transform_indices = #map}, {transform_indices = #map1}]} {
    %mul3A = arith.constant 2 : i32
    %mul3A_0 = arith.muli %arg1, %mul3A : i32
    %add3A = arith.addi %mul3A_0, %arg0 : i32
    %iota3A = tpu.iota {dimensions = array<i32: 0>} : vector<16xi32>
    %mul3A_1 = arith.constant 6400 : i32
    %mul3A_2 = arith.muli %add3A, %mul3A_1 : i32
    %dma_start3A = tpu.memref_slice %arg2[%mul3A_2] : memref<204800xi32, #tpu.memory_space<hbm>> -> memref<6400xi32, #tpu.memory_space<hbm>>
    %dma_start3A_3 = tpu.memref_slice %arg2[%mul3A_2] : memref<204800xi32, #tpu.memory_space<hbm>> -> memref<6400xi32, #tpu.memory_space<hbm>>
    tpu.enqueue_dma source(%dma_start3A_3 : memref<6400xi32, #tpu.memory_space<hbm>>) target(%arg10 : memref<6400xi32, #tpu.memory_space<vmem>>) target_semaphore(%arg14 : memref<!tpu.dma_semaphore, #tpu.memory_space<semaphore_mem>>)
    %dma_start3A_4 = tpu.memref_slice %arg3[%mul3A_2] : memref<204800xi32, #tpu.memory_space<hbm>> -> memref<6400xi32, #tpu.memory_space<hbm>>
    %dma_start3A_5 = tpu.memref_slice %arg3[%mul3A_2] : memref<204800xi32, #tpu.memory_space<hbm>> -> memref<6400xi32, #tpu.memory_space<hbm>>
    tpu.enqueue_dma source(%dma_start3A_5 : memref<6400xi32, #tpu.memory_space<hbm>>) target(%arg11 : memref<6400xi32, #tpu.memory_space<vmem>>) target_semaphore(%arg14 : memref<!tpu.dma_semaphore, #tpu.memory_space<semaphore_mem>>)
    "tpu.region"() ({
      %run_scoped3A = tpu.sem_alloc : memref<!tpu.dma_semaphore, #tpu.memory_space<semaphore_mem>>
      tpu.enqueue_dma source(%arg5 : memref<192xf32, #tpu.memory_space<hbm>>) target(%arg9 : memref<192xf32, #tpu.memory_space<vmem>>) target_semaphore(%run_scoped3A : memref<!tpu.dma_semaphore, #tpu.memory_space<semaphore_mem>>)
      tpu.wait_dma2 semaphore(%run_scoped3A : memref<!tpu.dma_semaphore, #tpu.memory_space<semaphore_mem>>) src(%arg5 : memref<192xf32, #tpu.memory_space<hbm>>) dst(%arg9 : memref<192xf32, #tpu.memory_space<vmem>>)
      tpu.yield
    }) : () -> ()
    "tpu.region"() ({
      %run_scoped3A = tpu.sem_alloc : memref<!tpu.dma_semaphore, #tpu.memory_space<semaphore_mem>>
      %dma_start3A_211 = arith.constant 0 : i32
      %dma_start3A_212 = tpu.memref_slice %arg8[%dma_start3A_211] : memref<38400xf32, #tpu.memory_space<vmem>> -> memref<12800xf32, #tpu.memory_space<vmem>>
      %dma_start3A_213 = arith.constant 0 : i32
      %dma_start3A_214 = tpu.memref_slice %arg8[%dma_start3A_213] : memref<38400xf32, #tpu.memory_space<vmem>> -> memref<12800xf32, #tpu.memory_space<vmem>>
      tpu.enqueue_dma source(%arg6 : memref<12800xf32, #tpu.memory_space<hbm>>) target(%dma_start3A_214 : memref<12800xf32, #tpu.memory_space<vmem>>) target_semaphore(%run_scoped3A : memref<!tpu.dma_semaphore, #tpu.memory_space<semaphore_mem>>)
      %dma_wait3A_215 = arith.constant 0 : i32
      %dma_wait3A_216 = tpu.memref_slice %arg8[%dma_wait3A_215] : memref<38400xf32, #tpu.memory_space<vmem>> -> memref<12800xf32, #tpu.memory_space<vmem>>
      %dma_wait3A_217 = arith.constant 0 : i32
      %dma_wait3A_218 = tpu.memref_slice %arg8[%dma_wait3A_217] : memref<38400xf32, #tpu.memory_space<vmem>> -> memref<12800xf32, #tpu.memory_space<vmem>>
      tpu.wait_dma2 semaphore(%run_scoped3A : memref<!tpu.dma_semaphore, #tpu.memory_space<semaphore_mem>>) src(%arg6 : memref<12800xf32, #tpu.memory_space<hbm>>) dst(%dma_wait3A_218 : memref<12800xf32, #tpu.memory_space<vmem>>)
      tpu.yield
    }) : () -> ()
    "tpu.region"() ({
      %run_scoped3A = tpu.sem_alloc : memref<!tpu.dma_semaphore, #tpu.memory_space<semaphore_mem>>
      %dma_start3A_211 = arith.constant 12800 : i32
      %dma_start3A_212 = tpu.memref_slice %arg8[%dma_start3A_211] : memref<38400xf32, #tpu.memory_space<vmem>> -> memref<12800xf32, #tpu.memory_space<vmem>>
      %dma_start3A_213 = arith.constant 12800 : i32
      %dma_start3A_214 = tpu.memref_slice %arg8[%dma_start3A_213] : memref<38400xf32, #tpu.memory_space<vmem>> -> memref<12800xf32, #tpu.memory_space<vmem>>
      tpu.enqueue_dma source(%arg6 : memref<12800xf32, #tpu.memory_space<hbm>>) target(%dma_start3A_214 : memref<12800xf32, #tpu.memory_space<vmem>>) target_semaphore(%run_scoped3A : memref<!tpu.dma_semaphore, #tpu.memory_space<semaphore_mem>>)
      %dma_wait3A_215 = arith.constant 12800 : i32
      %dma_wait3A_216 = tpu.memref_slice %arg8[%dma_wait3A_215] : memref<38400xf32, #tpu.memory_space<vmem>> -> memref<12800xf32, #tpu.memory_space<vmem>>
      %dma_wait3A_217 = arith.constant 12800 : i32
      %dma_wait3A_218 = tpu.memref_slice %arg8[%dma_wait3A_217] : memref<38400xf32, #tpu.memory_space<vmem>> -> memref<12800xf32, #tpu.memory_space<vmem>>
      tpu.wait_dma2 semaphore(%run_scoped3A : memref<!tpu.dma_semaphore, #tpu.memory_space<semaphore_mem>>) src(%arg6 : memref<12800xf32, #tpu.memory_space<hbm>>) dst(%dma_wait3A_218 : memref<12800xf32, #tpu.memory_space<vmem>>)
      tpu.yield
    }) : () -> ()
    "tpu.region"() ({
      %run_scoped3A = tpu.sem_alloc : memref<!tpu.dma_semaphore, #tpu.memory_space<semaphore_mem>>
      %dma_start3A_211 = arith.constant 25600 : i32
      %dma_start3A_212 = tpu.memref_slice %arg8[%dma_start3A_211] : memref<38400xf32, #tpu.memory_space<vmem>> -> memref<12800xf32, #tpu.memory_space<vmem>>
      %dma_start3A_213 = arith.constant 25600 : i32
      %dma_start3A_214 = tpu.memref_slice %arg8[%dma_start3A_213] : memref<38400xf32, #tpu.memory_space<vmem>> -> memref<12800xf32, #tpu.memory_space<vmem>>
      tpu.enqueue_dma source(%arg6 : memref<12800xf32, #tpu.memory_space<hbm>>) target(%dma_start3A_214 : memref<12800xf32, #tpu.memory_space<vmem>>) target_semaphore(%run_scoped3A : memref<!tpu.dma_semaphore, #tpu.memory_space<semaphore_mem>>)
      %dma_wait3A_215 = arith.constant 25600 : i32
      %dma_wait3A_216 = tpu.memref_slice %arg8[%dma_wait3A_215] : memref<38400xf32, #tpu.memory_space<vmem>> -> memref<12800xf32, #tpu.memory_space<vmem>>
      %dma_wait3A_217 = arith.constant 25600 : i32
      %dma_wait3A_218 = tpu.memref_slice %arg8[%dma_wait3A_217] : memref<38400xf32, #tpu.memory_space<vmem>> -> memref<12800xf32, #tpu.memory_space<vmem>>
      tpu.wait_dma2 semaphore(%run_scoped3A : memref<!tpu.dma_semaphore, #tpu.memory_space<semaphore_mem>>) src(%arg6 : memref<12800xf32, #tpu.memory_space<hbm>>) dst(%dma_wait3A_218 : memref<12800xf32, #tpu.memory_space<vmem>>)
      tpu.yield
    }) : () -> ()
    %get3A = arith.constant 0 : index
    %get3A_6 = tpu.vector_load %arg9[%get3A] {strides = array<i32>} : memref<192xf32, #tpu.memory_space<vmem>>, vector<16xf32>,
    %get3A_7 = arith.constant 16 : index
    %get3A_8 = tpu.vector_load %arg9[%get3A_7] {strides = array<i32>} : memref<192xf32, #tpu.memory_space<vmem>>, vector<16xf32>,
    %get3A_9 = arith.constant 32 : index
    %get3A_10 = tpu.vector_load %arg9[%get3A_9] {strides = array<i32>} : memref<192xf32, #tpu.memory_space<vmem>>, vector<16xf32>,
    %get3A_11 = arith.constant 48 : index
    %get3A_12 = tpu.vector_load %arg9[%get3A_11] {strides = array<i32>} : memref<192xf32, #tpu.memory_space<vmem>>, vector<16xf32>,
    %get3A_13 = arith.constant 64 : index
    %get3A_14 = tpu.vector_load %arg9[%get3A_13] {strides = array<i32>} : memref<192xf32, #tpu.memory_space<vmem>>, vector<16xf32>,
    %get3A_15 = arith.constant 80 : index
    %get3A_16 = tpu.vector_load %arg9[%get3A_15] {strides = array<i32>} : memref<192xf32, #tpu.memory_space<vmem>>, vector<16xf32>,
    %get3A_17 = arith.constant 96 : index
    %get3A_18 = tpu.vector_load %arg9[%get3A_17] {strides = array<i32>} : memref<192xf32, #tpu.memory_space<vmem>>, vector<16xf32>,
    %get3A_19 = arith.constant 112 : index
    %get3A_20 = tpu.vector_load %arg9[%get3A_19] {strides = array<i32>} : memref<192xf32, #tpu.memory_space<vmem>>, vector<16xf32>,
    %get3A_21 = arith.constant 128 : index
    %get3A_22 = tpu.vector_load %arg9[%get3A_21] {strides = array<i32>} : memref<192xf32, #tpu.memory_space<vmem>>, vector<16xf32>,
    %get3A_23 = arith.constant 144 : index
    %get3A_24 = tpu.vector_load %arg9[%get3A_23] {strides = array<i32>} : memref<192xf32, #tpu.memory_space<vmem>>, vector<16xf32>,
    %get3A_25 = arith.constant 160 : index
    %get3A_26 = tpu.vector_load %arg9[%get3A_25] {strides = array<i32>} : memref<192xf32, #tpu.memory_space<vmem>>, vector<16xf32>,
    %get3A_27 = arith.constant 176 : index
    %get3A_28 = tpu.vector_load %arg9[%get3A_27] {strides = array<i32>} : memref<192xf32, #tpu.memory_space<vmem>>, vector<16xf32>,
    %scan3A = arith.constant 0 : i32
    %scan3A_29 = arith.constant 0 : i32
    %scan3A_30 = arith.constant 200 : i32
    %scan3A_31 = arith.addi %scan3A_29, %scan3A_30 : i32
    %scan3A_32 = arith.constant 1 : i32
    scf.for %scan3A_211 = %scan3A_29 to %scan3A_31 step %scan3A_32  : i32 {
      %mul3A_212 = arith.constant 64 : i32
      %mul3A_213 = arith.muli %scan3A_211, %mul3A_212 : i32
      %add3A_214 = arith.constant 0 : i32
      %add3A_215 = arith.addi %add3A_214, %mul3A_213 : i32
      %add3A_216 = arith.constant 0 : i32
      %add3A_217 = arith.addi %add3A_215, %add3A_216 : i32
      %get3A_218 = arith.index_cast %add3A_217 : i32 to index
      %get3A_219 = tpu.vector_load %arg8[%get3A_218] {strides = array<i32>} : memref<38400xf32, #tpu.memory_space<vmem>>, vector<16xf32>,
      %add3A_220 = arith.addf %get3A_219, %get3A_6 : vector<16xf32>
      %swap3A = arith.index_cast %add3A_217 : i32 to index
      %swap3A_221 = tpu.vector_load %arg8[%swap3A] {strides = array<i32>} : memref<38400xf32, #tpu.memory_space<vmem>>, vector<16xf32>,
      tpu.vector_store %arg8[%swap3A], %add3A_220 {strides = array<i32>} : memref<38400xf32, #tpu.memory_space<vmem>>, vector<16xf32>,
      %mul3A_222 = arith.constant 64 : i32
      %mul3A_223 = arith.muli %scan3A_211, %mul3A_222 : i32
      %add3A_224 = arith.constant 0 : i32
      %add3A_225 = arith.addi %add3A_224, %mul3A_223 : i32
      %add3A_226 = arith.constant 16 : i32
      %add3A_227 = arith.addi %add3A_225, %add3A_226 : i32
      %get3A_228 = arith.index_cast %add3A_227 : i32 to index
      %get3A_229 = tpu.vector_load %arg8[%get3A_228] {strides = array<i32>} : memref<38400xf32, #tpu.memory_space<vmem>>, vector<16xf32>,
      %add3A_230 = arith.addf %get3A_229, %get3A_8 : vector<16xf32>
      %swap3A_231 = arith.index_cast %add3A_227 : i32 to index
      %swap3A_232 = tpu.vector_load %arg8[%swap3A_231] {strides = array<i32>} : memref<38400xf32, #tpu.memory_space<vmem>>, vector<16xf32>,
      tpu.vector_store %arg8[%swap3A_231], %add3A_230 {strides = array<i32>} : memref<38400xf32, #tpu.memory_space<vmem>>, vector<16xf32>,
      %mul3A_233 = arith.constant 64 : i32
      %mul3A_234 = arith.muli %scan3A_211, %mul3A_233 : i32
      %add3A_235 = arith.constant 0 : i32
      %add3A_236 = arith.addi %add3A_235, %mul3A_234 : i32
      %add3A_237 = arith.constant 32 : i32
      %add3A_238 = arith.addi %add3A_236, %add3A_237 : i32
      %get3A_239 = arith.index_cast %add3A_238 : i32 to index
      %get3A_240 = tpu.vector_load %arg8[%get3A_239] {strides = array<i32>} : memref<38400xf32, #tpu.memory_space<vmem>>, vector<16xf32>,
      %add3A_241 = arith.addf %get3A_240, %get3A_10 : vector<16xf32>
      %swap3A_242 = arith.index_cast %add3A_238 : i32 to index
      %swap3A_243 = tpu.vector_load %arg8[%swap3A_242] {strides = array<i32>} : memref<38400xf32, #tpu.memory_space<vmem>>, vector<16xf32>,
      tpu.vector_store %arg8[%swap3A_242], %add3A_241 {strides = array<i32>} : memref<38400xf32, #tpu.memory_space<vmem>>, vector<16xf32>,
      %mul3A_244 = arith.constant 64 : i32
      %mul3A_245 = arith.muli %scan3A_211, %mul3A_244 : i32
      %add3A_246 = arith.constant 0 : i32
      %add3A_247 = arith.addi %add3A_246, %mul3A_245 : i32
      %add3A_248 = arith.constant 48 : i32
      %add3A_249 = arith.addi %add3A_247, %add3A_248 : i32
      %get3A_250 = arith.index_cast %add3A_249 : i32 to index
      %get3A_251 = tpu.vector_load %arg8[%get3A_250] {strides = array<i32>} : memref<38400xf32, #tpu.memory_space<vmem>>, vector<16xf32>,
      %add3A_252 = arith.addf %get3A_251, %get3A_12 : vector<16xf32>
      %swap3A_253 = arith.index_cast %add3A_249 : i32 to index
      %swap3A_254 = tpu.vector_load %arg8[%swap3A_253] {strides = array<i32>} : memref<38400xf32, #tpu.memory_space<vmem>>, vector<16xf32>,
      tpu.vector_store %arg8[%swap3A_253], %add3A_252 {strides = array<i32>} : memref<38400xf32, #tpu.memory_space<vmem>>, vector<16xf32>,
      %mul3A_255 = arith.constant 64 : i32
      %mul3A_256 = arith.muli %scan3A_211, %mul3A_255 : i32
      %add3A_257 = arith.constant 12800 : i32
      %add3A_258 = arith.addi %add3A_257, %mul3A_256 : i32
      %add3A_259 = arith.constant 0 : i32
      %add3A_260 = arith.addi %add3A_258, %add3A_259 : i32
      %get3A_261 = arith.index_cast %add3A_260 : i32 to index
      %get3A_262 = tpu.vector_load %arg8[%get3A_261] {strides = array<i32>} : memref<38400xf32, #tpu.memory_space<vmem>>, vector<16xf32>,
      %add3A_263 = arith.addf %get3A_262, %get3A_14 : vector<16xf32>
      %swap3A_264 = arith.index_cast %add3A_260 : i32 to index
      %swap3A_265 = tpu.vector_load %arg8[%swap3A_264] {strides = array<i32>} : memref<38400xf32, #tpu.memory_space<vmem>>, vector<16xf32>,
      tpu.vector_store %arg8[%swap3A_264], %add3A_263 {strides = array<i32>} : memref<38400xf32, #tpu.memory_space<vmem>>, vector<16xf32>,
      %mul3A_266 = arith.constant 64 : i32
      %mul3A_267 = arith.muli %scan3A_211, %mul3A_266 : i32
      %add3A_268 = arith.constant 12800 : i32
      %add3A_269 = arith.addi %add3A_268, %mul3A_267 : i32
      %add3A_270 = arith.constant 16 : i32
      %add3A_271 = arith.addi %add3A_269, %add3A_270 : i32
      %get3A_272 = arith.index_cast %add3A_271 : i32 to index
      %get3A_273 = tpu.vector_load %arg8[%get3A_272] {strides = array<i32>} : memref<38400xf32, #tpu.memory_space<vmem>>, vector<16xf32>,
      %add3A_274 = arith.addf %get3A_273, %get3A_16 : vector<16xf32>
      %swap3A_275 = arith.index_cast %add3A_271 : i32 to index
      %swap3A_276 = tpu.vector_load %arg8[%swap3A_275] {strides = array<i32>} : memref<38400xf32, #tpu.memory_space<vmem>>, vector<16xf32>,
      tpu.vector_store %arg8[%swap3A_275], %add3A_274 {strides = array<i32>} : memref<38400xf32, #tpu.memory_space<vmem>>, vector<16xf32>,
      %mul3A_277 = arith.constant 64 : i32
      %mul3A_278 = arith.muli %scan3A_211, %mul3A_277 : i32
      %add3A_279 = arith.constant 12800 : i32
      %add3A_280 = arith.addi %add3A_279, %mul3A_278 : i32
      %add3A_281 = arith.constant 32 : i32
      %add3A_282 = arith.addi %add3A_280, %add3A_281 : i32
      %get3A_283 = arith.index_cast %add3A_282 : i32 to index
      %get3A_284 = tpu.vector_load %arg8[%get3A_283] {strides = array<i32>} : memref<38400xf32, #tpu.memory_space<vmem>>, vector<16xf32>,
      %add3A_285 = arith.addf %get3A_284, %get3A_18 : vector<16xf32>
      %swap3A_286 = arith.index_cast %add3A_282 : i32 to index
      %swap3A_287 = tpu.vector_load %arg8[%swap3A_286] {strides = array<i32>} : memref<38400xf32, #tpu.memory_space<vmem>>, vector<16xf32>,
      tpu.vector_store %arg8[%swap3A_286], %add3A_285 {strides = array<i32>} : memref<38400xf32, #tpu.memory_space<vmem>>, vector<16xf32>,
      %mul3A_288 = arith.constant 64 : i32
      %mul3A_289 = arith.muli %scan3A_211, %mul3A_288 : i32
      %add3A_290 = arith.constant 12800 : i32
      %add3A_291 = arith.addi %add3A_290, %mul3A_289 : i32
      %add3A_292 = arith.constant 48 : i32
      %add3A_293 = arith.addi %add3A_291, %add3A_292 : i32
      %get3A_294 = arith.index_cast %add3A_293 : i32 to index
      %get3A_295 = tpu.vector_load %arg8[%get3A_294] {strides = array<i32>} : memref<38400xf32, #tpu.memory_space<vmem>>, vector<16xf32>,
      %add3A_296 = arith.addf %get3A_295, %get3A_20 : vector<16xf32>
      %swap3A_297 = arith.index_cast %add3A_293 : i32 to index
      %swap3A_298 = tpu.vector_load %arg8[%swap3A_297] {strides = array<i32>} : memref<38400xf32, #tpu.memory_space<vmem>>, vector<16xf32>,
      tpu.vector_store %arg8[%swap3A_297], %add3A_296 {strides = array<i32>} : memref<38400xf32, #tpu.memory_space<vmem>>, vector<16xf32>,
      %mul3A_299 = arith.constant 64 : i32
      %mul3A_300 = arith.muli %scan3A_211, %mul3A_299 : i32
      %add3A_301 = arith.constant 25600 : i32
      %add3A_302 = arith.addi %add3A_301, %mul3A_300 : i32
      %add3A_303 = arith.constant 0 : i32
      %add3A_304 = arith.addi %add3A_302, %add3A_303 : i32
      %get3A_305 = arith.index_cast %add3A_304 : i32 to index
      %get3A_306 = tpu.vector_load %arg8[%get3A_305] {strides = array<i32>} : memref<38400xf32, #tpu.memory_space<vmem>>, vector<16xf32>,
      %add3A_307 = arith.addf %get3A_306, %get3A_22 : vector<16xf32>
      %swap3A_308 = arith.index_cast %add3A_304 : i32 to index
      %swap3A_309 = tpu.vector_load %arg8[%swap3A_308] {strides = array<i32>} : memref<38400xf32, #tpu.memory_space<vmem>>, vector<16xf32>,
      tpu.vector_store %arg8[%swap3A_308], %add3A_307 {strides = array<i32>} : memref<38400xf32, #tpu.memory_space<vmem>>, vector<16xf32>,
      %mul3A_310 = arith.constant 64 : i32
      %mul3A_311 = arith.muli %scan3A_211, %mul3A_310 : i32
      %add3A_312 = arith.constant 25600 : i32
      %add3A_313 = arith.addi %add3A_312, %mul3A_311 : i32
      %add3A_314 = arith.constant 16 : i32
      %add3A_315 = arith.addi %add3A_313, %add3A_314 : i32
      %get3A_316 = arith.index_cast %add3A_315 : i32 to index
      %get3A_317 = tpu.vector_load %arg8[%get3A_316] {strides = array<i32>} : memref<38400xf32, #tpu.memory_space<vmem>>, vector<16xf32>,
      %add3A_318 = arith.addf %get3A_317, %get3A_24 : vector<16xf32>
      %swap3A_319 = arith.index_cast %add3A_315 : i32 to index
      %swap3A_320 = tpu.vector_load %arg8[%swap3A_319] {strides = array<i32>} : memref<38400xf32, #tpu.memory_space<vmem>>, vector<16xf32>,
      tpu.vector_store %arg8[%swap3A_319], %add3A_318 {strides = array<i32>} : memref<38400xf32, #tpu.memory_space<vmem>>, vector<16xf32>,
      %mul3A_321 = arith.constant 64 : i32
      %mul3A_322 = arith.muli %scan3A_211, %mul3A_321 : i32
      %add3A_323 = arith.constant 25600 : i32
      %add3A_324 = arith.addi %add3A_323, %mul3A_322 : i32
      %add3A_325 = arith.constant 32 : i32
      %add3A_326 = arith.addi %add3A_324, %add3A_325 : i32
      %get3A_327 = arith.index_cast %add3A_326 : i32 to index
      %get3A_328 = tpu.vector_load %arg8[%get3A_327] {strides = array<i32>} : memref<38400xf32, #tpu.memory_space<vmem>>, vector<16xf32>,
      %add3A_329 = arith.addf %get3A_328, %get3A_26 : vector<16xf32>
      %swap3A_330 = arith.index_cast %add3A_326 : i32 to index
      %swap3A_331 = tpu.vector_load %arg8[%swap3A_330] {strides = array<i32>} : memref<38400xf32, #tpu.memory_space<vmem>>, vector<16xf32>,
      tpu.vector_store %arg8[%swap3A_330], %add3A_329 {strides = array<i32>} : memref<38400xf32, #tpu.memory_space<vmem>>, vector<16xf32>,
      %mul3A_332 = arith.constant 64 : i32
      %mul3A_333 = arith.muli %scan3A_211, %mul3A_332 : i32
      %add3A_334 = arith.constant 25600 : i32
      %add3A_335 = arith.addi %add3A_334, %mul3A_333 : i32
      %add3A_336 = arith.constant 48 : i32
      %add3A_337 = arith.addi %add3A_335, %add3A_336 : i32
      %get3A_338 = arith.index_cast %add3A_337 : i32 to index
      %get3A_339 = tpu.vector_load %arg8[%get3A_338] {strides = array<i32>} : memref<38400xf32, #tpu.memory_space<vmem>>, vector<16xf32>,
      %add3A_340 = arith.addf %get3A_339, %get3A_28 : vector<16xf32>
      %swap3A_341 = arith.index_cast %add3A_337 : i32 to index
      %swap3A_342 = tpu.vector_load %arg8[%swap3A_341] {strides = array<i32>} : memref<38400xf32, #tpu.memory_space<vmem>>, vector<16xf32>,
      tpu.vector_store %arg8[%swap3A_341], %add3A_340 {strides = array<i32>} : memref<38400xf32, #tpu.memory_space<vmem>>, vector<16xf32>,
    }
    %scan3A_33 = arith.constant 200 : i32
    %dma_wait3A = tpu.memref_slice %arg2[%mul3A_2] : memref<204800xi32, #tpu.memory_space<hbm>> -> memref<6400xi32, #tpu.memory_space<hbm>>
    %dma_wait3A_34 = tpu.memref_slice %arg2[%mul3A_2] : memref<204800xi32, #tpu.memory_space<hbm>> -> memref<6400xi32, #tpu.memory_space<hbm>>
    tpu.wait_dma2 semaphore(%arg14 : memref<!tpu.dma_semaphore, #tpu.memory_space<semaphore_mem>>) src(%dma_wait3A_34 : memref<6400xi32, #tpu.memory_space<hbm>>) dst(%arg10 : memref<6400xi32, #tpu.memory_space<vmem>>)
    %dma_wait3A_35 = tpu.memref_slice %arg3[%mul3A_2] : memref<204800xi32, #tpu.memory_space<hbm>> -> memref<6400xi32, #tpu.memory_space<hbm>>
    %dma_wait3A_36 = tpu.memref_slice %arg3[%mul3A_2] : memref<204800xi32, #tpu.memory_space<hbm>> -> memref<6400xi32, #tpu.memory_space<hbm>>
    tpu.wait_dma2 semaphore(%arg14 : memref<!tpu.dma_semaphore, #tpu.memory_space<semaphore_mem>>) src(%dma_wait3A_36 : memref<6400xi32, #tpu.memory_space<hbm>>) dst(%arg11 : memref<6400xi32, #tpu.memory_space<vmem>>)
    %add3A_37 = arith.constant 0 : i32
    %add3A_38 = vector.broadcast %add3A_37 : i32 to vector<16xi32>
    %add3A_39 = arith.addi %iota3A, %add3A_38 : vector<16xi32>
    %add3A_40 = arith.constant 16 : i32
    %add3A_41 = vector.broadcast %add3A_40 : i32 to vector<16xi32>
    %add3A_42 = arith.addi %iota3A, %add3A_41 : vector<16xi32>
    %add3A_43 = arith.constant 32 : i32
    %add3A_44 = vector.broadcast %add3A_43 : i32 to vector<16xi32>
    %add3A_45 = arith.addi %iota3A, %add3A_44 : vector<16xi32>
    %add3A_46 = arith.constant 48 : i32
    %add3A_47 = vector.broadcast %add3A_46 : i32 to vector<16xi32>
    %add3A_48 = arith.addi %iota3A, %add3A_47 : vector<16xi32>
    %dma_start3A_49 = arith.constant 0 : i32
    %dma_start3A_50 = arith.constant 0 : i32
    %dma_start3A_51 = tpu.memref_slice %arg12[%dma_start3A_49, %dma_start3A_50] : memref<256x64xf32, #tpu.memory_space<vmem>> -> memref<128x64xf32, #tpu.memory_space<vmem>>
    %dma_start3A_52 = arith.constant 0 : i32
    %dma_start3A_53 = tpu.memref_slice %arg10[%dma_start3A_52] : memref<6400xi32, #tpu.memory_space<vmem>> -> memref<128xi32, #tpu.memory_space<vmem>>
    %dma_start3A_54 = arith.constant 0 : i32
    %dma_start3A_55 = arith.constant 0 : i32
    %dma_start3A_56 = tpu.memref_slice %arg4[%dma_start3A_54, %dma_start3A_55] : memref<1000000x64xf32, #tpu.memory_space<hbm>> -> memref<1000000x64xf32, #tpu.memory_space<hbm>>
    tpu.enqueue_indirect_dma source(%dma_start3A_56 : memref<1000000x64xf32, #tpu.memory_space<hbm>>) target(%dma_start3A_51 : memref<128x64xf32, #tpu.memory_space<vmem>>) offsets(%dma_start3A_53 : memref<128xi32, #tpu.memory_space<vmem>>) semaphore(%arg15 : memref<!tpu.dma_semaphore, #tpu.memory_space<semaphore_mem>>)
    %dma_start3A_57 = arith.constant 128 : i32
    %dma_start3A_58 = arith.constant 0 : i32
    %dma_start3A_59 = tpu.memref_slice %arg12[%dma_start3A_57, %dma_start3A_58] : memref<256x64xf32, #tpu.memory_space<vmem>> -> memref<128x64xf32, #tpu.memory_space<vmem>>
    %dma_start3A_60 = arith.constant 128 : i32
    %dma_start3A_61 = tpu.memref_slice %arg10[%dma_start3A_60] : memref<6400xi32, #tpu.memory_space<vmem>> -> memref<128xi32, #tpu.memory_space<vmem>>
    %dma_start3A_62 = arith.constant 0 : i32
    %dma_start3A_63 = arith.constant 0 : i32
    %dma_start3A_64 = tpu.memref_slice %arg4[%dma_start3A_62, %dma_start3A_63] : memref<1000000x64xf32, #tpu.memory_space<hbm>> -> memref<1000000x64xf32, #tpu.memory_space<hbm>>
    tpu.enqueue_indirect_dma source(%dma_start3A_64 : memref<1000000x64xf32, #tpu.memory_space<hbm>>) target(%dma_start3A_59 : memref<128x64xf32, #tpu.memory_space<vmem>>) offsets(%dma_start3A_61 : memref<128xi32, #tpu.memory_space<vmem>>) semaphore(%arg15 : memref<!tpu.dma_semaphore, #tpu.memory_space<semaphore_mem>>)
    %dma_start3A_65 = arith.constant 0 : i32
    %dma_start3A_66 = arith.constant 0 : i32
    %dma_start3A_67 = tpu.memref_slice %arg13[%dma_start3A_65, %dma_start3A_66] : memref<256x64xf32, #tpu.memory_space<vmem>> -> memref<128x64xf32, #tpu.memory_space<vmem>>
    %dma_start3A_68 = arith.constant 256 : i32
    %dma_start3A_69 = tpu.memref_slice %arg10[%dma_start3A_68] : memref<6400xi32, #tpu.memory_space<vmem>> -> memref<128xi32, #tpu.memory_space<vmem>>
    %dma_start3A_70 = arith.constant 0 : i32
    %dma_start3A_71 = arith.constant 0 : i32
    %dma_start3A_72 = tpu.memref_slice %arg4[%dma_start3A_70, %dma_start3A_71] : memref<1000000x64xf32, #tpu.memory_space<hbm>> -> memref<1000000x64xf32, #tpu.memory_space<hbm>>
    tpu.enqueue_indirect_dma source(%dma_start3A_72 : memref<1000000x64xf32, #tpu.memory_space<hbm>>) target(%dma_start3A_67 : memref<128x64xf32, #tpu.memory_space<vmem>>) offsets(%dma_start3A_69 : memref<128xi32, #tpu.memory_space<vmem>>) semaphore(%arg16 : memref<!tpu.dma_semaphore, #tpu.memory_space<semaphore_mem>>)
    %dma_start3A_73 = arith.constant 128 : i32
    %dma_start3A_74 = arith.constant 0 : i32
    %dma_start3A_75 = tpu.memref_slice %arg13[%dma_start3A_73, %dma_start3A_74] : memref<256x64xf32, #tpu.memory_space<vmem>> -> memref<128x64xf32, #tpu.memory_space<vmem>>
    %dma_start3A_76 = arith.constant 384 : i32
    %dma_start3A_77 = tpu.memref_slice %arg10[%dma_start3A_76] : memref<6400xi32, #tpu.memory_space<vmem>> -> memref<128xi32, #tpu.memory_space<vmem>>
    %dma_start3A_78 = arith.constant 0 : i32
    %dma_start3A_79 = arith.constant 0 : i32
    %dma_start3A_80 = tpu.memref_slice %arg4[%dma_start3A_78, %dma_start3A_79] : memref<1000000x64xf32, #tpu.memory_space<hbm>> -> memref<1000000x64xf32, #tpu.memory_space<hbm>>
    tpu.enqueue_indirect_dma source(%dma_start3A_80 : memref<1000000x64xf32, #tpu.memory_space<hbm>>) target(%dma_start3A_75 : memref<128x64xf32, #tpu.memory_space<vmem>>) offsets(%dma_start3A_77 : memref<128xi32, #tpu.memory_space<vmem>>) semaphore(%arg16 : memref<!tpu.dma_semaphore, #tpu.memory_space<semaphore_mem>>)
    %dma_wait3A_81 = arith.constant 0 : i32
    %dma_wait3A_82 = arith.constant 0 : i32
    %dma_wait3A_83 = tpu.memref_slice %arg12[%dma_wait3A_81, %dma_wait3A_82] : memref<256x64xf32, #tpu.memory_space<vmem>> -> memref<128x64xf32, #tpu.memory_space<vmem>>
    %dma_wait3A_84 = arith.constant 0 : i32
    %dma_wait3A_85 = tpu.memref_slice %arg10[%dma_wait3A_84] : memref<6400xi32, #tpu.memory_space<vmem>> -> memref<128xi32, #tpu.memory_space<vmem>>
    %dma_wait3A_86 = arith.constant 0 : i32
    %dma_wait3A_87 = arith.constant 0 : i32
    %dma_wait3A_88 = tpu.memref_slice %arg4[%dma_wait3A_86, %dma_wait3A_87] : memref<1000000x64xf32, #tpu.memory_space<hbm>> -> memref<1000000x64xf32, #tpu.memory_space<hbm>>
    tpu.wait_indirect_dma semaphore(%arg15 : memref<!tpu.dma_semaphore, #tpu.memory_space<semaphore_mem>>) src(%dma_wait3A_88 : memref<1000000x64xf32, #tpu.memory_space<hbm>>) dst(%dma_wait3A_83 : memref<128x64xf32, #tpu.memory_space<vmem>>)
    %dma_wait3A_89 = arith.constant 128 : i32
    %dma_wait3A_90 = arith.constant 0 : i32
    %dma_wait3A_91 = tpu.memref_slice %arg12[%dma_wait3A_89, %dma_wait3A_90] : memref<256x64xf32, #tpu.memory_space<vmem>> -> memref<128x64xf32, #tpu.memory_space<vmem>>
    %dma_wait3A_92 = arith.constant 128 : i32
    %dma_wait3A_93 = tpu.memref_slice %arg10[%dma_wait3A_92] : memref<6400xi32, #tpu.memory_space<vmem>> -> memref<128xi32, #tpu.memory_space<vmem>>
    %dma_wait3A_94 = arith.constant 0 : i32
    %dma_wait3A_95 = arith.constant 0 : i32
    %dma_wait3A_96 = tpu.memref_slice %arg4[%dma_wait3A_94, %dma_wait3A_95] : memref<1000000x64xf32, #tpu.memory_space<hbm>> -> memref<1000000x64xf32, #tpu.memory_space<hbm>>
    tpu.wait_indirect_dma semaphore(%arg15 : memref<!tpu.dma_semaphore, #tpu.memory_space<semaphore_mem>>) src(%dma_wait3A_96 : memref<1000000x64xf32, #tpu.memory_space<hbm>>) dst(%dma_wait3A_91 : memref<128x64xf32, #tpu.memory_space<vmem>>)
    %add3A_97 = arith.constant 0 : i32
    %add3A_98 = arith.addi %mul3A_2, %add3A_97 : i32
    %scan3A_99 = arith.constant 0 : i32
    %scan3A_100 = arith.constant 0 : i32
    %scan3A_101 = arith.constant 16 : i32
    %scan3A_102 = arith.addi %scan3A_100, %scan3A_101 : i32
    %scan3A_103 = arith.constant 1 : i32
    scf.for %scan3A_211 = %scan3A_100 to %scan3A_102 step %scan3A_103  : i32 {
      %mul3A_212 = arith.constant 16 : i32
      %mul3A_213 = arith.muli %scan3A_211, %mul3A_212 : i32
      %add3A_214 = arith.addi %add3A_98, %mul3A_213 : i32
      %add3A_215 = vector.broadcast %add3A_214 : i32 to vector<16xi32>
      %add3A_216 = arith.addi %add3A_215, %iota3A : vector<16xi32>
      %rem3A = arith.constant 200 : i32
      %rem3A_217 = vector.broadcast %rem3A : i32 to vector<16xi32>
      %rem3A_218 = arith.remsi %add3A_216, %rem3A_217 : vector<16xi32>
      %mul3A_219 = arith.constant 16 : i32
      %mul3A_220 = arith.muli %scan3A_211, %mul3A_219 : i32
      %add3A_221 = arith.constant 0 : i32
      %add3A_222 = arith.addi %add3A_221, %mul3A_220 : i32
      %get3A_223 = arith.index_cast %add3A_222 : i32 to index
      %get3A_224 = tpu.vector_load %arg11[%get3A_223] {strides = array<i32>} : memref<6400xi32, #tpu.memory_space<vmem>>, vector<16xi32>,
      %mul3A_225 = arith.constant 200 : i32
      %mul3A_226 = vector.broadcast %mul3A_225 : i32 to vector<16xi32>
      %mul3A_227 = arith.muli %get3A_224, %mul3A_226 : vector<16xi32>
      %add3A_228 = arith.addi %mul3A_227, %rem3A_218 : vector<16xi32>
      %mul3A_229 = arith.constant 64 : i32
      %mul3A_230 = vector.broadcast %mul3A_229 : i32 to vector<16xi32>
      %mul3A_231 = arith.muli %add3A_228, %mul3A_230 : vector<16xi32>
      %mul3A_232 = arith.constant 16 : i32
      %mul3A_233 = arith.muli %scan3A_211, %mul3A_232 : i32
      %add3A_234 = arith.constant 0 : i32
      %add3A_235 = arith.addi %mul3A_233, %add3A_234 : i32
      %broadcast_in_dim3A = arith.constant 0 : i32
      %broadcast_in_dim3A_236 = vector.broadcast %broadcast_in_dim3A : i32 to vector<16xi32>
      %lt3A = arith.constant 0 : i32
      %lt3A_237 = vector.broadcast %lt3A : i32 to vector<16xi32>
      %lt3A_238 = arith.cmpi slt, %broadcast_in_dim3A_236, %lt3A_237 : vector<16xi32>
      %add3A_239 = arith.constant 16 : i32
      %add3A_240 = vector.broadcast %add3A_239 : i32 to vector<16xi32>
      %add3A_241 = arith.addi %broadcast_in_dim3A_236, %add3A_240 : vector<16xi32>
      %select_n3A = arith.select %lt3A_238, %add3A_241, %broadcast_in_dim3A_236 : vector<16xi1>, vector<16xi32>
      %broadcast_in_dim3A_242 = vector.shape_cast %select_n3A : vector<16xi32> to vector<16x1xi32>
      %gather3A = vector.shape_cast %broadcast_in_dim3A_242 : vector<16x1xi32> to vector<16xi32>
      %gather3A_243 = tpu.dynamic_gather %mul3A_231[%gather3A] in [0] : vector<16xi32>, vector<16xi32> -> vector<16xi32>
      %add3A_244 = arith.addi %gather3A_243, %add3A_39 : vector<16xi32>
      %gather3A_245 = tpu.vector_load_idx %arg8[%add3A_244] : memref<38400xf32, #tpu.memory_space<vmem>>[vector<16xi32>], vector<16xf32>,
      %swap3A = arith.index_cast %add3A_235 : i32 to index
      %swap3A_246 = arith.constant 0 : index
      %swap3A_247 = tpu.vector_load %arg12[%swap3A, %swap3A_246] {strides = array<i32>} : memref<256x64xf32, #tpu.memory_space<vmem>>, vector<16xf32>,
      tpu.vector_store %arg12[%swap3A, %swap3A_246], %gather3A_245 {add = true, strides = array<i32>} : memref<256x64xf32, #tpu.memory_space<vmem>>, vector<16xf32>,
      %add3A_248 = arith.addi %gather3A_243, %add3A_42 : vector<16xi32>
      %gather3A_249 = tpu.vector_load_idx %arg8[%add3A_248] : memref<38400xf32, #tpu.memory_space<vmem>>[vector<16xi32>], vector<16xf32>,
      %swap3A_250 = arith.index_cast %add3A_235 : i32 to index
      %swap3A_251 = arith.constant 16 : index
      %swap3A_252 = tpu.vector_load %arg12[%swap3A_250, %swap3A_251] {strides = array<i32>} : memref<256x64xf32, #tpu.memory_space<vmem>>, vector<16xf32>,
      tpu.vector_store %arg12[%swap3A_250, %swap3A_251], %gather3A_249 {add = true, strides = array<i32>} : memref<256x64xf32, #tpu.memory_space<vmem>>, vector<16xf32>,
      %add3A_253 = arith.addi %gather3A_243, %add3A_45 : vector<16xi32>
      %gather3A_254 = tpu.vector_load_idx %arg8[%add3A_253] : memref<38400xf32, #tpu.memory_space<vmem>>[vector<16xi32>], vector<16xf32>,
      %swap3A_255 = arith.index_cast %add3A_235 : i32 to index
      %swap3A_256 = arith.constant 32 : index
      %swap3A_257 = tpu.vector_load %arg12[%swap3A_255, %swap3A_256] {strides = array<i32>} : memref<256x64xf32, #tpu.memory_space<vmem>>, vector<16xf32>,
      tpu.vector_store %arg12[%swap3A_255, %swap3A_256], %gather3A_254 {add = true, strides = array<i32>} : memref<256x64xf32, #tpu.memory_space<vmem>>, vector<16xf32>,
      %add3A_258 = arith.addi %gather3A_243, %add3A_48 : vector<16xi32>
      %gather3A_259 = tpu.vector_load_idx %arg8[%add3A_258] : memref<38400xf32, #tpu.memory_space<vmem>>[vector<16xi32>], vector<16xf32>,
      %swap3A_260 = arith.index_cast %add3A_235 : i32 to index
      %swap3A_261 = arith.constant 48 : index
      %swap3A_262 = tpu.vector_load %arg12[%swap3A_260, %swap3A_261] {strides = array<i32>} : memref<256x64xf32, #tpu.memory_space<vmem>>, vector<16xf32>,
      tpu.vector_store %arg12[%swap3A_260, %swap3A_261], %gather3A_259 {add = true, strides = array<i32>} : memref<256x64xf32, #tpu.memory_space<vmem>>, vector<16xf32>,
      %mul3A_263 = arith.constant 16 : i32
      %mul3A_264 = arith.muli %scan3A_211, %mul3A_263 : i32
      %add3A_265 = arith.constant 1 : i32
      %add3A_266 = arith.addi %mul3A_264, %add3A_265 : i32
      %broadcast_in_dim3A_267 = arith.constant 1 : i32
      %broadcast_in_dim3A_268 = vector.broadcast %broadcast_in_dim3A_267 : i32 to vector<16xi32>
      %lt3A_269 = arith.constant 0 : i32
      %lt3A_270 = vector.broadcast %lt3A_269 : i32 to vector<16xi32>
      %lt3A_271 = arith.cmpi slt, %broadcast_in_dim3A_268, %lt3A_270 : vector<16xi32>
      %add3A_272 = arith.constant 16 : i32
      %add3A_273 = vector.broadcast %add3A_272 : i32 to vector<16xi32>
      %add3A_274 = arith.addi %broadcast_in_dim3A_268, %add3A_273 : vector<16xi32>
      %select_n3A_275 = arith.select %lt3A_271, %add3A_274, %broadcast_in_dim3A_268 : vector<16xi1>, vector<16xi32>
      %broadcast_in_dim3A_276 = vector.shape_cast %select_n3A_275 : vector<16xi32> to vector<16x1xi32>
      %gather3A_277 = vector.shape_cast %broadcast_in_dim3A_276 : vector<16x1xi32> to vector<16xi32>
      %gather3A_278 = tpu.dynamic_gather %mul3A_231[%gather3A_277] in [0] : vector<16xi32>, vector<16xi32> -> vector<16xi32>
      %add3A_279 = arith.addi %gather3A_278, %add3A_39 : vector<16xi32>
      %gather3A_280 = tpu.vector_load_idx %arg8[%add3A_279] : memref<38400xf32, #tpu.memory_space<vmem>>[vector<16xi32>], vector<16xf32>,
      %swap3A_281 = arith.index_cast %add3A_266 : i32 to index
      %swap3A_282 = arith.constant 0 : index
      %swap3A_283 = tpu.vector_load %arg12[%swap3A_281, %swap3A_282] {strides = array<i32>} : memref<256x64xf32, #tpu.memory_space<vmem>>, vector<16xf32>,
      tpu.vector_store %arg12[%swap3A_281, %swap3A_282], %gather3A_280 {add = true, strides = array<i32>} : memref<256x64xf32, #tpu.memory_space<vmem>>, vector<16xf32>,
      %add3A_284 = arith.addi %gather3A_278, %add3A_42 : vector<16xi32>
      %gather3A_285 = tpu.vector_load_idx %arg8[%add3A_284] : memref<38400xf32, #tpu.memory_space<vmem>>[vector<16xi32>], vector<16xf32>,
      %swap3A_286 = arith.index_cast %add3A_266 : i32 to index
      %swap3A_287 = arith.constant 16 : index
      %swap3A_288 = tpu.vector_load %arg12[%swap3A_286, %swap3A_287] {strides = array<i32>} : memref<256x64xf32, #tpu.memory_space<vmem>>, vector<16xf32>,
      tpu.vector_store %arg12[%swap3A_286, %swap3A_287], %gather3A_285 {add = true, strides = array<i32>} : memref<256x64xf32, #tpu.memory_space<vmem>>, vector<16xf32>,
      %add3A_289 = arith.addi %gather3A_278, %add3A_45 : vector<16xi32>
      %gather3A_290 = tpu.vector_load_idx %arg8[%add3A_289] : memref<38400xf32, #tpu.memory_space<vmem>>[vector<16xi32>], vector<16xf32>,
      %swap3A_291 = arith.index_cast %add3A_266 : i32 to index
      %swap3A_292 = arith.constant 32 : index
      %swap3A_293 = tpu.vector_load %arg12[%swap3A_291, %swap3A_292] {strides = array<i32>} : memref<256x64xf32, #tpu.memory_space<vmem>>, vector<16xf32>,
      tpu.vector_store %arg12[%swap3A_291, %swap3A_292], %gather3A_290 {add = true, strides = array<i32>} : memref<256x64xf32, #tpu.memory_space<vmem>>, vector<16xf32>,
      %add3A_294 = arith.addi %gather3A_278, %add3A_48 : vector<16xi32>
      %gather3A_295 = tpu.vector_load_idx %arg8[%add3A_294] : memref<38400xf32, #tpu.memory_space<vmem>>[vector<16xi32>], vector<16xf32>,
      %swap3A_296 = arith.index_cast %add3A_266 : i32 to index
      %swap3A_297 = arith.constant 48 : index
      %swap3A_298 = tpu.vector_load %arg12[%swap3A_296, %swap3A_297] {strides = array<i32>} : memref<256x64xf32, #tpu.memory_space<vmem>>, vector<16xf32>,
      tpu.vector_store %arg12[%swap3A_296, %swap3A_297], %gather3A_295 {add = true, strides = array<i32>} : memref<256x64xf32, #tpu.memory_space<vmem>>, vector<16xf32>,
      %mul3A_299 = arith.constant 16 : i32
      %mul3A_300 = arith.muli %scan3A_211, %mul3A_299 : i32
      %add3A_301 = arith.constant 2 : i32
      %add3A_302 = arith.addi %mul3A_300, %add3A_301 : i32
      %broadcast_in_dim3A_303 = arith.constant 2 : i32
      %broadcast_in_dim3A_304 = vector.broadcast %broadcast_in_dim3A_303 : i32 to vector<16xi32>
      %lt3A_305 = arith.constant 0 : i32
      %lt3A_306 = vector.broadcast %lt3A_305 : i32 to vector<16xi32>
      %lt3A_307 = arith.cmpi slt, %broadcast_in_dim3A_304, %lt3A_306 : vector<16xi32>
      %add3A_308 = arith.constant 16 : i32
      %add3A_309 = vector.broadcast %add3A_308 : i32 to vector<16xi32>
      %add3A_310 = arith.addi %broadcast_in_dim3A_304, %add3A_309 : vector<16xi32>
      %select_n3A_311 = arith.select %lt3A_307, %add3A_310, %broadcast_in_dim3A_304 : vector<16xi1>, vector<16xi32>
      %broadcast_in_dim3A_312 = vector.shape_cast %select_n3A_311 : vector<16xi32> to vector<16x1xi32>
      %gather3A_313 = vector.shape_cast %broadcast_in_dim3A_312 : vector<16x1xi32> to vector<16xi32>
      %gather3A_314 = tpu.dynamic_gather %mul3A_231[%gather3A_313] in [0] : vector<16xi32>, vector<16xi32> -> vector<16xi32>
      %add3A_315 = arith.addi %gather3A_314, %add3A_39 : vector<16xi32>
      %gather3A_316 = tpu.vector_load_idx %arg8[%add3A_315] : memref<38400xf32, #tpu.memory_space<vmem>>[vector<16xi32>], vector<16xf32>,
      %swap3A_317 = arith.index_cast %add3A_302 : i32 to index
      %swap3A_318 = arith.constant 0 : index
      %swap3A_319 = tpu.vector_load %arg12[%swap3A_317, %swap3A_318] {strides = array<i32>} : memref<256x64xf32, #tpu.memory_space<vmem>>, vector<16xf32>,
      tpu.vector_store %arg12[%swap3A_317, %swap3A_318], %gather3A_316 {add = true, strides = array<i32>} : memref<256x64xf32, #tpu.memory_space<vmem>>, vector<16xf32>,
      %add3A_320 = arith.addi %gather3A_314, %add3A_42 : vector<16xi32>
      %gather3A_321 = tpu.vector_load_idx %arg8[%add3A_320] : memref<38400xf32, #tpu.memory_space<vmem>>[vector<16xi32>], vector<16xf32>,
      %swap3A_322 = arith.index_cast %add3A_302 : i32 to index
      %swap3A_323 = arith.constant 16 : index
      %swap3A_324 = tpu.vector_load %arg12[%swap3A_322, %swap3A_323] {strides = array<i32>} : memref<256x64xf32, #tpu.memory_space<vmem>>, vector<16xf32>,
      tpu.vector_store %arg12[%swap3A_322, %swap3A_323], %gather3A_321 {add = true, strides = array<i32>} : memref<256x64xf32, #tpu.memory_space<vmem>>, vector<16xf32>,
      %add3A_325 = arith.addi %gather3A_314, %add3A_45 : vector<16xi32>
      %gather3A_326 = tpu.vector_load_idx %arg8[%add3A_325] : memref<38400xf32, #tpu.memory_space<vmem>>[vector<16xi32>], vector<16xf32>,
      %swap3A_327 = arith.index_cast %add3A_302 : i32 to index
      %swap3A_328 = arith.constant 32 : index
      %swap3A_329 = tpu.vector_load %arg12[%swap3A_327, %swap3A_328] {strides = array<i32>} : memref<256x64xf32, #tpu.memory_space<vmem>>, vector<16xf32>,
      tpu.vector_store %arg12[%swap3A_327, %swap3A_328], %gather3A_326 {add = true, strides = array<i32>} : memref<256x64xf32, #tpu.memory_space<vmem>>, vector<16xf32>,
      %add3A_330 = arith.addi %gather3A_314, %add3A_48 : vector<16xi32>
      %gather3A_331 = tpu.vector_load_idx %arg8[%add3A_330] : memref<38400xf32, #tpu.memory_space<vmem>>[vector<16xi32>], vector<16xf32>,
      %swap3A_332 = arith.index_cast %add3A_302 : i32 to index
      %swap3A_333 = arith.constant 48 : index
      %swap3A_334 = tpu.vector_load %arg12[%swap3A_332, %swap3A_333] {strides = array<i32>} : memref<256x64xf32, #tpu.memory_space<vmem>>, vector<16xf32>,
      tpu.vector_store %arg12[%swap3A_332, %swap3A_333], %gather3A_331 {add = true, strides = array<i32>} : memref<256x64xf32, #tpu.memory_space<vmem>>, vector<16xf32>,
      %mul3A_335 = arith.constant 16 : i32
      %mul3A_336 = arith.muli %scan3A_211, %mul3A_335 : i32
      %add3A_337 = arith.constant 3 : i32
      %add3A_338 = arith.addi %mul3A_336, %add3A_337 : i32
      %broadcast_in_dim3A_339 = arith.constant 3 : i32
      %broadcast_in_dim3A_340 = vector.broadcast %broadcast_in_dim3A_339 : i32 to vector<16xi32>
      %lt3A_341 = arith.constant 0 : i32
      %lt3A_342 = vector.broadcast %lt3A_341 : i32 to vector<16xi32>
      %lt3A_343 = arith.cmpi slt, %broadcast_in_dim3A_340, %lt3A_342 : vector<16xi32>
      %add3A_344 = arith.constant 16 : i32
      %add3A_345 = vector.broadcast %add3A_344 : i32 to vector<16xi32>
      %add3A_346 = arith.addi %broadcast_in_dim3A_340, %add3A_345 : vector<16xi32>
      %select_n3A_347 = arith.select %lt3A_343, %add3A_346, %broadcast_in_dim3A_340 : vector<16xi1>, vector<16xi32>
      %broadcast_in_dim3A_348 = vector.shape_cast %select_n3A_347 : vector<16xi32> to vector<16x1xi32>
      %gather3A_349 = vector.shape_cast %broadcast_in_dim3A_348 : vector<16x1xi32> to vector<16xi32>
      %gather3A_350 = tpu.dynamic_gather %mul3A_231[%gather3A_349] in [0] : vector<16xi32>, vector<16xi32> -> vector<16xi32>
      %add3A_351 = arith.addi %gather3A_350, %add3A_39 : vector<16xi32>
      %gather3A_352 = tpu.vector_load_idx %arg8[%add3A_351] : memref<38400xf32, #tpu.memory_space<vmem>>[vector<16xi32>], vector<16xf32>,
      %swap3A_353 = arith.index_cast %add3A_338 : i32 to index
      %swap3A_354 = arith.constant 0 : index
      %swap3A_355 = tpu.vector_load %arg12[%swap3A_353, %swap3A_354] {strides = array<i32>} : memref<256x64xf32, #tpu.memory_space<vmem>>, vector<16xf32>,
      tpu.vector_store %arg12[%swap3A_353, %swap3A_354], %gather3A_352 {add = true, strides = array<i32>} : memref<256x64xf32, #tpu.memory_space<vmem>>, vector<16xf32>,
      %add3A_356 = arith.addi %gather3A_350, %add3A_42 : vector<16xi32>
      %gather3A_357 = tpu.vector_load_idx %arg8[%add3A_356] : memref<38400xf32, #tpu.memory_space<vmem>>[vector<16xi32>], vector<16xf32>,
      %swap3A_358 = arith.index_cast %add3A_338 : i32 to index
      %swap3A_359 = arith.constant 16 : index
      %swap3A_360 = tpu.vector_load %arg12[%swap3A_358, %swap3A_359] {strides = array<i32>} : memref<256x64xf32, #tpu.memory_space<vmem>>, vector<16xf32>,
      tpu.vector_store %arg12[%swap3A_358, %swap3A_359], %gather3A_357 {add = true, strides = array<i32>} : memref<256x64xf32, #tpu.memory_space<vmem>>, vector<16xf32>,
      %add3A_361 = arith.addi %gather3A_350, %add3A_45 : vector<16xi32>
      %gather3A_362 = tpu.vector_load_idx %arg8[%add3A_361] : memref<38400xf32, #tpu.memory_space<vmem>>[vector<16xi32>], vector<16xf32>,
      %swap3A_363 = arith.index_cast %add3A_338 : i32 to index
      %swap3A_364 = arith.constant 32 : index
      %swap3A_365 = tpu.vector_load %arg12[%swap3A_363, %swap3A_364] {strides = array<i32>} : memref<256x64xf32, #tpu.memory_space<vmem>>, vector<16xf32>,
      tpu.vector_store %arg12[%swap3A_363, %swap3A_364], %gather3A_362 {add = true, strides = array<i32>} : memref<256x64xf32, #tpu.memory_space<vmem>>, vector<16xf32>,
      %add3A_366 = arith.addi %gather3A_350, %add3A_48 : vector<16xi32>
      %gather3A_367 = tpu.vector_load_idx %arg8[%add3A_366] : memref<38400xf32, #tpu.memory_space<vmem>>[vector<16xi32>], vector<16xf32>,
      %swap3A_368 = arith.index_cast %add3A_338 : i32 to index
      %swap3A_369 = arith.constant 48 : index
      %swap3A_370 = tpu.vector_load %arg12[%swap3A_368, %swap3A_369] {strides = array<i32>} : memref<256x64xf32, #tpu.memory_space<vmem>>, vector<16xf32>,
      tpu.vector_store %arg12[%swap3A_368, %swap3A_369], %gather3A_367 {add = true, strides = array<i32>} : memref<256x64xf32, #tpu.memory_space<vmem>>, vector<16xf32>,
      %mul3A_371 = arith.constant 16 : i32
      %mul3A_372 = arith.muli %scan3A_211, %mul3A_371 : i32
      %add3A_373 = arith.constant 4 : i32
      %add3A_374 = arith.addi %mul3A_372, %add3A_373 : i32
      %broadcast_in_dim3A_375 = arith.constant 4 : i32
      %broadcast_in_dim3A_376 = vector.broadcast %broadcast_in_dim3A_375 : i32 to vector<16xi32>
      %lt3A_377 = arith.constant 0 : i32
      %lt3A_378 = vector.broadcast %lt3A_377 : i32 to vector<16xi32>
      %lt3A_379 = arith.cmpi slt, %broadcast_in_dim3A_376, %lt3A_378 : vector<16xi32>
      %add3A_380 = arith.constant 16 : i32
      %add3A_381 = vector.broadcast %add3A_380 : i32 to vector<16xi32>
      %add3A_382 = arith.addi %broadcast_in_dim3A_376, %add3A_381 : vector<16xi32>
      %select_n3A_383 = arith.select %lt3A_379, %add3A_382, %broadcast_in_dim3A_376 : vector<16xi1>, vector<16xi32>
      %broadcast_in_dim3A_384 = vector.shape_cast %select_n3A_383 : vector<16xi32> to vector<16x1xi32>
      %gather3A_385 = vector.shape_cast %broadcast_in_dim3A_384 : vector<16x1xi32> to vector<16xi32>
      %gather3A_386 = tpu.dynamic_gather %mul3A_231[%gather3A_385] in [0] : vector<16xi32>, vector<16xi32> -> vector<16xi32>
      %add3A_387 = arith.addi %gather3A_386, %add3A_39 : vector<16xi32>
      %gather3A_388 = tpu.vector_load_idx %arg8[%add3A_387] : memref<38400xf32, #tpu.memory_space<vmem>>[vector<16xi32>], vector<16xf32>,
      %swap3A_389 = arith.index_cast %add3A_374 : i32 to index
      %swap3A_390 = arith.constant 0 : index
      %swap3A_391 = tpu.vector_load %arg12[%swap3A_389, %swap3A_390] {strides = array<i32>} : memref<256x64xf32, #tpu.memory_space<vmem>>, vector<16xf32>,
      tpu.vector_store %arg12[%swap3A_389, %swap3A_390], %gather3A_388 {add = true, strides = array<i32>} : memref<256x64xf32, #tpu.memory_space<vmem>>, vector<16xf32>,
      %add3A_392 = arith.addi %gather3A_386, %add3A_42 : vector<16xi32>
      %gather3A_393 = tpu.vector_load_idx %arg8[%add3A_392] : memref<38400xf32, #tpu.memory_space<vmem>>[vector<16xi32>], vector<16xf32>,
      %swap3A_394 = arith.index_cast %add3A_374 : i32 to index
      %swap3A_395 = arith.constant 16 : index
      %swap3A_396 = tpu.vector_load %arg12[%swap3A_394, %swap3A_395] {strides = array<i32>} : memref<256x64xf32, #tpu.memory_space<vmem>>, vector<16xf32>,
      tpu.vector_store %arg12[%swap3A_394, %swap3A_395], %gather3A_393 {add = true, strides = array<i32>} : memref<256x64xf32, #tpu.memory_space<vmem>>, vector<16xf32>,
      %add3A_397 = arith.addi %gather3A_386, %add3A_45 : vector<16xi32>
      %gather3A_398 = tpu.vector_load_idx %arg8[%add3A_397] : memref<38400xf32, #tpu.memory_space<vmem>>[vector<16xi32>], vector<16xf32>,
      %swap3A_399 = arith.index_cast %add3A_374 : i32 to index
      %swap3A_400 = arith.constant 32 : index
      %swap3A_401 = tpu.vector_load %arg12[%swap3A_399, %swap3A_400] {strides = array<i32>} : memref<256x64xf32, #tpu.memory_space<vmem>>, vector<16xf32>,
      tpu.vector_store %arg12[%swap3A_399, %swap3A_400], %gather3A_398 {add = true, strides = array<i32>} : memref<256x64xf32, #tpu.memory_space<vmem>>, vector<16xf32>,
      %add3A_402 = arith.addi %gather3A_386, %add3A_48 : vector<16xi32>
      %gather3A_403 = tpu.vector_load_idx %arg8[%add3A_402] : memref<38400xf32, #tpu.memory_space<vmem>>[vector<16xi32>], vector<16xf32>,
      %swap3A_404 = arith.index_cast %add3A_374 : i32 to index
      %swap3A_405 = arith.constant 48 : index
      %swap3A_406 = tpu.vector_load %arg12[%swap3A_404, %swap3A_405] {strides = array<i32>} : memref<256x64xf32, #tpu.memory_space<vmem>>, vector<16xf32>,
      tpu.vector_store %arg12[%swap3A_404, %swap3A_405], %gather3A_403 {add = true, strides = array<i32>} : memref<256x64xf32, #tpu.memory_space<vmem>>, vector<16xf32>,
      %mul3A_407 = arith.constant 16 : i32
      %mul3A_408 = arith.muli %scan3A_211, %mul3A_407 : i32
      %add3A_409 = arith.constant 5 : i32
      %add3A_410 = arith.addi %mul3A_408, %add3A_409 : i32
      %broadcast_in_dim3A_411 = arith.constant 5 : i32
      %broadcast_in_dim3A_412 = vector.broadcast %broadcast_in_dim3A_411 : i32 to vector<16xi32>
      %lt3A_413 = arith.constant 0 : i32
      %lt3A_414 = vector.broadcast %lt3A_413 : i32 to vector<16xi32>
      %lt3A_415 = arith.cmpi slt, %broadcast_in_dim3A_412, %lt3A_414 : vector<16xi32>
      %add3A_416 = arith.constant 16 : i32
      %add3A_417 = vector.broadcast %add3A_416 : i32 to vector<16xi32>
      %add3A_418 = arith.addi %broadcast_in_dim3A_412, %add3A_417 : vector<16xi32>
      %select_n3A_419 = arith.select %lt3A_415, %add3A_418, %broadcast_in_dim3A_412 : vector<16xi1>, vector<16xi32>
      %broadcast_in_dim3A_420 = vector.shape_cast %select_n3A_419 : vector<16xi32> to vector<16x1xi32>
      %gather3A_421 = vector.shape_cast %broadcast_in_dim3A_420 : vector<16x1xi32> to vector<16xi32>
      %gather3A_422 = tpu.dynamic_gather %mul3A_231[%gather3A_421] in [0] : vector<16xi32>, vector<16xi32> -> vector<16xi32>
      %add3A_423 = arith.addi %gather3A_422, %add3A_39 : vector<16xi32>
      %gather3A_424 = tpu.vector_load_idx %arg8[%add3A_423] : memref<38400xf32, #tpu.memory_space<vmem>>[vector<16xi32>], vector<16xf32>,
      %swap3A_425 = arith.index_cast %add3A_410 : i32 to index
      %swap3A_426 = arith.constant 0 : index
      %swap3A_427 = tpu.vector_load %arg12[%swap3A_425, %swap3A_426] {strides = array<i32>} : memref<256x64xf32, #tpu.memory_space<vmem>>, vector<16xf32>,
      tpu.vector_store %arg12[%swap3A_425, %swap3A_426], %gather3A_424 {add = true, strides = array<i32>} : memref<256x64xf32, #tpu.memory_space<vmem>>, vector<16xf32>,
      %add3A_428 = arith.addi %gather3A_422, %add3A_42 : vector<16xi32>
      %gather3A_429 = tpu.vector_load_idx %arg8[%add3A_428] : memref<38400xf32, #tpu.memory_space<vmem>>[vector<16xi32>], vector<16xf32>,
      %swap3A_430 = arith.index_cast %add3A_410 : i32 to index
      %swap3A_431 = arith.constant 16 : index
      %swap3A_432 = tpu.vector_load %arg12[%swap3A_430, %swap3A_431] {strides = array<i32>} : memref<256x64xf32, #tpu.memory_space<vmem>>, vector<16xf32>,
      tpu.vector_store %arg12[%swap3A_430, %swap3A_431], %gather3A_429 {add = true, strides = array<i32>} : memref<256x64xf32, #tpu.memory_space<vmem>>, vector<16xf32>,
      %add3A_433 = arith.addi %gather3A_422, %add3A_45 : vector<16xi32>
      %gather3A_434 = tpu.vector_load_idx %arg8[%add3A_433] : memref<38400xf32, #tpu.memory_space<vmem>>[vector<16xi32>], vector<16xf32>,
      %swap3A_435 = arith.index_cast %add3A_410 : i32 to index
      %swap3A_436 = arith.constant 32 : index
      %swap3A_437 = tpu.vector_load %arg12[%swap3A_435, %swap3A_436] {strides = array<i32>} : memref<256x64xf32, #tpu.memory_space<vmem>>, vector<16xf32>,
      tpu.vector_store %arg12[%swap3A_435, %swap3A_436], %gather3A_434 {add = true, strides = array<i32>} : memref<256x64xf32, #tpu.memory_space<vmem>>, vector<16xf32>,
      %add3A_438 = arith.addi %gather3A_422, %add3A_48 : vector<16xi32>
      %gather3A_439 = tpu.vector_load_idx %arg8[%add3A_438] : memref<38400xf32, #tpu.memory_space<vmem>>[vector<16xi32>], vector<16xf32>,
      %swap3A_440 = arith.index_cast %add3A_410 : i32 to index
      %swap3A_441 = arith.constant 48 : index
      %swap3A_442 = tpu.vector_load %arg12[%swap3A_440, %swap3A_441] {strides = array<i32>} : memref<256x64xf32, #tpu.memory_space<vmem>>, vector<16xf32>,
      tpu.vector_store %arg12[%swap3A_440, %swap3A_441], %gather3A_439 {add = true, strides = array<i32>} : memref<256x64xf32, #tpu.memory_space<vmem>>, vector<16xf32>,
      %mul3A_443 = arith.constant 16 : i32
      %mul3A_444 = arith.muli %scan3A_211, %mul3A_443 : i32
      %add3A_445 = arith.constant 6 : i32
      %add3A_446 = arith.addi %mul3A_444, %add3A_445 : i32
      %broadcast_in_dim3A_447 = arith.constant 6 : i32
      %broadcast_in_dim3A_448 = vector.broadcast %broadcast_in_dim3A_447 : i32 to vector<16xi32>
      %lt3A_449 = arith.constant 0 : i32
      %lt3A_450 = vector.broadcast %lt3A_449 : i32 to vector<16xi32>
      %lt3A_451 = arith.cmpi slt, %broadcast_in_dim3A_448, %lt3A_450 : vector<16xi32>
      %add3A_452 = arith.constant 16 : i32
      %add3A_453 = vector.broadcast %add3A_452 : i32 to vector<16xi32>
      %add3A_454 = arith.addi %broadcast_in_dim3A_448, %add3A_453 : vector<16xi32>
      %select_n3A_455 = arith.select %lt3A_451, %add3A_454, %broadcast_in_dim3A_448 : vector<16xi1>, vector<16xi32>
      %broadcast_in_dim3A_456 = vector.shape_cast %select_n3A_455 : vector<16xi32> to vector<16x1xi32>
      %gather3A_457 = vector.shape_cast %broadcast_in_dim3A_456 : vector<16x1xi32> to vector<16xi32>
      %gather3A_458 = tpu.dynamic_gather %mul3A_231[%gather3A_457] in [0] : vector<16xi32>, vector<16xi32> -> vector<16xi32>
      %add3A_459 = arith.addi %gather3A_458, %add3A_39 : vector<16xi32>
      %gather3A_460 = tpu.vector_load_idx %arg8[%add3A_459] : memref<38400xf32, #tpu.memory_space<vmem>>[vector<16xi32>], vector<16xf32>,
      %swap3A_461 = arith.index_cast %add3A_446 : i32 to index
      %swap3A_462 = arith.constant 0 : index
      %swap3A_463 = tpu.vector_load %arg12[%swap3A_461, %swap3A_462] {strides = array<i32>} : memref<256x64xf32, #tpu.memory_space<vmem>>, vector<16xf32>,
      tpu.vector_store %arg12[%swap3A_461, %swap3A_462], %gather3A_460 {add = true, strides = array<i32>} : memref<256x64xf32, #tpu.memory_space<vmem>>, vector<16xf32>,
      %add3A_464 = arith.addi %gather3A_458, %add3A_42 : vector<16xi32>
      %gather3A_465 = tpu.vector_load_idx %arg8[%add3A_464] : memref<38400xf32, #tpu.memory_space<vmem>>[vector<16xi32>], vector<16xf32>,
      %swap3A_466 = arith.index_cast %add3A_446 : i32 to index
      %swap3A_467 = arith.constant 16 : index
      %swap3A_468 = tpu.vector_load %arg12[%swap3A_466, %swap3A_467] {strides = array<i32>} : memref<256x64xf32, #tpu.memory_space<vmem>>, vector<16xf32>,
      tpu.vector_store %arg12[%swap3A_466, %swap3A_467], %gather3A_465 {add = true, strides = array<i32>} : memref<256x64xf32, #tpu.memory_space<vmem>>, vector<16xf32>,
      %add3A_469 = arith.addi %gather3A_458, %add3A_45 : vector<16xi32>
      %gather3A_470 = tpu.vector_load_idx %arg8[%add3A_469] : memref<38400xf32, #tpu.memory_space<vmem>>[vector<16xi32>], vector<16xf32>,
      %swap3A_471 = arith.index_cast %add3A_446 : i32 to index
      %swap3A_472 = arith.constant 32 : index
      %swap3A_473 = tpu.vector_load %arg12[%swap3A_471, %swap3A_472] {strides = array<i32>} : memref<256x64xf32, #tpu.memory_space<vmem>>, vector<16xf32>,
      tpu.vector_store %arg12[%swap3A_471, %swap3A_472], %gather3A_470 {add = true, strides = array<i32>} : memref<256x64xf32, #tpu.memory_space<vmem>>, vector<16xf32>,
      %add3A_474 = arith.addi %gather3A_458, %add3A_48 : vector<16xi32>
      %gather3A_475 = tpu.vector_load_idx %arg8[%add3A_474] : memref<38400xf32, #tpu.memory_space<vmem>>[vector<16xi32>], vector<16xf32>,
      %swap3A_476 = arith.index_cast %add3A_446 : i32 to index
      %swap3A_477 = arith.constant 48 : index
      %swap3A_478 = tpu.vector_load %arg12[%swap3A_476, %swap3A_477] {strides = array<i32>} : memref<256x64xf32, #tpu.memory_space<vmem>>, vector<16xf32>,
      tpu.vector_store %arg12[%swap3A_476, %swap3A_477], %gather3A_475 {add = true, strides = array<i32>} : memref<256x64xf32, #tpu.memory_space<vmem>>, vector<16xf32>,
      %mul3A_479 = arith.constant 16 : i32
      %mul3A_480 = arith.muli %scan3A_211, %mul3A_479 : i32
      %add3A_481 = arith.constant 7 : i32
      %add3A_482 = arith.addi %mul3A_480, %add3A_481 : i32
      %broadcast_in_dim3A_483 = arith.constant 7 : i32
      %broadcast_in_dim3A_484 = vector.broadcast %broadcast_in_dim3A_483 : i32 to vector<16xi32>
      %lt3A_485 = arith.constant 0 : i32
      %lt3A_486 = vector.broadcast %lt3A_485 : i32 to vector<16xi32>
      %lt3A_487 = arith.cmpi slt, %broadcast_in_dim3A_484, %lt3A_486 : vector<16xi32>
      %add3A_488 = arith.constant 16 : i32
      %add3A_489 = vector.broadcast %add3A_488 : i32 to vector<16xi32>
      %add3A_490 = arith.addi %broadcast_in_dim3A_484, %add3A_489 : vector<16xi32>
      %select_n3A_491 = arith.select %lt3A_487, %add3A_490, %broadcast_in_dim3A_484 : vector<16xi1>, vector<16xi32>
      %broadcast_in_dim3A_492 = vector.shape_cast %select_n3A_491 : vector<16xi32> to vector<16x1xi32>
      %gather3A_493 = vector.shape_cast %broadcast_in_dim3A_492 : vector<16x1xi32> to vector<16xi32>
      %gather3A_494 = tpu.dynamic_gather %mul3A_231[%gather3A_493] in [0] : vector<16xi32>, vector<16xi32> -> vector<16xi32>
      %add3A_495 = arith.addi %gather3A_494, %add3A_39 : vector<16xi32>
      %gather3A_496 = tpu.vector_load_idx %arg8[%add3A_495] : memref<38400xf32, #tpu.memory_space<vmem>>[vector<16xi32>], vector<16xf32>,
      %swap3A_497 = arith.index_cast %add3A_482 : i32 to index
      %swap3A_498 = arith.constant 0 : index
      %swap3A_499 = tpu.vector_load %arg12[%swap3A_497, %swap3A_498] {strides = array<i32>} : memref<256x64xf32, #tpu.memory_space<vmem>>, vector<16xf32>,
      tpu.vector_store %arg12[%swap3A_497, %swap3A_498], %gather3A_496 {add = true, strides = array<i32>} : memref<256x64xf32, #tpu.memory_space<vmem>>, vector<16xf32>,
      %add3A_500 = arith.addi %gather3A_494, %add3A_42 : vector<16xi32>
      %gather3A_501 = tpu.vector_load_idx %arg8[%add3A_500] : memref<38400xf32, #tpu.memory_space<vmem>>[vector<16xi32>], vector<16xf32>,
      %swap3A_502 = arith.index_cast %add3A_482 : i32 to index
      %swap3A_503 = arith.constant 16 : index
      %swap3A_504 = tpu.vector_load %arg12[%swap3A_502, %swap3A_503] {strides = array<i32>} : memref<256x64xf32, #tpu.memory_space<vmem>>, vector<16xf32>,
      tpu.vector_store %arg12[%swap3A_502, %swap3A_503], %gather3A_501 {add = true, strides = array<i32>} : memref<256x64xf32, #tpu.memory_space<vmem>>, vector<16xf32>,
      %add3A_505 = arith.addi %gather3A_494, %add3A_45 : vector<16xi32>
      %gather3A_506 = tpu.vector_load_idx %arg8[%add3A_505] : memref<38400xf32, #tpu.memory_space<vmem>>[vector<16xi32>], vector<16xf32>,
      %swap3A_507 = arith.index_cast %add3A_482 : i32 to index
      %swap3A_508 = arith.constant 32 : index
      %swap3A_509 = tpu.vector_load %arg12[%swap3A_507, %swap3A_508] {strides = array<i32>} : memref<256x64xf32, #tpu.memory_space<vmem>>, vector<16xf32>,
      tpu.vector_store %arg12[%swap3A_507, %swap3A_508], %gather3A_506 {add = true, strides = array<i32>} : memref<256x64xf32, #tpu.memory_space<vmem>>, vector<16xf32>,
      %add3A_510 = arith.addi %gather3A_494, %add3A_48 : vector<16xi32>
      %gather3A_511 = tpu.vector_load_idx %arg8[%add3A_510] : memref<38400xf32, #tpu.memory_space<vmem>>[vector<16xi32>], vector<16xf32>,
      %swap3A_512 = arith.index_cast %add3A_482 : i32 to index
      %swap3A_513 = arith.constant 48 : index
      %swap3A_514 = tpu.vector_load %arg12[%swap3A_512, %swap3A_513] {strides = array<i32>} : memref<256x64xf32, #tpu.memory_space<vmem>>, vector<16xf32>,
      tpu.vector_store %arg12[%swap3A_512, %swap3A_513], %gather3A_511 {add = true, strides = array<i32>} : memref<256x64xf32, #tpu.memory_space<vmem>>, vector<16xf32>,
      %mul3A_515 = arith.constant 16 : i32
      %mul3A_516 = arith.muli %scan3A_211, %mul3A_515 : i32
      %add3A_517 = arith.constant 8 : i32
      %add3A_518 = arith.addi %mul3A_516, %add3A_517 : i32
      %broadcast_in_dim3A_519 = arith.constant 8 : i32
      %broadcast_in_dim3A_520 = vector.broadcast %broadcast_in_dim3A_519 : i32 to vector<16xi32>
      %lt3A_521 = arith.constant 0 : i32
      %lt3A_522 = vector.broadcast %lt3A_521 : i32 to vector<16xi32>
      %lt3A_523 = arith.cmpi slt, %broadcast_in_dim3A_520, %lt3A_522 : vector<16xi32>
      %add3A_524 = arith.constant 16 : i32
      %add3A_525 = vector.broadcast %add3A_524 : i32 to vector<16xi32>
      %add3A_526 = arith.addi %broadcast_in_dim3A_520, %add3A_525 : vector<16xi32>
      %select_n3A_527 = arith.select %lt3A_523, %add3A_526, %broadcast_in_dim3A_520 : vector<16xi1>, vector<16xi32>
      %broadcast_in_dim3A_528 = vector.shape_cast %select_n3A_527 : vector<16xi32> to vector<16x1xi32>
      %gather3A_529 = vector.shape_cast %broadcast_in_dim3A_528 : vector<16x1xi32> to vector<16xi32>
      %gather3A_530 = tpu.dynamic_gather %mul3A_231[%gather3A_529] in [0] : vector<16xi32>, vector<16xi32> -> vector<16xi32>
      %add3A_531 = arith.addi %gather3A_530, %add3A_39 : vector<16xi32>
      %gather3A_532 = tpu.vector_load_idx %arg8[%add3A_531] : memref<38400xf32, #tpu.memory_space<vmem>>[vector<16xi32>], vector<16xf32>,
      %swap3A_533 = arith.index_cast %add3A_518 : i32 to index
      %swap3A_534 = arith.constant 0 : index
      %swap3A_535 = tpu.vector_load %arg12[%swap3A_533, %swap3A_534] {strides = array<i32>} : memref<256x64xf32, #tpu.memory_space<vmem>>, vector<16xf32>,
      tpu.vector_store %arg12[%swap3A_533, %swap3A_534], %gather3A_532 {add = true, strides = array<i32>} : memref<256x64xf32, #tpu.memory_space<vmem>>, vector<16xf32>,
      %add3A_536 = arith.addi %gather3A_530, %add3A_42 : vector<16xi32>
      %gather3A_537 = tpu.vector_load_idx %arg8[%add3A_536] : memref<38400xf32, #tpu.memory_space<vmem>>[vector<16xi32>], vector<16xf32>,
      %swap3A_538 = arith.index_cast %add3A_518 : i32 to index
      %swap3A_539 = arith.constant 16 : index
      %swap3A_540 = tpu.vector_load %arg12[%swap3A_538, %swap3A_539] {strides = array<i32>} : memref<256x64xf32, #tpu.memory_space<vmem>>, vector<16xf32>,
      tpu.vector_store %arg12[%swap3A_538, %swap3A_539], %gather3A_537 {add = true, strides = array<i32>} : memref<256x64xf32, #tpu.memory_space<vmem>>, vector<16xf32>,
      %add3A_541 = arith.addi %gather3A_530, %add3A_45 : vector<16xi32>
      %gather3A_542 = tpu.vector_load_idx %arg8[%add3A_541] : memref<38400xf32, #tpu.memory_space<vmem>>[vector<16xi32>], vector<16xf32>,
      %swap3A_543 = arith.index_cast %add3A_518 : i32 to index
      %swap3A_544 = arith.constant 32 : index
      %swap3A_545 = tpu.vector_load %arg12[%swap3A_543, %swap3A_544] {strides = array<i32>} : memref<256x64xf32, #tpu.memory_space<vmem>>, vector<16xf32>,
      tpu.vector_store %arg12[%swap3A_543, %swap3A_544], %gather3A_542 {add = true, strides = array<i32>} : memref<256x64xf32, #tpu.memory_space<vmem>>, vector<16xf32>,
      %add3A_546 = arith.addi %gather3A_530, %add3A_48 : vector<16xi32>
      %gather3A_547 = tpu.vector_load_idx %arg8[%add3A_546] : memref<38400xf32, #tpu.memory_space<vmem>>[vector<16xi32>], vector<16xf32>,
      %swap3A_548 = arith.index_cast %add3A_518 : i32 to index
      %swap3A_549 = arith.constant 48 : index
      %swap3A_550 = tpu.vector_load %arg12[%swap3A_548, %swap3A_549] {strides = array<i32>} : memref<256x64xf32, #tpu.memory_space<vmem>>, vector<16xf32>,
      tpu.vector_store %arg12[%swap3A_548, %swap3A_549], %gather3A_547 {add = true, strides = array<i32>} : memref<256x64xf32, #tpu.memory_space<vmem>>, vector<16xf32>,
      %mul3A_551 = arith.constant 16 : i32
      %mul3A_552 = arith.muli %scan3A_211, %mul3A_551 : i32
      %add3A_553 = arith.constant 9 : i32
      %add3A_554 = arith.addi %mul3A_552, %add3A_553 : i32
      %broadcast_in_dim3A_555 = arith.constant 9 : i32
      %broadcast_in_dim3A_556 = vector.broadcast %broadcast_in_dim3A_555 : i32 to vector<16xi32>
      %lt3A_557 = arith.constant 0 : i32
      %lt3A_558 = vector.broadcast %lt3A_557 : i32 to vector<16xi32>
      %lt3A_559 = arith.cmpi slt, %broadcast_in_dim3A_556, %lt3A_558 : vector<16xi32>
      %add3A_560 = arith.constant 16 : i32
      %add3A_561 = vector.broadcast %add3A_560 : i32 to vector<16xi32>
      %add3A_562 = arith.addi %broadcast_in_dim3A_556, %add3A_561 : vector<16xi32>
      %select_n3A_563 = arith.select %lt3A_559, %add3A_562, %broadcast_in_dim3A_556 : vector<16xi1>, vector<16xi32>
      %broadcast_in_dim3A_564 = vector.shape_cast %select_n3A_563 : vector<16xi32> to vector<16x1xi32>
      %gather3A_565 = vector.shape_cast %broadcast_in_dim3A_564 : vector<16x1xi32> to vector<16xi32>
      %gather3A_566 = tpu.dynamic_gather %mul3A_231[%gather3A_565] in [0] : vector<16xi32>, vector<16xi32> -> vector<16xi32>
      %add3A_567 = arith.addi %gather3A_566, %add3A_39 : vector<16xi32>
      %gather3A_568 = tpu.vector_load_idx %arg8[%add3A_567] : memref<38400xf32, #tpu.memory_space<vmem>>[vector<16xi32>], vector<16xf32>,
      %swap3A_569 = arith.index_cast %add3A_554 : i32 to index
      %swap3A_570 = arith.constant 0 : index
      %swap3A_571 = tpu.vector_load %arg12[%swap3A_569, %swap3A_570] {strides = array<i32>} : memref<256x64xf32, #tpu.memory_space<vmem>>, vector<16xf32>,
      tpu.vector_store %arg12[%swap3A_569, %swap3A_570], %gather3A_568 {add = true, strides = array<i32>} : memref<256x64xf32, #tpu.memory_space<vmem>>, vector<16xf32>,
      %add3A_572 = arith.addi %gather3A_566, %add3A_42 : vector<16xi32>
      %gather3A_573 = tpu.vector_load_idx %arg8[%add3A_572] : memref<38400xf32, #tpu.memory_space<vmem>>[vector<16xi32>], vector<16xf32>,
      %swap3A_574 = arith.index_cast %add3A_554 : i32 to index
      %swap3A_575 = arith.constant 16 : index
      %swap3A_576 = tpu.vector_load %arg12[%swap3A_574, %swap3A_575] {strides = array<i32>} : memref<256x64xf32, #tpu.memory_space<vmem>>, vector<16xf32>,
      tpu.vector_store %arg12[%swap3A_574, %swap3A_575], %gather3A_573 {add = true, strides = array<i32>} : memref<256x64xf32, #tpu.memory_space<vmem>>, vector<16xf32>,
      %add3A_577 = arith.addi %gather3A_566, %add3A_45 : vector<16xi32>
      %gather3A_578 = tpu.vector_load_idx %arg8[%add3A_577] : memref<38400xf32, #tpu.memory_space<vmem>>[vector<16xi32>], vector<16xf32>,
      %swap3A_579 = arith.index_cast %add3A_554 : i32 to index
      %swap3A_580 = arith.constant 32 : index
      %swap3A_581 = tpu.vector_load %arg12[%swap3A_579, %swap3A_580] {strides = array<i32>} : memref<256x64xf32, #tpu.memory_space<vmem>>, vector<16xf32>,
      tpu.vector_store %arg12[%swap3A_579, %swap3A_580], %gather3A_578 {add = true, strides = array<i32>} : memref<256x64xf32, #tpu.memory_space<vmem>>, vector<16xf32>,
      %add3A_582 = arith.addi %gather3A_566, %add3A_48 : vector<16xi32>
      %gather3A_583 = tpu.vector_load_idx %arg8[%add3A_582] : memref<38400xf32, #tpu.memory_space<vmem>>[vector<16xi32>], vector<16xf32>,
      %swap3A_584 = arith.index_cast %add3A_554 : i32 to index
      %swap3A_585 = arith.constant 48 : index
      %swap3A_586 = tpu.vector_load %arg12[%swap3A_584, %swap3A_585] {strides = array<i32>} : memref<256x64xf32, #tpu.memory_space<vmem>>, vector<16xf32>,
      tpu.vector_store %arg12[%swap3A_584, %swap3A_585], %gather3A_583 {add = true, strides = array<i32>} : memref<256x64xf32, #tpu.memory_space<vmem>>, vector<16xf32>,
      %mul3A_587 = arith.constant 16 : i32
      %mul3A_588 = arith.muli %scan3A_211, %mul3A_587 : i32
      %add3A_589 = arith.constant 10 : i32
      %add3A_590 = arith.addi %mul3A_588, %add3A_589 : i32
      %broadcast_in_dim3A_591 = arith.constant 10 : i32
      %broadcast_in_dim3A_592 = vector.broadcast %broadcast_in_dim3A_591 : i32 to vector<16xi32>
      %lt3A_593 = arith.constant 0 : i32
      %lt3A_594 = vector.broadcast %lt3A_593 : i32 to vector<16xi32>
      %lt3A_595 = arith.cmpi slt, %broadcast_in_dim3A_592, %lt3A_594 : vector<16xi32>
      %add3A_596 = arith.constant 16 : i32
      %add3A_597 = vector.broadcast %add3A_596 : i32 to vector<16xi32>
      %add3A_598 = arith.addi %broadcast_in_dim3A_592, %add3A_597 : vector<16xi32>
      %select_n3A_599 = arith.select %lt3A_595, %add3A_598, %broadcast_in_dim3A_592 : vector<16xi1>, vector<16xi32>
      %broadcast_in_dim3A_600 = vector.shape_cast %select_n3A_599 : vector<16xi32> to vector<16x1xi32>
      %gather3A_601 = vector.shape_cast %broadcast_in_dim3A_600 : vector<16x1xi32> to vector<16xi32>
      %gather3A_602 = tpu.dynamic_gather %mul3A_231[%gather3A_601] in [0] : vector<16xi32>, vector<16xi32> -> vector<16xi32>
      %add3A_603 = arith.addi %gather3A_602, %add3A_39 : vector<16xi32>
      %gather3A_604 = tpu.vector_load_idx %arg8[%add3A_603] : memref<38400xf32, #tpu.memory_space<vmem>>[vector<16xi32>], vector<16xf32>,
      %swap3A_605 = arith.index_cast %add3A_590 : i32 to index
      %swap3A_606 = arith.constant 0 : index
      %swap3A_607 = tpu.vector_load %arg12[%swap3A_605, %swap3A_606] {strides = array<i32>} : memref<256x64xf32, #tpu.memory_space<vmem>>, vector<16xf32>,
      tpu.vector_store %arg12[%swap3A_605, %swap3A_606], %gather3A_604 {add = true, strides = array<i32>} : memref<256x64xf32, #tpu.memory_space<vmem>>, vector<16xf32>,
      %add3A_608 = arith.addi %gather3A_602, %add3A_42 : vector<16xi32>
      %gather3A_609 = tpu.vector_load_idx %arg8[%add3A_608] : memref<38400xf32, #tpu.memory_space<vmem>>[vector<16xi32>], vector<16xf32>,
      %swap3A_610 = arith.index_cast %add3A_590 : i32 to index
      %swap3A_611 = arith.constant 16 : index
      %swap3A_612 = tpu.vector_load %arg12[%swap3A_610, %swap3A_611] {strides = array<i32>} : memref<256x64xf32, #tpu.memory_space<vmem>>, vector<16xf32>,
      tpu.vector_store %arg12[%swap3A_610, %swap3A_611], %gather3A_609 {add = true, strides = array<i32>} : memref<256x64xf32, #tpu.memory_space<vmem>>, vector<16xf32>,
      %add3A_613 = arith.addi %gather3A_602, %add3A_45 : vector<16xi32>
      %gather3A_614 = tpu.vector_load_idx %arg8[%add3A_613] : memref<38400xf32, #tpu.memory_space<vmem>>[vector<16xi32>], vector<16xf32>,
      %swap3A_615 = arith.index_cast %add3A_590 : i32 to index
      %swap3A_616 = arith.constant 32 : index
      %swap3A_617 = tpu.vector_load %arg12[%swap3A_615, %swap3A_616] {strides = array<i32>} : memref<256x64xf32, #tpu.memory_space<vmem>>, vector<16xf32>,
      tpu.vector_store %arg12[%swap3A_615, %swap3A_616], %gather3A_614 {add = true, strides = array<i32>} : memref<256x64xf32, #tpu.memory_space<vmem>>, vector<16xf32>,
      %add3A_618 = arith.addi %gather3A_602, %add3A_48 : vector<16xi32>
      %gather3A_619 = tpu.vector_load_idx %arg8[%add3A_618] : memref<38400xf32, #tpu.memory_space<vmem>>[vector<16xi32>], vector<16xf32>,
      %swap3A_620 = arith.index_cast %add3A_590 : i32 to index
      %swap3A_621 = arith.constant 48 : index
      %swap3A_622 = tpu.vector_load %arg12[%swap3A_620, %swap3A_621] {strides = array<i32>} : memref<256x64xf32, #tpu.memory_space<vmem>>, vector<16xf32>,
      tpu.vector_store %arg12[%swap3A_620, %swap3A_621], %gather3A_619 {add = true, strides = array<i32>} : memref<256x64xf32, #tpu.memory_space<vmem>>, vector<16xf32>,
      %mul3A_623 = arith.constant 16 : i32
      %mul3A_624 = arith.muli %scan3A_211, %mul3A_623 : i32
      %add3A_625 = arith.constant 11 : i32
      %add3A_626 = arith.addi %mul3A_624, %add3A_625 : i32
      %broadcast_in_dim3A_627 = arith.constant 11 : i32
      %broadcast_in_dim3A_628 = vector.broadcast %broadcast_in_dim3A_627 : i32 to vector<16xi32>
      %lt3A_629 = arith.constant 0 : i32
      %lt3A_630 = vector.broadcast %lt3A_629 : i32 to vector<16xi32>
      %lt3A_631 = arith.cmpi slt, %broadcast_in_dim3A_628, %lt3A_630 : vector<16xi32>
      %add3A_632 = arith.constant 16 : i32
      %add3A_633 = vector.broadcast %add3A_632 : i32 to vector<16xi32>
      %add3A_634 = arith.addi %broadcast_in_dim3A_628, %add3A_633 : vector<16xi32>
      %select_n3A_635 = arith.select %lt3A_631, %add3A_634, %broadcast_in_dim3A_628 : vector<16xi1>, vector<16xi32>
      %broadcast_in_dim3A_636 = vector.shape_cast %select_n3A_635 : vector<16xi32> to vector<16x1xi32>
      %gather3A_637 = vector.shape_cast %broadcast_in_dim3A_636 : vector<16x1xi32> to vector<16xi32>
      %gather3A_638 = tpu.dynamic_gather %mul3A_231[%gather3A_637] in [0] : vector<16xi32>, vector<16xi32> -> vector<16xi32>
      %add3A_639 = arith.addi %gather3A_638, %add3A_39 : vector<16xi32>
      %gather3A_640 = tpu.vector_load_idx %arg8[%add3A_639] : memref<38400xf32, #tpu.memory_space<vmem>>[vector<16xi32>], vector<16xf32>,
      %swap3A_641 = arith.index_cast %add3A_626 : i32 to index
      %swap3A_642 = arith.constant 0 : index
      %swap3A_643 = tpu.vector_load %arg12[%swap3A_641, %swap3A_642] {strides = array<i32>} : memref<256x64xf32, #tpu.memory_space<vmem>>, vector<16xf32>,
      tpu.vector_store %arg12[%swap3A_641, %swap3A_642], %gather3A_640 {add = true, strides = array<i32>} : memref<256x64xf32, #tpu.memory_space<vmem>>, vector<16xf32>,
      %add3A_644 = arith.addi %gather3A_638, %add3A_42 : vector<16xi32>
      %gather3A_645 = tpu.vector_load_idx %arg8[%add3A_644] : memref<38400xf32, #tpu.memory_space<vmem>>[vector<16xi32>], vector<16xf32>,
      %swap3A_646 = arith.index_cast %add3A_626 : i32 to index
      %swap3A_647 = arith.constant 16 : index
      %swap3A_648 = tpu.vector_load %arg12[%swap3A_646, %swap3A_647] {strides = array<i32>} : memref<256x64xf32, #tpu.memory_space<vmem>>, vector<16xf32>,
      tpu.vector_store %arg12[%swap3A_646, %swap3A_647], %gather3A_645 {add = true, strides = array<i32>} : memref<256x64xf32, #tpu.memory_space<vmem>>, vector<16xf32>,
      %add3A_649 = arith.addi %gather3A_638, %add3A_45 : vector<16xi32>
      %gather3A_650 = tpu.vector_load_idx %arg8[%add3A_649] : memref<38400xf32, #tpu.memory_space<vmem>>[vector<16xi32>], vector<16xf32>,
      %swap3A_651 = arith.index_cast %add3A_626 : i32 to index
      %swap3A_652 = arith.constant 32 : index
      %swap3A_653 = tpu.vector_load %arg12[%swap3A_651, %swap3A_652] {strides = array<i32>} : memref<256x64xf32, #tpu.memory_space<vmem>>, vector<16xf32>,
      tpu.vector_store %arg12[%swap3A_651, %swap3A_652], %gather3A_650 {add = true, strides = array<i32>} : memref<256x64xf32, #tpu.memory_space<vmem>>, vector<16xf32>,
      %add3A_654 = arith.addi %gather3A_638, %add3A_48 : vector<16xi32>
      %gather3A_655 = tpu.vector_load_idx %arg8[%add3A_654] : memref<38400xf32, #tpu.memory_space<vmem>>[vector<16xi32>], vector<16xf32>,
      %swap3A_656 = arith.index_cast %add3A_626 : i32 to index
      %swap3A_657 = arith.constant 48 : index
      %swap3A_658 = tpu.vector_load %arg12[%swap3A_656, %swap3A_657] {strides = array<i32>} : memref<256x64xf32, #tpu.memory_space<vmem>>, vector<16xf32>,
      tpu.vector_store %arg12[%swap3A_656, %swap3A_657], %gather3A_655 {add = true, strides = array<i32>} : memref<256x64xf32, #tpu.memory_space<vmem>>, vector<16xf32>,
      %mul3A_659 = arith.constant 16 : i32
      %mul3A_660 = arith.muli %scan3A_211, %mul3A_659 : i32
      %add3A_661 = arith.constant 12 : i32
      %add3A_662 = arith.addi %mul3A_660, %add3A_661 : i32
      %broadcast_in_dim3A_663 = arith.constant 12 : i32
      %broadcast_in_dim3A_664 = vector.broadcast %broadcast_in_dim3A_663 : i32 to vector<16xi32>
      %lt3A_665 = arith.constant 0 : i32
      %lt3A_666 = vector.broadcast %lt3A_665 : i32 to vector<16xi32>
      %lt3A_667 = arith.cmpi slt, %broadcast_in_dim3A_664, %lt3A_666 : vector<16xi32>
      %add3A_668 = arith.constant 16 : i32
      %add3A_669 = vector.broadcast %add3A_668 : i32 to vector<16xi32>
      %add3A_670 = arith.addi %broadcast_in_dim3A_664, %add3A_669 : vector<16xi32>
      %select_n3A_671 = arith.select %lt3A_667, %add3A_670, %broadcast_in_dim3A_664 : vector<16xi1>, vector<16xi32>
      %broadcast_in_dim3A_672 = vector.shape_cast %select_n3A_671 : vector<16xi32> to vector<16x1xi32>
      %gather3A_673 = vector.shape_cast %broadcast_in_dim3A_672 : vector<16x1xi32> to vector<16xi32>
      %gather3A_674 = tpu.dynamic_gather %mul3A_231[%gather3A_673] in [0] : vector<16xi32>, vector<16xi32> -> vector<16xi32>
      %add3A_675 = arith.addi %gather3A_674, %add3A_39 : vector<16xi32>
      %gather3A_676 = tpu.vector_load_idx %arg8[%add3A_675] : memref<38400xf32, #tpu.memory_space<vmem>>[vector<16xi32>], vector<16xf32>,
      %swap3A_677 = arith.index_cast %add3A_662 : i32 to index
      %swap3A_678 = arith.constant 0 : index
      %swap3A_679 = tpu.vector_load %arg12[%swap3A_677, %swap3A_678] {strides = array<i32>} : memref<256x64xf32, #tpu.memory_space<vmem>>, vector<16xf32>,
      tpu.vector_store %arg12[%swap3A_677, %swap3A_678], %gather3A_676 {add = true, strides = array<i32>} : memref<256x64xf32, #tpu.memory_space<vmem>>, vector<16xf32>,
      %add3A_680 = arith.addi %gather3A_674, %add3A_42 : vector<16xi32>
      %gather3A_681 = tpu.vector_load_idx %arg8[%add3A_680] : memref<38400xf32, #tpu.memory_space<vmem>>[vector<16xi32>], vector<16xf32>,
      %swap3A_682 = arith.index_cast %add3A_662 : i32 to index
      %swap3A_683 = arith.constant 16 : index
      %swap3A_684 = tpu.vector_load %arg12[%swap3A_682, %swap3A_683] {strides = array<i32>} : memref<256x64xf32, #tpu.memory_space<vmem>>, vector<16xf32>,
      tpu.vector_store %arg12[%swap3A_682, %swap3A_683], %gather3A_681 {add = true, strides = array<i32>} : memref<256x64xf32, #tpu.memory_space<vmem>>, vector<16xf32>,
      %add3A_685 = arith.addi %gather3A_674, %add3A_45 : vector<16xi32>
      %gather3A_686 = tpu.vector_load_idx %arg8[%add3A_685] : memref<38400xf32, #tpu.memory_space<vmem>>[vector<16xi32>], vector<16xf32>,
      %swap3A_687 = arith.index_cast %add3A_662 : i32 to index
      %swap3A_688 = arith.constant 32 : index
      %swap3A_689 = tpu.vector_load %arg12[%swap3A_687, %swap3A_688] {strides = array<i32>} : memref<256x64xf32, #tpu.memory_space<vmem>>, vector<16xf32>,
      tpu.vector_store %arg12[%swap3A_687, %swap3A_688], %gather3A_686 {add = true, strides = array<i32>} : memref<256x64xf32, #tpu.memory_space<vmem>>, vector<16xf32>,
      %add3A_690 = arith.addi %gather3A_674, %add3A_48 : vector<16xi32>
      %gather3A_691 = tpu.vector_load_idx %arg8[%add3A_690] : memref<38400xf32, #tpu.memory_space<vmem>>[vector<16xi32>], vector<16xf32>,
      %swap3A_692 = arith.index_cast %add3A_662 : i32 to index
      %swap3A_693 = arith.constant 48 : index
      %swap3A_694 = tpu.vector_load %arg12[%swap3A_692, %swap3A_693] {strides = array<i32>} : memref<256x64xf32, #tpu.memory_space<vmem>>, vector<16xf32>,
      tpu.vector_store %arg12[%swap3A_692, %swap3A_693], %gather3A_691 {add = true, strides = array<i32>} : memref<256x64xf32, #tpu.memory_space<vmem>>, vector<16xf32>,
      %mul3A_695 = arith.constant 16 : i32
      %mul3A_696 = arith.muli %scan3A_211, %mul3A_695 : i32
      %add3A_697 = arith.constant 13 : i32
      %add3A_698 = arith.addi %mul3A_696, %add3A_697 : i32
      %broadcast_in_dim3A_699 = arith.constant 13 : i32
      %broadcast_in_dim3A_700 = vector.broadcast %broadcast_in_dim3A_699 : i32 to vector<16xi32>
      %lt3A_701 = arith.constant 0 : i32
      %lt3A_702 = vector.broadcast %lt3A_701 : i32 to vector<16xi32>
      %lt3A_703 = arith.cmpi slt, %broadcast_in_dim3A_700, %lt3A_702 : vector<16xi32>
      %add3A_704 = arith.constant 16 : i32
      %add3A_705 = vector.broadcast %add3A_704 : i32 to vector<16xi32>
      %add3A_706 = arith.addi %broadcast_in_dim3A_700, %add3A_705 : vector<16xi32>
      %select_n3A_707 = arith.select %lt3A_703, %add3A_706, %broadcast_in_dim3A_700 : vector<16xi1>, vector<16xi32>
      %broadcast_in_dim3A_708 = vector.shape_cast %select_n3A_707 : vector<16xi32> to vector<16x1xi32>
      %gather3A_709 = vector.shape_cast %broadcast_in_dim3A_708 : vector<16x1xi32> to vector<16xi32>
      %gather3A_710 = tpu.dynamic_gather %mul3A_231[%gather3A_709] in [0] : vector<16xi32>, vector<16xi32> -> vector<16xi32>
      %add3A_711 = arith.addi %gather3A_710, %add3A_39 : vector<16xi32>
      %gather3A_712 = tpu.vector_load_idx %arg8[%add3A_711] : memref<38400xf32, #tpu.memory_space<vmem>>[vector<16xi32>], vector<16xf32>,
      %swap3A_713 = arith.index_cast %add3A_698 : i32 to index
      %swap3A_714 = arith.constant 0 : index
      %swap3A_715 = tpu.vector_load %arg12[%swap3A_713, %swap3A_714] {strides = array<i32>} : memref<256x64xf32, #tpu.memory_space<vmem>>, vector<16xf32>,
      tpu.vector_store %arg12[%swap3A_713, %swap3A_714], %gather3A_712 {add = true, strides = array<i32>} : memref<256x64xf32, #tpu.memory_space<vmem>>, vector<16xf32>,
      %add3A_716 = arith.addi %gather3A_710, %add3A_42 : vector<16xi32>
      %gather3A_717 = tpu.vector_load_idx %arg8[%add3A_716] : memref<38400xf32, #tpu.memory_space<vmem>>[vector<16xi32>], vector<16xf32>,
      %swap3A_718 = arith.index_cast %add3A_698 : i32 to index
      %swap3A_719 = arith.constant 16 : index
      %swap3A_720 = tpu.vector_load %arg12[%swap3A_718, %swap3A_719] {strides = array<i32>} : memref<256x64xf32, #tpu.memory_space<vmem>>, vector<16xf32>,
      tpu.vector_store %arg12[%swap3A_718, %swap3A_719], %gather3A_717 {add = true, strides = array<i32>} : memref<256x64xf32, #tpu.memory_space<vmem>>, vector<16xf32>,
      %add3A_721 = arith.addi %gather3A_710, %add3A_45 : vector<16xi32>
      %gather3A_722 = tpu.vector_load_idx %arg8[%add3A_721] : memref<38400xf32, #tpu.memory_space<vmem>>[vector<16xi32>], vector<16xf32>,
      %swap3A_723 = arith.index_cast %add3A_698 : i32 to index
      %swap3A_724 = arith.constant 32 : index
      %swap3A_725 = tpu.vector_load %arg12[%swap3A_723, %swap3A_724] {strides = array<i32>} : memref<256x64xf32, #tpu.memory_space<vmem>>, vector<16xf32>,
      tpu.vector_store %arg12[%swap3A_723, %swap3A_724], %gather3A_722 {add = true, strides = array<i32>} : memref<256x64xf32, #tpu.memory_space<vmem>>, vector<16xf32>,
      %add3A_726 = arith.addi %gather3A_710, %add3A_48 : vector<16xi32>
      %gather3A_727 = tpu.vector_load_idx %arg8[%add3A_726] : memref<38400xf32, #tpu.memory_space<vmem>>[vector<16xi32>], vector<16xf32>,
      %swap3A_728 = arith.index_cast %add3A_698 : i32 to index
      %swap3A_729 = arith.constant 48 : index
      %swap3A_730 = tpu.vector_load %arg12[%swap3A_728, %swap3A_729] {strides = array<i32>} : memref<256x64xf32, #tpu.memory_space<vmem>>, vector<16xf32>,
      tpu.vector_store %arg12[%swap3A_728, %swap3A_729], %gather3A_727 {add = true, strides = array<i32>} : memref<256x64xf32, #tpu.memory_space<vmem>>, vector<16xf32>,
      %mul3A_731 = arith.constant 16 : i32
      %mul3A_732 = arith.muli %scan3A_211, %mul3A_731 : i32
      %add3A_733 = arith.constant 14 : i32
      %add3A_734 = arith.addi %mul3A_732, %add3A_733 : i32
      %broadcast_in_dim3A_735 = arith.constant 14 : i32
      %broadcast_in_dim3A_736 = vector.broadcast %broadcast_in_dim3A_735 : i32 to vector<16xi32>
      %lt3A_737 = arith.constant 0 : i32
      %lt3A_738 = vector.broadcast %lt3A_737 : i32 to vector<16xi32>
      %lt3A_739 = arith.cmpi slt, %broadcast_in_dim3A_736, %lt3A_738 : vector<16xi32>
      %add3A_740 = arith.constant 16 : i32
      %add3A_741 = vector.broadcast %add3A_740 : i32 to vector<16xi32>
      %add3A_742 = arith.addi %broadcast_in_dim3A_736, %add3A_741 : vector<16xi32>
      %select_n3A_743 = arith.select %lt3A_739, %add3A_742, %broadcast_in_dim3A_736 : vector<16xi1>, vector<16xi32>
      %broadcast_in_dim3A_744 = vector.shape_cast %select_n3A_743 : vector<16xi32> to vector<16x1xi32>
      %gather3A_745 = vector.shape_cast %broadcast_in_dim3A_744 : vector<16x1xi32> to vector<16xi32>
      %gather3A_746 = tpu.dynamic_gather %mul3A_231[%gather3A_745] in [0] : vector<16xi32>, vector<16xi32> -> vector<16xi32>
      %add3A_747 = arith.addi %gather3A_746, %add3A_39 : vector<16xi32>
      %gather3A_748 = tpu.vector_load_idx %arg8[%add3A_747] : memref<38400xf32, #tpu.memory_space<vmem>>[vector<16xi32>], vector<16xf32>,
      %swap3A_749 = arith.index_cast %add3A_734 : i32 to index
      %swap3A_750 = arith.constant 0 : index
      %swap3A_751 = tpu.vector_load %arg12[%swap3A_749, %swap3A_750] {strides = array<i32>} : memref<256x64xf32, #tpu.memory_space<vmem>>, vector<16xf32>,
      tpu.vector_store %arg12[%swap3A_749, %swap3A_750], %gather3A_748 {add = true, strides = array<i32>} : memref<256x64xf32, #tpu.memory_space<vmem>>, vector<16xf32>,
      %add3A_752 = arith.addi %gather3A_746, %add3A_42 : vector<16xi32>
      %gather3A_753 = tpu.vector_load_idx %arg8[%add3A_752] : memref<38400xf32, #tpu.memory_space<vmem>>[vector<16xi32>], vector<16xf32>,
      %swap3A_754 = arith.index_cast %add3A_734 : i32 to index
      %swap3A_755 = arith.constant 16 : index
      %swap3A_756 = tpu.vector_load %arg12[%swap3A_754, %swap3A_755] {strides = array<i32>} : memref<256x64xf32, #tpu.memory_space<vmem>>, vector<16xf32>,
      tpu.vector_store %arg12[%swap3A_754, %swap3A_755], %gather3A_753 {add = true, strides = array<i32>} : memref<256x64xf32, #tpu.memory_space<vmem>>, vector<16xf32>,
      %add3A_757 = arith.addi %gather3A_746, %add3A_45 : vector<16xi32>
      %gather3A_758 = tpu.vector_load_idx %arg8[%add3A_757] : memref<38400xf32, #tpu.memory_space<vmem>>[vector<16xi32>], vector<16xf32>,
      %swap3A_759 = arith.index_cast %add3A_734 : i32 to index
      %swap3A_760 = arith.constant 32 : index
      %swap3A_761 = tpu.vector_load %arg12[%swap3A_759, %swap3A_760] {strides = array<i32>} : memref<256x64xf32, #tpu.memory_space<vmem>>, vector<16xf32>,
      tpu.vector_store %arg12[%swap3A_759, %swap3A_760], %gather3A_758 {add = true, strides = array<i32>} : memref<256x64xf32, #tpu.memory_space<vmem>>, vector<16xf32>,
      %add3A_762 = arith.addi %gather3A_746, %add3A_48 : vector<16xi32>
      %gather3A_763 = tpu.vector_load_idx %arg8[%add3A_762] : memref<38400xf32, #tpu.memory_space<vmem>>[vector<16xi32>], vector<16xf32>,
      %swap3A_764 = arith.index_cast %add3A_734 : i32 to index
      %swap3A_765 = arith.constant 48 : index
      %swap3A_766 = tpu.vector_load %arg12[%swap3A_764, %swap3A_765] {strides = array<i32>} : memref<256x64xf32, #tpu.memory_space<vmem>>, vector<16xf32>,
      tpu.vector_store %arg12[%swap3A_764, %swap3A_765], %gather3A_763 {add = true, strides = array<i32>} : memref<256x64xf32, #tpu.memory_space<vmem>>, vector<16xf32>,
      %mul3A_767 = arith.constant 16 : i32
      %mul3A_768 = arith.muli %scan3A_211, %mul3A_767 : i32
      %add3A_769 = arith.constant 15 : i32
      %add3A_770 = arith.addi %mul3A_768, %add3A_769 : i32
      %broadcast_in_dim3A_771 = arith.constant 15 : i32
      %broadcast_in_dim3A_772 = vector.broadcast %broadcast_in_dim3A_771 : i32 to vector<16xi32>
      %lt3A_773 = arith.constant 0 : i32
      %lt3A_774 = vector.broadcast %lt3A_773 : i32 to vector<16xi32>
      %lt3A_775 = arith.cmpi slt, %broadcast_in_dim3A_772, %lt3A_774 : vector<16xi32>
      %add3A_776 = arith.constant 16 : i32
      %add3A_777 = vector.broadcast %add3A_776 : i32 to vector<16xi32>
      %add3A_778 = arith.addi %broadcast_in_dim3A_772, %add3A_777 : vector<16xi32>
      %select_n3A_779 = arith.select %lt3A_775, %add3A_778, %broadcast_in_dim3A_772 : vector<16xi1>, vector<16xi32>
      %broadcast_in_dim3A_780 = vector.shape_cast %select_n3A_779 : vector<16xi32> to vector<16x1xi32>
      %gather3A_781 = vector.shape_cast %broadcast_in_dim3A_780 : vector<16x1xi32> to vector<16xi32>
      %gather3A_782 = tpu.dynamic_gather %mul3A_231[%gather3A_781] in [0] : vector<16xi32>, vector<16xi32> -> vector<16xi32>
      %add3A_783 = arith.addi %gather3A_782, %add3A_39 : vector<16xi32>
      %gather3A_784 = tpu.vector_load_idx %arg8[%add3A_783] : memref<38400xf32, #tpu.memory_space<vmem>>[vector<16xi32>], vector<16xf32>,
      %swap3A_785 = arith.index_cast %add3A_770 : i32 to index
      %swap3A_786 = arith.constant 0 : index
      %swap3A_787 = tpu.vector_load %arg12[%swap3A_785, %swap3A_786] {strides = array<i32>} : memref<256x64xf32, #tpu.memory_space<vmem>>, vector<16xf32>,
      tpu.vector_store %arg12[%swap3A_785, %swap3A_786], %gather3A_784 {add = true, strides = array<i32>} : memref<256x64xf32, #tpu.memory_space<vmem>>, vector<16xf32>,
      %add3A_788 = arith.addi %gather3A_782, %add3A_42 : vector<16xi32>
      %gather3A_789 = tpu.vector_load_idx %arg8[%add3A_788] : memref<38400xf32, #tpu.memory_space<vmem>>[vector<16xi32>], vector<16xf32>,
      %swap3A_790 = arith.index_cast %add3A_770 : i32 to index
      %swap3A_791 = arith.constant 16 : index
      %swap3A_792 = tpu.vector_load %arg12[%swap3A_790, %swap3A_791] {strides = array<i32>} : memref<256x64xf32, #tpu.memory_space<vmem>>, vector<16xf32>,
      tpu.vector_store %arg12[%swap3A_790, %swap3A_791], %gather3A_789 {add = true, strides = array<i32>} : memref<256x64xf32, #tpu.memory_space<vmem>>, vector<16xf32>,
      %add3A_793 = arith.addi %gather3A_782, %add3A_45 : vector<16xi32>
      %gather3A_794 = tpu.vector_load_idx %arg8[%add3A_793] : memref<38400xf32, #tpu.memory_space<vmem>>[vector<16xi32>], vector<16xf32>,
      %swap3A_795 = arith.index_cast %add3A_770 : i32 to index
      %swap3A_796 = arith.constant 32 : index
      %swap3A_797 = tpu.vector_load %arg12[%swap3A_795, %swap3A_796] {strides = array<i32>} : memref<256x64xf32, #tpu.memory_space<vmem>>, vector<16xf32>,
      tpu.vector_store %arg12[%swap3A_795, %swap3A_796], %gather3A_794 {add = true, strides = array<i32>} : memref<256x64xf32, #tpu.memory_space<vmem>>, vector<16xf32>,
      %add3A_798 = arith.addi %gather3A_782, %add3A_48 : vector<16xi32>
      %gather3A_799 = tpu.vector_load_idx %arg8[%add3A_798] : memref<38400xf32, #tpu.memory_space<vmem>>[vector<16xi32>], vector<16xf32>,
      %swap3A_800 = arith.index_cast %add3A_770 : i32 to index
      %swap3A_801 = arith.constant 48 : index
      %swap3A_802 = tpu.vector_load %arg12[%swap3A_800, %swap3A_801] {strides = array<i32>} : memref<256x64xf32, #tpu.memory_space<vmem>>, vector<16xf32>,
      tpu.vector_store %arg12[%swap3A_800, %swap3A_801], %gather3A_799 {add = true, strides = array<i32>} : memref<256x64xf32, #tpu.memory_space<vmem>>, vector<16xf32>,
    }
    %scan3A_104 = arith.constant 16 : i32
    %add3A_105 = arith.constant 0 : i32
    %add3A_106 = arith.addi %mul3A_2, %add3A_105 : i32
    %dma_start3A_107 = arith.constant 0 : i32
    %dma_start3A_108 = tpu.memref_slice %arg7[%add3A_106, %dma_start3A_107] : memref<204800x64xf32, #tpu.memory_space<hbm>> -> memref<256x64xf32, #tpu.memory_space<hbm>>
    %dma_start3A_109 = arith.constant 0 : i32
    %dma_start3A_110 = tpu.memref_slice %arg7[%add3A_106, %dma_start3A_109] : memref<204800x64xf32, #tpu.memory_space<hbm>> -> memref<256x64xf32, #tpu.memory_space<hbm>>
    tpu.enqueue_dma source(%arg12 : memref<256x64xf32, #tpu.memory_space<vmem>>) target(%dma_start3A_110 : memref<256x64xf32, #tpu.memory_space<hbm>>) target_semaphore(%arg17 : memref<!tpu.dma_semaphore, #tpu.memory_space<semaphore_mem>>)
    %scan3A_111 = arith.constant 0 : i32
    %scan3A_112 = arith.constant 0 : i32
    %scan3A_113 = arith.constant 11 : i32
    %scan3A_114 = arith.addi %scan3A_112, %scan3A_113 : i32
    %scan3A_115 = arith.constant 1 : i32
    scf.for %scan3A_211 = %scan3A_112 to %scan3A_114 step %scan3A_115  : i32 {
      %mul3A_212 = arith.constant 2 : i32
      %mul3A_213 = arith.muli %mul3A_212, %scan3A_211 : i32
      %add3A_214 = arith.constant 1 : i32
      %add3A_215 = arith.addi %add3A_214, %mul3A_213 : i32
      %mul3A_216 = arith.constant 256 : i32
      %mul3A_217 = arith.muli %add3A_215, %mul3A_216 : i32
      %sub3A = arith.constant 256 : i32
      %sub3A_218 = arith.subi %mul3A_217, %sub3A : i32
      %add3A_219 = arith.addi %mul3A_2, %sub3A_218 : i32
      %dma_wait3A_220 = arith.constant 0 : i32
      %dma_wait3A_221 = tpu.memref_slice %arg7[%add3A_219, %dma_wait3A_220] : memref<204800x64xf32, #tpu.memory_space<hbm>> -> memref<256x64xf32, #tpu.memory_space<hbm>>
      %dma_wait3A_222 = arith.constant 0 : i32
      %dma_wait3A_223 = tpu.memref_slice %arg7[%add3A_219, %dma_wait3A_222] : memref<204800x64xf32, #tpu.memory_space<hbm>> -> memref<256x64xf32, #tpu.memory_space<hbm>>
      tpu.wait_dma2 semaphore(%arg17 : memref<!tpu.dma_semaphore, #tpu.memory_space<semaphore_mem>>) src(%arg12 : memref<256x64xf32, #tpu.memory_space<vmem>>) dst(%dma_wait3A_223 : memref<256x64xf32, #tpu.memory_space<hbm>>)
      %add3A_224 = arith.constant 256 : i32
      %add3A_225 = arith.addi %mul3A_217, %add3A_224 : i32
      %add3A_226 = arith.constant 0 : i32
      %add3A_227 = arith.addi %add3A_225, %add3A_226 : i32
      %dma_start3A_228 = arith.constant 0 : i32
      %dma_start3A_229 = arith.constant 0 : i32
      %dma_start3A_230 = tpu.memref_slice %arg12[%dma_start3A_228, %dma_start3A_229] : memref<256x64xf32, #tpu.memory_space<vmem>> -> memref<128x64xf32, #tpu.memory_space<vmem>>
      %dma_start3A_231 = tpu.memref_slice %arg10[%add3A_227] : memref<6400xi32, #tpu.memory_space<vmem>> -> memref<128xi32, #tpu.memory_space<vmem>>
      %dma_start3A_232 = arith.constant 0 : i32
      %dma_start3A_233 = arith.constant 0 : i32
      %dma_start3A_234 = tpu.memref_slice %arg4[%dma_start3A_232, %dma_start3A_233] : memref<1000000x64xf32, #tpu.memory_space<hbm>> -> memref<1000000x64xf32, #tpu.memory_space<hbm>>
      tpu.enqueue_indirect_dma source(%dma_start3A_234 : memref<1000000x64xf32, #tpu.memory_space<hbm>>) target(%dma_start3A_230 : memref<128x64xf32, #tpu.memory_space<vmem>>) offsets(%dma_start3A_231 : memref<128xi32, #tpu.memory_space<vmem>>) semaphore(%arg15 : memref<!tpu.dma_semaphore, #tpu.memory_space<semaphore_mem>>)
      %add3A_235 = arith.constant 128 : i32
      %add3A_236 = arith.addi %add3A_225, %add3A_235 : i32
      %dma_start3A_237 = arith.constant 128 : i32
      %dma_start3A_238 = arith.constant 0 : i32
      %dma_start3A_239 = tpu.memref_slice %arg12[%dma_start3A_237, %dma_start3A_238] : memref<256x64xf32, #tpu.memory_space<vmem>> -> memref<128x64xf32, #tpu.memory_space<vmem>>
      %dma_start3A_240 = tpu.memref_slice %arg10[%add3A_236] : memref<6400xi32, #tpu.memory_space<vmem>> -> memref<128xi32, #tpu.memory_space<vmem>>
      %dma_start3A_241 = arith.constant 0 : i32
      %dma_start3A_242 = arith.constant 0 : i32
      %dma_start3A_243 = tpu.memref_slice %arg4[%dma_start3A_241, %dma_start3A_242] : memref<1000000x64xf32, #tpu.memory_space<hbm>> -> memref<1000000x64xf32, #tpu.memory_space<hbm>>
      tpu.enqueue_indirect_dma source(%dma_start3A_243 : memref<1000000x64xf32, #tpu.memory_space<hbm>>) target(%dma_start3A_239 : memref<128x64xf32, #tpu.memory_space<vmem>>) offsets(%dma_start3A_240 : memref<128xi32, #tpu.memory_space<vmem>>) semaphore(%arg15 : memref<!tpu.dma_semaphore, #tpu.memory_space<semaphore_mem>>)
      %add3A_244 = arith.constant 0 : i32
      %add3A_245 = arith.addi %mul3A_217, %add3A_244 : i32
      %dma_wait3A_246 = arith.constant 0 : i32
      %dma_wait3A_247 = arith.constant 0 : i32
      %dma_wait3A_248 = tpu.memref_slice %arg13[%dma_wait3A_246, %dma_wait3A_247] : memref<256x64xf32, #tpu.memory_space<vmem>> -> memref<128x64xf32, #tpu.memory_space<vmem>>
      %dma_wait3A_249 = tpu.memref_slice %arg10[%add3A_245] : memref<6400xi32, #tpu.memory_space<vmem>> -> memref<128xi32, #tpu.memory_space<vmem>>
      %dma_wait3A_250 = arith.constant 0 : i32
      %dma_wait3A_251 = arith.constant 0 : i32
      %dma_wait3A_252 = tpu.memref_slice %arg4[%dma_wait3A_250, %dma_wait3A_251] : memref<1000000x64xf32, #tpu.memory_space<hbm>> -> memref<1000000x64xf32, #tpu.memory_space<hbm>>
      tpu.wait_indirect_dma semaphore(%arg16 : memref<!tpu.dma_semaphore, #tpu.memory_space<semaphore_mem>>) src(%dma_wait3A_252 : memref<1000000x64xf32, #tpu.memory_space<hbm>>) dst(%dma_wait3A_248 : memref<128x64xf32, #tpu.memory_space<vmem>>)
      %add3A_253 = arith.constant 128 : i32
      %add3A_254 = arith.addi %mul3A_217, %add3A_253 : i32
      %dma_wait3A_255 = arith.constant 128 : i32
      %dma_wait3A_256 = arith.constant 0 : i32
      %dma_wait3A_257 = tpu.memref_slice %arg13[%dma_wait3A_255, %dma_wait3A_256] : memref<256x64xf32, #tpu.memory_space<vmem>> -> memref<128x64xf32, #tpu.memory_space<vmem>>
      %dma_wait3A_258 = tpu.memref_slice %arg10[%add3A_254] : memref<6400xi32, #tpu.memory_space<vmem>> -> memref<128xi32, #tpu.memory_space<vmem>>
      %dma_wait3A_259 = arith.constant 0 : i32
      %dma_wait3A_260 = arith.constant 0 : i32
      %dma_wait3A_261 = tpu.memref_slice %arg4[%dma_wait3A_259, %dma_wait3A_260] : memref<1000000x64xf32, #tpu.memory_space<hbm>> -> memref<1000000x64xf32, #tpu.memory_space<hbm>>
      tpu.wait_indirect_dma semaphore(%arg16 : memref<!tpu.dma_semaphore, #tpu.memory_space<semaphore_mem>>) src(%dma_wait3A_261 : memref<1000000x64xf32, #tpu.memory_space<hbm>>) dst(%dma_wait3A_257 : memref<128x64xf32, #tpu.memory_space<vmem>>)
      %add3A_262 = arith.addi %mul3A_2, %mul3A_217 : i32
      %scan3A_263 = arith.constant 0 : i32
      %scan3A_264 = arith.constant 0 : i32
      %scan3A_265 = arith.constant 16 : i32
      %scan3A_266 = arith.addi %scan3A_264, %scan3A_265 : i32
      %scan3A_267 = arith.constant 1 : i32
      scf.for %scan3A_337 = %scan3A_264 to %scan3A_266 step %scan3A_267  : i32 {
        %mul3A_338 = arith.constant 16 : i32
        %mul3A_339 = arith.muli %scan3A_337, %mul3A_338 : i32
        %add3A_340 = arith.addi %add3A_262, %mul3A_339 : i32
        %add3A_341 = vector.broadcast %add3A_340 : i32 to vector<16xi32>
        %add3A_342 = arith.addi %add3A_341, %iota3A : vector<16xi32>
        %rem3A = arith.constant 200 : i32
        %rem3A_343 = vector.broadcast %rem3A : i32 to vector<16xi32>
        %rem3A_344 = arith.remsi %add3A_342, %rem3A_343 : vector<16xi32>
        %mul3A_345 = arith.constant 16 : i32
        %mul3A_346 = arith.muli %scan3A_337, %mul3A_345 : i32
        %add3A_347 = arith.addi %mul3A_217, %mul3A_346 : i32
        %get3A_348 = arith.index_cast %add3A_347 : i32 to index
        %get3A_349 = tpu.vector_load %arg11[%get3A_348] {strides = array<i32>} : memref<6400xi32, #tpu.memory_space<vmem>>, vector<16xi32>,
        %mul3A_350 = arith.constant 200 : i32
        %mul3A_351 = vector.broadcast %mul3A_350 : i32 to vector<16xi32>
        %mul3A_352 = arith.muli %get3A_349, %mul3A_351 : vector<16xi32>
        %add3A_353 = arith.addi %mul3A_352, %rem3A_344 : vector<16xi32>
        %mul3A_354 = arith.constant 64 : i32
        %mul3A_355 = vector.broadcast %mul3A_354 : i32 to vector<16xi32>
        %mul3A_356 = arith.muli %add3A_353, %mul3A_355 : vector<16xi32>
        %mul3A_357 = arith.constant 16 : i32
        %mul3A_358 = arith.muli %scan3A_337, %mul3A_357 : i32
        %add3A_359 = arith.constant 0 : i32
        %add3A_360 = arith.addi %mul3A_358, %add3A_359 : i32
        %broadcast_in_dim3A = arith.constant 0 : i32
        %broadcast_in_dim3A_361 = vector.broadcast %broadcast_in_dim3A : i32 to vector<16xi32>
        %lt3A = arith.constant 0 : i32
        %lt3A_362 = vector.broadcast %lt3A : i32 to vector<16xi32>
        %lt3A_363 = arith.cmpi slt, %broadcast_in_dim3A_361, %lt3A_362 : vector<16xi32>
        %add3A_364 = arith.constant 16 : i32
        %add3A_365 = vector.broadcast %add3A_364 : i32 to vector<16xi32>
        %add3A_366 = arith.addi %broadcast_in_dim3A_361, %add3A_365 : vector<16xi32>
        %select_n3A = arith.select %lt3A_363, %add3A_366, %broadcast_in_dim3A_361 : vector<16xi1>, vector<16xi32>
        %broadcast_in_dim3A_367 = vector.shape_cast %select_n3A : vector<16xi32> to vector<16x1xi32>
        %gather3A = vector.shape_cast %broadcast_in_dim3A_367 : vector<16x1xi32> to vector<16xi32>
        %gather3A_368 = tpu.dynamic_gather %mul3A_356[%gather3A] in [0] : vector<16xi32>, vector<16xi32> -> vector<16xi32>
        %add3A_369 = arith.addi %gather3A_368, %add3A_39 : vector<16xi32>
        %gather3A_370 = tpu.vector_load_idx %arg8[%add3A_369] : memref<38400xf32, #tpu.memory_space<vmem>>[vector<16xi32>], vector<16xf32>,
        %swap3A = arith.index_cast %add3A_360 : i32 to index
        %swap3A_371 = arith.constant 0 : index
        %swap3A_372 = tpu.vector_load %arg13[%swap3A, %swap3A_371] {strides = array<i32>} : memref<256x64xf32, #tpu.memory_space<vmem>>, vector<16xf32>,
        tpu.vector_store %arg13[%swap3A, %swap3A_371], %gather3A_370 {add = true, strides = array<i32>} : memref<256x64xf32, #tpu.memory_space<vmem>>, vector<16xf32>,
        %add3A_373 = arith.addi %gather3A_368, %add3A_42 : vector<16xi32>
        %gather3A_374 = tpu.vector_load_idx %arg8[%add3A_373] : memref<38400xf32, #tpu.memory_space<vmem>>[vector<16xi32>], vector<16xf32>,
        %swap3A_375 = arith.index_cast %add3A_360 : i32 to index
        %swap3A_376 = arith.constant 16 : index
        %swap3A_377 = tpu.vector_load %arg13[%swap3A_375, %swap3A_376] {strides = array<i32>} : memref<256x64xf32, #tpu.memory_space<vmem>>, vector<16xf32>,
        tpu.vector_store %arg13[%swap3A_375, %swap3A_376], %gather3A_374 {add = true, strides = array<i32>} : memref<256x64xf32, #tpu.memory_space<vmem>>, vector<16xf32>,
        %add3A_378 = arith.addi %gather3A_368, %add3A_45 : vector<16xi32>
        %gather3A_379 = tpu.vector_load_idx %arg8[%add3A_378] : memref<38400xf32, #tpu.memory_space<vmem>>[vector<16xi32>], vector<16xf32>,
        %swap3A_380 = arith.index_cast %add3A_360 : i32 to index
        %swap3A_381 = arith.constant 32 : index
        %swap3A_382 = tpu.vector_load %arg13[%swap3A_380, %swap3A_381] {strides = array<i32>} : memref<256x64xf32, #tpu.memory_space<vmem>>, vector<16xf32>,
        tpu.vector_store %arg13[%swap3A_380, %swap3A_381], %gather3A_379 {add = true, strides = array<i32>} : memref<256x64xf32, #tpu.memory_space<vmem>>, vector<16xf32>,
        %add3A_383 = arith.addi %gather3A_368, %add3A_48 : vector<16xi32>
        %gather3A_384 = tpu.vector_load_idx %arg8[%add3A_383] : memref<38400xf32, #tpu.memory_space<vmem>>[vector<16xi32>], vector<16xf32>,
        %swap3A_385 = arith.index_cast %add3A_360 : i32 to index
        %swap3A_386 = arith.constant 48 : index
        %swap3A_387 = tpu.vector_load %arg13[%swap3A_385, %swap3A_386] {strides = array<i32>} : memref<256x64xf32, #tpu.memory_space<vmem>>, vector<16xf32>,
        tpu.vector_store %arg13[%swap3A_385, %swap3A_386], %gather3A_384 {add = true, strides = array<i32>} : memref<256x64xf32, #tpu.memory_space<vmem>>, vector<16xf32>,
        %mul3A_388 = arith.constant 16 : i32
        %mul3A_389 = arith.muli %scan3A_337, %mul3A_388 : i32
        %add3A_390 = arith.constant 1 : i32
        %add3A_391 = arith.addi %mul3A_389, %add3A_390 : i32
        %broadcast_in_dim3A_392 = arith.constant 1 : i32
        %broadcast_in_dim3A_393 = vector.broadcast %broadcast_in_dim3A_392 : i32 to vector<16xi32>
        %lt3A_394 = arith.constant 0 : i32
        %lt3A_395 = vector.broadcast %lt3A_394 : i32 to vector<16xi32>
        %lt3A_396 = arith.cmpi slt, %broadcast_in_dim3A_393, %lt3A_395 : vector<16xi32>
        %add3A_397 = arith.constant 16 : i32
        %add3A_398 = vector.broadcast %add3A_397 : i32 to vector<16xi32>
        %add3A_399 = arith.addi %broadcast_in_dim3A_393, %add3A_398 : vector<16xi32>
        %select_n3A_400 = arith.select %lt3A_396, %add3A_399, %broadcast_in_dim3A_393 : vector<16xi1>, vector<16xi32>
        %broadcast_in_dim3A_401 = vector.shape_cast %select_n3A_400 : vector<16xi32> to vector<16x1xi32>
        %gather3A_402 = vector.shape_cast %broadcast_in_dim3A_401 : vector<16x1xi32> to vector<16xi32>
        %gather3A_403 = tpu.dynamic_gather %mul3A_356[%gather3A_402] in [0] : vector<16xi32>, vector<16xi32> -> vector<16xi32>
        %add3A_404 = arith.addi %gather3A_403, %add3A_39 : vector<16xi32>
        %gather3A_405 = tpu.vector_load_idx %arg8[%add3A_404] : memref<38400xf32, #tpu.memory_space<vmem>>[vector<16xi32>], vector<16xf32>,
        %swap3A_406 = arith.index_cast %add3A_391 : i32 to index
        %swap3A_407 = arith.constant 0 : index
        %swap3A_408 = tpu.vector_load %arg13[%swap3A_406, %swap3A_407] {strides = array<i32>} : memref<256x64xf32, #tpu.memory_space<vmem>>, vector<16xf32>,
        tpu.vector_store %arg13[%swap3A_406, %swap3A_407], %gather3A_405 {add = true, strides = array<i32>} : memref<256x64xf32, #tpu.memory_space<vmem>>, vector<16xf32>,
        %add3A_409 = arith.addi %gather3A_403, %add3A_42 : vector<16xi32>
        %gather3A_410 = tpu.vector_load_idx %arg8[%add3A_409] : memref<38400xf32, #tpu.memory_space<vmem>>[vector<16xi32>], vector<16xf32>,
        %swap3A_411 = arith.index_cast %add3A_391 : i32 to index
        %swap3A_412 = arith.constant 16 : index
        %swap3A_413 = tpu.vector_load %arg13[%swap3A_411, %swap3A_412] {strides = array<i32>} : memref<256x64xf32, #tpu.memory_space<vmem>>, vector<16xf32>,
        tpu.vector_store %arg13[%swap3A_411, %swap3A_412], %gather3A_410 {add = true, strides = array<i32>} : memref<256x64xf32, #tpu.memory_space<vmem>>, vector<16xf32>,
        %add3A_414 = arith.addi %gather3A_403, %add3A_45 : vector<16xi32>
        %gather3A_415 = tpu.vector_load_idx %arg8[%add3A_414] : memref<38400xf32, #tpu.memory_space<vmem>>[vector<16xi32>], vector<16xf32>,
        %swap3A_416 = arith.index_cast %add3A_391 : i32 to index
        %swap3A_417 = arith.constant 32 : index
        %swap3A_418 = tpu.vector_load %arg13[%swap3A_416, %swap3A_417] {strides = array<i32>} : memref<256x64xf32, #tpu.memory_space<vmem>>, vector<16xf32>,
        tpu.vector_store %arg13[%swap3A_416, %swap3A_417], %gather3A_415 {add = true, strides = array<i32>} : memref<256x64xf32, #tpu.memory_space<vmem>>, vector<16xf32>,
        %add3A_419 = arith.addi %gather3A_403, %add3A_48 : vector<16xi32>
        %gather3A_420 = tpu.vector_load_idx %arg8[%add3A_419] : memref<38400xf32, #tpu.memory_space<vmem>>[vector<16xi32>], vector<16xf32>,
        %swap3A_421 = arith.index_cast %add3A_391 : i32 to index
        %swap3A_422 = arith.constant 48 : index
        %swap3A_423 = tpu.vector_load %arg13[%swap3A_421, %swap3A_422] {strides = array<i32>} : memref<256x64xf32, #tpu.memory_space<vmem>>, vector<16xf32>,
        tpu.vector_store %arg13[%swap3A_421, %swap3A_422], %gather3A_420 {add = true, strides = array<i32>} : memref<256x64xf32, #tpu.memory_space<vmem>>, vector<16xf32>,
        %mul3A_424 = arith.constant 16 : i32
        %mul3A_425 = arith.muli %scan3A_337, %mul3A_424 : i32
        %add3A_426 = arith.constant 2 : i32
        %add3A_427 = arith.addi %mul3A_425, %add3A_426 : i32
        %broadcast_in_dim3A_428 = arith.constant 2 : i32
        %broadcast_in_dim3A_429 = vector.broadcast %broadcast_in_dim3A_428 : i32 to vector<16xi32>
        %lt3A_430 = arith.constant 0 : i32
        %lt3A_431 = vector.broadcast %lt3A_430 : i32 to vector<16xi32>
        %lt3A_432 = arith.cmpi slt, %broadcast_in_dim3A_429, %lt3A_431 : vector<16xi32>
        %add3A_433 = arith.constant 16 : i32
        %add3A_434 = vector.broadcast %add3A_433 : i32 to vector<16xi32>
        %add3A_435 = arith.addi %broadcast_in_dim3A_429, %add3A_434 : vector<16xi32>
        %select_n3A_436 = arith.select %lt3A_432, %add3A_435, %broadcast_in_dim3A_429 : vector<16xi1>, vector<16xi32>
        %broadcast_in_dim3A_437 = vector.shape_cast %select_n3A_436 : vector<16xi32> to vector<16x1xi32>
        %gather3A_438 = vector.shape_cast %broadcast_in_dim3A_437 : vector<16x1xi32> to vector<16xi32>
        %gather3A_439 = tpu.dynamic_gather %mul3A_356[%gather3A_438] in [0] : vector<16xi32>, vector<16xi32> -> vector<16xi32>
        %add3A_440 = arith.addi %gather3A_439, %add3A_39 : vector<16xi32>
        %gather3A_441 = tpu.vector_load_idx %arg8[%add3A_440] : memref<38400xf32, #tpu.memory_space<vmem>>[vector<16xi32>], vector<16xf32>,
        %swap3A_442 = arith.index_cast %add3A_427 : i32 to index
        %swap3A_443 = arith.constant 0 : index
        %swap3A_444 = tpu.vector_load %arg13[%swap3A_442, %swap3A_443] {strides = array<i32>} : memref<256x64xf32, #tpu.memory_space<vmem>>, vector<16xf32>,
        tpu.vector_store %arg13[%swap3A_442, %swap3A_443], %gather3A_441 {add = true, strides = array<i32>} : memref<256x64xf32, #tpu.memory_space<vmem>>, vector<16xf32>,
        %add3A_445 = arith.addi %gather3A_439, %add3A_42 : vector<16xi32>
        %gather3A_446 = tpu.vector_load_idx %arg8[%add3A_445] : memref<38400xf32, #tpu.memory_space<vmem>>[vector<16xi32>], vector<16xf32>,
        %swap3A_447 = arith.index_cast %add3A_427 : i32 to index
        %swap3A_448 = arith.constant 16 : index
        %swap3A_449 = tpu.vector_load %arg13[%swap3A_447, %swap3A_448] {strides = array<i32>} : memref<256x64xf32, #tpu.memory_space<vmem>>, vector<16xf32>,
        tpu.vector_store %arg13[%swap3A_447, %swap3A_448], %gather3A_446 {add = true, strides = array<i32>} : memref<256x64xf32, #tpu.memory_space<vmem>>, vector<16xf32>,
        %add3A_450 = arith.addi %gather3A_439, %add3A_45 : vector<16xi32>
        %gather3A_451 = tpu.vector_load_idx %arg8[%add3A_450] : memref<38400xf32, #tpu.memory_space<vmem>>[vector<16xi32>], vector<16xf32>,
        %swap3A_452 = arith.index_cast %add3A_427 : i32 to index
        %swap3A_453 = arith.constant 32 : index
        %swap3A_454 = tpu.vector_load %arg13[%swap3A_452, %swap3A_453] {strides = array<i32>} : memref<256x64xf32, #tpu.memory_space<vmem>>, vector<16xf32>,
        tpu.vector_store %arg13[%swap3A_452, %swap3A_453], %gather3A_451 {add = true, strides = array<i32>} : memref<256x64xf32, #tpu.memory_space<vmem>>, vector<16xf32>,
        %add3A_455 = arith.addi %gather3A_439, %add3A_48 : vector<16xi32>
        %gather3A_456 = tpu.vector_load_idx %arg8[%add3A_455] : memref<38400xf32, #tpu.memory_space<vmem>>[vector<16xi32>], vector<16xf32>,
        %swap3A_457 = arith.index_cast %add3A_427 : i32 to index
        %swap3A_458 = arith.constant 48 : index
        %swap3A_459 = tpu.vector_load %arg13[%swap3A_457, %swap3A_458] {strides = array<i32>} : memref<256x64xf32, #tpu.memory_space<vmem>>, vector<16xf32>,
        tpu.vector_store %arg13[%swap3A_457, %swap3A_458], %gather3A_456 {add = true, strides = array<i32>} : memref<256x64xf32, #tpu.memory_space<vmem>>, vector<16xf32>,
        %mul3A_460 = arith.constant 16 : i32
        %mul3A_461 = arith.muli %scan3A_337, %mul3A_460 : i32
        %add3A_462 = arith.constant 3 : i32
        %add3A_463 = arith.addi %mul3A_461, %add3A_462 : i32
        %broadcast_in_dim3A_464 = arith.constant 3 : i32
        %broadcast_in_dim3A_465 = vector.broadcast %broadcast_in_dim3A_464 : i32 to vector<16xi32>
        %lt3A_466 = arith.constant 0 : i32
        %lt3A_467 = vector.broadcast %lt3A_466 : i32 to vector<16xi32>
        %lt3A_468 = arith.cmpi slt, %broadcast_in_dim3A_465, %lt3A_467 : vector<16xi32>
        %add3A_469 = arith.constant 16 : i32
        %add3A_470 = vector.broadcast %add3A_469 : i32 to vector<16xi32>
        %add3A_471 = arith.addi %broadcast_in_dim3A_465, %add3A_470 : vector<16xi32>
        %select_n3A_472 = arith.select %lt3A_468, %add3A_471, %broadcast_in_dim3A_465 : vector<16xi1>, vector<16xi32>
        %broadcast_in_dim3A_473 = vector.shape_cast %select_n3A_472 : vector<16xi32> to vector<16x1xi32>
        %gather3A_474 = vector.shape_cast %broadcast_in_dim3A_473 : vector<16x1xi32> to vector<16xi32>
        %gather3A_475 = tpu.dynamic_gather %mul3A_356[%gather3A_474] in [0] : vector<16xi32>, vector<16xi32> -> vector<16xi32>
        %add3A_476 = arith.addi %gather3A_475, %add3A_39 : vector<16xi32>
        %gather3A_477 = tpu.vector_load_idx %arg8[%add3A_476] : memref<38400xf32, #tpu.memory_space<vmem>>[vector<16xi32>], vector<16xf32>,
        %swap3A_478 = arith.index_cast %add3A_463 : i32 to index
        %swap3A_479 = arith.constant 0 : index
        %swap3A_480 = tpu.vector_load %arg13[%swap3A_478, %swap3A_479] {strides = array<i32>} : memref<256x64xf32, #tpu.memory_space<vmem>>, vector<16xf32>,
        tpu.vector_store %arg13[%swap3A_478, %swap3A_479], %gather3A_477 {add = true, strides = array<i32>} : memref<256x64xf32, #tpu.memory_space<vmem>>, vector<16xf32>,
        %add3A_481 = arith.addi %gather3A_475, %add3A_42 : vector<16xi32>
        %gather3A_482 = tpu.vector_load_idx %arg8[%add3A_481] : memref<38400xf32, #tpu.memory_space<vmem>>[vector<16xi32>], vector<16xf32>,
        %swap3A_483 = arith.index_cast %add3A_463 : i32 to index
        %swap3A_484 = arith.constant 16 : index
        %swap3A_485 = tpu.vector_load %arg13[%swap3A_483, %swap3A_484] {strides = array<i32>} : memref<256x64xf32, #tpu.memory_space<vmem>>, vector<16xf32>,
        tpu.vector_store %arg13[%swap3A_483, %swap3A_484], %gather3A_482 {add = true, strides = array<i32>} : memref<256x64xf32, #tpu.memory_space<vmem>>, vector<16xf32>,
        %add3A_486 = arith.addi %gather3A_475, %add3A_45 : vector<16xi32>
        %gather3A_487 = tpu.vector_load_idx %arg8[%add3A_486] : memref<38400xf32, #tpu.memory_space<vmem>>[vector<16xi32>], vector<16xf32>,
        %swap3A_488 = arith.index_cast %add3A_463 : i32 to index
        %swap3A_489 = arith.constant 32 : index
        %swap3A_490 = tpu.vector_load %arg13[%swap3A_488, %swap3A_489] {strides = array<i32>} : memref<256x64xf32, #tpu.memory_space<vmem>>, vector<16xf32>,
        tpu.vector_store %arg13[%swap3A_488, %swap3A_489], %gather3A_487 {add = true, strides = array<i32>} : memref<256x64xf32, #tpu.memory_space<vmem>>, vector<16xf32>,
        %add3A_491 = arith.addi %gather3A_475, %add3A_48 : vector<16xi32>
        %gather3A_492 = tpu.vector_load_idx %arg8[%add3A_491] : memref<38400xf32, #tpu.memory_space<vmem>>[vector<16xi32>], vector<16xf32>,
        %swap3A_493 = arith.index_cast %add3A_463 : i32 to index
        %swap3A_494 = arith.constant 48 : index
        %swap3A_495 = tpu.vector_load %arg13[%swap3A_493, %swap3A_494] {strides = array<i32>} : memref<256x64xf32, #tpu.memory_space<vmem>>, vector<16xf32>,
        tpu.vector_store %arg13[%swap3A_493, %swap3A_494], %gather3A_492 {add = true, strides = array<i32>} : memref<256x64xf32, #tpu.memory_space<vmem>>, vector<16xf32>,
        %mul3A_496 = arith.constant 16 : i32
        %mul3A_497 = arith.muli %scan3A_337, %mul3A_496 : i32
        %add3A_498 = arith.constant 4 : i32
        %add3A_499 = arith.addi %mul3A_497, %add3A_498 : i32
        %broadcast_in_dim3A_500 = arith.constant 4 : i32
        %broadcast_in_dim3A_501 = vector.broadcast %broadcast_in_dim3A_500 : i32 to vector<16xi32>
        %lt3A_502 = arith.constant 0 : i32
        %lt3A_503 = vector.broadcast %lt3A_502 : i32 to vector<16xi32>
        %lt3A_504 = arith.cmpi slt, %broadcast_in_dim3A_501, %lt3A_503 : vector<16xi32>
        %add3A_505 = arith.constant 16 : i32
        %add3A_506 = vector.broadcast %add3A_505 : i32 to vector<16xi32>
        %add3A_507 = arith.addi %broadcast_in_dim3A_501, %add3A_506 : vector<16xi32>
        %select_n3A_508 = arith.select %lt3A_504, %add3A_507, %broadcast_in_dim3A_501 : vector<16xi1>, vector<16xi32>
        %broadcast_in_dim3A_509 = vector.shape_cast %select_n3A_508 : vector<16xi32> to vector<16x1xi32>
        %gather3A_510 = vector.shape_cast %broadcast_in_dim3A_509 : vector<16x1xi32> to vector<16xi32>
        %gather3A_511 = tpu.dynamic_gather %mul3A_356[%gather3A_510] in [0] : vector<16xi32>, vector<16xi32> -> vector<16xi32>
        %add3A_512 = arith.addi %gather3A_511, %add3A_39 : vector<16xi32>
        %gather3A_513 = tpu.vector_load_idx %arg8[%add3A_512] : memref<38400xf32, #tpu.memory_space<vmem>>[vector<16xi32>], vector<16xf32>,
        %swap3A_514 = arith.index_cast %add3A_499 : i32 to index
        %swap3A_515 = arith.constant 0 : index
        %swap3A_516 = tpu.vector_load %arg13[%swap3A_514, %swap3A_515] {strides = array<i32>} : memref<256x64xf32, #tpu.memory_space<vmem>>, vector<16xf32>,
        tpu.vector_store %arg13[%swap3A_514, %swap3A_515], %gather3A_513 {add = true, strides = array<i32>} : memref<256x64xf32, #tpu.memory_space<vmem>>, vector<16xf32>,
        %add3A_517 = arith.addi %gather3A_511, %add3A_42 : vector<16xi32>
        %gather3A_518 = tpu.vector_load_idx %arg8[%add3A_517] : memref<38400xf32, #tpu.memory_space<vmem>>[vector<16xi32>], vector<16xf32>,
        %swap3A_519 = arith.index_cast %add3A_499 : i32 to index
        %swap3A_520 = arith.constant 16 : index
        %swap3A_521 = tpu.vector_load %arg13[%swap3A_519, %swap3A_520] {strides = array<i32>} : memref<256x64xf32, #tpu.memory_space<vmem>>, vector<16xf32>,
        tpu.vector_store %arg13[%swap3A_519, %swap3A_520], %gather3A_518 {add = true, strides = array<i32>} : memref<256x64xf32, #tpu.memory_space<vmem>>, vector<16xf32>,
        %add3A_522 = arith.addi %gather3A_511, %add3A_45 : vector<16xi32>
        %gather3A_523 = tpu.vector_load_idx %arg8[%add3A_522] : memref<38400xf32, #tpu.memory_space<vmem>>[vector<16xi32>], vector<16xf32>,
        %swap3A_524 = arith.index_cast %add3A_499 : i32 to index
        %swap3A_525 = arith.constant 32 : index
        %swap3A_526 = tpu.vector_load %arg13[%swap3A_524, %swap3A_525] {strides = array<i32>} : memref<256x64xf32, #tpu.memory_space<vmem>>, vector<16xf32>,
        tpu.vector_store %arg13[%swap3A_524, %swap3A_525], %gather3A_523 {add = true, strides = array<i32>} : memref<256x64xf32, #tpu.memory_space<vmem>>, vector<16xf32>,
        %add3A_527 = arith.addi %gather3A_511, %add3A_48 : vector<16xi32>
        %gather3A_528 = tpu.vector_load_idx %arg8[%add3A_527] : memref<38400xf32, #tpu.memory_space<vmem>>[vector<16xi32>], vector<16xf32>,
        %swap3A_529 = arith.index_cast %add3A_499 : i32 to index
        %swap3A_530 = arith.constant 48 : index
        %swap3A_531 = tpu.vector_load %arg13[%swap3A_529, %swap3A_530] {strides = array<i32>} : memref<256x64xf32, #tpu.memory_space<vmem>>, vector<16xf32>,
        tpu.vector_store %arg13[%swap3A_529, %swap3A_530], %gather3A_528 {add = true, strides = array<i32>} : memref<256x64xf32, #tpu.memory_space<vmem>>, vector<16xf32>,
        %mul3A_532 = arith.constant 16 : i32
        %mul3A_533 = arith.muli %scan3A_337, %mul3A_532 : i32
        %add3A_534 = arith.constant 5 : i32
        %add3A_535 = arith.addi %mul3A_533, %add3A_534 : i32
        %broadcast_in_dim3A_536 = arith.constant 5 : i32
        %broadcast_in_dim3A_537 = vector.broadcast %broadcast_in_dim3A_536 : i32 to vector<16xi32>
        %lt3A_538 = arith.constant 0 : i32
        %lt3A_539 = vector.broadcast %lt3A_538 : i32 to vector<16xi32>
        %lt3A_540 = arith.cmpi slt, %broadcast_in_dim3A_537, %lt3A_539 : vector<16xi32>
        %add3A_541 = arith.constant 16 : i32
        %add3A_542 = vector.broadcast %add3A_541 : i32 to vector<16xi32>
        %add3A_543 = arith.addi %broadcast_in_dim3A_537, %add3A_542 : vector<16xi32>
        %select_n3A_544 = arith.select %lt3A_540, %add3A_543, %broadcast_in_dim3A_537 : vector<16xi1>, vector<16xi32>
        %broadcast_in_dim3A_545 = vector.shape_cast %select_n3A_544 : vector<16xi32> to vector<16x1xi32>
        %gather3A_546 = vector.shape_cast %broadcast_in_dim3A_545 : vector<16x1xi32> to vector<16xi32>
        %gather3A_547 = tpu.dynamic_gather %mul3A_356[%gather3A_546] in [0] : vector<16xi32>, vector<16xi32> -> vector<16xi32>
        %add3A_548 = arith.addi %gather3A_547, %add3A_39 : vector<16xi32>
        %gather3A_549 = tpu.vector_load_idx %arg8[%add3A_548] : memref<38400xf32, #tpu.memory_space<vmem>>[vector<16xi32>], vector<16xf32>,
        %swap3A_550 = arith.index_cast %add3A_535 : i32 to index
        %swap3A_551 = arith.constant 0 : index
        %swap3A_552 = tpu.vector_load %arg13[%swap3A_550, %swap3A_551] {strides = array<i32>} : memref<256x64xf32, #tpu.memory_space<vmem>>, vector<16xf32>,
        tpu.vector_store %arg13[%swap3A_550, %swap3A_551], %gather3A_549 {add = true, strides = array<i32>} : memref<256x64xf32, #tpu.memory_space<vmem>>, vector<16xf32>,
        %add3A_553 = arith.addi %gather3A_547, %add3A_42 : vector<16xi32>
        %gather3A_554 = tpu.vector_load_idx %arg8[%add3A_553] : memref<38400xf32, #tpu.memory_space<vmem>>[vector<16xi32>], vector<16xf32>,
        %swap3A_555 = arith.index_cast %add3A_535 : i32 to index
        %swap3A_556 = arith.constant 16 : index
        %swap3A_557 = tpu.vector_load %arg13[%swap3A_555, %swap3A_556] {strides = array<i32>} : memref<256x64xf32, #tpu.memory_space<vmem>>, vector<16xf32>,
        tpu.vector_store %arg13[%swap3A_555, %swap3A_556], %gather3A_554 {add = true, strides = array<i32>} : memref<256x64xf32, #tpu.memory_space<vmem>>, vector<16xf32>,
        %add3A_558 = arith.addi %gather3A_547, %add3A_45 : vector<16xi32>
        %gather3A_559 = tpu.vector_load_idx %arg8[%add3A_558] : memref<38400xf32, #tpu.memory_space<vmem>>[vector<16xi32>], vector<16xf32>,
        %swap3A_560 = arith.index_cast %add3A_535 : i32 to index
        %swap3A_561 = arith.constant 32 : index
        %swap3A_562 = tpu.vector_load %arg13[%swap3A_560, %swap3A_561] {strides = array<i32>} : memref<256x64xf32, #tpu.memory_space<vmem>>, vector<16xf32>,
        tpu.vector_store %arg13[%swap3A_560, %swap3A_561], %gather3A_559 {add = true, strides = array<i32>} : memref<256x64xf32, #tpu.memory_space<vmem>>, vector<16xf32>,
        %add3A_563 = arith.addi %gather3A_547, %add3A_48 : vector<16xi32>
        %gather3A_564 = tpu.vector_load_idx %arg8[%add3A_563] : memref<38400xf32, #tpu.memory_space<vmem>>[vector<16xi32>], vector<16xf32>,
        %swap3A_565 = arith.index_cast %add3A_535 : i32 to index
        %swap3A_566 = arith.constant 48 : index
        %swap3A_567 = tpu.vector_load %arg13[%swap3A_565, %swap3A_566] {strides = array<i32>} : memref<256x64xf32, #tpu.memory_space<vmem>>, vector<16xf32>,
        tpu.vector_store %arg13[%swap3A_565, %swap3A_566], %gather3A_564 {add = true, strides = array<i32>} : memref<256x64xf32, #tpu.memory_space<vmem>>, vector<16xf32>,
        %mul3A_568 = arith.constant 16 : i32
        %mul3A_569 = arith.muli %scan3A_337, %mul3A_568 : i32
        %add3A_570 = arith.constant 6 : i32
        %add3A_571 = arith.addi %mul3A_569, %add3A_570 : i32
        %broadcast_in_dim3A_572 = arith.constant 6 : i32
        %broadcast_in_dim3A_573 = vector.broadcast %broadcast_in_dim3A_572 : i32 to vector<16xi32>
        %lt3A_574 = arith.constant 0 : i32
        %lt3A_575 = vector.broadcast %lt3A_574 : i32 to vector<16xi32>
        %lt3A_576 = arith.cmpi slt, %broadcast_in_dim3A_573, %lt3A_575 : vector<16xi32>
        %add3A_577 = arith.constant 16 : i32
        %add3A_578 = vector.broadcast %add3A_577 : i32 to vector<16xi32>
        %add3A_579 = arith.addi %broadcast_in_dim3A_573, %add3A_578 : vector<16xi32>
        %select_n3A_580 = arith.select %lt3A_576, %add3A_579, %broadcast_in_dim3A_573 : vector<16xi1>, vector<16xi32>
        %broadcast_in_dim3A_581 = vector.shape_cast %select_n3A_580 : vector<16xi32> to vector<16x1xi32>
        %gather3A_582 = vector.shape_cast %broadcast_in_dim3A_581 : vector<16x1xi32> to vector<16xi32>
        %gather3A_583 = tpu.dynamic_gather %mul3A_356[%gather3A_582] in [0] : vector<16xi32>, vector<16xi32> -> vector<16xi32>
        %add3A_584 = arith.addi %gather3A_583, %add3A_39 : vector<16xi32>
        %gather3A_585 = tpu.vector_load_idx %arg8[%add3A_584] : memref<38400xf32, #tpu.memory_space<vmem>>[vector<16xi32>], vector<16xf32>,
        %swap3A_586 = arith.index_cast %add3A_571 : i32 to index
        %swap3A_587 = arith.constant 0 : index
        %swap3A_588 = tpu.vector_load %arg13[%swap3A_586, %swap3A_587] {strides = array<i32>} : memref<256x64xf32, #tpu.memory_space<vmem>>, vector<16xf32>,
        tpu.vector_store %arg13[%swap3A_586, %swap3A_587], %gather3A_585 {add = true, strides = array<i32>} : memref<256x64xf32, #tpu.memory_space<vmem>>, vector<16xf32>,
        %add3A_589 = arith.addi %gather3A_583, %add3A_42 : vector<16xi32>
        %gather3A_590 = tpu.vector_load_idx %arg8[%add3A_589] : memref<38400xf32, #tpu.memory_space<vmem>>[vector<16xi32>], vector<16xf32>,
        %swap3A_591 = arith.index_cast %add3A_571 : i32 to index
        %swap3A_592 = arith.constant 16 : index
        %swap3A_593 = tpu.vector_load %arg13[%swap3A_591, %swap3A_592] {strides = array<i32>} : memref<256x64xf32, #tpu.memory_space<vmem>>, vector<16xf32>,
        tpu.vector_store %arg13[%swap3A_591, %swap3A_592], %gather3A_590 {add = true, strides = array<i32>} : memref<256x64xf32, #tpu.memory_space<vmem>>, vector<16xf32>,
        %add3A_594 = arith.addi %gather3A_583, %add3A_45 : vector<16xi32>
        %gather3A_595 = tpu.vector_load_idx %arg8[%add3A_594] : memref<38400xf32, #tpu.memory_space<vmem>>[vector<16xi32>], vector<16xf32>,
        %swap3A_596 = arith.index_cast %add3A_571 : i32 to index
        %swap3A_597 = arith.constant 32 : index
        %swap3A_598 = tpu.vector_load %arg13[%swap3A_596, %swap3A_597] {strides = array<i32>} : memref<256x64xf32, #tpu.memory_space<vmem>>, vector<16xf32>,
        tpu.vector_store %arg13[%swap3A_596, %swap3A_597], %gather3A_595 {add = true, strides = array<i32>} : memref<256x64xf32, #tpu.memory_space<vmem>>, vector<16xf32>,
        %add3A_599 = arith.addi %gather3A_583, %add3A_48 : vector<16xi32>
        %gather3A_600 = tpu.vector_load_idx %arg8[%add3A_599] : memref<38400xf32, #tpu.memory_space<vmem>>[vector<16xi32>], vector<16xf32>,
        %swap3A_601 = arith.index_cast %add3A_571 : i32 to index
        %swap3A_602 = arith.constant 48 : index
        %swap3A_603 = tpu.vector_load %arg13[%swap3A_601, %swap3A_602] {strides = array<i32>} : memref<256x64xf32, #tpu.memory_space<vmem>>, vector<16xf32>,
        tpu.vector_store %arg13[%swap3A_601, %swap3A_602], %gather3A_600 {add = true, strides = array<i32>} : memref<256x64xf32, #tpu.memory_space<vmem>>, vector<16xf32>,
        %mul3A_604 = arith.constant 16 : i32
        %mul3A_605 = arith.muli %scan3A_337, %mul3A_604 : i32
        %add3A_606 = arith.constant 7 : i32
        %add3A_607 = arith.addi %mul3A_605, %add3A_606 : i32
        %broadcast_in_dim3A_608 = arith.constant 7 : i32
        %broadcast_in_dim3A_609 = vector.broadcast %broadcast_in_dim3A_608 : i32 to vector<16xi32>
        %lt3A_610 = arith.constant 0 : i32
        %lt3A_611 = vector.broadcast %lt3A_610 : i32 to vector<16xi32>
        %lt3A_612 = arith.cmpi slt, %broadcast_in_dim3A_609, %lt3A_611 : vector<16xi32>
        %add3A_613 = arith.constant 16 : i32
        %add3A_614 = vector.broadcast %add3A_613 : i32 to vector<16xi32>
        %add3A_615 = arith.addi %broadcast_in_dim3A_609, %add3A_614 : vector<16xi32>
        %select_n3A_616 = arith.select %lt3A_612, %add3A_615, %broadcast_in_dim3A_609 : vector<16xi1>, vector<16xi32>
        %broadcast_in_dim3A_617 = vector.shape_cast %select_n3A_616 : vector<16xi32> to vector<16x1xi32>
        %gather3A_618 = vector.shape_cast %broadcast_in_dim3A_617 : vector<16x1xi32> to vector<16xi32>
        %gather3A_619 = tpu.dynamic_gather %mul3A_356[%gather3A_618] in [0] : vector<16xi32>, vector<16xi32> -> vector<16xi32>
        %add3A_620 = arith.addi %gather3A_619, %add3A_39 : vector<16xi32>
        %gather3A_621 = tpu.vector_load_idx %arg8[%add3A_620] : memref<38400xf32, #tpu.memory_space<vmem>>[vector<16xi32>], vector<16xf32>,
        %swap3A_622 = arith.index_cast %add3A_607 : i32 to index
        %swap3A_623 = arith.constant 0 : index
        %swap3A_624 = tpu.vector_load %arg13[%swap3A_622, %swap3A_623] {strides = array<i32>} : memref<256x64xf32, #tpu.memory_space<vmem>>, vector<16xf32>,
        tpu.vector_store %arg13[%swap3A_622, %swap3A_623], %gather3A_621 {add = true, strides = array<i32>} : memref<256x64xf32, #tpu.memory_space<vmem>>, vector<16xf32>,
        %add3A_625 = arith.addi %gather3A_619, %add3A_42 : vector<16xi32>
        %gather3A_626 = tpu.vector_load_idx %arg8[%add3A_625] : memref<38400xf32, #tpu.memory_space<vmem>>[vector<16xi32>], vector<16xf32>,
        %swap3A_627 = arith.index_cast %add3A_607 : i32 to index
        %swap3A_628 = arith.constant 16 : index
        %swap3A_629 = tpu.vector_load %arg13[%swap3A_627, %swap3A_628] {strides = array<i32>} : memref<256x64xf32, #tpu.memory_space<vmem>>, vector<16xf32>,
        tpu.vector_store %arg13[%swap3A_627, %swap3A_628], %gather3A_626 {add = true, strides = array<i32>} : memref<256x64xf32, #tpu.memory_space<vmem>>, vector<16xf32>,
        %add3A_630 = arith.addi %gather3A_619, %add3A_45 : vector<16xi32>
        %gather3A_631 = tpu.vector_load_idx %arg8[%add3A_630] : memref<38400xf32, #tpu.memory_space<vmem>>[vector<16xi32>], vector<16xf32>,
        %swap3A_632 = arith.index_cast %add3A_607 : i32 to index
        %swap3A_633 = arith.constant 32 : index
        %swap3A_634 = tpu.vector_load %arg13[%swap3A_632, %swap3A_633] {strides = array<i32>} : memref<256x64xf32, #tpu.memory_space<vmem>>, vector<16xf32>,
        tpu.vector_store %arg13[%swap3A_632, %swap3A_633], %gather3A_631 {add = true, strides = array<i32>} : memref<256x64xf32, #tpu.memory_space<vmem>>, vector<16xf32>,
        %add3A_635 = arith.addi %gather3A_619, %add3A_48 : vector<16xi32>
        %gather3A_636 = tpu.vector_load_idx %arg8[%add3A_635] : memref<38400xf32, #tpu.memory_space<vmem>>[vector<16xi32>], vector<16xf32>,
        %swap3A_637 = arith.index_cast %add3A_607 : i32 to index
        %swap3A_638 = arith.constant 48 : index
        %swap3A_639 = tpu.vector_load %arg13[%swap3A_637, %swap3A_638] {strides = array<i32>} : memref<256x64xf32, #tpu.memory_space<vmem>>, vector<16xf32>,
        tpu.vector_store %arg13[%swap3A_637, %swap3A_638], %gather3A_636 {add = true, strides = array<i32>} : memref<256x64xf32, #tpu.memory_space<vmem>>, vector<16xf32>,
        %mul3A_640 = arith.constant 16 : i32
        %mul3A_641 = arith.muli %scan3A_337, %mul3A_640 : i32
        %add3A_642 = arith.constant 8 : i32
        %add3A_643 = arith.addi %mul3A_641, %add3A_642 : i32
        %broadcast_in_dim3A_644 = arith.constant 8 : i32
        %broadcast_in_dim3A_645 = vector.broadcast %broadcast_in_dim3A_644 : i32 to vector<16xi32>
        %lt3A_646 = arith.constant 0 : i32
        %lt3A_647 = vector.broadcast %lt3A_646 : i32 to vector<16xi32>
        %lt3A_648 = arith.cmpi slt, %broadcast_in_dim3A_645, %lt3A_647 : vector<16xi32>
        %add3A_649 = arith.constant 16 : i32
        %add3A_650 = vector.broadcast %add3A_649 : i32 to vector<16xi32>
        %add3A_651 = arith.addi %broadcast_in_dim3A_645, %add3A_650 : vector<16xi32>
        %select_n3A_652 = arith.select %lt3A_648, %add3A_651, %broadcast_in_dim3A_645 : vector<16xi1>, vector<16xi32>
        %broadcast_in_dim3A_653 = vector.shape_cast %select_n3A_652 : vector<16xi32> to vector<16x1xi32>
        %gather3A_654 = vector.shape_cast %broadcast_in_dim3A_653 : vector<16x1xi32> to vector<16xi32>
        %gather3A_655 = tpu.dynamic_gather %mul3A_356[%gather3A_654] in [0] : vector<16xi32>, vector<16xi32> -> vector<16xi32>
        %add3A_656 = arith.addi %gather3A_655, %add3A_39 : vector<16xi32>
        %gather3A_657 = tpu.vector_load_idx %arg8[%add3A_656] : memref<38400xf32, #tpu.memory_space<vmem>>[vector<16xi32>], vector<16xf32>,
        %swap3A_658 = arith.index_cast %add3A_643 : i32 to index
        %swap3A_659 = arith.constant 0 : index
        %swap3A_660 = tpu.vector_load %arg13[%swap3A_658, %swap3A_659] {strides = array<i32>} : memref<256x64xf32, #tpu.memory_space<vmem>>, vector<16xf32>,
        tpu.vector_store %arg13[%swap3A_658, %swap3A_659], %gather3A_657 {add = true, strides = array<i32>} : memref<256x64xf32, #tpu.memory_space<vmem>>, vector<16xf32>,
        %add3A_661 = arith.addi %gather3A_655, %add3A_42 : vector<16xi32>
        %gather3A_662 = tpu.vector_load_idx %arg8[%add3A_661] : memref<38400xf32, #tpu.memory_space<vmem>>[vector<16xi32>], vector<16xf32>,
        %swap3A_663 = arith.index_cast %add3A_643 : i32 to index
        %swap3A_664 = arith.constant 16 : index
        %swap3A_665 = tpu.vector_load %arg13[%swap3A_663, %swap3A_664] {strides = array<i32>} : memref<256x64xf32, #tpu.memory_space<vmem>>, vector<16xf32>,
        tpu.vector_store %arg13[%swap3A_663, %swap3A_664], %gather3A_662 {add = true, strides = array<i32>} : memref<256x64xf32, #tpu.memory_space<vmem>>, vector<16xf32>,
        %add3A_666 = arith.addi %gather3A_655, %add3A_45 : vector<16xi32>
        %gather3A_667 = tpu.vector_load_idx %arg8[%add3A_666] : memref<38400xf32, #tpu.memory_space<vmem>>[vector<16xi32>], vector<16xf32>,
        %swap3A_668 = arith.index_cast %add3A_643 : i32 to index
        %swap3A_669 = arith.constant 32 : index
        %swap3A_670 = tpu.vector_load %arg13[%swap3A_668, %swap3A_669] {strides = array<i32>} : memref<256x64xf32, #tpu.memory_space<vmem>>, vector<16xf32>,
        tpu.vector_store %arg13[%swap3A_668, %swap3A_669], %gather3A_667 {add = true, strides = array<i32>} : memref<256x64xf32, #tpu.memory_space<vmem>>, vector<16xf32>,
        %add3A_671 = arith.addi %gather3A_655, %add3A_48 : vector<16xi32>
        %gather3A_672 = tpu.vector_load_idx %arg8[%add3A_671] : memref<38400xf32, #tpu.memory_space<vmem>>[vector<16xi32>], vector<16xf32>,
        %swap3A_673 = arith.index_cast %add3A_643 : i32 to index
        %swap3A_674 = arith.constant 48 : index
        %swap3A_675 = tpu.vector_load %arg13[%swap3A_673, %swap3A_674] {strides = array<i32>} : memref<256x64xf32, #tpu.memory_space<vmem>>, vector<16xf32>,
        tpu.vector_store %arg13[%swap3A_673, %swap3A_674], %gather3A_672 {add = true, strides = array<i32>} : memref<256x64xf32, #tpu.memory_space<vmem>>, vector<16xf32>,
        %mul3A_676 = arith.constant 16 : i32
        %mul3A_677 = arith.muli %scan3A_337, %mul3A_676 : i32
        %add3A_678 = arith.constant 9 : i32
        %add3A_679 = arith.addi %mul3A_677, %add3A_678 : i32
        %broadcast_in_dim3A_680 = arith.constant 9 : i32
        %broadcast_in_dim3A_681 = vector.broadcast %broadcast_in_dim3A_680 : i32 to vector<16xi32>
        %lt3A_682 = arith.constant 0 : i32
        %lt3A_683 = vector.broadcast %lt3A_682 : i32 to vector<16xi32>
        %lt3A_684 = arith.cmpi slt, %broadcast_in_dim3A_681, %lt3A_683 : vector<16xi32>
        %add3A_685 = arith.constant 16 : i32
        %add3A_686 = vector.broadcast %add3A_685 : i32 to vector<16xi32>
        %add3A_687 = arith.addi %broadcast_in_dim3A_681, %add3A_686 : vector<16xi32>
        %select_n3A_688 = arith.select %lt3A_684, %add3A_687, %broadcast_in_dim3A_681 : vector<16xi1>, vector<16xi32>
        %broadcast_in_dim3A_689 = vector.shape_cast %select_n3A_688 : vector<16xi32> to vector<16x1xi32>
        %gather3A_690 = vector.shape_cast %broadcast_in_dim3A_689 : vector<16x1xi32> to vector<16xi32>
        %gather3A_691 = tpu.dynamic_gather %mul3A_356[%gather3A_690] in [0] : vector<16xi32>, vector<16xi32> -> vector<16xi32>
        %add3A_692 = arith.addi %gather3A_691, %add3A_39 : vector<16xi32>
        %gather3A_693 = tpu.vector_load_idx %arg8[%add3A_692] : memref<38400xf32, #tpu.memory_space<vmem>>[vector<16xi32>], vector<16xf32>,
        %swap3A_694 = arith.index_cast %add3A_679 : i32 to index
        %swap3A_695 = arith.constant 0 : index
        %swap3A_696 = tpu.vector_load %arg13[%swap3A_694, %swap3A_695] {strides = array<i32>} : memref<256x64xf32, #tpu.memory_space<vmem>>, vector<16xf32>,
        tpu.vector_store %arg13[%swap3A_694, %swap3A_695], %gather3A_693 {add = true, strides = array<i32>} : memref<256x64xf32, #tpu.memory_space<vmem>>, vector<16xf32>,
        %add3A_697 = arith.addi %gather3A_691, %add3A_42 : vector<16xi32>
        %gather3A_698 = tpu.vector_load_idx %arg8[%add3A_697] : memref<38400xf32, #tpu.memory_space<vmem>>[vector<16xi32>], vector<16xf32>,
        %swap3A_699 = arith.index_cast %add3A_679 : i32 to index
        %swap3A_700 = arith.constant 16 : index
        %swap3A_701 = tpu.vector_load %arg13[%swap3A_699, %swap3A_700] {strides = array<i32>} : memref<256x64xf32, #tpu.memory_space<vmem>>, vector<16xf32>,
        tpu.vector_store %arg13[%swap3A_699, %swap3A_700], %gather3A_698 {add = true, strides = array<i32>} : memref<256x64xf32, #tpu.memory_space<vmem>>, vector<16xf32>,
        %add3A_702 = arith.addi %gather3A_691, %add3A_45 : vector<16xi32>
        %gather3A_703 = tpu.vector_load_idx %arg8[%add3A_702] : memref<38400xf32, #tpu.memory_space<vmem>>[vector<16xi32>], vector<16xf32>,
        %swap3A_704 = arith.index_cast %add3A_679 : i32 to index
        %swap3A_705 = arith.constant 32 : index
        %swap3A_706 = tpu.vector_load %arg13[%swap3A_704, %swap3A_705] {strides = array<i32>} : memref<256x64xf32, #tpu.memory_space<vmem>>, vector<16xf32>,
        tpu.vector_store %arg13[%swap3A_704, %swap3A_705], %gather3A_703 {add = true, strides = array<i32>} : memref<256x64xf32, #tpu.memory_space<vmem>>, vector<16xf32>,
        %add3A_707 = arith.addi %gather3A_691, %add3A_48 : vector<16xi32>
        %gather3A_708 = tpu.vector_load_idx %arg8[%add3A_707] : memref<38400xf32, #tpu.memory_space<vmem>>[vector<16xi32>], vector<16xf32>,
        %swap3A_709 = arith.index_cast %add3A_679 : i32 to index
        %swap3A_710 = arith.constant 48 : index
        %swap3A_711 = tpu.vector_load %arg13[%swap3A_709, %swap3A_710] {strides = array<i32>} : memref<256x64xf32, #tpu.memory_space<vmem>>, vector<16xf32>,
        tpu.vector_store %arg13[%swap3A_709, %swap3A_710], %gather3A_708 {add = true, strides = array<i32>} : memref<256x64xf32, #tpu.memory_space<vmem>>, vector<16xf32>,
        %mul3A_712 = arith.constant 16 : i32
        %mul3A_713 = arith.muli %scan3A_337, %mul3A_712 : i32
        %add3A_714 = arith.constant 10 : i32
        %add3A_715 = arith.addi %mul3A_713, %add3A_714 : i32
        %broadcast_in_dim3A_716 = arith.constant 10 : i32
        %broadcast_in_dim3A_717 = vector.broadcast %broadcast_in_dim3A_716 : i32 to vector<16xi32>
        %lt3A_718 = arith.constant 0 : i32
        %lt3A_719 = vector.broadcast %lt3A_718 : i32 to vector<16xi32>
        %lt3A_720 = arith.cmpi slt, %broadcast_in_dim3A_717, %lt3A_719 : vector<16xi32>
        %add3A_721 = arith.constant 16 : i32
        %add3A_722 = vector.broadcast %add3A_721 : i32 to vector<16xi32>
        %add3A_723 = arith.addi %broadcast_in_dim3A_717, %add3A_722 : vector<16xi32>
        %select_n3A_724 = arith.select %lt3A_720, %add3A_723, %broadcast_in_dim3A_717 : vector<16xi1>, vector<16xi32>
        %broadcast_in_dim3A_725 = vector.shape_cast %select_n3A_724 : vector<16xi32> to vector<16x1xi32>
        %gather3A_726 = vector.shape_cast %broadcast_in_dim3A_725 : vector<16x1xi32> to vector<16xi32>
        %gather3A_727 = tpu.dynamic_gather %mul3A_356[%gather3A_726] in [0] : vector<16xi32>, vector<16xi32> -> vector<16xi32>
        %add3A_728 = arith.addi %gather3A_727, %add3A_39 : vector<16xi32>
        %gather3A_729 = tpu.vector_load_idx %arg8[%add3A_728] : memref<38400xf32, #tpu.memory_space<vmem>>[vector<16xi32>], vector<16xf32>,
        %swap3A_730 = arith.index_cast %add3A_715 : i32 to index
        %swap3A_731 = arith.constant 0 : index
        %swap3A_732 = tpu.vector_load %arg13[%swap3A_730, %swap3A_731] {strides = array<i32>} : memref<256x64xf32, #tpu.memory_space<vmem>>, vector<16xf32>,
        tpu.vector_store %arg13[%swap3A_730, %swap3A_731], %gather3A_729 {add = true, strides = array<i32>} : memref<256x64xf32, #tpu.memory_space<vmem>>, vector<16xf32>,
        %add3A_733 = arith.addi %gather3A_727, %add3A_42 : vector<16xi32>
        %gather3A_734 = tpu.vector_load_idx %arg8[%add3A_733] : memref<38400xf32, #tpu.memory_space<vmem>>[vector<16xi32>], vector<16xf32>,
        %swap3A_735 = arith.index_cast %add3A_715 : i32 to index
        %swap3A_736 = arith.constant 16 : index
        %swap3A_737 = tpu.vector_load %arg13[%swap3A_735, %swap3A_736] {strides = array<i32>} : memref<256x64xf32, #tpu.memory_space<vmem>>, vector<16xf32>,
        tpu.vector_store %arg13[%swap3A_735, %swap3A_736], %gather3A_734 {add = true, strides = array<i32>} : memref<256x64xf32, #tpu.memory_space<vmem>>, vector<16xf32>,
        %add3A_738 = arith.addi %gather3A_727, %add3A_45 : vector<16xi32>
        %gather3A_739 = tpu.vector_load_idx %arg8[%add3A_738] : memref<38400xf32, #tpu.memory_space<vmem>>[vector<16xi32>], vector<16xf32>,
        %swap3A_740 = arith.index_cast %add3A_715 : i32 to index
        %swap3A_741 = arith.constant 32 : index
        %swap3A_742 = tpu.vector_load %arg13[%swap3A_740, %swap3A_741] {strides = array<i32>} : memref<256x64xf32, #tpu.memory_space<vmem>>, vector<16xf32>,
        tpu.vector_store %arg13[%swap3A_740, %swap3A_741], %gather3A_739 {add = true, strides = array<i32>} : memref<256x64xf32, #tpu.memory_space<vmem>>, vector<16xf32>,
        %add3A_743 = arith.addi %gather3A_727, %add3A_48 : vector<16xi32>
        %gather3A_744 = tpu.vector_load_idx %arg8[%add3A_743] : memref<38400xf32, #tpu.memory_space<vmem>>[vector<16xi32>], vector<16xf32>,
        %swap3A_745 = arith.index_cast %add3A_715 : i32 to index
        %swap3A_746 = arith.constant 48 : index
        %swap3A_747 = tpu.vector_load %arg13[%swap3A_745, %swap3A_746] {strides = array<i32>} : memref<256x64xf32, #tpu.memory_space<vmem>>, vector<16xf32>,
        tpu.vector_store %arg13[%swap3A_745, %swap3A_746], %gather3A_744 {add = true, strides = array<i32>} : memref<256x64xf32, #tpu.memory_space<vmem>>, vector<16xf32>,
        %mul3A_748 = arith.constant 16 : i32
        %mul3A_749 = arith.muli %scan3A_337, %mul3A_748 : i32
        %add3A_750 = arith.constant 11 : i32
        %add3A_751 = arith.addi %mul3A_749, %add3A_750 : i32
        %broadcast_in_dim3A_752 = arith.constant 11 : i32
        %broadcast_in_dim3A_753 = vector.broadcast %broadcast_in_dim3A_752 : i32 to vector<16xi32>
        %lt3A_754 = arith.constant 0 : i32
        %lt3A_755 = vector.broadcast %lt3A_754 : i32 to vector<16xi32>
        %lt3A_756 = arith.cmpi slt, %broadcast_in_dim3A_753, %lt3A_755 : vector<16xi32>
        %add3A_757 = arith.constant 16 : i32
        %add3A_758 = vector.broadcast %add3A_757 : i32 to vector<16xi32>
        %add3A_759 = arith.addi %broadcast_in_dim3A_753, %add3A_758 : vector<16xi32>
        %select_n3A_760 = arith.select %lt3A_756, %add3A_759, %broadcast_in_dim3A_753 : vector<16xi1>, vector<16xi32>
        %broadcast_in_dim3A_761 = vector.shape_cast %select_n3A_760 : vector<16xi32> to vector<16x1xi32>
        %gather3A_762 = vector.shape_cast %broadcast_in_dim3A_761 : vector<16x1xi32> to vector<16xi32>
        %gather3A_763 = tpu.dynamic_gather %mul3A_356[%gather3A_762] in [0] : vector<16xi32>, vector<16xi32> -> vector<16xi32>
        %add3A_764 = arith.addi %gather3A_763, %add3A_39 : vector<16xi32>
        %gather3A_765 = tpu.vector_load_idx %arg8[%add3A_764] : memref<38400xf32, #tpu.memory_space<vmem>>[vector<16xi32>], vector<16xf32>,
        %swap3A_766 = arith.index_cast %add3A_751 : i32 to index
        %swap3A_767 = arith.constant 0 : index
        %swap3A_768 = tpu.vector_load %arg13[%swap3A_766, %swap3A_767] {strides = array<i32>} : memref<256x64xf32, #tpu.memory_space<vmem>>, vector<16xf32>,
        tpu.vector_store %arg13[%swap3A_766, %swap3A_767], %gather3A_765 {add = true, strides = array<i32>} : memref<256x64xf32, #tpu.memory_space<vmem>>, vector<16xf32>,
        %add3A_769 = arith.addi %gather3A_763, %add3A_42 : vector<16xi32>
        %gather3A_770 = tpu.vector_load_idx %arg8[%add3A_769] : memref<38400xf32, #tpu.memory_space<vmem>>[vector<16xi32>], vector<16xf32>,
        %swap3A_771 = arith.index_cast %add3A_751 : i32 to index
        %swap3A_772 = arith.constant 16 : index
        %swap3A_773 = tpu.vector_load %arg13[%swap3A_771, %swap3A_772] {strides = array<i32>} : memref<256x64xf32, #tpu.memory_space<vmem>>, vector<16xf32>,
        tpu.vector_store %arg13[%swap3A_771, %swap3A_772], %gather3A_770 {add = true, strides = array<i32>} : memref<256x64xf32, #tpu.memory_space<vmem>>, vector<16xf32>,
        %add3A_774 = arith.addi %gather3A_763, %add3A_45 : vector<16xi32>
        %gather3A_775 = tpu.vector_load_idx %arg8[%add3A_774] : memref<38400xf32, #tpu.memory_space<vmem>>[vector<16xi32>], vector<16xf32>,
        %swap3A_776 = arith.index_cast %add3A_751 : i32 to index
        %swap3A_777 = arith.constant 32 : index
        %swap3A_778 = tpu.vector_load %arg13[%swap3A_776, %swap3A_777] {strides = array<i32>} : memref<256x64xf32, #tpu.memory_space<vmem>>, vector<16xf32>,
        tpu.vector_store %arg13[%swap3A_776, %swap3A_777], %gather3A_775 {add = true, strides = array<i32>} : memref<256x64xf32, #tpu.memory_space<vmem>>, vector<16xf32>,
        %add3A_779 = arith.addi %gather3A_763, %add3A_48 : vector<16xi32>
        %gather3A_780 = tpu.vector_load_idx %arg8[%add3A_779] : memref<38400xf32, #tpu.memory_space<vmem>>[vector<16xi32>], vector<16xf32>,
        %swap3A_781 = arith.index_cast %add3A_751 : i32 to index
        %swap3A_782 = arith.constant 48 : index
        %swap3A_783 = tpu.vector_load %arg13[%swap3A_781, %swap3A_782] {strides = array<i32>} : memref<256x64xf32, #tpu.memory_space<vmem>>, vector<16xf32>,
        tpu.vector_store %arg13[%swap3A_781, %swap3A_782], %gather3A_780 {add = true, strides = array<i32>} : memref<256x64xf32, #tpu.memory_space<vmem>>, vector<16xf32>,
        %mul3A_784 = arith.constant 16 : i32
        %mul3A_785 = arith.muli %scan3A_337, %mul3A_784 : i32
        %add3A_786 = arith.constant 12 : i32
        %add3A_787 = arith.addi %mul3A_785, %add3A_786 : i32
        %broadcast_in_dim3A_788 = arith.constant 12 : i32
        %broadcast_in_dim3A_789 = vector.broadcast %broadcast_in_dim3A_788 : i32 to vector<16xi32>
        %lt3A_790 = arith.constant 0 : i32
        %lt3A_791 = vector.broadcast %lt3A_790 : i32 to vector<16xi32>
        %lt3A_792 = arith.cmpi slt, %broadcast_in_dim3A_789, %lt3A_791 : vector<16xi32>
        %add3A_793 = arith.constant 16 : i32
        %add3A_794 = vector.broadcast %add3A_793 : i32 to vector<16xi32>
        %add3A_795 = arith.addi %broadcast_in_dim3A_789, %add3A_794 : vector<16xi32>
        %select_n3A_796 = arith.select %lt3A_792, %add3A_795, %broadcast_in_dim3A_789 : vector<16xi1>, vector<16xi32>
        %broadcast_in_dim3A_797 = vector.shape_cast %select_n3A_796 : vector<16xi32> to vector<16x1xi32>
        %gather3A_798 = vector.shape_cast %broadcast_in_dim3A_797 : vector<16x1xi32> to vector<16xi32>
        %gather3A_799 = tpu.dynamic_gather %mul3A_356[%gather3A_798] in [0] : vector<16xi32>, vector<16xi32> -> vector<16xi32>
        %add3A_800 = arith.addi %gather3A_799, %add3A_39 : vector<16xi32>
        %gather3A_801 = tpu.vector_load_idx %arg8[%add3A_800] : memref<38400xf32, #tpu.memory_space<vmem>>[vector<16xi32>], vector<16xf32>,
        %swap3A_802 = arith.index_cast %add3A_787 : i32 to index
        %swap3A_803 = arith.constant 0 : index
        %swap3A_804 = tpu.vector_load %arg13[%swap3A_802, %swap3A_803] {strides = array<i32>} : memref<256x64xf32, #tpu.memory_space<vmem>>, vector<16xf32>,
        tpu.vector_store %arg13[%swap3A_802, %swap3A_803], %gather3A_801 {add = true, strides = array<i32>} : memref<256x64xf32, #tpu.memory_space<vmem>>, vector<16xf32>,
        %add3A_805 = arith.addi %gather3A_799, %add3A_42 : vector<16xi32>
        %gather3A_806 = tpu.vector_load_idx %arg8[%add3A_805] : memref<38400xf32, #tpu.memory_space<vmem>>[vector<16xi32>], vector<16xf32>,
        %swap3A_807 = arith.index_cast %add3A_787 : i32 to index
        %swap3A_808 = arith.constant 16 : index
        %swap3A_809 = tpu.vector_load %arg13[%swap3A_807, %swap3A_808] {strides = array<i32>} : memref<256x64xf32, #tpu.memory_space<vmem>>, vector<16xf32>,
        tpu.vector_store %arg13[%swap3A_807, %swap3A_808], %gather3A_806 {add = true, strides = array<i32>} : memref<256x64xf32, #tpu.memory_space<vmem>>, vector<16xf32>,
        %add3A_810 = arith.addi %gather3A_799, %add3A_45 : vector<16xi32>
        %gather3A_811 = tpu.vector_load_idx %arg8[%add3A_810] : memref<38400xf32, #tpu.memory_space<vmem>>[vector<16xi32>], vector<16xf32>,
        %swap3A_812 = arith.index_cast %add3A_787 : i32 to index
        %swap3A_813 = arith.constant 32 : index
        %swap3A_814 = tpu.vector_load %arg13[%swap3A_812, %swap3A_813] {strides = array<i32>} : memref<256x64xf32, #tpu.memory_space<vmem>>, vector<16xf32>,
        tpu.vector_store %arg13[%swap3A_812, %swap3A_813], %gather3A_811 {add = true, strides = array<i32>} : memref<256x64xf32, #tpu.memory_space<vmem>>, vector<16xf32>,
        %add3A_815 = arith.addi %gather3A_799, %add3A_48 : vector<16xi32>
        %gather3A_816 = tpu.vector_load_idx %arg8[%add3A_815] : memref<38400xf32, #tpu.memory_space<vmem>>[vector<16xi32>], vector<16xf32>,
        %swap3A_817 = arith.index_cast %add3A_787 : i32 to index
        %swap3A_818 = arith.constant 48 : index
        %swap3A_819 = tpu.vector_load %arg13[%swap3A_817, %swap3A_818] {strides = array<i32>} : memref<256x64xf32, #tpu.memory_space<vmem>>, vector<16xf32>,
        tpu.vector_store %arg13[%swap3A_817, %swap3A_818], %gather3A_816 {add = true, strides = array<i32>} : memref<256x64xf32, #tpu.memory_space<vmem>>, vector<16xf32>,
        %mul3A_820 = arith.constant 16 : i32
        %mul3A_821 = arith.muli %scan3A_337, %mul3A_820 : i32
        %add3A_822 = arith.constant 13 : i32
        %add3A_823 = arith.addi %mul3A_821, %add3A_822 : i32
        %broadcast_in_dim3A_824 = arith.constant 13 : i32
        %broadcast_in_dim3A_825 = vector.broadcast %broadcast_in_dim3A_824 : i32 to vector<16xi32>
        %lt3A_826 = arith.constant 0 : i32
        %lt3A_827 = vector.broadcast %lt3A_826 : i32 to vector<16xi32>
        %lt3A_828 = arith.cmpi slt, %broadcast_in_dim3A_825, %lt3A_827 : vector<16xi32>
        %add3A_829 = arith.constant 16 : i32
        %add3A_830 = vector.broadcast %add3A_829 : i32 to vector<16xi32>
        %add3A_831 = arith.addi %broadcast_in_dim3A_825, %add3A_830 : vector<16xi32>
        %select_n3A_832 = arith.select %lt3A_828, %add3A_831, %broadcast_in_dim3A_825 : vector<16xi1>, vector<16xi32>
        %broadcast_in_dim3A_833 = vector.shape_cast %select_n3A_832 : vector<16xi32> to vector<16x1xi32>
        %gather3A_834 = vector.shape_cast %broadcast_in_dim3A_833 : vector<16x1xi32> to vector<16xi32>
        %gather3A_835 = tpu.dynamic_gather %mul3A_356[%gather3A_834] in [0] : vector<16xi32>, vector<16xi32> -> vector<16xi32>
        %add3A_836 = arith.addi %gather3A_835, %add3A_39 : vector<16xi32>
        %gather3A_837 = tpu.vector_load_idx %arg8[%add3A_836] : memref<38400xf32, #tpu.memory_space<vmem>>[vector<16xi32>], vector<16xf32>,
        %swap3A_838 = arith.index_cast %add3A_823 : i32 to index
        %swap3A_839 = arith.constant 0 : index
        %swap3A_840 = tpu.vector_load %arg13[%swap3A_838, %swap3A_839] {strides = array<i32>} : memref<256x64xf32, #tpu.memory_space<vmem>>, vector<16xf32>,
        tpu.vector_store %arg13[%swap3A_838, %swap3A_839], %gather3A_837 {add = true, strides = array<i32>} : memref<256x64xf32, #tpu.memory_space<vmem>>, vector<16xf32>,
        %add3A_841 = arith.addi %gather3A_835, %add3A_42 : vector<16xi32>
        %gather3A_842 = tpu.vector_load_idx %arg8[%add3A_841] : memref<38400xf32, #tpu.memory_space<vmem>>[vector<16xi32>], vector<16xf32>,
        %swap3A_843 = arith.index_cast %add3A_823 : i32 to index
        %swap3A_844 = arith.constant 16 : index
        %swap3A_845 = tpu.vector_load %arg13[%swap3A_843, %swap3A_844] {strides = array<i32>} : memref<256x64xf32, #tpu.memory_space<vmem>>, vector<16xf32>,
        tpu.vector_store %arg13[%swap3A_843, %swap3A_844], %gather3A_842 {add = true, strides = array<i32>} : memref<256x64xf32, #tpu.memory_space<vmem>>, vector<16xf32>,
        %add3A_846 = arith.addi %gather3A_835, %add3A_45 : vector<16xi32>
        %gather3A_847 = tpu.vector_load_idx %arg8[%add3A_846] : memref<38400xf32, #tpu.memory_space<vmem>>[vector<16xi32>], vector<16xf32>,
        %swap3A_848 = arith.index_cast %add3A_823 : i32 to index
        %swap3A_849 = arith.constant 32 : index
        %swap3A_850 = tpu.vector_load %arg13[%swap3A_848, %swap3A_849] {strides = array<i32>} : memref<256x64xf32, #tpu.memory_space<vmem>>, vector<16xf32>,
        tpu.vector_store %arg13[%swap3A_848, %swap3A_849], %gather3A_847 {add = true, strides = array<i32>} : memref<256x64xf32, #tpu.memory_space<vmem>>, vector<16xf32>,
        %add3A_851 = arith.addi %gather3A_835, %add3A_48 : vector<16xi32>
        %gather3A_852 = tpu.vector_load_idx %arg8[%add3A_851] : memref<38400xf32, #tpu.memory_space<vmem>>[vector<16xi32>], vector<16xf32>,
        %swap3A_853 = arith.index_cast %add3A_823 : i32 to index
        %swap3A_854 = arith.constant 48 : index
        %swap3A_855 = tpu.vector_load %arg13[%swap3A_853, %swap3A_854] {strides = array<i32>} : memref<256x64xf32, #tpu.memory_space<vmem>>, vector<16xf32>,
        tpu.vector_store %arg13[%swap3A_853, %swap3A_854], %gather3A_852 {add = true, strides = array<i32>} : memref<256x64xf32, #tpu.memory_space<vmem>>, vector<16xf32>,
        %mul3A_856 = arith.constant 16 : i32
        %mul3A_857 = arith.muli %scan3A_337, %mul3A_856 : i32
        %add3A_858 = arith.constant 14 : i32
        %add3A_859 = arith.addi %mul3A_857, %add3A_858 : i32
        %broadcast_in_dim3A_860 = arith.constant 14 : i32
        %broadcast_in_dim3A_861 = vector.broadcast %broadcast_in_dim3A_860 : i32 to vector<16xi32>
        %lt3A_862 = arith.constant 0 : i32
        %lt3A_863 = vector.broadcast %lt3A_862 : i32 to vector<16xi32>
        %lt3A_864 = arith.cmpi slt, %broadcast_in_dim3A_861, %lt3A_863 : vector<16xi32>
        %add3A_865 = arith.constant 16 : i32
        %add3A_866 = vector.broadcast %add3A_865 : i32 to vector<16xi32>
        %add3A_867 = arith.addi %broadcast_in_dim3A_861, %add3A_866 : vector<16xi32>
        %select_n3A_868 = arith.select %lt3A_864, %add3A_867, %broadcast_in_dim3A_861 : vector<16xi1>, vector<16xi32>
        %broadcast_in_dim3A_869 = vector.shape_cast %select_n3A_868 : vector<16xi32> to vector<16x1xi32>
        %gather3A_870 = vector.shape_cast %broadcast_in_dim3A_869 : vector<16x1xi32> to vector<16xi32>
        %gather3A_871 = tpu.dynamic_gather %mul3A_356[%gather3A_870] in [0] : vector<16xi32>, vector<16xi32> -> vector<16xi32>
        %add3A_872 = arith.addi %gather3A_871, %add3A_39 : vector<16xi32>
        %gather3A_873 = tpu.vector_load_idx %arg8[%add3A_872] : memref<38400xf32, #tpu.memory_space<vmem>>[vector<16xi32>], vector<16xf32>,
        %swap3A_874 = arith.index_cast %add3A_859 : i32 to index
        %swap3A_875 = arith.constant 0 : index
        %swap3A_876 = tpu.vector_load %arg13[%swap3A_874, %swap3A_875] {strides = array<i32>} : memref<256x64xf32, #tpu.memory_space<vmem>>, vector<16xf32>,
        tpu.vector_store %arg13[%swap3A_874, %swap3A_875], %gather3A_873 {add = true, strides = array<i32>} : memref<256x64xf32, #tpu.memory_space<vmem>>, vector<16xf32>,
        %add3A_877 = arith.addi %gather3A_871, %add3A_42 : vector<16xi32>
        %gather3A_878 = tpu.vector_load_idx %arg8[%add3A_877] : memref<38400xf32, #tpu.memory_space<vmem>>[vector<16xi32>], vector<16xf32>,
        %swap3A_879 = arith.index_cast %add3A_859 : i32 to index
        %swap3A_880 = arith.constant 16 : index
        %swap3A_881 = tpu.vector_load %arg13[%swap3A_879, %swap3A_880] {strides = array<i32>} : memref<256x64xf32, #tpu.memory_space<vmem>>, vector<16xf32>,
        tpu.vector_store %arg13[%swap3A_879, %swap3A_880], %gather3A_878 {add = true, strides = array<i32>} : memref<256x64xf32, #tpu.memory_space<vmem>>, vector<16xf32>,
        %add3A_882 = arith.addi %gather3A_871, %add3A_45 : vector<16xi32>
        %gather3A_883 = tpu.vector_load_idx %arg8[%add3A_882] : memref<38400xf32, #tpu.memory_space<vmem>>[vector<16xi32>], vector<16xf32>,
        %swap3A_884 = arith.index_cast %add3A_859 : i32 to index
        %swap3A_885 = arith.constant 32 : index
        %swap3A_886 = tpu.vector_load %arg13[%swap3A_884, %swap3A_885] {strides = array<i32>} : memref<256x64xf32, #tpu.memory_space<vmem>>, vector<16xf32>,
        tpu.vector_store %arg13[%swap3A_884, %swap3A_885], %gather3A_883 {add = true, strides = array<i32>} : memref<256x64xf32, #tpu.memory_space<vmem>>, vector<16xf32>,
        %add3A_887 = arith.addi %gather3A_871, %add3A_48 : vector<16xi32>
        %gather3A_888 = tpu.vector_load_idx %arg8[%add3A_887] : memref<38400xf32, #tpu.memory_space<vmem>>[vector<16xi32>], vector<16xf32>,
        %swap3A_889 = arith.index_cast %add3A_859 : i32 to index
        %swap3A_890 = arith.constant 48 : index
        %swap3A_891 = tpu.vector_load %arg13[%swap3A_889, %swap3A_890] {strides = array<i32>} : memref<256x64xf32, #tpu.memory_space<vmem>>, vector<16xf32>,
        tpu.vector_store %arg13[%swap3A_889, %swap3A_890], %gather3A_888 {add = true, strides = array<i32>} : memref<256x64xf32, #tpu.memory_space<vmem>>, vector<16xf32>,
        %mul3A_892 = arith.constant 16 : i32
        %mul3A_893 = arith.muli %scan3A_337, %mul3A_892 : i32
        %add3A_894 = arith.constant 15 : i32
        %add3A_895 = arith.addi %mul3A_893, %add3A_894 : i32
        %broadcast_in_dim3A_896 = arith.constant 15 : i32
        %broadcast_in_dim3A_897 = vector.broadcast %broadcast_in_dim3A_896 : i32 to vector<16xi32>
        %lt3A_898 = arith.constant 0 : i32
        %lt3A_899 = vector.broadcast %lt3A_898 : i32 to vector<16xi32>
        %lt3A_900 = arith.cmpi slt, %broadcast_in_dim3A_897, %lt3A_899 : vector<16xi32>
        %add3A_901 = arith.constant 16 : i32
        %add3A_902 = vector.broadcast %add3A_901 : i32 to vector<16xi32>
        %add3A_903 = arith.addi %broadcast_in_dim3A_897, %add3A_902 : vector<16xi32>
        %select_n3A_904 = arith.select %lt3A_900, %add3A_903, %broadcast_in_dim3A_897 : vector<16xi1>, vector<16xi32>
        %broadcast_in_dim3A_905 = vector.shape_cast %select_n3A_904 : vector<16xi32> to vector<16x1xi32>
        %gather3A_906 = vector.shape_cast %broadcast_in_dim3A_905 : vector<16x1xi32> to vector<16xi32>
        %gather3A_907 = tpu.dynamic_gather %mul3A_356[%gather3A_906] in [0] : vector<16xi32>, vector<16xi32> -> vector<16xi32>
        %add3A_908 = arith.addi %gather3A_907, %add3A_39 : vector<16xi32>
        %gather3A_909 = tpu.vector_load_idx %arg8[%add3A_908] : memref<38400xf32, #tpu.memory_space<vmem>>[vector<16xi32>], vector<16xf32>,
        %swap3A_910 = arith.index_cast %add3A_895 : i32 to index
        %swap3A_911 = arith.constant 0 : index
        %swap3A_912 = tpu.vector_load %arg13[%swap3A_910, %swap3A_911] {strides = array<i32>} : memref<256x64xf32, #tpu.memory_space<vmem>>, vector<16xf32>,
        tpu.vector_store %arg13[%swap3A_910, %swap3A_911], %gather3A_909 {add = true, strides = array<i32>} : memref<256x64xf32, #tpu.memory_space<vmem>>, vector<16xf32>,
        %add3A_913 = arith.addi %gather3A_907, %add3A_42 : vector<16xi32>
        %gather3A_914 = tpu.vector_load_idx %arg8[%add3A_913] : memref<38400xf32, #tpu.memory_space<vmem>>[vector<16xi32>], vector<16xf32>,
        %swap3A_915 = arith.index_cast %add3A_895 : i32 to index
        %swap3A_916 = arith.constant 16 : index
        %swap3A_917 = tpu.vector_load %arg13[%swap3A_915, %swap3A_916] {strides = array<i32>} : memref<256x64xf32, #tpu.memory_space<vmem>>, vector<16xf32>,
        tpu.vector_store %arg13[%swap3A_915, %swap3A_916], %gather3A_914 {add = true, strides = array<i32>} : memref<256x64xf32, #tpu.memory_space<vmem>>, vector<16xf32>,
        %add3A_918 = arith.addi %gather3A_907, %add3A_45 : vector<16xi32>
        %gather3A_919 = tpu.vector_load_idx %arg8[%add3A_918] : memref<38400xf32, #tpu.memory_space<vmem>>[vector<16xi32>], vector<16xf32>,
        %swap3A_920 = arith.index_cast %add3A_895 : i32 to index
        %swap3A_921 = arith.constant 32 : index
        %swap3A_922 = tpu.vector_load %arg13[%swap3A_920, %swap3A_921] {strides = array<i32>} : memref<256x64xf32, #tpu.memory_space<vmem>>, vector<16xf32>,
        tpu.vector_store %arg13[%swap3A_920, %swap3A_921], %gather3A_919 {add = true, strides = array<i32>} : memref<256x64xf32, #tpu.memory_space<vmem>>, vector<16xf32>,
        %add3A_923 = arith.addi %gather3A_907, %add3A_48 : vector<16xi32>
        %gather3A_924 = tpu.vector_load_idx %arg8[%add3A_923] : memref<38400xf32, #tpu.memory_space<vmem>>[vector<16xi32>], vector<16xf32>,
        %swap3A_925 = arith.index_cast %add3A_895 : i32 to index
        %swap3A_926 = arith.constant 48 : index
        %swap3A_927 = tpu.vector_load %arg13[%swap3A_925, %swap3A_926] {strides = array<i32>} : memref<256x64xf32, #tpu.memory_space<vmem>>, vector<16xf32>,
        tpu.vector_store %arg13[%swap3A_925, %swap3A_926], %gather3A_924 {add = true, strides = array<i32>} : memref<256x64xf32, #tpu.memory_space<vmem>>, vector<16xf32>,
      }
      %scan3A_268 = arith.constant 16 : i32
      %add3A_269 = arith.addi %mul3A_2, %mul3A_217 : i32
      %dma_start3A_270 = arith.constant 0 : i32
      %dma_start3A_271 = tpu.memref_slice %arg7[%add3A_269, %dma_start3A_270] : memref<204800x64xf32, #tpu.memory_space<hbm>> -> memref<256x64xf32, #tpu.memory_space<hbm>>
      %dma_start3A_272 = arith.constant 0 : i32
      %dma_start3A_273 = tpu.memref_slice %arg7[%add3A_269, %dma_start3A_272] : memref<204800x64xf32, #tpu.memory_space<hbm>> -> memref<256x64xf32, #tpu.memory_space<hbm>>
      tpu.enqueue_dma source(%arg13 : memref<256x64xf32, #tpu.memory_space<vmem>>) target(%dma_start3A_273 : memref<256x64xf32, #tpu.memory_space<hbm>>) target_semaphore(%arg18 : memref<!tpu.dma_semaphore, #tpu.memory_space<semaphore_mem>>)
      %mul3A_274 = arith.constant 2 : i32
      %mul3A_275 = arith.muli %mul3A_274, %scan3A_211 : i32
      %add3A_276 = arith.constant 2 : i32
      %add3A_277 = arith.addi %add3A_276, %mul3A_275 : i32
      %mul3A_278 = arith.constant 256 : i32
      %mul3A_279 = arith.muli %add3A_277, %mul3A_278 : i32
      %sub3A_280 = arith.constant 256 : i32
      %sub3A_281 = arith.subi %mul3A_279, %sub3A_280 : i32
      %add3A_282 = arith.addi %mul3A_2, %sub3A_281 : i32
      %dma_wait3A_283 = arith.constant 0 : i32
      %dma_wait3A_284 = tpu.memref_slice %arg7[%add3A_282, %dma_wait3A_283] : memref<204800x64xf32, #tpu.memory_space<hbm>> -> memref<256x64xf32, #tpu.memory_space<hbm>>
      %dma_wait3A_285 = arith.constant 0 : i32
      %dma_wait3A_286 = tpu.memref_slice %arg7[%add3A_282, %dma_wait3A_285] : memref<204800x64xf32, #tpu.memory_space<hbm>> -> memref<256x64xf32, #tpu.memory_space<hbm>>
      tpu.wait_dma2 semaphore(%arg18 : memref<!tpu.dma_semaphore, #tpu.memory_space<semaphore_mem>>) src(%arg13 : memref<256x64xf32, #tpu.memory_space<vmem>>) dst(%dma_wait3A_286 : memref<256x64xf32, #tpu.memory_space<hbm>>)
      %add3A_287 = arith.constant 256 : i32
      %add3A_288 = arith.addi %mul3A_279, %add3A_287 : i32
      %add3A_289 = arith.constant 0 : i32
      %add3A_290 = arith.addi %add3A_288, %add3A_289 : i32
      %dma_start3A_291 = arith.constant 0 : i32
      %dma_start3A_292 = arith.constant 0 : i32
      %dma_start3A_293 = tpu.memref_slice %arg13[%dma_start3A_291, %dma_start3A_292] : memref<256x64xf32, #tpu.memory_space<vmem>> -> memref<128x64xf32, #tpu.memory_space<vmem>>
      %dma_start3A_294 = tpu.memref_slice %arg10[%add3A_290] : memref<6400xi32, #tpu.memory_space<vmem>> -> memref<128xi32, #tpu.memory_space<vmem>>
      %dma_start3A_295 = arith.constant 0 : i32
      %dma_start3A_296 = arith.constant 0 : i32
      %dma_start3A_297 = tpu.memref_slice %arg4[%dma_start3A_295, %dma_start3A_296] : memref<1000000x64xf32, #tpu.memory_space<hbm>> -> memref<1000000x64xf32, #tpu.memory_space<hbm>>
      tpu.enqueue_indirect_dma source(%dma_start3A_297 : memref<1000000x64xf32, #tpu.memory_space<hbm>>) target(%dma_start3A_293 : memref<128x64xf32, #tpu.memory_space<vmem>>) offsets(%dma_start3A_294 : memref<128xi32, #tpu.memory_space<vmem>>) semaphore(%arg16 : memref<!tpu.dma_semaphore, #tpu.memory_space<semaphore_mem>>)
      %add3A_298 = arith.constant 128 : i32
      %add3A_299 = arith.addi %add3A_288, %add3A_298 : i32
      %dma_start3A_300 = arith.constant 128 : i32
      %dma_start3A_301 = arith.constant 0 : i32
      %dma_start3A_302 = tpu.memref_slice %arg13[%dma_start3A_300, %dma_start3A_301] : memref<256x64xf32, #tpu.memory_space<vmem>> -> memref<128x64xf32, #tpu.memory_space<vmem>>
      %dma_start3A_303 = tpu.memref_slice %arg10[%add3A_299] : memref<6400xi32, #tpu.memory_space<vmem>> -> memref<128xi32, #tpu.memory_space<vmem>>
      %dma_start3A_304 = arith.constant 0 : i32
      %dma_start3A_305 = arith.constant 0 : i32
      %dma_start3A_306 = tpu.memref_slice %arg4[%dma_start3A_304, %dma_start3A_305] : memref<1000000x64xf32, #tpu.memory_space<hbm>> -> memref<1000000x64xf32, #tpu.memory_space<hbm>>
      tpu.enqueue_indirect_dma source(%dma_start3A_306 : memref<1000000x64xf32, #tpu.memory_space<hbm>>) target(%dma_start3A_302 : memref<128x64xf32, #tpu.memory_space<vmem>>) offsets(%dma_start3A_303 : memref<128xi32, #tpu.memory_space<vmem>>) semaphore(%arg16 : memref<!tpu.dma_semaphore, #tpu.memory_space<semaphore_mem>>)
      %add3A_307 = arith.constant 0 : i32
      %add3A_308 = arith.addi %mul3A_279, %add3A_307 : i32
      %dma_wait3A_309 = arith.constant 0 : i32
      %dma_wait3A_310 = arith.constant 0 : i32
      %dma_wait3A_311 = tpu.memref_slice %arg12[%dma_wait3A_309, %dma_wait3A_310] : memref<256x64xf32, #tpu.memory_space<vmem>> -> memref<128x64xf32, #tpu.memory_space<vmem>>
      %dma_wait3A_312 = tpu.memref_slice %arg10[%add3A_308] : memref<6400xi32, #tpu.memory_space<vmem>> -> memref<128xi32, #tpu.memory_space<vmem>>
      %dma_wait3A_313 = arith.constant 0 : i32
      %dma_wait3A_314 = arith.constant 0 : i32
      %dma_wait3A_315 = tpu.memref_slice %arg4[%dma_wait3A_313, %dma_wait3A_314] : memref<1000000x64xf32, #tpu.memory_space<hbm>> -> memref<1000000x64xf32, #tpu.memory_space<hbm>>
      tpu.wait_indirect_dma semaphore(%arg15 : memref<!tpu.dma_semaphore, #tpu.memory_space<semaphore_mem>>) src(%dma_wait3A_315 : memref<1000000x64xf32, #tpu.memory_space<hbm>>) dst(%dma_wait3A_311 : memref<128x64xf32, #tpu.memory_space<vmem>>)
      %add3A_316 = arith.constant 128 : i32
      %add3A_317 = arith.addi %mul3A_279, %add3A_316 : i32
      %dma_wait3A_318 = arith.constant 128 : i32
      %dma_wait3A_319 = arith.constant 0 : i32
      %dma_wait3A_320 = tpu.memref_slice %arg12[%dma_wait3A_318, %dma_wait3A_319] : memref<256x64xf32, #tpu.memory_space<vmem>> -> memref<128x64xf32, #tpu.memory_space<vmem>>
      %dma_wait3A_321 = tpu.memref_slice %arg10[%add3A_317] : memref<6400xi32, #tpu.memory_space<vmem>> -> memref<128xi32, #tpu.memory_space<vmem>>
      %dma_wait3A_322 = arith.constant 0 : i32
      %dma_wait3A_323 = arith.constant 0 : i32
      %dma_wait3A_324 = tpu.memref_slice %arg4[%dma_wait3A_322, %dma_wait3A_323] : memref<1000000x64xf32, #tpu.memory_space<hbm>> -> memref<1000000x64xf32, #tpu.memory_space<hbm>>
      tpu.wait_indirect_dma semaphore(%arg15 : memref<!tpu.dma_semaphore, #tpu.memory_space<semaphore_mem>>) src(%dma_wait3A_324 : memref<1000000x64xf32, #tpu.memory_space<hbm>>) dst(%dma_wait3A_320 : memref<128x64xf32, #tpu.memory_space<vmem>>)
      %add3A_325 = arith.addi %mul3A_2, %mul3A_279 : i32
      %scan3A_326 = arith.constant 0 : i32
      %scan3A_327 = arith.constant 0 : i32
      %scan3A_328 = arith.constant 16 : i32
      %scan3A_329 = arith.addi %scan3A_327, %scan3A_328 : i32
      %scan3A_330 = arith.constant 1 : i32
      scf.for %scan3A_337 = %scan3A_327 to %scan3A_329 step %scan3A_330  : i32 {
        %mul3A_338 = arith.constant 16 : i32
        %mul3A_339 = arith.muli %scan3A_337, %mul3A_338 : i32
        %add3A_340 = arith.addi %add3A_325, %mul3A_339 : i32
        %add3A_341 = vector.broadcast %add3A_340 : i32 to vector<16xi32>
        %add3A_342 = arith.addi %add3A_341, %iota3A : vector<16xi32>
        %rem3A = arith.constant 200 : i32
        %rem3A_343 = vector.broadcast %rem3A : i32 to vector<16xi32>
        %rem3A_344 = arith.remsi %add3A_342, %rem3A_343 : vector<16xi32>
        %mul3A_345 = arith.constant 16 : i32
        %mul3A_346 = arith.muli %scan3A_337, %mul3A_345 : i32
        %add3A_347 = arith.addi %mul3A_279, %mul3A_346 : i32
        %get3A_348 = arith.index_cast %add3A_347 : i32 to index
        %get3A_349 = tpu.vector_load %arg11[%get3A_348] {strides = array<i32>} : memref<6400xi32, #tpu.memory_space<vmem>>, vector<16xi32>,
        %mul3A_350 = arith.constant 200 : i32
        %mul3A_351 = vector.broadcast %mul3A_350 : i32 to vector<16xi32>
        %mul3A_352 = arith.muli %get3A_349, %mul3A_351 : vector<16xi32>
        %add3A_353 = arith.addi %mul3A_352, %rem3A_344 : vector<16xi32>
        %mul3A_354 = arith.constant 64 : i32
        %mul3A_355 = vector.broadcast %mul3A_354 : i32 to vector<16xi32>
        %mul3A_356 = arith.muli %add3A_353, %mul3A_355 : vector<16xi32>
        %mul3A_357 = arith.constant 16 : i32
        %mul3A_358 = arith.muli %scan3A_337, %mul3A_357 : i32
        %add3A_359 = arith.constant 0 : i32
        %add3A_360 = arith.addi %mul3A_358, %add3A_359 : i32
        %broadcast_in_dim3A = arith.constant 0 : i32
        %broadcast_in_dim3A_361 = vector.broadcast %broadcast_in_dim3A : i32 to vector<16xi32>
        %lt3A = arith.constant 0 : i32
        %lt3A_362 = vector.broadcast %lt3A : i32 to vector<16xi32>
        %lt3A_363 = arith.cmpi slt, %broadcast_in_dim3A_361, %lt3A_362 : vector<16xi32>
        %add3A_364 = arith.constant 16 : i32
        %add3A_365 = vector.broadcast %add3A_364 : i32 to vector<16xi32>
        %add3A_366 = arith.addi %broadcast_in_dim3A_361, %add3A_365 : vector<16xi32>
        %select_n3A = arith.select %lt3A_363, %add3A_366, %broadcast_in_dim3A_361 : vector<16xi1>, vector<16xi32>
        %broadcast_in_dim3A_367 = vector.shape_cast %select_n3A : vector<16xi32> to vector<16x1xi32>
        %gather3A = vector.shape_cast %broadcast_in_dim3A_367 : vector<16x1xi32> to vector<16xi32>
        %gather3A_368 = tpu.dynamic_gather %mul3A_356[%gather3A] in [0] : vector<16xi32>, vector<16xi32> -> vector<16xi32>
        %add3A_369 = arith.addi %gather3A_368, %add3A_39 : vector<16xi32>
        %gather3A_370 = tpu.vector_load_idx %arg8[%add3A_369] : memref<38400xf32, #tpu.memory_space<vmem>>[vector<16xi32>], vector<16xf32>,
        %swap3A = arith.index_cast %add3A_360 : i32 to index
        %swap3A_371 = arith.constant 0 : index
        %swap3A_372 = tpu.vector_load %arg12[%swap3A, %swap3A_371] {strides = array<i32>} : memref<256x64xf32, #tpu.memory_space<vmem>>, vector<16xf32>,
        tpu.vector_store %arg12[%swap3A, %swap3A_371], %gather3A_370 {add = true, strides = array<i32>} : memref<256x64xf32, #tpu.memory_space<vmem>>, vector<16xf32>,
        %add3A_373 = arith.addi %gather3A_368, %add3A_42 : vector<16xi32>
        %gather3A_374 = tpu.vector_load_idx %arg8[%add3A_373] : memref<38400xf32, #tpu.memory_space<vmem>>[vector<16xi32>], vector<16xf32>,
        %swap3A_375 = arith.index_cast %add3A_360 : i32 to index
        %swap3A_376 = arith.constant 16 : index
        %swap3A_377 = tpu.vector_load %arg12[%swap3A_375, %swap3A_376] {strides = array<i32>} : memref<256x64xf32, #tpu.memory_space<vmem>>, vector<16xf32>,
        tpu.vector_store %arg12[%swap3A_375, %swap3A_376], %gather3A_374 {add = true, strides = array<i32>} : memref<256x64xf32, #tpu.memory_space<vmem>>, vector<16xf32>,
        %add3A_378 = arith.addi %gather3A_368, %add3A_45 : vector<16xi32>
        %gather3A_379 = tpu.vector_load_idx %arg8[%add3A_378] : memref<38400xf32, #tpu.memory_space<vmem>>[vector<16xi32>], vector<16xf32>,
        %swap3A_380 = arith.index_cast %add3A_360 : i32 to index
        %swap3A_381 = arith.constant 32 : index
        %swap3A_382 = tpu.vector_load %arg12[%swap3A_380, %swap3A_381] {strides = array<i32>} : memref<256x64xf32, #tpu.memory_space<vmem>>, vector<16xf32>,
        tpu.vector_store %arg12[%swap3A_380, %swap3A_381], %gather3A_379 {add = true, strides = array<i32>} : memref<256x64xf32, #tpu.memory_space<vmem>>, vector<16xf32>,
        %add3A_383 = arith.addi %gather3A_368, %add3A_48 : vector<16xi32>
        %gather3A_384 = tpu.vector_load_idx %arg8[%add3A_383] : memref<38400xf32, #tpu.memory_space<vmem>>[vector<16xi32>], vector<16xf32>,
        %swap3A_385 = arith.index_cast %add3A_360 : i32 to index
        %swap3A_386 = arith.constant 48 : index
        %swap3A_387 = tpu.vector_load %arg12[%swap3A_385, %swap3A_386] {strides = array<i32>} : memref<256x64xf32, #tpu.memory_space<vmem>>, vector<16xf32>,
        tpu.vector_store %arg12[%swap3A_385, %swap3A_386], %gather3A_384 {add = true, strides = array<i32>} : memref<256x64xf32, #tpu.memory_space<vmem>>, vector<16xf32>,
        %mul3A_388 = arith.constant 16 : i32
        %mul3A_389 = arith.muli %scan3A_337, %mul3A_388 : i32
        %add3A_390 = arith.constant 1 : i32
        %add3A_391 = arith.addi %mul3A_389, %add3A_390 : i32
        %broadcast_in_dim3A_392 = arith.constant 1 : i32
        %broadcast_in_dim3A_393 = vector.broadcast %broadcast_in_dim3A_392 : i32 to vector<16xi32>
        %lt3A_394 = arith.constant 0 : i32
        %lt3A_395 = vector.broadcast %lt3A_394 : i32 to vector<16xi32>
        %lt3A_396 = arith.cmpi slt, %broadcast_in_dim3A_393, %lt3A_395 : vector<16xi32>
        %add3A_397 = arith.constant 16 : i32
        %add3A_398 = vector.broadcast %add3A_397 : i32 to vector<16xi32>
        %add3A_399 = arith.addi %broadcast_in_dim3A_393, %add3A_398 : vector<16xi32>
        %select_n3A_400 = arith.select %lt3A_396, %add3A_399, %broadcast_in_dim3A_393 : vector<16xi1>, vector<16xi32>
        %broadcast_in_dim3A_401 = vector.shape_cast %select_n3A_400 : vector<16xi32> to vector<16x1xi32>
        %gather3A_402 = vector.shape_cast %broadcast_in_dim3A_401 : vector<16x1xi32> to vector<16xi32>
        %gather3A_403 = tpu.dynamic_gather %mul3A_356[%gather3A_402] in [0] : vector<16xi32>, vector<16xi32> -> vector<16xi32>
        %add3A_404 = arith.addi %gather3A_403, %add3A_39 : vector<16xi32>
        %gather3A_405 = tpu.vector_load_idx %arg8[%add3A_404] : memref<38400xf32, #tpu.memory_space<vmem>>[vector<16xi32>], vector<16xf32>,
        %swap3A_406 = arith.index_cast %add3A_391 : i32 to index
        %swap3A_407 = arith.constant 0 : index
        %swap3A_408 = tpu.vector_load %arg12[%swap3A_406, %swap3A_407] {strides = array<i32>} : memref<256x64xf32, #tpu.memory_space<vmem>>, vector<16xf32>,
        tpu.vector_store %arg12[%swap3A_406, %swap3A_407], %gather3A_405 {add = true, strides = array<i32>} : memref<256x64xf32, #tpu.memory_space<vmem>>, vector<16xf32>,
        %add3A_409 = arith.addi %gather3A_403, %add3A_42 : vector<16xi32>
        %gather3A_410 = tpu.vector_load_idx %arg8[%add3A_409] : memref<38400xf32, #tpu.memory_space<vmem>>[vector<16xi32>], vector<16xf32>,
        %swap3A_411 = arith.index_cast %add3A_391 : i32 to index
        %swap3A_412 = arith.constant 16 : index
        %swap3A_413 = tpu.vector_load %arg12[%swap3A_411, %swap3A_412] {strides = array<i32>} : memref<256x64xf32, #tpu.memory_space<vmem>>, vector<16xf32>,
        tpu.vector_store %arg12[%swap3A_411, %swap3A_412], %gather3A_410 {add = true, strides = array<i32>} : memref<256x64xf32, #tpu.memory_space<vmem>>, vector<16xf32>,
        %add3A_414 = arith.addi %gather3A_403, %add3A_45 : vector<16xi32>
        %gather3A_415 = tpu.vector_load_idx %arg8[%add3A_414] : memref<38400xf32, #tpu.memory_space<vmem>>[vector<16xi32>], vector<16xf32>,
        %swap3A_416 = arith.index_cast %add3A_391 : i32 to index
        %swap3A_417 = arith.constant 32 : index
        %swap3A_418 = tpu.vector_load %arg12[%swap3A_416, %swap3A_417] {strides = array<i32>} : memref<256x64xf32, #tpu.memory_space<vmem>>, vector<16xf32>,
        tpu.vector_store %arg12[%swap3A_416, %swap3A_417], %gather3A_415 {add = true, strides = array<i32>} : memref<256x64xf32, #tpu.memory_space<vmem>>, vector<16xf32>,
        %add3A_419 = arith.addi %gather3A_403, %add3A_48 : vector<16xi32>
        %gather3A_420 = tpu.vector_load_idx %arg8[%add3A_419] : memref<38400xf32, #tpu.memory_space<vmem>>[vector<16xi32>], vector<16xf32>,
        %swap3A_421 = arith.index_cast %add3A_391 : i32 to index
        %swap3A_422 = arith.constant 48 : index
        %swap3A_423 = tpu.vector_load %arg12[%swap3A_421, %swap3A_422] {strides = array<i32>} : memref<256x64xf32, #tpu.memory_space<vmem>>, vector<16xf32>,
        tpu.vector_store %arg12[%swap3A_421, %swap3A_422], %gather3A_420 {add = true, strides = array<i32>} : memref<256x64xf32, #tpu.memory_space<vmem>>, vector<16xf32>,
        %mul3A_424 = arith.constant 16 : i32
        %mul3A_425 = arith.muli %scan3A_337, %mul3A_424 : i32
        %add3A_426 = arith.constant 2 : i32
        %add3A_427 = arith.addi %mul3A_425, %add3A_426 : i32
        %broadcast_in_dim3A_428 = arith.constant 2 : i32
        %broadcast_in_dim3A_429 = vector.broadcast %broadcast_in_dim3A_428 : i32 to vector<16xi32>
        %lt3A_430 = arith.constant 0 : i32
        %lt3A_431 = vector.broadcast %lt3A_430 : i32 to vector<16xi32>
        %lt3A_432 = arith.cmpi slt, %broadcast_in_dim3A_429, %lt3A_431 : vector<16xi32>
        %add3A_433 = arith.constant 16 : i32
        %add3A_434 = vector.broadcast %add3A_433 : i32 to vector<16xi32>
        %add3A_435 = arith.addi %broadcast_in_dim3A_429, %add3A_434 : vector<16xi32>
        %select_n3A_436 = arith.select %lt3A_432, %add3A_435, %broadcast_in_dim3A_429 : vector<16xi1>, vector<16xi32>
        %broadcast_in_dim3A_437 = vector.shape_cast %select_n3A_436 : vector<16xi32> to vector<16x1xi32>
        %gather3A_438 = vector.shape_cast %broadcast_in_dim3A_437 : vector<16x1xi32> to vector<16xi32>
        %gather3A_439 = tpu.dynamic_gather %mul3A_356[%gather3A_438] in [0] : vector<16xi32>, vector<16xi32> -> vector<16xi32>
        %add3A_440 = arith.addi %gather3A_439, %add3A_39 : vector<16xi32>
        %gather3A_441 = tpu.vector_load_idx %arg8[%add3A_440] : memref<38400xf32, #tpu.memory_space<vmem>>[vector<16xi32>], vector<16xf32>,
        %swap3A_442 = arith.index_cast %add3A_427 : i32 to index
        %swap3A_443 = arith.constant 0 : index
        %swap3A_444 = tpu.vector_load %arg12[%swap3A_442, %swap3A_443] {strides = array<i32>} : memref<256x64xf32, #tpu.memory_space<vmem>>, vector<16xf32>,
        tpu.vector_store %arg12[%swap3A_442, %swap3A_443], %gather3A_441 {add = true, strides = array<i32>} : memref<256x64xf32, #tpu.memory_space<vmem>>, vector<16xf32>,
        %add3A_445 = arith.addi %gather3A_439, %add3A_42 : vector<16xi32>
        %gather3A_446 = tpu.vector_load_idx %arg8[%add3A_445] : memref<38400xf32, #tpu.memory_space<vmem>>[vector<16xi32>], vector<16xf32>,
        %swap3A_447 = arith.index_cast %add3A_427 : i32 to index
        %swap3A_448 = arith.constant 16 : index
        %swap3A_449 = tpu.vector_load %arg12[%swap3A_447, %swap3A_448] {strides = array<i32>} : memref<256x64xf32, #tpu.memory_space<vmem>>, vector<16xf32>,
        tpu.vector_store %arg12[%swap3A_447, %swap3A_448], %gather3A_446 {add = true, strides = array<i32>} : memref<256x64xf32, #tpu.memory_space<vmem>>, vector<16xf32>,
        %add3A_450 = arith.addi %gather3A_439, %add3A_45 : vector<16xi32>
        %gather3A_451 = tpu.vector_load_idx %arg8[%add3A_450] : memref<38400xf32, #tpu.memory_space<vmem>>[vector<16xi32>], vector<16xf32>,
        %swap3A_452 = arith.index_cast %add3A_427 : i32 to index
        %swap3A_453 = arith.constant 32 : index
        %swap3A_454 = tpu.vector_load %arg12[%swap3A_452, %swap3A_453] {strides = array<i32>} : memref<256x64xf32, #tpu.memory_space<vmem>>, vector<16xf32>,
        tpu.vector_store %arg12[%swap3A_452, %swap3A_453], %gather3A_451 {add = true, strides = array<i32>} : memref<256x64xf32, #tpu.memory_space<vmem>>, vector<16xf32>,
        %add3A_455 = arith.addi %gather3A_439, %add3A_48 : vector<16xi32>
        %gather3A_456 = tpu.vector_load_idx %arg8[%add3A_455] : memref<38400xf32, #tpu.memory_space<vmem>>[vector<16xi32>], vector<16xf32>,
        %swap3A_457 = arith.index_cast %add3A_427 : i32 to index
        %swap3A_458 = arith.constant 48 : index
        %swap3A_459 = tpu.vector_load %arg12[%swap3A_457, %swap3A_458] {strides = array<i32>} : memref<256x64xf32, #tpu.memory_space<vmem>>, vector<16xf32>,
        tpu.vector_store %arg12[%swap3A_457, %swap3A_458], %gather3A_456 {add = true, strides = array<i32>} : memref<256x64xf32, #tpu.memory_space<vmem>>, vector<16xf32>,
        %mul3A_460 = arith.constant 16 : i32
        %mul3A_461 = arith.muli %scan3A_337, %mul3A_460 : i32
        %add3A_462 = arith.constant 3 : i32
        %add3A_463 = arith.addi %mul3A_461, %add3A_462 : i32
        %broadcast_in_dim3A_464 = arith.constant 3 : i32
        %broadcast_in_dim3A_465 = vector.broadcast %broadcast_in_dim3A_464 : i32 to vector<16xi32>
        %lt3A_466 = arith.constant 0 : i32
        %lt3A_467 = vector.broadcast %lt3A_466 : i32 to vector<16xi32>
        %lt3A_468 = arith.cmpi slt, %broadcast_in_dim3A_465, %lt3A_467 : vector<16xi32>
        %add3A_469 = arith.constant 16 : i32
        %add3A_470 = vector.broadcast %add3A_469 : i32 to vector<16xi32>
        %add3A_471 = arith.addi %broadcast_in_dim3A_465, %add3A_470 : vector<16xi32>
        %select_n3A_472 = arith.select %lt3A_468, %add3A_471, %broadcast_in_dim3A_465 : vector<16xi1>, vector<16xi32>
        %broadcast_in_dim3A_473 = vector.shape_cast %select_n3A_472 : vector<16xi32> to vector<16x1xi32>
        %gather3A_474 = vector.shape_cast %broadcast_in_dim3A_473 : vector<16x1xi32> to vector<16xi32>
        %gather3A_475 = tpu.dynamic_gather %mul3A_356[%gather3A_474] in [0] : vector<16xi32>, vector<16xi32> -> vector<16xi32>
        %add3A_476 = arith.addi %gather3A_475, %add3A_39 : vector<16xi32>
        %gather3A_477 = tpu.vector_load_idx %arg8[%add3A_476] : memref<38400xf32, #tpu.memory_space<vmem>>[vector<16xi32>], vector<16xf32>,
        %swap3A_478 = arith.index_cast %add3A_463 : i32 to index
        %swap3A_479 = arith.constant 0 : index
        %swap3A_480 = tpu.vector_load %arg12[%swap3A_478, %swap3A_479] {strides = array<i32>} : memref<256x64xf32, #tpu.memory_space<vmem>>, vector<16xf32>,
        tpu.vector_store %arg12[%swap3A_478, %swap3A_479], %gather3A_477 {add = true, strides = array<i32>} : memref<256x64xf32, #tpu.memory_space<vmem>>, vector<16xf32>,
        %add3A_481 = arith.addi %gather3A_475, %add3A_42 : vector<16xi32>
        %gather3A_482 = tpu.vector_load_idx %arg8[%add3A_481] : memref<38400xf32, #tpu.memory_space<vmem>>[vector<16xi32>], vector<16xf32>,
        %swap3A_483 = arith.index_cast %add3A_463 : i32 to index
        %swap3A_484 = arith.constant 16 : index
        %swap3A_485 = tpu.vector_load %arg12[%swap3A_483, %swap3A_484] {strides = array<i32>} : memref<256x64xf32, #tpu.memory_space<vmem>>, vector<16xf32>,
        tpu.vector_store %arg12[%swap3A_483, %swap3A_484], %gather3A_482 {add = true, strides = array<i32>} : memref<256x64xf32, #tpu.memory_space<vmem>>, vector<16xf32>,
        %add3A_486 = arith.addi %gather3A_475, %add3A_45 : vector<16xi32>
        %gather3A_487 = tpu.vector_load_idx %arg8[%add3A_486] : memref<38400xf32, #tpu.memory_space<vmem>>[vector<16xi32>], vector<16xf32>,
        %swap3A_488 = arith.index_cast %add3A_463 : i32 to index
        %swap3A_489 = arith.constant 32 : index
        %swap3A_490 = tpu.vector_load %arg12[%swap3A_488, %swap3A_489] {strides = array<i32>} : memref<256x64xf32, #tpu.memory_space<vmem>>, vector<16xf32>,
        tpu.vector_store %arg12[%swap3A_488, %swap3A_489], %gather3A_487 {add = true, strides = array<i32>} : memref<256x64xf32, #tpu.memory_space<vmem>>, vector<16xf32>,
        %add3A_491 = arith.addi %gather3A_475, %add3A_48 : vector<16xi32>
        %gather3A_492 = tpu.vector_load_idx %arg8[%add3A_491] : memref<38400xf32, #tpu.memory_space<vmem>>[vector<16xi32>], vector<16xf32>,
        %swap3A_493 = arith.index_cast %add3A_463 : i32 to index
        %swap3A_494 = arith.constant 48 : index
        %swap3A_495 = tpu.vector_load %arg12[%swap3A_493, %swap3A_494] {strides = array<i32>} : memref<256x64xf32, #tpu.memory_space<vmem>>, vector<16xf32>,
        tpu.vector_store %arg12[%swap3A_493, %swap3A_494], %gather3A_492 {add = true, strides = array<i32>} : memref<256x64xf32, #tpu.memory_space<vmem>>, vector<16xf32>,
        %mul3A_496 = arith.constant 16 : i32
        %mul3A_497 = arith.muli %scan3A_337, %mul3A_496 : i32
        %add3A_498 = arith.constant 4 : i32
        %add3A_499 = arith.addi %mul3A_497, %add3A_498 : i32
        %broadcast_in_dim3A_500 = arith.constant 4 : i32
        %broadcast_in_dim3A_501 = vector.broadcast %broadcast_in_dim3A_500 : i32 to vector<16xi32>
        %lt3A_502 = arith.constant 0 : i32
        %lt3A_503 = vector.broadcast %lt3A_502 : i32 to vector<16xi32>
        %lt3A_504 = arith.cmpi slt, %broadcast_in_dim3A_501, %lt3A_503 : vector<16xi32>
        %add3A_505 = arith.constant 16 : i32
        %add3A_506 = vector.broadcast %add3A_505 : i32 to vector<16xi32>
        %add3A_507 = arith.addi %broadcast_in_dim3A_501, %add3A_506 : vector<16xi32>
        %select_n3A_508 = arith.select %lt3A_504, %add3A_507, %broadcast_in_dim3A_501 : vector<16xi1>, vector<16xi32>
        %broadcast_in_dim3A_509 = vector.shape_cast %select_n3A_508 : vector<16xi32> to vector<16x1xi32>
        %gather3A_510 = vector.shape_cast %broadcast_in_dim3A_509 : vector<16x1xi32> to vector<16xi32>
        %gather3A_511 = tpu.dynamic_gather %mul3A_356[%gather3A_510] in [0] : vector<16xi32>, vector<16xi32> -> vector<16xi32>
        %add3A_512 = arith.addi %gather3A_511, %add3A_39 : vector<16xi32>
        %gather3A_513 = tpu.vector_load_idx %arg8[%add3A_512] : memref<38400xf32, #tpu.memory_space<vmem>>[vector<16xi32>], vector<16xf32>,
        %swap3A_514 = arith.index_cast %add3A_499 : i32 to index
        %swap3A_515 = arith.constant 0 : index
        %swap3A_516 = tpu.vector_load %arg12[%swap3A_514, %swap3A_515] {strides = array<i32>} : memref<256x64xf32, #tpu.memory_space<vmem>>, vector<16xf32>,
        tpu.vector_store %arg12[%swap3A_514, %swap3A_515], %gather3A_513 {add = true, strides = array<i32>} : memref<256x64xf32, #tpu.memory_space<vmem>>, vector<16xf32>,
        %add3A_517 = arith.addi %gather3A_511, %add3A_42 : vector<16xi32>
        %gather3A_518 = tpu.vector_load_idx %arg8[%add3A_517] : memref<38400xf32, #tpu.memory_space<vmem>>[vector<16xi32>], vector<16xf32>,
        %swap3A_519 = arith.index_cast %add3A_499 : i32 to index
        %swap3A_520 = arith.constant 16 : index
        %swap3A_521 = tpu.vector_load %arg12[%swap3A_519, %swap3A_520] {strides = array<i32>} : memref<256x64xf32, #tpu.memory_space<vmem>>, vector<16xf32>,
        tpu.vector_store %arg12[%swap3A_519, %swap3A_520], %gather3A_518 {add = true, strides = array<i32>} : memref<256x64xf32, #tpu.memory_space<vmem>>, vector<16xf32>,
        %add3A_522 = arith.addi %gather3A_511, %add3A_45 : vector<16xi32>
        %gather3A_523 = tpu.vector_load_idx %arg8[%add3A_522] : memref<38400xf32, #tpu.memory_space<vmem>>[vector<16xi32>], vector<16xf32>,
        %swap3A_524 = arith.index_cast %add3A_499 : i32 to index
        %swap3A_525 = arith.constant 32 : index
        %swap3A_526 = tpu.vector_load %arg12[%swap3A_524, %swap3A_525] {strides = array<i32>} : memref<256x64xf32, #tpu.memory_space<vmem>>, vector<16xf32>,
        tpu.vector_store %arg12[%swap3A_524, %swap3A_525], %gather3A_523 {add = true, strides = array<i32>} : memref<256x64xf32, #tpu.memory_space<vmem>>, vector<16xf32>,
        %add3A_527 = arith.addi %gather3A_511, %add3A_48 : vector<16xi32>
        %gather3A_528 = tpu.vector_load_idx %arg8[%add3A_527] : memref<38400xf32, #tpu.memory_space<vmem>>[vector<16xi32>], vector<16xf32>,
        %swap3A_529 = arith.index_cast %add3A_499 : i32 to index
        %swap3A_530 = arith.constant 48 : index
        %swap3A_531 = tpu.vector_load %arg12[%swap3A_529, %swap3A_530] {strides = array<i32>} : memref<256x64xf32, #tpu.memory_space<vmem>>, vector<16xf32>,
        tpu.vector_store %arg12[%swap3A_529, %swap3A_530], %gather3A_528 {add = true, strides = array<i32>} : memref<256x64xf32, #tpu.memory_space<vmem>>, vector<16xf32>,
        %mul3A_532 = arith.constant 16 : i32
        %mul3A_533 = arith.muli %scan3A_337, %mul3A_532 : i32
        %add3A_534 = arith.constant 5 : i32
        %add3A_535 = arith.addi %mul3A_533, %add3A_534 : i32
        %broadcast_in_dim3A_536 = arith.constant 5 : i32
        %broadcast_in_dim3A_537 = vector.broadcast %broadcast_in_dim3A_536 : i32 to vector<16xi32>
        %lt3A_538 = arith.constant 0 : i32
        %lt3A_539 = vector.broadcast %lt3A_538 : i32 to vector<16xi32>
        %lt3A_540 = arith.cmpi slt, %broadcast_in_dim3A_537, %lt3A_539 : vector<16xi32>
        %add3A_541 = arith.constant 16 : i32
        %add3A_542 = vector.broadcast %add3A_541 : i32 to vector<16xi32>
        %add3A_543 = arith.addi %broadcast_in_dim3A_537, %add3A_542 : vector<16xi32>
        %select_n3A_544 = arith.select %lt3A_540, %add3A_543, %broadcast_in_dim3A_537 : vector<16xi1>, vector<16xi32>
        %broadcast_in_dim3A_545 = vector.shape_cast %select_n3A_544 : vector<16xi32> to vector<16x1xi32>
        %gather3A_546 = vector.shape_cast %broadcast_in_dim3A_545 : vector<16x1xi32> to vector<16xi32>
        %gather3A_547 = tpu.dynamic_gather %mul3A_356[%gather3A_546] in [0] : vector<16xi32>, vector<16xi32> -> vector<16xi32>
        %add3A_548 = arith.addi %gather3A_547, %add3A_39 : vector<16xi32>
        %gather3A_549 = tpu.vector_load_idx %arg8[%add3A_548] : memref<38400xf32, #tpu.memory_space<vmem>>[vector<16xi32>], vector<16xf32>,
        %swap3A_550 = arith.index_cast %add3A_535 : i32 to index
        %swap3A_551 = arith.constant 0 : index
        %swap3A_552 = tpu.vector_load %arg12[%swap3A_550, %swap3A_551] {strides = array<i32>} : memref<256x64xf32, #tpu.memory_space<vmem>>, vector<16xf32>,
        tpu.vector_store %arg12[%swap3A_550, %swap3A_551], %gather3A_549 {add = true, strides = array<i32>} : memref<256x64xf32, #tpu.memory_space<vmem>>, vector<16xf32>,
        %add3A_553 = arith.addi %gather3A_547, %add3A_42 : vector<16xi32>
        %gather3A_554 = tpu.vector_load_idx %arg8[%add3A_553] : memref<38400xf32, #tpu.memory_space<vmem>>[vector<16xi32>], vector<16xf32>,
        %swap3A_555 = arith.index_cast %add3A_535 : i32 to index
        %swap3A_556 = arith.constant 16 : index
        %swap3A_557 = tpu.vector_load %arg12[%swap3A_555, %swap3A_556] {strides = array<i32>} : memref<256x64xf32, #tpu.memory_space<vmem>>, vector<16xf32>,
        tpu.vector_store %arg12[%swap3A_555, %swap3A_556], %gather3A_554 {add = true, strides = array<i32>} : memref<256x64xf32, #tpu.memory_space<vmem>>, vector<16xf32>,
        %add3A_558 = arith.addi %gather3A_547, %add3A_45 : vector<16xi32>
        %gather3A_559 = tpu.vector_load_idx %arg8[%add3A_558] : memref<38400xf32, #tpu.memory_space<vmem>>[vector<16xi32>], vector<16xf32>,
        %swap3A_560 = arith.index_cast %add3A_535 : i32 to index
        %swap3A_561 = arith.constant 32 : index
        %swap3A_562 = tpu.vector_load %arg12[%swap3A_560, %swap3A_561] {strides = array<i32>} : memref<256x64xf32, #tpu.memory_space<vmem>>, vector<16xf32>,
        tpu.vector_store %arg12[%swap3A_560, %swap3A_561], %gather3A_559 {add = true, strides = array<i32>} : memref<256x64xf32, #tpu.memory_space<vmem>>, vector<16xf32>,
        %add3A_563 = arith.addi %gather3A_547, %add3A_48 : vector<16xi32>
        %gather3A_564 = tpu.vector_load_idx %arg8[%add3A_563] : memref<38400xf32, #tpu.memory_space<vmem>>[vector<16xi32>], vector<16xf32>,
        %swap3A_565 = arith.index_cast %add3A_535 : i32 to index
        %swap3A_566 = arith.constant 48 : index
        %swap3A_567 = tpu.vector_load %arg12[%swap3A_565, %swap3A_566] {strides = array<i32>} : memref<256x64xf32, #tpu.memory_space<vmem>>, vector<16xf32>,
        tpu.vector_store %arg12[%swap3A_565, %swap3A_566], %gather3A_564 {add = true, strides = array<i32>} : memref<256x64xf32, #tpu.memory_space<vmem>>, vector<16xf32>,
        %mul3A_568 = arith.constant 16 : i32
        %mul3A_569 = arith.muli %scan3A_337, %mul3A_568 : i32
        %add3A_570 = arith.constant 6 : i32
        %add3A_571 = arith.addi %mul3A_569, %add3A_570 : i32
        %broadcast_in_dim3A_572 = arith.constant 6 : i32
        %broadcast_in_dim3A_573 = vector.broadcast %broadcast_in_dim3A_572 : i32 to vector<16xi32>
        %lt3A_574 = arith.constant 0 : i32
        %lt3A_575 = vector.broadcast %lt3A_574 : i32 to vector<16xi32>
        %lt3A_576 = arith.cmpi slt, %broadcast_in_dim3A_573, %lt3A_575 : vector<16xi32>
        %add3A_577 = arith.constant 16 : i32
        %add3A_578 = vector.broadcast %add3A_577 : i32 to vector<16xi32>
        %add3A_579 = arith.addi %broadcast_in_dim3A_573, %add3A_578 : vector<16xi32>
        %select_n3A_580 = arith.select %lt3A_576, %add3A_579, %broadcast_in_dim3A_573 : vector<16xi1>, vector<16xi32>
        %broadcast_in_dim3A_581 = vector.shape_cast %select_n3A_580 : vector<16xi32> to vector<16x1xi32>
        %gather3A_582 = vector.shape_cast %broadcast_in_dim3A_581 : vector<16x1xi32> to vector<16xi32>
        %gather3A_583 = tpu.dynamic_gather %mul3A_356[%gather3A_582] in [0] : vector<16xi32>, vector<16xi32> -> vector<16xi32>
        %add3A_584 = arith.addi %gather3A_583, %add3A_39 : vector<16xi32>
        %gather3A_585 = tpu.vector_load_idx %arg8[%add3A_584] : memref<38400xf32, #tpu.memory_space<vmem>>[vector<16xi32>], vector<16xf32>,
        %swap3A_586 = arith.index_cast %add3A_571 : i32 to index
        %swap3A_587 = arith.constant 0 : index
        %swap3A_588 = tpu.vector_load %arg12[%swap3A_586, %swap3A_587] {strides = array<i32>} : memref<256x64xf32, #tpu.memory_space<vmem>>, vector<16xf32>,
        tpu.vector_store %arg12[%swap3A_586, %swap3A_587], %gather3A_585 {add = true, strides = array<i32>} : memref<256x64xf32, #tpu.memory_space<vmem>>, vector<16xf32>,
        %add3A_589 = arith.addi %gather3A_583, %add3A_42 : vector<16xi32>
        %gather3A_590 = tpu.vector_load_idx %arg8[%add3A_589] : memref<38400xf32, #tpu.memory_space<vmem>>[vector<16xi32>], vector<16xf32>,
        %swap3A_591 = arith.index_cast %add3A_571 : i32 to index
        %swap3A_592 = arith.constant 16 : index
        %swap3A_593 = tpu.vector_load %arg12[%swap3A_591, %swap3A_592] {strides = array<i32>} : memref<256x64xf32, #tpu.memory_space<vmem>>, vector<16xf32>,
        tpu.vector_store %arg12[%swap3A_591, %swap3A_592], %gather3A_590 {add = true, strides = array<i32>} : memref<256x64xf32, #tpu.memory_space<vmem>>, vector<16xf32>,
        %add3A_594 = arith.addi %gather3A_583, %add3A_45 : vector<16xi32>
        %gather3A_595 = tpu.vector_load_idx %arg8[%add3A_594] : memref<38400xf32, #tpu.memory_space<vmem>>[vector<16xi32>], vector<16xf32>,
        %swap3A_596 = arith.index_cast %add3A_571 : i32 to index
        %swap3A_597 = arith.constant 32 : index
        %swap3A_598 = tpu.vector_load %arg12[%swap3A_596, %swap3A_597] {strides = array<i32>} : memref<256x64xf32, #tpu.memory_space<vmem>>, vector<16xf32>,
        tpu.vector_store %arg12[%swap3A_596, %swap3A_597], %gather3A_595 {add = true, strides = array<i32>} : memref<256x64xf32, #tpu.memory_space<vmem>>, vector<16xf32>,
        %add3A_599 = arith.addi %gather3A_583, %add3A_48 : vector<16xi32>
        %gather3A_600 = tpu.vector_load_idx %arg8[%add3A_599] : memref<38400xf32, #tpu.memory_space<vmem>>[vector<16xi32>], vector<16xf32>,
        %swap3A_601 = arith.index_cast %add3A_571 : i32 to index
        %swap3A_602 = arith.constant 48 : index
        %swap3A_603 = tpu.vector_load %arg12[%swap3A_601, %swap3A_602] {strides = array<i32>} : memref<256x64xf32, #tpu.memory_space<vmem>>, vector<16xf32>,
        tpu.vector_store %arg12[%swap3A_601, %swap3A_602], %gather3A_600 {add = true, strides = array<i32>} : memref<256x64xf32, #tpu.memory_space<vmem>>, vector<16xf32>,
        %mul3A_604 = arith.constant 16 : i32
        %mul3A_605 = arith.muli %scan3A_337, %mul3A_604 : i32
        %add3A_606 = arith.constant 7 : i32
        %add3A_607 = arith.addi %mul3A_605, %add3A_606 : i32
        %broadcast_in_dim3A_608 = arith.constant 7 : i32
        %broadcast_in_dim3A_609 = vector.broadcast %broadcast_in_dim3A_608 : i32 to vector<16xi32>
        %lt3A_610 = arith.constant 0 : i32
        %lt3A_611 = vector.broadcast %lt3A_610 : i32 to vector<16xi32>
        %lt3A_612 = arith.cmpi slt, %broadcast_in_dim3A_609, %lt3A_611 : vector<16xi32>
        %add3A_613 = arith.constant 16 : i32
        %add3A_614 = vector.broadcast %add3A_613 : i32 to vector<16xi32>
        %add3A_615 = arith.addi %broadcast_in_dim3A_609, %add3A_614 : vector<16xi32>
        %select_n3A_616 = arith.select %lt3A_612, %add3A_615, %broadcast_in_dim3A_609 : vector<16xi1>, vector<16xi32>
        %broadcast_in_dim3A_617 = vector.shape_cast %select_n3A_616 : vector<16xi32> to vector<16x1xi32>
        %gather3A_618 = vector.shape_cast %broadcast_in_dim3A_617 : vector<16x1xi32> to vector<16xi32>
        %gather3A_619 = tpu.dynamic_gather %mul3A_356[%gather3A_618] in [0] : vector<16xi32>, vector<16xi32> -> vector<16xi32>
        %add3A_620 = arith.addi %gather3A_619, %add3A_39 : vector<16xi32>
        %gather3A_621 = tpu.vector_load_idx %arg8[%add3A_620] : memref<38400xf32, #tpu.memory_space<vmem>>[vector<16xi32>], vector<16xf32>,
        %swap3A_622 = arith.index_cast %add3A_607 : i32 to index
        %swap3A_623 = arith.constant 0 : index
        %swap3A_624 = tpu.vector_load %arg12[%swap3A_622, %swap3A_623] {strides = array<i32>} : memref<256x64xf32, #tpu.memory_space<vmem>>, vector<16xf32>,
        tpu.vector_store %arg12[%swap3A_622, %swap3A_623], %gather3A_621 {add = true, strides = array<i32>} : memref<256x64xf32, #tpu.memory_space<vmem>>, vector<16xf32>,
        %add3A_625 = arith.addi %gather3A_619, %add3A_42 : vector<16xi32>
        %gather3A_626 = tpu.vector_load_idx %arg8[%add3A_625] : memref<38400xf32, #tpu.memory_space<vmem>>[vector<16xi32>], vector<16xf32>,
        %swap3A_627 = arith.index_cast %add3A_607 : i32 to index
        %swap3A_628 = arith.constant 16 : index
        %swap3A_629 = tpu.vector_load %arg12[%swap3A_627, %swap3A_628] {strides = array<i32>} : memref<256x64xf32, #tpu.memory_space<vmem>>, vector<16xf32>,
        tpu.vector_store %arg12[%swap3A_627, %swap3A_628], %gather3A_626 {add = true, strides = array<i32>} : memref<256x64xf32, #tpu.memory_space<vmem>>, vector<16xf32>,
        %add3A_630 = arith.addi %gather3A_619, %add3A_45 : vector<16xi32>
        %gather3A_631 = tpu.vector_load_idx %arg8[%add3A_630] : memref<38400xf32, #tpu.memory_space<vmem>>[vector<16xi32>], vector<16xf32>,
        %swap3A_632 = arith.index_cast %add3A_607 : i32 to index
        %swap3A_633 = arith.constant 32 : index
        %swap3A_634 = tpu.vector_load %arg12[%swap3A_632, %swap3A_633] {strides = array<i32>} : memref<256x64xf32, #tpu.memory_space<vmem>>, vector<16xf32>,
        tpu.vector_store %arg12[%swap3A_632, %swap3A_633], %gather3A_631 {add = true, strides = array<i32>} : memref<256x64xf32, #tpu.memory_space<vmem>>, vector<16xf32>,
        %add3A_635 = arith.addi %gather3A_619, %add3A_48 : vector<16xi32>
        %gather3A_636 = tpu.vector_load_idx %arg8[%add3A_635] : memref<38400xf32, #tpu.memory_space<vmem>>[vector<16xi32>], vector<16xf32>,
        %swap3A_637 = arith.index_cast %add3A_607 : i32 to index
        %swap3A_638 = arith.constant 48 : index
        %swap3A_639 = tpu.vector_load %arg12[%swap3A_637, %swap3A_638] {strides = array<i32>} : memref<256x64xf32, #tpu.memory_space<vmem>>, vector<16xf32>,
        tpu.vector_store %arg12[%swap3A_637, %swap3A_638], %gather3A_636 {add = true, strides = array<i32>} : memref<256x64xf32, #tpu.memory_space<vmem>>, vector<16xf32>,
        %mul3A_640 = arith.constant 16 : i32
        %mul3A_641 = arith.muli %scan3A_337, %mul3A_640 : i32
        %add3A_642 = arith.constant 8 : i32
        %add3A_643 = arith.addi %mul3A_641, %add3A_642 : i32
        %broadcast_in_dim3A_644 = arith.constant 8 : i32
        %broadcast_in_dim3A_645 = vector.broadcast %broadcast_in_dim3A_644 : i32 to vector<16xi32>
        %lt3A_646 = arith.constant 0 : i32
        %lt3A_647 = vector.broadcast %lt3A_646 : i32 to vector<16xi32>
        %lt3A_648 = arith.cmpi slt, %broadcast_in_dim3A_645, %lt3A_647 : vector<16xi32>
        %add3A_649 = arith.constant 16 : i32
        %add3A_650 = vector.broadcast %add3A_649 : i32 to vector<16xi32>
        %add3A_651 = arith.addi %broadcast_in_dim3A_645, %add3A_650 : vector<16xi32>
        %select_n3A_652 = arith.select %lt3A_648, %add3A_651, %broadcast_in_dim3A_645 : vector<16xi1>, vector<16xi32>
        %broadcast_in_dim3A_653 = vector.shape_cast %select_n3A_652 : vector<16xi32> to vector<16x1xi32>
        %gather3A_654 = vector.shape_cast %broadcast_in_dim3A_653 : vector<16x1xi32> to vector<16xi32>
        %gather3A_655 = tpu.dynamic_gather %mul3A_356[%gather3A_654] in [0] : vector<16xi32>, vector<16xi32> -> vector<16xi32>
        %add3A_656 = arith.addi %gather3A_655, %add3A_39 : vector<16xi32>
        %gather3A_657 = tpu.vector_load_idx %arg8[%add3A_656] : memref<38400xf32, #tpu.memory_space<vmem>>[vector<16xi32>], vector<16xf32>,
        %swap3A_658 = arith.index_cast %add3A_643 : i32 to index
        %swap3A_659 = arith.constant 0 : index
        %swap3A_660 = tpu.vector_load %arg12[%swap3A_658, %swap3A_659] {strides = array<i32>} : memref<256x64xf32, #tpu.memory_space<vmem>>, vector<16xf32>,
        tpu.vector_store %arg12[%swap3A_658, %swap3A_659], %gather3A_657 {add = true, strides = array<i32>} : memref<256x64xf32, #tpu.memory_space<vmem>>, vector<16xf32>,
        %add3A_661 = arith.addi %gather3A_655, %add3A_42 : vector<16xi32>
        %gather3A_662 = tpu.vector_load_idx %arg8[%add3A_661] : memref<38400xf32, #tpu.memory_space<vmem>>[vector<16xi32>], vector<16xf32>,
        %swap3A_663 = arith.index_cast %add3A_643 : i32 to index
        %swap3A_664 = arith.constant 16 : index
        %swap3A_665 = tpu.vector_load %arg12[%swap3A_663, %swap3A_664] {strides = array<i32>} : memref<256x64xf32, #tpu.memory_space<vmem>>, vector<16xf32>,
        tpu.vector_store %arg12[%swap3A_663, %swap3A_664], %gather3A_662 {add = true, strides = array<i32>} : memref<256x64xf32, #tpu.memory_space<vmem>>, vector<16xf32>,
        %add3A_666 = arith.addi %gather3A_655, %add3A_45 : vector<16xi32>
        %gather3A_667 = tpu.vector_load_idx %arg8[%add3A_666] : memref<38400xf32, #tpu.memory_space<vmem>>[vector<16xi32>], vector<16xf32>,
        %swap3A_668 = arith.index_cast %add3A_643 : i32 to index
        %swap3A_669 = arith.constant 32 : index
        %swap3A_670 = tpu.vector_load %arg12[%swap3A_668, %swap3A_669] {strides = array<i32>} : memref<256x64xf32, #tpu.memory_space<vmem>>, vector<16xf32>,
        tpu.vector_store %arg12[%swap3A_668, %swap3A_669], %gather3A_667 {add = true, strides = array<i32>} : memref<256x64xf32, #tpu.memory_space<vmem>>, vector<16xf32>,
        %add3A_671 = arith.addi %gather3A_655, %add3A_48 : vector<16xi32>
        %gather3A_672 = tpu.vector_load_idx %arg8[%add3A_671] : memref<38400xf32, #tpu.memory_space<vmem>>[vector<16xi32>], vector<16xf32>,
        %swap3A_673 = arith.index_cast %add3A_643 : i32 to index
        %swap3A_674 = arith.constant 48 : index
        %swap3A_675 = tpu.vector_load %arg12[%swap3A_673, %swap3A_674] {strides = array<i32>} : memref<256x64xf32, #tpu.memory_space<vmem>>, vector<16xf32>,
        tpu.vector_store %arg12[%swap3A_673, %swap3A_674], %gather3A_672 {add = true, strides = array<i32>} : memref<256x64xf32, #tpu.memory_space<vmem>>, vector<16xf32>,
        %mul3A_676 = arith.constant 16 : i32
        %mul3A_677 = arith.muli %scan3A_337, %mul3A_676 : i32
        %add3A_678 = arith.constant 9 : i32
        %add3A_679 = arith.addi %mul3A_677, %add3A_678 : i32
        %broadcast_in_dim3A_680 = arith.constant 9 : i32
        %broadcast_in_dim3A_681 = vector.broadcast %broadcast_in_dim3A_680 : i32 to vector<16xi32>
        %lt3A_682 = arith.constant 0 : i32
        %lt3A_683 = vector.broadcast %lt3A_682 : i32 to vector<16xi32>
        %lt3A_684 = arith.cmpi slt, %broadcast_in_dim3A_681, %lt3A_683 : vector<16xi32>
        %add3A_685 = arith.constant 16 : i32
        %add3A_686 = vector.broadcast %add3A_685 : i32 to vector<16xi32>
        %add3A_687 = arith.addi %broadcast_in_dim3A_681, %add3A_686 : vector<16xi32>
        %select_n3A_688 = arith.select %lt3A_684, %add3A_687, %broadcast_in_dim3A_681 : vector<16xi1>, vector<16xi32>
        %broadcast_in_dim3A_689 = vector.shape_cast %select_n3A_688 : vector<16xi32> to vector<16x1xi32>
        %gather3A_690 = vector.shape_cast %broadcast_in_dim3A_689 : vector<16x1xi32> to vector<16xi32>
        %gather3A_691 = tpu.dynamic_gather %mul3A_356[%gather3A_690] in [0] : vector<16xi32>, vector<16xi32> -> vector<16xi32>
        %add3A_692 = arith.addi %gather3A_691, %add3A_39 : vector<16xi32>
        %gather3A_693 = tpu.vector_load_idx %arg8[%add3A_692] : memref<38400xf32, #tpu.memory_space<vmem>>[vector<16xi32>], vector<16xf32>,
        %swap3A_694 = arith.index_cast %add3A_679 : i32 to index
        %swap3A_695 = arith.constant 0 : index
        %swap3A_696 = tpu.vector_load %arg12[%swap3A_694, %swap3A_695] {strides = array<i32>} : memref<256x64xf32, #tpu.memory_space<vmem>>, vector<16xf32>,
        tpu.vector_store %arg12[%swap3A_694, %swap3A_695], %gather3A_693 {add = true, strides = array<i32>} : memref<256x64xf32, #tpu.memory_space<vmem>>, vector<16xf32>,
        %add3A_697 = arith.addi %gather3A_691, %add3A_42 : vector<16xi32>
        %gather3A_698 = tpu.vector_load_idx %arg8[%add3A_697] : memref<38400xf32, #tpu.memory_space<vmem>>[vector<16xi32>], vector<16xf32>,
        %swap3A_699 = arith.index_cast %add3A_679 : i32 to index
        %swap3A_700 = arith.constant 16 : index
        %swap3A_701 = tpu.vector_load %arg12[%swap3A_699, %swap3A_700] {strides = array<i32>} : memref<256x64xf32, #tpu.memory_space<vmem>>, vector<16xf32>,
        tpu.vector_store %arg12[%swap3A_699, %swap3A_700], %gather3A_698 {add = true, strides = array<i32>} : memref<256x64xf32, #tpu.memory_space<vmem>>, vector<16xf32>,
        %add3A_702 = arith.addi %gather3A_691, %add3A_45 : vector<16xi32>
        %gather3A_703 = tpu.vector_load_idx %arg8[%add3A_702] : memref<38400xf32, #tpu.memory_space<vmem>>[vector<16xi32>], vector<16xf32>,
        %swap3A_704 = arith.index_cast %add3A_679 : i32 to index
        %swap3A_705 = arith.constant 32 : index
        %swap3A_706 = tpu.vector_load %arg12[%swap3A_704, %swap3A_705] {strides = array<i32>} : memref<256x64xf32, #tpu.memory_space<vmem>>, vector<16xf32>,
        tpu.vector_store %arg12[%swap3A_704, %swap3A_705], %gather3A_703 {add = true, strides = array<i32>} : memref<256x64xf32, #tpu.memory_space<vmem>>, vector<16xf32>,
        %add3A_707 = arith.addi %gather3A_691, %add3A_48 : vector<16xi32>
        %gather3A_708 = tpu.vector_load_idx %arg8[%add3A_707] : memref<38400xf32, #tpu.memory_space<vmem>>[vector<16xi32>], vector<16xf32>,
        %swap3A_709 = arith.index_cast %add3A_679 : i32 to index
        %swap3A_710 = arith.constant 48 : index
        %swap3A_711 = tpu.vector_load %arg12[%swap3A_709, %swap3A_710] {strides = array<i32>} : memref<256x64xf32, #tpu.memory_space<vmem>>, vector<16xf32>,
        tpu.vector_store %arg12[%swap3A_709, %swap3A_710], %gather3A_708 {add = true, strides = array<i32>} : memref<256x64xf32, #tpu.memory_space<vmem>>, vector<16xf32>,
        %mul3A_712 = arith.constant 16 : i32
        %mul3A_713 = arith.muli %scan3A_337, %mul3A_712 : i32
        %add3A_714 = arith.constant 10 : i32
        %add3A_715 = arith.addi %mul3A_713, %add3A_714 : i32
        %broadcast_in_dim3A_716 = arith.constant 10 : i32
        %broadcast_in_dim3A_717 = vector.broadcast %broadcast_in_dim3A_716 : i32 to vector<16xi32>
        %lt3A_718 = arith.constant 0 : i32
        %lt3A_719 = vector.broadcast %lt3A_718 : i32 to vector<16xi32>
        %lt3A_720 = arith.cmpi slt, %broadcast_in_dim3A_717, %lt3A_719 : vector<16xi32>
        %add3A_721 = arith.constant 16 : i32
        %add3A_722 = vector.broadcast %add3A_721 : i32 to vector<16xi32>
        %add3A_723 = arith.addi %broadcast_in_dim3A_717, %add3A_722 : vector<16xi32>
        %select_n3A_724 = arith.select %lt3A_720, %add3A_723, %broadcast_in_dim3A_717 : vector<16xi1>, vector<16xi32>
        %broadcast_in_dim3A_725 = vector.shape_cast %select_n3A_724 : vector<16xi32> to vector<16x1xi32>
        %gather3A_726 = vector.shape_cast %broadcast_in_dim3A_725 : vector<16x1xi32> to vector<16xi32>
        %gather3A_727 = tpu.dynamic_gather %mul3A_356[%gather3A_726] in [0] : vector<16xi32>, vector<16xi32> -> vector<16xi32>
        %add3A_728 = arith.addi %gather3A_727, %add3A_39 : vector<16xi32>
        %gather3A_729 = tpu.vector_load_idx %arg8[%add3A_728] : memref<38400xf32, #tpu.memory_space<vmem>>[vector<16xi32>], vector<16xf32>,
        %swap3A_730 = arith.index_cast %add3A_715 : i32 to index
        %swap3A_731 = arith.constant 0 : index
        %swap3A_732 = tpu.vector_load %arg12[%swap3A_730, %swap3A_731] {strides = array<i32>} : memref<256x64xf32, #tpu.memory_space<vmem>>, vector<16xf32>,
        tpu.vector_store %arg12[%swap3A_730, %swap3A_731], %gather3A_729 {add = true, strides = array<i32>} : memref<256x64xf32, #tpu.memory_space<vmem>>, vector<16xf32>,
        %add3A_733 = arith.addi %gather3A_727, %add3A_42 : vector<16xi32>
        %gather3A_734 = tpu.vector_load_idx %arg8[%add3A_733] : memref<38400xf32, #tpu.memory_space<vmem>>[vector<16xi32>], vector<16xf32>,
        %swap3A_735 = arith.index_cast %add3A_715 : i32 to index
        %swap3A_736 = arith.constant 16 : index
        %swap3A_737 = tpu.vector_load %arg12[%swap3A_735, %swap3A_736] {strides = array<i32>} : memref<256x64xf32, #tpu.memory_space<vmem>>, vector<16xf32>,
        tpu.vector_store %arg12[%swap3A_735, %swap3A_736], %gather3A_734 {add = true, strides = array<i32>} : memref<256x64xf32, #tpu.memory_space<vmem>>, vector<16xf32>,
        %add3A_738 = arith.addi %gather3A_727, %add3A_45 : vector<16xi32>
        %gather3A_739 = tpu.vector_load_idx %arg8[%add3A_738] : memref<38400xf32, #tpu.memory_space<vmem>>[vector<16xi32>], vector<16xf32>,
        %swap3A_740 = arith.index_cast %add3A_715 : i32 to index
        %swap3A_741 = arith.constant 32 : index
        %swap3A_742 = tpu.vector_load %arg12[%swap3A_740, %swap3A_741] {strides = array<i32>} : memref<256x64xf32, #tpu.memory_space<vmem>>, vector<16xf32>,
        tpu.vector_store %arg12[%swap3A_740, %swap3A_741], %gather3A_739 {add = true, strides = array<i32>} : memref<256x64xf32, #tpu.memory_space<vmem>>, vector<16xf32>,
        %add3A_743 = arith.addi %gather3A_727, %add3A_48 : vector<16xi32>
        %gather3A_744 = tpu.vector_load_idx %arg8[%add3A_743] : memref<38400xf32, #tpu.memory_space<vmem>>[vector<16xi32>], vector<16xf32>,
        %swap3A_745 = arith.index_cast %add3A_715 : i32 to index
        %swap3A_746 = arith.constant 48 : index
        %swap3A_747 = tpu.vector_load %arg12[%swap3A_745, %swap3A_746] {strides = array<i32>} : memref<256x64xf32, #tpu.memory_space<vmem>>, vector<16xf32>,
        tpu.vector_store %arg12[%swap3A_745, %swap3A_746], %gather3A_744 {add = true, strides = array<i32>} : memref<256x64xf32, #tpu.memory_space<vmem>>, vector<16xf32>,
        %mul3A_748 = arith.constant 16 : i32
        %mul3A_749 = arith.muli %scan3A_337, %mul3A_748 : i32
        %add3A_750 = arith.constant 11 : i32
        %add3A_751 = arith.addi %mul3A_749, %add3A_750 : i32
        %broadcast_in_dim3A_752 = arith.constant 11 : i32
        %broadcast_in_dim3A_753 = vector.broadcast %broadcast_in_dim3A_752 : i32 to vector<16xi32>
        %lt3A_754 = arith.constant 0 : i32
        %lt3A_755 = vector.broadcast %lt3A_754 : i32 to vector<16xi32>
        %lt3A_756 = arith.cmpi slt, %broadcast_in_dim3A_753, %lt3A_755 : vector<16xi32>
        %add3A_757 = arith.constant 16 : i32
        %add3A_758 = vector.broadcast %add3A_757 : i32 to vector<16xi32>
        %add3A_759 = arith.addi %broadcast_in_dim3A_753, %add3A_758 : vector<16xi32>
        %select_n3A_760 = arith.select %lt3A_756, %add3A_759, %broadcast_in_dim3A_753 : vector<16xi1>, vector<16xi32>
        %broadcast_in_dim3A_761 = vector.shape_cast %select_n3A_760 : vector<16xi32> to vector<16x1xi32>
        %gather3A_762 = vector.shape_cast %broadcast_in_dim3A_761 : vector<16x1xi32> to vector<16xi32>
        %gather3A_763 = tpu.dynamic_gather %mul3A_356[%gather3A_762] in [0] : vector<16xi32>, vector<16xi32> -> vector<16xi32>
        %add3A_764 = arith.addi %gather3A_763, %add3A_39 : vector<16xi32>
        %gather3A_765 = tpu.vector_load_idx %arg8[%add3A_764] : memref<38400xf32, #tpu.memory_space<vmem>>[vector<16xi32>], vector<16xf32>,
        %swap3A_766 = arith.index_cast %add3A_751 : i32 to index
        %swap3A_767 = arith.constant 0 : index
        %swap3A_768 = tpu.vector_load %arg12[%swap3A_766, %swap3A_767] {strides = array<i32>} : memref<256x64xf32, #tpu.memory_space<vmem>>, vector<16xf32>,
        tpu.vector_store %arg12[%swap3A_766, %swap3A_767], %gather3A_765 {add = true, strides = array<i32>} : memref<256x64xf32, #tpu.memory_space<vmem>>, vector<16xf32>,
        %add3A_769 = arith.addi %gather3A_763, %add3A_42 : vector<16xi32>
        %gather3A_770 = tpu.vector_load_idx %arg8[%add3A_769] : memref<38400xf32, #tpu.memory_space<vmem>>[vector<16xi32>], vector<16xf32>,
        %swap3A_771 = arith.index_cast %add3A_751 : i32 to index
        %swap3A_772 = arith.constant 16 : index
        %swap3A_773 = tpu.vector_load %arg12[%swap3A_771, %swap3A_772] {strides = array<i32>} : memref<256x64xf32, #tpu.memory_space<vmem>>, vector<16xf32>,
        tpu.vector_store %arg12[%swap3A_771, %swap3A_772], %gather3A_770 {add = true, strides = array<i32>} : memref<256x64xf32, #tpu.memory_space<vmem>>, vector<16xf32>,
        %add3A_774 = arith.addi %gather3A_763, %add3A_45 : vector<16xi32>
        %gather3A_775 = tpu.vector_load_idx %arg8[%add3A_774] : memref<38400xf32, #tpu.memory_space<vmem>>[vector<16xi32>], vector<16xf32>,
        %swap3A_776 = arith.index_cast %add3A_751 : i32 to index
        %swap3A_777 = arith.constant 32 : index
        %swap3A_778 = tpu.vector_load %arg12[%swap3A_776, %swap3A_777] {strides = array<i32>} : memref<256x64xf32, #tpu.memory_space<vmem>>, vector<16xf32>,
        tpu.vector_store %arg12[%swap3A_776, %swap3A_777], %gather3A_775 {add = true, strides = array<i32>} : memref<256x64xf32, #tpu.memory_space<vmem>>, vector<16xf32>,
        %add3A_779 = arith.addi %gather3A_763, %add3A_48 : vector<16xi32>
        %gather3A_780 = tpu.vector_load_idx %arg8[%add3A_779] : memref<38400xf32, #tpu.memory_space<vmem>>[vector<16xi32>], vector<16xf32>,
        %swap3A_781 = arith.index_cast %add3A_751 : i32 to index
        %swap3A_782 = arith.constant 48 : index
        %swap3A_783 = tpu.vector_load %arg12[%swap3A_781, %swap3A_782] {strides = array<i32>} : memref<256x64xf32, #tpu.memory_space<vmem>>, vector<16xf32>,
        tpu.vector_store %arg12[%swap3A_781, %swap3A_782], %gather3A_780 {add = true, strides = array<i32>} : memref<256x64xf32, #tpu.memory_space<vmem>>, vector<16xf32>,
        %mul3A_784 = arith.constant 16 : i32
        %mul3A_785 = arith.muli %scan3A_337, %mul3A_784 : i32
        %add3A_786 = arith.constant 12 : i32
        %add3A_787 = arith.addi %mul3A_785, %add3A_786 : i32
        %broadcast_in_dim3A_788 = arith.constant 12 : i32
        %broadcast_in_dim3A_789 = vector.broadcast %broadcast_in_dim3A_788 : i32 to vector<16xi32>
        %lt3A_790 = arith.constant 0 : i32
        %lt3A_791 = vector.broadcast %lt3A_790 : i32 to vector<16xi32>
        %lt3A_792 = arith.cmpi slt, %broadcast_in_dim3A_789, %lt3A_791 : vector<16xi32>
        %add3A_793 = arith.constant 16 : i32
        %add3A_794 = vector.broadcast %add3A_793 : i32 to vector<16xi32>
        %add3A_795 = arith.addi %broadcast_in_dim3A_789, %add3A_794 : vector<16xi32>
        %select_n3A_796 = arith.select %lt3A_792, %add3A_795, %broadcast_in_dim3A_789 : vector<16xi1>, vector<16xi32>
        %broadcast_in_dim3A_797 = vector.shape_cast %select_n3A_796 : vector<16xi32> to vector<16x1xi32>
        %gather3A_798 = vector.shape_cast %broadcast_in_dim3A_797 : vector<16x1xi32> to vector<16xi32>
        %gather3A_799 = tpu.dynamic_gather %mul3A_356[%gather3A_798] in [0] : vector<16xi32>, vector<16xi32> -> vector<16xi32>
        %add3A_800 = arith.addi %gather3A_799, %add3A_39 : vector<16xi32>
        %gather3A_801 = tpu.vector_load_idx %arg8[%add3A_800] : memref<38400xf32, #tpu.memory_space<vmem>>[vector<16xi32>], vector<16xf32>,
        %swap3A_802 = arith.index_cast %add3A_787 : i32 to index
        %swap3A_803 = arith.constant 0 : index
        %swap3A_804 = tpu.vector_load %arg12[%swap3A_802, %swap3A_803] {strides = array<i32>} : memref<256x64xf32, #tpu.memory_space<vmem>>, vector<16xf32>,
        tpu.vector_store %arg12[%swap3A_802, %swap3A_803], %gather3A_801 {add = true, strides = array<i32>} : memref<256x64xf32, #tpu.memory_space<vmem>>, vector<16xf32>,
        %add3A_805 = arith.addi %gather3A_799, %add3A_42 : vector<16xi32>
        %gather3A_806 = tpu.vector_load_idx %arg8[%add3A_805] : memref<38400xf32, #tpu.memory_space<vmem>>[vector<16xi32>], vector<16xf32>,
        %swap3A_807 = arith.index_cast %add3A_787 : i32 to index
        %swap3A_808 = arith.constant 16 : index
        %swap3A_809 = tpu.vector_load %arg12[%swap3A_807, %swap3A_808] {strides = array<i32>} : memref<256x64xf32, #tpu.memory_space<vmem>>, vector<16xf32>,
        tpu.vector_store %arg12[%swap3A_807, %swap3A_808], %gather3A_806 {add = true, strides = array<i32>} : memref<256x64xf32, #tpu.memory_space<vmem>>, vector<16xf32>,
        %add3A_810 = arith.addi %gather3A_799, %add3A_45 : vector<16xi32>
        %gather3A_811 = tpu.vector_load_idx %arg8[%add3A_810] : memref<38400xf32, #tpu.memory_space<vmem>>[vector<16xi32>], vector<16xf32>,
        %swap3A_812 = arith.index_cast %add3A_787 : i32 to index
        %swap3A_813 = arith.constant 32 : index
        %swap3A_814 = tpu.vector_load %arg12[%swap3A_812, %swap3A_813] {strides = array<i32>} : memref<256x64xf32, #tpu.memory_space<vmem>>, vector<16xf32>,
        tpu.vector_store %arg12[%swap3A_812, %swap3A_813], %gather3A_811 {add = true, strides = array<i32>} : memref<256x64xf32, #tpu.memory_space<vmem>>, vector<16xf32>,
        %add3A_815 = arith.addi %gather3A_799, %add3A_48 : vector<16xi32>
        %gather3A_816 = tpu.vector_load_idx %arg8[%add3A_815] : memref<38400xf32, #tpu.memory_space<vmem>>[vector<16xi32>], vector<16xf32>,
        %swap3A_817 = arith.index_cast %add3A_787 : i32 to index
        %swap3A_818 = arith.constant 48 : index
        %swap3A_819 = tpu.vector_load %arg12[%swap3A_817, %swap3A_818] {strides = array<i32>} : memref<256x64xf32, #tpu.memory_space<vmem>>, vector<16xf32>,
        tpu.vector_store %arg12[%swap3A_817, %swap3A_818], %gather3A_816 {add = true, strides = array<i32>} : memref<256x64xf32, #tpu.memory_space<vmem>>, vector<16xf32>,
        %mul3A_820 = arith.constant 16 : i32
        %mul3A_821 = arith.muli %scan3A_337, %mul3A_820 : i32
        %add3A_822 = arith.constant 13 : i32
        %add3A_823 = arith.addi %mul3A_821, %add3A_822 : i32
        %broadcast_in_dim3A_824 = arith.constant 13 : i32
        %broadcast_in_dim3A_825 = vector.broadcast %broadcast_in_dim3A_824 : i32 to vector<16xi32>
        %lt3A_826 = arith.constant 0 : i32
        %lt3A_827 = vector.broadcast %lt3A_826 : i32 to vector<16xi32>
        %lt3A_828 = arith.cmpi slt, %broadcast_in_dim3A_825, %lt3A_827 : vector<16xi32>
        %add3A_829 = arith.constant 16 : i32
        %add3A_830 = vector.broadcast %add3A_829 : i32 to vector<16xi32>
        %add3A_831 = arith.addi %broadcast_in_dim3A_825, %add3A_830 : vector<16xi32>
        %select_n3A_832 = arith.select %lt3A_828, %add3A_831, %broadcast_in_dim3A_825 : vector<16xi1>, vector<16xi32>
        %broadcast_in_dim3A_833 = vector.shape_cast %select_n3A_832 : vector<16xi32> to vector<16x1xi32>
        %gather3A_834 = vector.shape_cast %broadcast_in_dim3A_833 : vector<16x1xi32> to vector<16xi32>
        %gather3A_835 = tpu.dynamic_gather %mul3A_356[%gather3A_834] in [0] : vector<16xi32>, vector<16xi32> -> vector<16xi32>
        %add3A_836 = arith.addi %gather3A_835, %add3A_39 : vector<16xi32>
        %gather3A_837 = tpu.vector_load_idx %arg8[%add3A_836] : memref<38400xf32, #tpu.memory_space<vmem>>[vector<16xi32>], vector<16xf32>,
        %swap3A_838 = arith.index_cast %add3A_823 : i32 to index
        %swap3A_839 = arith.constant 0 : index
        %swap3A_840 = tpu.vector_load %arg12[%swap3A_838, %swap3A_839] {strides = array<i32>} : memref<256x64xf32, #tpu.memory_space<vmem>>, vector<16xf32>,
        tpu.vector_store %arg12[%swap3A_838, %swap3A_839], %gather3A_837 {add = true, strides = array<i32>} : memref<256x64xf32, #tpu.memory_space<vmem>>, vector<16xf32>,
        %add3A_841 = arith.addi %gather3A_835, %add3A_42 : vector<16xi32>
        %gather3A_842 = tpu.vector_load_idx %arg8[%add3A_841] : memref<38400xf32, #tpu.memory_space<vmem>>[vector<16xi32>], vector<16xf32>,
        %swap3A_843 = arith.index_cast %add3A_823 : i32 to index
        %swap3A_844 = arith.constant 16 : index
        %swap3A_845 = tpu.vector_load %arg12[%swap3A_843, %swap3A_844] {strides = array<i32>} : memref<256x64xf32, #tpu.memory_space<vmem>>, vector<16xf32>,
        tpu.vector_store %arg12[%swap3A_843, %swap3A_844], %gather3A_842 {add = true, strides = array<i32>} : memref<256x64xf32, #tpu.memory_space<vmem>>, vector<16xf32>,
        %add3A_846 = arith.addi %gather3A_835, %add3A_45 : vector<16xi32>
        %gather3A_847 = tpu.vector_load_idx %arg8[%add3A_846] : memref<38400xf32, #tpu.memory_space<vmem>>[vector<16xi32>], vector<16xf32>,
        %swap3A_848 = arith.index_cast %add3A_823 : i32 to index
        %swap3A_849 = arith.constant 32 : index
        %swap3A_850 = tpu.vector_load %arg12[%swap3A_848, %swap3A_849] {strides = array<i32>} : memref<256x64xf32, #tpu.memory_space<vmem>>, vector<16xf32>,
        tpu.vector_store %arg12[%swap3A_848, %swap3A_849], %gather3A_847 {add = true, strides = array<i32>} : memref<256x64xf32, #tpu.memory_space<vmem>>, vector<16xf32>,
        %add3A_851 = arith.addi %gather3A_835, %add3A_48 : vector<16xi32>
        %gather3A_852 = tpu.vector_load_idx %arg8[%add3A_851] : memref<38400xf32, #tpu.memory_space<vmem>>[vector<16xi32>], vector<16xf32>,
        %swap3A_853 = arith.index_cast %add3A_823 : i32 to index
        %swap3A_854 = arith.constant 48 : index
        %swap3A_855 = tpu.vector_load %arg12[%swap3A_853, %swap3A_854] {strides = array<i32>} : memref<256x64xf32, #tpu.memory_space<vmem>>, vector<16xf32>,
        tpu.vector_store %arg12[%swap3A_853, %swap3A_854], %gather3A_852 {add = true, strides = array<i32>} : memref<256x64xf32, #tpu.memory_space<vmem>>, vector<16xf32>,
        %mul3A_856 = arith.constant 16 : i32
        %mul3A_857 = arith.muli %scan3A_337, %mul3A_856 : i32
        %add3A_858 = arith.constant 14 : i32
        %add3A_859 = arith.addi %mul3A_857, %add3A_858 : i32
        %broadcast_in_dim3A_860 = arith.constant 14 : i32
        %broadcast_in_dim3A_861 = vector.broadcast %broadcast_in_dim3A_860 : i32 to vector<16xi32>
        %lt3A_862 = arith.constant 0 : i32
        %lt3A_863 = vector.broadcast %lt3A_862 : i32 to vector<16xi32>
        %lt3A_864 = arith.cmpi slt, %broadcast_in_dim3A_861, %lt3A_863 : vector<16xi32>
        %add3A_865 = arith.constant 16 : i32
        %add3A_866 = vector.broadcast %add3A_865 : i32 to vector<16xi32>
        %add3A_867 = arith.addi %broadcast_in_dim3A_861, %add3A_866 : vector<16xi32>
        %select_n3A_868 = arith.select %lt3A_864, %add3A_867, %broadcast_in_dim3A_861 : vector<16xi1>, vector<16xi32>
        %broadcast_in_dim3A_869 = vector.shape_cast %select_n3A_868 : vector<16xi32> to vector<16x1xi32>
        %gather3A_870 = vector.shape_cast %broadcast_in_dim3A_869 : vector<16x1xi32> to vector<16xi32>
        %gather3A_871 = tpu.dynamic_gather %mul3A_356[%gather3A_870] in [0] : vector<16xi32>, vector<16xi32> -> vector<16xi32>
        %add3A_872 = arith.addi %gather3A_871, %add3A_39 : vector<16xi32>
        %gather3A_873 = tpu.vector_load_idx %arg8[%add3A_872] : memref<38400xf32, #tpu.memory_space<vmem>>[vector<16xi32>], vector<16xf32>,
        %swap3A_874 = arith.index_cast %add3A_859 : i32 to index
        %swap3A_875 = arith.constant 0 : index
        %swap3A_876 = tpu.vector_load %arg12[%swap3A_874, %swap3A_875] {strides = array<i32>} : memref<256x64xf32, #tpu.memory_space<vmem>>, vector<16xf32>,
        tpu.vector_store %arg12[%swap3A_874, %swap3A_875], %gather3A_873 {add = true, strides = array<i32>} : memref<256x64xf32, #tpu.memory_space<vmem>>, vector<16xf32>,
        %add3A_877 = arith.addi %gather3A_871, %add3A_42 : vector<16xi32>
        %gather3A_878 = tpu.vector_load_idx %arg8[%add3A_877] : memref<38400xf32, #tpu.memory_space<vmem>>[vector<16xi32>], vector<16xf32>,
        %swap3A_879 = arith.index_cast %add3A_859 : i32 to index
        %swap3A_880 = arith.constant 16 : index
        %swap3A_881 = tpu.vector_load %arg12[%swap3A_879, %swap3A_880] {strides = array<i32>} : memref<256x64xf32, #tpu.memory_space<vmem>>, vector<16xf32>,
        tpu.vector_store %arg12[%swap3A_879, %swap3A_880], %gather3A_878 {add = true, strides = array<i32>} : memref<256x64xf32, #tpu.memory_space<vmem>>, vector<16xf32>,
        %add3A_882 = arith.addi %gather3A_871, %add3A_45 : vector<16xi32>
        %gather3A_883 = tpu.vector_load_idx %arg8[%add3A_882] : memref<38400xf32, #tpu.memory_space<vmem>>[vector<16xi32>], vector<16xf32>,
        %swap3A_884 = arith.index_cast %add3A_859 : i32 to index
        %swap3A_885 = arith.constant 32 : index
        %swap3A_886 = tpu.vector_load %arg12[%swap3A_884, %swap3A_885] {strides = array<i32>} : memref<256x64xf32, #tpu.memory_space<vmem>>, vector<16xf32>,
        tpu.vector_store %arg12[%swap3A_884, %swap3A_885], %gather3A_883 {add = true, strides = array<i32>} : memref<256x64xf32, #tpu.memory_space<vmem>>, vector<16xf32>,
        %add3A_887 = arith.addi %gather3A_871, %add3A_48 : vector<16xi32>
        %gather3A_888 = tpu.vector_load_idx %arg8[%add3A_887] : memref<38400xf32, #tpu.memory_space<vmem>>[vector<16xi32>], vector<16xf32>,
        %swap3A_889 = arith.index_cast %add3A_859 : i32 to index
        %swap3A_890 = arith.constant 48 : index
        %swap3A_891 = tpu.vector_load %arg12[%swap3A_889, %swap3A_890] {strides = array<i32>} : memref<256x64xf32, #tpu.memory_space<vmem>>, vector<16xf32>,
        tpu.vector_store %arg12[%swap3A_889, %swap3A_890], %gather3A_888 {add = true, strides = array<i32>} : memref<256x64xf32, #tpu.memory_space<vmem>>, vector<16xf32>,
        %mul3A_892 = arith.constant 16 : i32
        %mul3A_893 = arith.muli %scan3A_337, %mul3A_892 : i32
        %add3A_894 = arith.constant 15 : i32
        %add3A_895 = arith.addi %mul3A_893, %add3A_894 : i32
        %broadcast_in_dim3A_896 = arith.constant 15 : i32
        %broadcast_in_dim3A_897 = vector.broadcast %broadcast_in_dim3A_896 : i32 to vector<16xi32>
        %lt3A_898 = arith.constant 0 : i32
        %lt3A_899 = vector.broadcast %lt3A_898 : i32 to vector<16xi32>
        %lt3A_900 = arith.cmpi slt, %broadcast_in_dim3A_897, %lt3A_899 : vector<16xi32>
        %add3A_901 = arith.constant 16 : i32
        %add3A_902 = vector.broadcast %add3A_901 : i32 to vector<16xi32>
        %add3A_903 = arith.addi %broadcast_in_dim3A_897, %add3A_902 : vector<16xi32>
        %select_n3A_904 = arith.select %lt3A_900, %add3A_903, %broadcast_in_dim3A_897 : vector<16xi1>, vector<16xi32>
        %broadcast_in_dim3A_905 = vector.shape_cast %select_n3A_904 : vector<16xi32> to vector<16x1xi32>
        %gather3A_906 = vector.shape_cast %broadcast_in_dim3A_905 : vector<16x1xi32> to vector<16xi32>
        %gather3A_907 = tpu.dynamic_gather %mul3A_356[%gather3A_906] in [0] : vector<16xi32>, vector<16xi32> -> vector<16xi32>
        %add3A_908 = arith.addi %gather3A_907, %add3A_39 : vector<16xi32>
        %gather3A_909 = tpu.vector_load_idx %arg8[%add3A_908] : memref<38400xf32, #tpu.memory_space<vmem>>[vector<16xi32>], vector<16xf32>,
        %swap3A_910 = arith.index_cast %add3A_895 : i32 to index
        %swap3A_911 = arith.constant 0 : index
        %swap3A_912 = tpu.vector_load %arg12[%swap3A_910, %swap3A_911] {strides = array<i32>} : memref<256x64xf32, #tpu.memory_space<vmem>>, vector<16xf32>,
        tpu.vector_store %arg12[%swap3A_910, %swap3A_911], %gather3A_909 {add = true, strides = array<i32>} : memref<256x64xf32, #tpu.memory_space<vmem>>, vector<16xf32>,
        %add3A_913 = arith.addi %gather3A_907, %add3A_42 : vector<16xi32>
        %gather3A_914 = tpu.vector_load_idx %arg8[%add3A_913] : memref<38400xf32, #tpu.memory_space<vmem>>[vector<16xi32>], vector<16xf32>,
        %swap3A_915 = arith.index_cast %add3A_895 : i32 to index
        %swap3A_916 = arith.constant 16 : index
        %swap3A_917 = tpu.vector_load %arg12[%swap3A_915, %swap3A_916] {strides = array<i32>} : memref<256x64xf32, #tpu.memory_space<vmem>>, vector<16xf32>,
        tpu.vector_store %arg12[%swap3A_915, %swap3A_916], %gather3A_914 {add = true, strides = array<i32>} : memref<256x64xf32, #tpu.memory_space<vmem>>, vector<16xf32>,
        %add3A_918 = arith.addi %gather3A_907, %add3A_45 : vector<16xi32>
        %gather3A_919 = tpu.vector_load_idx %arg8[%add3A_918] : memref<38400xf32, #tpu.memory_space<vmem>>[vector<16xi32>], vector<16xf32>,
        %swap3A_920 = arith.index_cast %add3A_895 : i32 to index
        %swap3A_921 = arith.constant 32 : index
        %swap3A_922 = tpu.vector_load %arg12[%swap3A_920, %swap3A_921] {strides = array<i32>} : memref<256x64xf32, #tpu.memory_space<vmem>>, vector<16xf32>,
        tpu.vector_store %arg12[%swap3A_920, %swap3A_921], %gather3A_919 {add = true, strides = array<i32>} : memref<256x64xf32, #tpu.memory_space<vmem>>, vector<16xf32>,
        %add3A_923 = arith.addi %gather3A_907, %add3A_48 : vector<16xi32>
        %gather3A_924 = tpu.vector_load_idx %arg8[%add3A_923] : memref<38400xf32, #tpu.memory_space<vmem>>[vector<16xi32>], vector<16xf32>,
        %swap3A_925 = arith.index_cast %add3A_895 : i32 to index
        %swap3A_926 = arith.constant 48 : index
        %swap3A_927 = tpu.vector_load %arg12[%swap3A_925, %swap3A_926] {strides = array<i32>} : memref<256x64xf32, #tpu.memory_space<vmem>>, vector<16xf32>,
        tpu.vector_store %arg12[%swap3A_925, %swap3A_926], %gather3A_924 {add = true, strides = array<i32>} : memref<256x64xf32, #tpu.memory_space<vmem>>, vector<16xf32>,
      }
      %scan3A_331 = arith.constant 16 : i32
      %add3A_332 = arith.addi %mul3A_2, %mul3A_279 : i32
      %dma_start3A_333 = arith.constant 0 : i32
      %dma_start3A_334 = tpu.memref_slice %arg7[%add3A_332, %dma_start3A_333] : memref<204800x64xf32, #tpu.memory_space<hbm>> -> memref<256x64xf32, #tpu.memory_space<hbm>>
      %dma_start3A_335 = arith.constant 0 : i32
      %dma_start3A_336 = tpu.memref_slice %arg7[%add3A_332, %dma_start3A_335] : memref<204800x64xf32, #tpu.memory_space<hbm>> -> memref<256x64xf32, #tpu.memory_space<hbm>>
      tpu.enqueue_dma source(%arg12 : memref<256x64xf32, #tpu.memory_space<vmem>>) target(%dma_start3A_336 : memref<256x64xf32, #tpu.memory_space<hbm>>) target_semaphore(%arg17 : memref<!tpu.dma_semaphore, #tpu.memory_space<semaphore_mem>>)
    }
    %scan3A_116 = arith.constant 11 : i32
    %add3A_117 = arith.constant 5632 : i32
    %add3A_118 = arith.addi %mul3A_2, %add3A_117 : i32
    %dma_wait3A_119 = arith.constant 0 : i32
    %dma_wait3A_120 = tpu.memref_slice %arg7[%add3A_118, %dma_wait3A_119] : memref<204800x64xf32, #tpu.memory_space<hbm>> -> memref<256x64xf32, #tpu.memory_space<hbm>>
    %dma_wait3A_121 = arith.constant 0 : i32
    %dma_wait3A_122 = tpu.memref_slice %arg7[%add3A_118, %dma_wait3A_121] : memref<204800x64xf32, #tpu.memory_space<hbm>> -> memref<256x64xf32, #tpu.memory_space<hbm>>
    tpu.wait_dma2 semaphore(%arg17 : memref<!tpu.dma_semaphore, #tpu.memory_space<semaphore_mem>>) src(%arg12 : memref<256x64xf32, #tpu.memory_space<vmem>>) dst(%dma_wait3A_122 : memref<256x64xf32, #tpu.memory_space<hbm>>)
    %dma_start3A_123 = arith.constant 0 : i32
    %dma_start3A_124 = arith.constant 0 : i32
    %dma_start3A_125 = tpu.memref_slice %arg12[%dma_start3A_123, %dma_start3A_124] : memref<256x64xf32, #tpu.memory_space<vmem>> -> memref<128x64xf32, #tpu.memory_space<vmem>>
    %dma_start3A_126 = arith.constant 6144 : i32
    %dma_start3A_127 = tpu.memref_slice %arg10[%dma_start3A_126] : memref<6400xi32, #tpu.memory_space<vmem>> -> memref<128xi32, #tpu.memory_space<vmem>>
    %dma_start3A_128 = arith.constant 0 : i32
    %dma_start3A_129 = arith.constant 0 : i32
    %dma_start3A_130 = tpu.memref_slice %arg4[%dma_start3A_128, %dma_start3A_129] : memref<1000000x64xf32, #tpu.memory_space<hbm>> -> memref<1000000x64xf32, #tpu.memory_space<hbm>>
    tpu.enqueue_indirect_dma source(%dma_start3A_130 : memref<1000000x64xf32, #tpu.memory_space<hbm>>) target(%dma_start3A_125 : memref<128x64xf32, #tpu.memory_space<vmem>>) offsets(%dma_start3A_127 : memref<128xi32, #tpu.memory_space<vmem>>) semaphore(%arg15 : memref<!tpu.dma_semaphore, #tpu.memory_space<semaphore_mem>>)
    %dma_start3A_131 = arith.constant 128 : i32
    %dma_start3A_132 = arith.constant 0 : i32
    %dma_start3A_133 = tpu.memref_slice %arg12[%dma_start3A_131, %dma_start3A_132] : memref<256x64xf32, #tpu.memory_space<vmem>> -> memref<128x64xf32, #tpu.memory_space<vmem>>
    %dma_start3A_134 = arith.constant 6272 : i32
    %dma_start3A_135 = tpu.memref_slice %arg10[%dma_start3A_134] : memref<6400xi32, #tpu.memory_space<vmem>> -> memref<128xi32, #tpu.memory_space<vmem>>
    %dma_start3A_136 = arith.constant 0 : i32
    %dma_start3A_137 = arith.constant 0 : i32
    %dma_start3A_138 = tpu.memref_slice %arg4[%dma_start3A_136, %dma_start3A_137] : memref<1000000x64xf32, #tpu.memory_space<hbm>> -> memref<1000000x64xf32, #tpu.memory_space<hbm>>
    tpu.enqueue_indirect_dma source(%dma_start3A_138 : memref<1000000x64xf32, #tpu.memory_space<hbm>>) target(%dma_start3A_133 : memref<128x64xf32, #tpu.memory_space<vmem>>) offsets(%dma_start3A_135 : memref<128xi32, #tpu.memory_space<vmem>>) semaphore(%arg15 : memref<!tpu.dma_semaphore, #tpu.memory_space<semaphore_mem>>)
    %dma_wait3A_139 = arith.constant 0 : i32
    %dma_wait3A_140 = arith.constant 0 : i32
    %dma_wait3A_141 = tpu.memref_slice %arg13[%dma_wait3A_139, %dma_wait3A_140] : memref<256x64xf32, #tpu.memory_space<vmem>> -> memref<128x64xf32, #tpu.memory_space<vmem>>
    %dma_wait3A_142 = arith.constant 5888 : i32
    %dma_wait3A_143 = tpu.memref_slice %arg10[%dma_wait3A_142] : memref<6400xi32, #tpu.memory_space<vmem>> -> memref<128xi32, #tpu.memory_space<vmem>>
    %dma_wait3A_144 = arith.constant 0 : i32
    %dma_wait3A_145 = arith.constant 0 : i32
    %dma_wait3A_146 = tpu.memref_slice %arg4[%dma_wait3A_144, %dma_wait3A_145] : memref<1000000x64xf32, #tpu.memory_space<hbm>> -> memref<1000000x64xf32, #tpu.memory_space<hbm>>
    tpu.wait_indirect_dma semaphore(%arg16 : memref<!tpu.dma_semaphore, #tpu.memory_space<semaphore_mem>>) src(%dma_wait3A_146 : memref<1000000x64xf32, #tpu.memory_space<hbm>>) dst(%dma_wait3A_141 : memref<128x64xf32, #tpu.memory_space<vmem>>)
    %dma_wait3A_147 = arith.constant 128 : i32
    %dma_wait3A_148 = arith.constant 0 : i32
    %dma_wait3A_149 = tpu.memref_slice %arg13[%dma_wait3A_147, %dma_wait3A_148] : memref<256x64xf32, #tpu.memory_space<vmem>> -> memref<128x64xf32, #tpu.memory_space<vmem>>
    %dma_wait3A_150 = arith.constant 6016 : i32
    %dma_wait3A_151 = tpu.memref_slice %arg10[%dma_wait3A_150] : memref<6400xi32, #tpu.memory_space<vmem>> -> memref<128xi32, #tpu.memory_space<vmem>>
    %dma_wait3A_152 = arith.constant 0 : i32
    %dma_wait3A_153 = arith.constant 0 : i32
    %dma_wait3A_154 = tpu.memref_slice %arg4[%dma_wait3A_152, %dma_wait3A_153] : memref<1000000x64xf32, #tpu.memory_space<hbm>> -> memref<1000000x64xf32, #tpu.memory_space<hbm>>
    tpu.wait_indirect_dma semaphore(%arg16 : memref<!tpu.dma_semaphore, #tpu.memory_space<semaphore_mem>>) src(%dma_wait3A_154 : memref<1000000x64xf32, #tpu.memory_space<hbm>>) dst(%dma_wait3A_149 : memref<128x64xf32, #tpu.memory_space<vmem>>)
    %add3A_155 = arith.constant 5888 : i32
    %add3A_156 = arith.addi %mul3A_2, %add3A_155 : i32
    %scan3A_157 = arith.constant 0 : i32
    %scan3A_158 = arith.constant 0 : i32
    %scan3A_159 = arith.constant 16 : i32
    %scan3A_160 = arith.addi %scan3A_158, %scan3A_159 : i32
    %scan3A_161 = arith.constant 1 : i32
    scf.for %scan3A_211 = %scan3A_158 to %scan3A_160 step %scan3A_161  : i32 {
      %mul3A_212 = arith.constant 16 : i32
      %mul3A_213 = arith.muli %scan3A_211, %mul3A_212 : i32
      %add3A_214 = arith.addi %add3A_156, %mul3A_213 : i32
      %add3A_215 = vector.broadcast %add3A_214 : i32 to vector<16xi32>
      %add3A_216 = arith.addi %add3A_215, %iota3A : vector<16xi32>
      %rem3A = arith.constant 200 : i32
      %rem3A_217 = vector.broadcast %rem3A : i32 to vector<16xi32>
      %rem3A_218 = arith.remsi %add3A_216, %rem3A_217 : vector<16xi32>
      %mul3A_219 = arith.constant 16 : i32
      %mul3A_220 = arith.muli %scan3A_211, %mul3A_219 : i32
      %add3A_221 = arith.constant 5888 : i32
      %add3A_222 = arith.addi %add3A_221, %mul3A_220 : i32
      %get3A_223 = arith.index_cast %add3A_222 : i32 to index
      %get3A_224 = tpu.vector_load %arg11[%get3A_223] {strides = array<i32>} : memref<6400xi32, #tpu.memory_space<vmem>>, vector<16xi32>,
      %mul3A_225 = arith.constant 200 : i32
      %mul3A_226 = vector.broadcast %mul3A_225 : i32 to vector<16xi32>
      %mul3A_227 = arith.muli %get3A_224, %mul3A_226 : vector<16xi32>
      %add3A_228 = arith.addi %mul3A_227, %rem3A_218 : vector<16xi32>
      %mul3A_229 = arith.constant 64 : i32
      %mul3A_230 = vector.broadcast %mul3A_229 : i32 to vector<16xi32>
      %mul3A_231 = arith.muli %add3A_228, %mul3A_230 : vector<16xi32>
      %mul3A_232 = arith.constant 16 : i32
      %mul3A_233 = arith.muli %scan3A_211, %mul3A_232 : i32
      %add3A_234 = arith.constant 0 : i32
      %add3A_235 = arith.addi %mul3A_233, %add3A_234 : i32
      %broadcast_in_dim3A = arith.constant 0 : i32
      %broadcast_in_dim3A_236 = vector.broadcast %broadcast_in_dim3A : i32 to vector<16xi32>
      %lt3A = arith.constant 0 : i32
      %lt3A_237 = vector.broadcast %lt3A : i32 to vector<16xi32>
      %lt3A_238 = arith.cmpi slt, %broadcast_in_dim3A_236, %lt3A_237 : vector<16xi32>
      %add3A_239 = arith.constant 16 : i32
      %add3A_240 = vector.broadcast %add3A_239 : i32 to vector<16xi32>
      %add3A_241 = arith.addi %broadcast_in_dim3A_236, %add3A_240 : vector<16xi32>
      %select_n3A = arith.select %lt3A_238, %add3A_241, %broadcast_in_dim3A_236 : vector<16xi1>, vector<16xi32>
      %broadcast_in_dim3A_242 = vector.shape_cast %select_n3A : vector<16xi32> to vector<16x1xi32>
      %gather3A = vector.shape_cast %broadcast_in_dim3A_242 : vector<16x1xi32> to vector<16xi32>
      %gather3A_243 = tpu.dynamic_gather %mul3A_231[%gather3A] in [0] : vector<16xi32>, vector<16xi32> -> vector<16xi32>
      %add3A_244 = arith.addi %gather3A_243, %add3A_39 : vector<16xi32>
      %gather3A_245 = tpu.vector_load_idx %arg8[%add3A_244] : memref<38400xf32, #tpu.memory_space<vmem>>[vector<16xi32>], vector<16xf32>,
      %swap3A = arith.index_cast %add3A_235 : i32 to index
      %swap3A_246 = arith.constant 0 : index
      %swap3A_247 = tpu.vector_load %arg13[%swap3A, %swap3A_246] {strides = array<i32>} : memref<256x64xf32, #tpu.memory_space<vmem>>, vector<16xf32>,
      tpu.vector_store %arg13[%swap3A, %swap3A_246], %gather3A_245 {add = true, strides = array<i32>} : memref<256x64xf32, #tpu.memory_space<vmem>>, vector<16xf32>,
      %add3A_248 = arith.addi %gather3A_243, %add3A_42 : vector<16xi32>
      %gather3A_249 = tpu.vector_load_idx %arg8[%add3A_248] : memref<38400xf32, #tpu.memory_space<vmem>>[vector<16xi32>], vector<16xf32>,
      %swap3A_250 = arith.index_cast %add3A_235 : i32 to index
      %swap3A_251 = arith.constant 16 : index
      %swap3A_252 = tpu.vector_load %arg13[%swap3A_250, %swap3A_251] {strides = array<i32>} : memref<256x64xf32, #tpu.memory_space<vmem>>, vector<16xf32>,
      tpu.vector_store %arg13[%swap3A_250, %swap3A_251], %gather3A_249 {add = true, strides = array<i32>} : memref<256x64xf32, #tpu.memory_space<vmem>>, vector<16xf32>,
      %add3A_253 = arith.addi %gather3A_243, %add3A_45 : vector<16xi32>
      %gather3A_254 = tpu.vector_load_idx %arg8[%add3A_253] : memref<38400xf32, #tpu.memory_space<vmem>>[vector<16xi32>], vector<16xf32>,
      %swap3A_255 = arith.index_cast %add3A_235 : i32 to index
      %swap3A_256 = arith.constant 32 : index
      %swap3A_257 = tpu.vector_load %arg13[%swap3A_255, %swap3A_256] {strides = array<i32>} : memref<256x64xf32, #tpu.memory_space<vmem>>, vector<16xf32>,
      tpu.vector_store %arg13[%swap3A_255, %swap3A_256], %gather3A_254 {add = true, strides = array<i32>} : memref<256x64xf32, #tpu.memory_space<vmem>>, vector<16xf32>,
      %add3A_258 = arith.addi %gather3A_243, %add3A_48 : vector<16xi32>
      %gather3A_259 = tpu.vector_load_idx %arg8[%add3A_258] : memref<38400xf32, #tpu.memory_space<vmem>>[vector<16xi32>], vector<16xf32>,
      %swap3A_260 = arith.index_cast %add3A_235 : i32 to index
      %swap3A_261 = arith.constant 48 : index
      %swap3A_262 = tpu.vector_load %arg13[%swap3A_260, %swap3A_261] {strides = array<i32>} : memref<256x64xf32, #tpu.memory_space<vmem>>, vector<16xf32>,
      tpu.vector_store %arg13[%swap3A_260, %swap3A_261], %gather3A_259 {add = true, strides = array<i32>} : memref<256x64xf32, #tpu.memory_space<vmem>>, vector<16xf32>,
      %mul3A_263 = arith.constant 16 : i32
      %mul3A_264 = arith.muli %scan3A_211, %mul3A_263 : i32
      %add3A_265 = arith.constant 1 : i32
      %add3A_266 = arith.addi %mul3A_264, %add3A_265 : i32
      %broadcast_in_dim3A_267 = arith.constant 1 : i32
      %broadcast_in_dim3A_268 = vector.broadcast %broadcast_in_dim3A_267 : i32 to vector<16xi32>
      %lt3A_269 = arith.constant 0 : i32
      %lt3A_270 = vector.broadcast %lt3A_269 : i32 to vector<16xi32>
      %lt3A_271 = arith.cmpi slt, %broadcast_in_dim3A_268, %lt3A_270 : vector<16xi32>
      %add3A_272 = arith.constant 16 : i32
      %add3A_273 = vector.broadcast %add3A_272 : i32 to vector<16xi32>
      %add3A_274 = arith.addi %broadcast_in_dim3A_268, %add3A_273 : vector<16xi32>
      %select_n3A_275 = arith.select %lt3A_271, %add3A_274, %broadcast_in_dim3A_268 : vector<16xi1>, vector<16xi32>
      %broadcast_in_dim3A_276 = vector.shape_cast %select_n3A_275 : vector<16xi32> to vector<16x1xi32>
      %gather3A_277 = vector.shape_cast %broadcast_in_dim3A_276 : vector<16x1xi32> to vector<16xi32>
      %gather3A_278 = tpu.dynamic_gather %mul3A_231[%gather3A_277] in [0] : vector<16xi32>, vector<16xi32> -> vector<16xi32>
      %add3A_279 = arith.addi %gather3A_278, %add3A_39 : vector<16xi32>
      %gather3A_280 = tpu.vector_load_idx %arg8[%add3A_279] : memref<38400xf32, #tpu.memory_space<vmem>>[vector<16xi32>], vector<16xf32>,
      %swap3A_281 = arith.index_cast %add3A_266 : i32 to index
      %swap3A_282 = arith.constant 0 : index
      %swap3A_283 = tpu.vector_load %arg13[%swap3A_281, %swap3A_282] {strides = array<i32>} : memref<256x64xf32, #tpu.memory_space<vmem>>, vector<16xf32>,
      tpu.vector_store %arg13[%swap3A_281, %swap3A_282], %gather3A_280 {add = true, strides = array<i32>} : memref<256x64xf32, #tpu.memory_space<vmem>>, vector<16xf32>,
      %add3A_284 = arith.addi %gather3A_278, %add3A_42 : vector<16xi32>
      %gather3A_285 = tpu.vector_load_idx %arg8[%add3A_284] : memref<38400xf32, #tpu.memory_space<vmem>>[vector<16xi32>], vector<16xf32>,
      %swap3A_286 = arith.index_cast %add3A_266 : i32 to index
      %swap3A_287 = arith.constant 16 : index
      %swap3A_288 = tpu.vector_load %arg13[%swap3A_286, %swap3A_287] {strides = array<i32>} : memref<256x64xf32, #tpu.memory_space<vmem>>, vector<16xf32>,
      tpu.vector_store %arg13[%swap3A_286, %swap3A_287], %gather3A_285 {add = true, strides = array<i32>} : memref<256x64xf32, #tpu.memory_space<vmem>>, vector<16xf32>,
      %add3A_289 = arith.addi %gather3A_278, %add3A_45 : vector<16xi32>
      %gather3A_290 = tpu.vector_load_idx %arg8[%add3A_289] : memref<38400xf32, #tpu.memory_space<vmem>>[vector<16xi32>], vector<16xf32>,
      %swap3A_291 = arith.index_cast %add3A_266 : i32 to index
      %swap3A_292 = arith.constant 32 : index
      %swap3A_293 = tpu.vector_load %arg13[%swap3A_291, %swap3A_292] {strides = array<i32>} : memref<256x64xf32, #tpu.memory_space<vmem>>, vector<16xf32>,
      tpu.vector_store %arg13[%swap3A_291, %swap3A_292], %gather3A_290 {add = true, strides = array<i32>} : memref<256x64xf32, #tpu.memory_space<vmem>>, vector<16xf32>,
      %add3A_294 = arith.addi %gather3A_278, %add3A_48 : vector<16xi32>
      %gather3A_295 = tpu.vector_load_idx %arg8[%add3A_294] : memref<38400xf32, #tpu.memory_space<vmem>>[vector<16xi32>], vector<16xf32>,
      %swap3A_296 = arith.index_cast %add3A_266 : i32 to index
      %swap3A_297 = arith.constant 48 : index
      %swap3A_298 = tpu.vector_load %arg13[%swap3A_296, %swap3A_297] {strides = array<i32>} : memref<256x64xf32, #tpu.memory_space<vmem>>, vector<16xf32>,
      tpu.vector_store %arg13[%swap3A_296, %swap3A_297], %gather3A_295 {add = true, strides = array<i32>} : memref<256x64xf32, #tpu.memory_space<vmem>>, vector<16xf32>,
      %mul3A_299 = arith.constant 16 : i32
      %mul3A_300 = arith.muli %scan3A_211, %mul3A_299 : i32
      %add3A_301 = arith.constant 2 : i32
      %add3A_302 = arith.addi %mul3A_300, %add3A_301 : i32
      %broadcast_in_dim3A_303 = arith.constant 2 : i32
      %broadcast_in_dim3A_304 = vector.broadcast %broadcast_in_dim3A_303 : i32 to vector<16xi32>
      %lt3A_305 = arith.constant 0 : i32
      %lt3A_306 = vector.broadcast %lt3A_305 : i32 to vector<16xi32>
      %lt3A_307 = arith.cmpi slt, %broadcast_in_dim3A_304, %lt3A_306 : vector<16xi32>
      %add3A_308 = arith.constant 16 : i32
      %add3A_309 = vector.broadcast %add3A_308 : i32 to vector<16xi32>
      %add3A_310 = arith.addi %broadcast_in_dim3A_304, %add3A_309 : vector<16xi32>
      %select_n3A_311 = arith.select %lt3A_307, %add3A_310, %broadcast_in_dim3A_304 : vector<16xi1>, vector<16xi32>
      %broadcast_in_dim3A_312 = vector.shape_cast %select_n3A_311 : vector<16xi32> to vector<16x1xi32>
      %gather3A_313 = vector.shape_cast %broadcast_in_dim3A_312 : vector<16x1xi32> to vector<16xi32>
      %gather3A_314 = tpu.dynamic_gather %mul3A_231[%gather3A_313] in [0] : vector<16xi32>, vector<16xi32> -> vector<16xi32>
      %add3A_315 = arith.addi %gather3A_314, %add3A_39 : vector<16xi32>
      %gather3A_316 = tpu.vector_load_idx %arg8[%add3A_315] : memref<38400xf32, #tpu.memory_space<vmem>>[vector<16xi32>], vector<16xf32>,
      %swap3A_317 = arith.index_cast %add3A_302 : i32 to index
      %swap3A_318 = arith.constant 0 : index
      %swap3A_319 = tpu.vector_load %arg13[%swap3A_317, %swap3A_318] {strides = array<i32>} : memref<256x64xf32, #tpu.memory_space<vmem>>, vector<16xf32>,
      tpu.vector_store %arg13[%swap3A_317, %swap3A_318], %gather3A_316 {add = true, strides = array<i32>} : memref<256x64xf32, #tpu.memory_space<vmem>>, vector<16xf32>,
      %add3A_320 = arith.addi %gather3A_314, %add3A_42 : vector<16xi32>
      %gather3A_321 = tpu.vector_load_idx %arg8[%add3A_320] : memref<38400xf32, #tpu.memory_space<vmem>>[vector<16xi32>], vector<16xf32>,
      %swap3A_322 = arith.index_cast %add3A_302 : i32 to index
      %swap3A_323 = arith.constant 16 : index
      %swap3A_324 = tpu.vector_load %arg13[%swap3A_322, %swap3A_323] {strides = array<i32>} : memref<256x64xf32, #tpu.memory_space<vmem>>, vector<16xf32>,
      tpu.vector_store %arg13[%swap3A_322, %swap3A_323], %gather3A_321 {add = true, strides = array<i32>} : memref<256x64xf32, #tpu.memory_space<vmem>>, vector<16xf32>,
      %add3A_325 = arith.addi %gather3A_314, %add3A_45 : vector<16xi32>
      %gather3A_326 = tpu.vector_load_idx %arg8[%add3A_325] : memref<38400xf32, #tpu.memory_space<vmem>>[vector<16xi32>], vector<16xf32>,
      %swap3A_327 = arith.index_cast %add3A_302 : i32 to index
      %swap3A_328 = arith.constant 32 : index
      %swap3A_329 = tpu.vector_load %arg13[%swap3A_327, %swap3A_328] {strides = array<i32>} : memref<256x64xf32, #tpu.memory_space<vmem>>, vector<16xf32>,
      tpu.vector_store %arg13[%swap3A_327, %swap3A_328], %gather3A_326 {add = true, strides = array<i32>} : memref<256x64xf32, #tpu.memory_space<vmem>>, vector<16xf32>,
      %add3A_330 = arith.addi %gather3A_314, %add3A_48 : vector<16xi32>
      %gather3A_331 = tpu.vector_load_idx %arg8[%add3A_330] : memref<38400xf32, #tpu.memory_space<vmem>>[vector<16xi32>], vector<16xf32>,
      %swap3A_332 = arith.index_cast %add3A_302 : i32 to index
      %swap3A_333 = arith.constant 48 : index
      %swap3A_334 = tpu.vector_load %arg13[%swap3A_332, %swap3A_333] {strides = array<i32>} : memref<256x64xf32, #tpu.memory_space<vmem>>, vector<16xf32>,
      tpu.vector_store %arg13[%swap3A_332, %swap3A_333], %gather3A_331 {add = true, strides = array<i32>} : memref<256x64xf32, #tpu.memory_space<vmem>>, vector<16xf32>,
      %mul3A_335 = arith.constant 16 : i32
      %mul3A_336 = arith.muli %scan3A_211, %mul3A_335 : i32
      %add3A_337 = arith.constant 3 : i32
      %add3A_338 = arith.addi %mul3A_336, %add3A_337 : i32
      %broadcast_in_dim3A_339 = arith.constant 3 : i32
      %broadcast_in_dim3A_340 = vector.broadcast %broadcast_in_dim3A_339 : i32 to vector<16xi32>
      %lt3A_341 = arith.constant 0 : i32
      %lt3A_342 = vector.broadcast %lt3A_341 : i32 to vector<16xi32>
      %lt3A_343 = arith.cmpi slt, %broadcast_in_dim3A_340, %lt3A_342 : vector<16xi32>
      %add3A_344 = arith.constant 16 : i32
      %add3A_345 = vector.broadcast %add3A_344 : i32 to vector<16xi32>
      %add3A_346 = arith.addi %broadcast_in_dim3A_340, %add3A_345 : vector<16xi32>
      %select_n3A_347 = arith.select %lt3A_343, %add3A_346, %broadcast_in_dim3A_340 : vector<16xi1>, vector<16xi32>
      %broadcast_in_dim3A_348 = vector.shape_cast %select_n3A_347 : vector<16xi32> to vector<16x1xi32>
      %gather3A_349 = vector.shape_cast %broadcast_in_dim3A_348 : vector<16x1xi32> to vector<16xi32>
      %gather3A_350 = tpu.dynamic_gather %mul3A_231[%gather3A_349] in [0] : vector<16xi32>, vector<16xi32> -> vector<16xi32>
      %add3A_351 = arith.addi %gather3A_350, %add3A_39 : vector<16xi32>
      %gather3A_352 = tpu.vector_load_idx %arg8[%add3A_351] : memref<38400xf32, #tpu.memory_space<vmem>>[vector<16xi32>], vector<16xf32>,
      %swap3A_353 = arith.index_cast %add3A_338 : i32 to index
      %swap3A_354 = arith.constant 0 : index
      %swap3A_355 = tpu.vector_load %arg13[%swap3A_353, %swap3A_354] {strides = array<i32>} : memref<256x64xf32, #tpu.memory_space<vmem>>, vector<16xf32>,
      tpu.vector_store %arg13[%swap3A_353, %swap3A_354], %gather3A_352 {add = true, strides = array<i32>} : memref<256x64xf32, #tpu.memory_space<vmem>>, vector<16xf32>,
      %add3A_356 = arith.addi %gather3A_350, %add3A_42 : vector<16xi32>
      %gather3A_357 = tpu.vector_load_idx %arg8[%add3A_356] : memref<38400xf32, #tpu.memory_space<vmem>>[vector<16xi32>], vector<16xf32>,
      %swap3A_358 = arith.index_cast %add3A_338 : i32 to index
      %swap3A_359 = arith.constant 16 : index
      %swap3A_360 = tpu.vector_load %arg13[%swap3A_358, %swap3A_359] {strides = array<i32>} : memref<256x64xf32, #tpu.memory_space<vmem>>, vector<16xf32>,
      tpu.vector_store %arg13[%swap3A_358, %swap3A_359], %gather3A_357 {add = true, strides = array<i32>} : memref<256x64xf32, #tpu.memory_space<vmem>>, vector<16xf32>,
      %add3A_361 = arith.addi %gather3A_350, %add3A_45 : vector<16xi32>
      %gather3A_362 = tpu.vector_load_idx %arg8[%add3A_361] : memref<38400xf32, #tpu.memory_space<vmem>>[vector<16xi32>], vector<16xf32>,
      %swap3A_363 = arith.index_cast %add3A_338 : i32 to index
      %swap3A_364 = arith.constant 32 : index
      %swap3A_365 = tpu.vector_load %arg13[%swap3A_363, %swap3A_364] {strides = array<i32>} : memref<256x64xf32, #tpu.memory_space<vmem>>, vector<16xf32>,
      tpu.vector_store %arg13[%swap3A_363, %swap3A_364], %gather3A_362 {add = true, strides = array<i32>} : memref<256x64xf32, #tpu.memory_space<vmem>>, vector<16xf32>,
      %add3A_366 = arith.addi %gather3A_350, %add3A_48 : vector<16xi32>
      %gather3A_367 = tpu.vector_load_idx %arg8[%add3A_366] : memref<38400xf32, #tpu.memory_space<vmem>>[vector<16xi32>], vector<16xf32>,
      %swap3A_368 = arith.index_cast %add3A_338 : i32 to index
      %swap3A_369 = arith.constant 48 : index
      %swap3A_370 = tpu.vector_load %arg13[%swap3A_368, %swap3A_369] {strides = array<i32>} : memref<256x64xf32, #tpu.memory_space<vmem>>, vector<16xf32>,
      tpu.vector_store %arg13[%swap3A_368, %swap3A_369], %gather3A_367 {add = true, strides = array<i32>} : memref<256x64xf32, #tpu.memory_space<vmem>>, vector<16xf32>,
      %mul3A_371 = arith.constant 16 : i32
      %mul3A_372 = arith.muli %scan3A_211, %mul3A_371 : i32
      %add3A_373 = arith.constant 4 : i32
      %add3A_374 = arith.addi %mul3A_372, %add3A_373 : i32
      %broadcast_in_dim3A_375 = arith.constant 4 : i32
      %broadcast_in_dim3A_376 = vector.broadcast %broadcast_in_dim3A_375 : i32 to vector<16xi32>
      %lt3A_377 = arith.constant 0 : i32
      %lt3A_378 = vector.broadcast %lt3A_377 : i32 to vector<16xi32>
      %lt3A_379 = arith.cmpi slt, %broadcast_in_dim3A_376, %lt3A_378 : vector<16xi32>
      %add3A_380 = arith.constant 16 : i32
      %add3A_381 = vector.broadcast %add3A_380 : i32 to vector<16xi32>
      %add3A_382 = arith.addi %broadcast_in_dim3A_376, %add3A_381 : vector<16xi32>
      %select_n3A_383 = arith.select %lt3A_379, %add3A_382, %broadcast_in_dim3A_376 : vector<16xi1>, vector<16xi32>
      %broadcast_in_dim3A_384 = vector.shape_cast %select_n3A_383 : vector<16xi32> to vector<16x1xi32>
      %gather3A_385 = vector.shape_cast %broadcast_in_dim3A_384 : vector<16x1xi32> to vector<16xi32>
      %gather3A_386 = tpu.dynamic_gather %mul3A_231[%gather3A_385] in [0] : vector<16xi32>, vector<16xi32> -> vector<16xi32>
      %add3A_387 = arith.addi %gather3A_386, %add3A_39 : vector<16xi32>
      %gather3A_388 = tpu.vector_load_idx %arg8[%add3A_387] : memref<38400xf32, #tpu.memory_space<vmem>>[vector<16xi32>], vector<16xf32>,
      %swap3A_389 = arith.index_cast %add3A_374 : i32 to index
      %swap3A_390 = arith.constant 0 : index
      %swap3A_391 = tpu.vector_load %arg13[%swap3A_389, %swap3A_390] {strides = array<i32>} : memref<256x64xf32, #tpu.memory_space<vmem>>, vector<16xf32>,
      tpu.vector_store %arg13[%swap3A_389, %swap3A_390], %gather3A_388 {add = true, strides = array<i32>} : memref<256x64xf32, #tpu.memory_space<vmem>>, vector<16xf32>,
      %add3A_392 = arith.addi %gather3A_386, %add3A_42 : vector<16xi32>
      %gather3A_393 = tpu.vector_load_idx %arg8[%add3A_392] : memref<38400xf32, #tpu.memory_space<vmem>>[vector<16xi32>], vector<16xf32>,
      %swap3A_394 = arith.index_cast %add3A_374 : i32 to index
      %swap3A_395 = arith.constant 16 : index
      %swap3A_396 = tpu.vector_load %arg13[%swap3A_394, %swap3A_395] {strides = array<i32>} : memref<256x64xf32, #tpu.memory_space<vmem>>, vector<16xf32>,
      tpu.vector_store %arg13[%swap3A_394, %swap3A_395], %gather3A_393 {add = true, strides = array<i32>} : memref<256x64xf32, #tpu.memory_space<vmem>>, vector<16xf32>,
      %add3A_397 = arith.addi %gather3A_386, %add3A_45 : vector<16xi32>
      %gather3A_398 = tpu.vector_load_idx %arg8[%add3A_397] : memref<38400xf32, #tpu.memory_space<vmem>>[vector<16xi32>], vector<16xf32>,
      %swap3A_399 = arith.index_cast %add3A_374 : i32 to index
      %swap3A_400 = arith.constant 32 : index
      %swap3A_401 = tpu.vector_load %arg13[%swap3A_399, %swap3A_400] {strides = array<i32>} : memref<256x64xf32, #tpu.memory_space<vmem>>, vector<16xf32>,
      tpu.vector_store %arg13[%swap3A_399, %swap3A_400], %gather3A_398 {add = true, strides = array<i32>} : memref<256x64xf32, #tpu.memory_space<vmem>>, vector<16xf32>,
      %add3A_402 = arith.addi %gather3A_386, %add3A_48 : vector<16xi32>
      %gather3A_403 = tpu.vector_load_idx %arg8[%add3A_402] : memref<38400xf32, #tpu.memory_space<vmem>>[vector<16xi32>], vector<16xf32>,
      %swap3A_404 = arith.index_cast %add3A_374 : i32 to index
      %swap3A_405 = arith.constant 48 : index
      %swap3A_406 = tpu.vector_load %arg13[%swap3A_404, %swap3A_405] {strides = array<i32>} : memref<256x64xf32, #tpu.memory_space<vmem>>, vector<16xf32>,
      tpu.vector_store %arg13[%swap3A_404, %swap3A_405], %gather3A_403 {add = true, strides = array<i32>} : memref<256x64xf32, #tpu.memory_space<vmem>>, vector<16xf32>,
      %mul3A_407 = arith.constant 16 : i32
      %mul3A_408 = arith.muli %scan3A_211, %mul3A_407 : i32
      %add3A_409 = arith.constant 5 : i32
      %add3A_410 = arith.addi %mul3A_408, %add3A_409 : i32
      %broadcast_in_dim3A_411 = arith.constant 5 : i32
      %broadcast_in_dim3A_412 = vector.broadcast %broadcast_in_dim3A_411 : i32 to vector<16xi32>
      %lt3A_413 = arith.constant 0 : i32
      %lt3A_414 = vector.broadcast %lt3A_413 : i32 to vector<16xi32>
      %lt3A_415 = arith.cmpi slt, %broadcast_in_dim3A_412, %lt3A_414 : vector<16xi32>
      %add3A_416 = arith.constant 16 : i32
      %add3A_417 = vector.broadcast %add3A_416 : i32 to vector<16xi32>
      %add3A_418 = arith.addi %broadcast_in_dim3A_412, %add3A_417 : vector<16xi32>
      %select_n3A_419 = arith.select %lt3A_415, %add3A_418, %broadcast_in_dim3A_412 : vector<16xi1>, vector<16xi32>
      %broadcast_in_dim3A_420 = vector.shape_cast %select_n3A_419 : vector<16xi32> to vector<16x1xi32>
      %gather3A_421 = vector.shape_cast %broadcast_in_dim3A_420 : vector<16x1xi32> to vector<16xi32>
      %gather3A_422 = tpu.dynamic_gather %mul3A_231[%gather3A_421] in [0] : vector<16xi32>, vector<16xi32> -> vector<16xi32>
      %add3A_423 = arith.addi %gather3A_422, %add3A_39 : vector<16xi32>
      %gather3A_424 = tpu.vector_load_idx %arg8[%add3A_423] : memref<38400xf32, #tpu.memory_space<vmem>>[vector<16xi32>], vector<16xf32>,
      %swap3A_425 = arith.index_cast %add3A_410 : i32 to index
      %swap3A_426 = arith.constant 0 : index
      %swap3A_427 = tpu.vector_load %arg13[%swap3A_425, %swap3A_426] {strides = array<i32>} : memref<256x64xf32, #tpu.memory_space<vmem>>, vector<16xf32>,
      tpu.vector_store %arg13[%swap3A_425, %swap3A_426], %gather3A_424 {add = true, strides = array<i32>} : memref<256x64xf32, #tpu.memory_space<vmem>>, vector<16xf32>,
      %add3A_428 = arith.addi %gather3A_422, %add3A_42 : vector<16xi32>
      %gather3A_429 = tpu.vector_load_idx %arg8[%add3A_428] : memref<38400xf32, #tpu.memory_space<vmem>>[vector<16xi32>], vector<16xf32>,
      %swap3A_430 = arith.index_cast %add3A_410 : i32 to index
      %swap3A_431 = arith.constant 16 : index
      %swap3A_432 = tpu.vector_load %arg13[%swap3A_430, %swap3A_431] {strides = array<i32>} : memref<256x64xf32, #tpu.memory_space<vmem>>, vector<16xf32>,
      tpu.vector_store %arg13[%swap3A_430, %swap3A_431], %gather3A_429 {add = true, strides = array<i32>} : memref<256x64xf32, #tpu.memory_space<vmem>>, vector<16xf32>,
      %add3A_433 = arith.addi %gather3A_422, %add3A_45 : vector<16xi32>
      %gather3A_434 = tpu.vector_load_idx %arg8[%add3A_433] : memref<38400xf32, #tpu.memory_space<vmem>>[vector<16xi32>], vector<16xf32>,
      %swap3A_435 = arith.index_cast %add3A_410 : i32 to index
      %swap3A_436 = arith.constant 32 : index
      %swap3A_437 = tpu.vector_load %arg13[%swap3A_435, %swap3A_436] {strides = array<i32>} : memref<256x64xf32, #tpu.memory_space<vmem>>, vector<16xf32>,
      tpu.vector_store %arg13[%swap3A_435, %swap3A_436], %gather3A_434 {add = true, strides = array<i32>} : memref<256x64xf32, #tpu.memory_space<vmem>>, vector<16xf32>,
      %add3A_438 = arith.addi %gather3A_422, %add3A_48 : vector<16xi32>
      %gather3A_439 = tpu.vector_load_idx %arg8[%add3A_438] : memref<38400xf32, #tpu.memory_space<vmem>>[vector<16xi32>], vector<16xf32>,
      %swap3A_440 = arith.index_cast %add3A_410 : i32 to index
      %swap3A_441 = arith.constant 48 : index
      %swap3A_442 = tpu.vector_load %arg13[%swap3A_440, %swap3A_441] {strides = array<i32>} : memref<256x64xf32, #tpu.memory_space<vmem>>, vector<16xf32>,
      tpu.vector_store %arg13[%swap3A_440, %swap3A_441], %gather3A_439 {add = true, strides = array<i32>} : memref<256x64xf32, #tpu.memory_space<vmem>>, vector<16xf32>,
      %mul3A_443 = arith.constant 16 : i32
      %mul3A_444 = arith.muli %scan3A_211, %mul3A_443 : i32
      %add3A_445 = arith.constant 6 : i32
      %add3A_446 = arith.addi %mul3A_444, %add3A_445 : i32
      %broadcast_in_dim3A_447 = arith.constant 6 : i32
      %broadcast_in_dim3A_448 = vector.broadcast %broadcast_in_dim3A_447 : i32 to vector<16xi32>
      %lt3A_449 = arith.constant 0 : i32
      %lt3A_450 = vector.broadcast %lt3A_449 : i32 to vector<16xi32>
      %lt3A_451 = arith.cmpi slt, %broadcast_in_dim3A_448, %lt3A_450 : vector<16xi32>
      %add3A_452 = arith.constant 16 : i32
      %add3A_453 = vector.broadcast %add3A_452 : i32 to vector<16xi32>
      %add3A_454 = arith.addi %broadcast_in_dim3A_448, %add3A_453 : vector<16xi32>
      %select_n3A_455 = arith.select %lt3A_451, %add3A_454, %broadcast_in_dim3A_448 : vector<16xi1>, vector<16xi32>
      %broadcast_in_dim3A_456 = vector.shape_cast %select_n3A_455 : vector<16xi32> to vector<16x1xi32>
      %gather3A_457 = vector.shape_cast %broadcast_in_dim3A_456 : vector<16x1xi32> to vector<16xi32>
      %gather3A_458 = tpu.dynamic_gather %mul3A_231[%gather3A_457] in [0] : vector<16xi32>, vector<16xi32> -> vector<16xi32>
      %add3A_459 = arith.addi %gather3A_458, %add3A_39 : vector<16xi32>
      %gather3A_460 = tpu.vector_load_idx %arg8[%add3A_459] : memref<38400xf32, #tpu.memory_space<vmem>>[vector<16xi32>], vector<16xf32>,
      %swap3A_461 = arith.index_cast %add3A_446 : i32 to index
      %swap3A_462 = arith.constant 0 : index
      %swap3A_463 = tpu.vector_load %arg13[%swap3A_461, %swap3A_462] {strides = array<i32>} : memref<256x64xf32, #tpu.memory_space<vmem>>, vector<16xf32>,
      tpu.vector_store %arg13[%swap3A_461, %swap3A_462], %gather3A_460 {add = true, strides = array<i32>} : memref<256x64xf32, #tpu.memory_space<vmem>>, vector<16xf32>,
      %add3A_464 = arith.addi %gather3A_458, %add3A_42 : vector<16xi32>
      %gather3A_465 = tpu.vector_load_idx %arg8[%add3A_464] : memref<38400xf32, #tpu.memory_space<vmem>>[vector<16xi32>], vector<16xf32>,
      %swap3A_466 = arith.index_cast %add3A_446 : i32 to index
      %swap3A_467 = arith.constant 16 : index
      %swap3A_468 = tpu.vector_load %arg13[%swap3A_466, %swap3A_467] {strides = array<i32>} : memref<256x64xf32, #tpu.memory_space<vmem>>, vector<16xf32>,
      tpu.vector_store %arg13[%swap3A_466, %swap3A_467], %gather3A_465 {add = true, strides = array<i32>} : memref<256x64xf32, #tpu.memory_space<vmem>>, vector<16xf32>,
      %add3A_469 = arith.addi %gather3A_458, %add3A_45 : vector<16xi32>
      %gather3A_470 = tpu.vector_load_idx %arg8[%add3A_469] : memref<38400xf32, #tpu.memory_space<vmem>>[vector<16xi32>], vector<16xf32>,
      %swap3A_471 = arith.index_cast %add3A_446 : i32 to index
      %swap3A_472 = arith.constant 32 : index
      %swap3A_473 = tpu.vector_load %arg13[%swap3A_471, %swap3A_472] {strides = array<i32>} : memref<256x64xf32, #tpu.memory_space<vmem>>, vector<16xf32>,
      tpu.vector_store %arg13[%swap3A_471, %swap3A_472], %gather3A_470 {add = true, strides = array<i32>} : memref<256x64xf32, #tpu.memory_space<vmem>>, vector<16xf32>,
      %add3A_474 = arith.addi %gather3A_458, %add3A_48 : vector<16xi32>
      %gather3A_475 = tpu.vector_load_idx %arg8[%add3A_474] : memref<38400xf32, #tpu.memory_space<vmem>>[vector<16xi32>], vector<16xf32>,
      %swap3A_476 = arith.index_cast %add3A_446 : i32 to index
      %swap3A_477 = arith.constant 48 : index
      %swap3A_478 = tpu.vector_load %arg13[%swap3A_476, %swap3A_477] {strides = array<i32>} : memref<256x64xf32, #tpu.memory_space<vmem>>, vector<16xf32>,
      tpu.vector_store %arg13[%swap3A_476, %swap3A_477], %gather3A_475 {add = true, strides = array<i32>} : memref<256x64xf32, #tpu.memory_space<vmem>>, vector<16xf32>,
      %mul3A_479 = arith.constant 16 : i32
      %mul3A_480 = arith.muli %scan3A_211, %mul3A_479 : i32
      %add3A_481 = arith.constant 7 : i32
      %add3A_482 = arith.addi %mul3A_480, %add3A_481 : i32
      %broadcast_in_dim3A_483 = arith.constant 7 : i32
      %broadcast_in_dim3A_484 = vector.broadcast %broadcast_in_dim3A_483 : i32 to vector<16xi32>
      %lt3A_485 = arith.constant 0 : i32
      %lt3A_486 = vector.broadcast %lt3A_485 : i32 to vector<16xi32>
      %lt3A_487 = arith.cmpi slt, %broadcast_in_dim3A_484, %lt3A_486 : vector<16xi32>
      %add3A_488 = arith.constant 16 : i32
      %add3A_489 = vector.broadcast %add3A_488 : i32 to vector<16xi32>
      %add3A_490 = arith.addi %broadcast_in_dim3A_484, %add3A_489 : vector<16xi32>
      %select_n3A_491 = arith.select %lt3A_487, %add3A_490, %broadcast_in_dim3A_484 : vector<16xi1>, vector<16xi32>
      %broadcast_in_dim3A_492 = vector.shape_cast %select_n3A_491 : vector<16xi32> to vector<16x1xi32>
      %gather3A_493 = vector.shape_cast %broadcast_in_dim3A_492 : vector<16x1xi32> to vector<16xi32>
      %gather3A_494 = tpu.dynamic_gather %mul3A_231[%gather3A_493] in [0] : vector<16xi32>, vector<16xi32> -> vector<16xi32>
      %add3A_495 = arith.addi %gather3A_494, %add3A_39 : vector<16xi32>
      %gather3A_496 = tpu.vector_load_idx %arg8[%add3A_495] : memref<38400xf32, #tpu.memory_space<vmem>>[vector<16xi32>], vector<16xf32>,
      %swap3A_497 = arith.index_cast %add3A_482 : i32 to index
      %swap3A_498 = arith.constant 0 : index
      %swap3A_499 = tpu.vector_load %arg13[%swap3A_497, %swap3A_498] {strides = array<i32>} : memref<256x64xf32, #tpu.memory_space<vmem>>, vector<16xf32>,
      tpu.vector_store %arg13[%swap3A_497, %swap3A_498], %gather3A_496 {add = true, strides = array<i32>} : memref<256x64xf32, #tpu.memory_space<vmem>>, vector<16xf32>,
      %add3A_500 = arith.addi %gather3A_494, %add3A_42 : vector<16xi32>
      %gather3A_501 = tpu.vector_load_idx %arg8[%add3A_500] : memref<38400xf32, #tpu.memory_space<vmem>>[vector<16xi32>], vector<16xf32>,
      %swap3A_502 = arith.index_cast %add3A_482 : i32 to index
      %swap3A_503 = arith.constant 16 : index
      %swap3A_504 = tpu.vector_load %arg13[%swap3A_502, %swap3A_503] {strides = array<i32>} : memref<256x64xf32, #tpu.memory_space<vmem>>, vector<16xf32>,
      tpu.vector_store %arg13[%swap3A_502, %swap3A_503], %gather3A_501 {add = true, strides = array<i32>} : memref<256x64xf32, #tpu.memory_space<vmem>>, vector<16xf32>,
      %add3A_505 = arith.addi %gather3A_494, %add3A_45 : vector<16xi32>
      %gather3A_506 = tpu.vector_load_idx %arg8[%add3A_505] : memref<38400xf32, #tpu.memory_space<vmem>>[vector<16xi32>], vector<16xf32>,
      %swap3A_507 = arith.index_cast %add3A_482 : i32 to index
      %swap3A_508 = arith.constant 32 : index
      %swap3A_509 = tpu.vector_load %arg13[%swap3A_507, %swap3A_508] {strides = array<i32>} : memref<256x64xf32, #tpu.memory_space<vmem>>, vector<16xf32>,
      tpu.vector_store %arg13[%swap3A_507, %swap3A_508], %gather3A_506 {add = true, strides = array<i32>} : memref<256x64xf32, #tpu.memory_space<vmem>>, vector<16xf32>,
      %add3A_510 = arith.addi %gather3A_494, %add3A_48 : vector<16xi32>
      %gather3A_511 = tpu.vector_load_idx %arg8[%add3A_510] : memref<38400xf32, #tpu.memory_space<vmem>>[vector<16xi32>], vector<16xf32>,
      %swap3A_512 = arith.index_cast %add3A_482 : i32 to index
      %swap3A_513 = arith.constant 48 : index
      %swap3A_514 = tpu.vector_load %arg13[%swap3A_512, %swap3A_513] {strides = array<i32>} : memref<256x64xf32, #tpu.memory_space<vmem>>, vector<16xf32>,
      tpu.vector_store %arg13[%swap3A_512, %swap3A_513], %gather3A_511 {add = true, strides = array<i32>} : memref<256x64xf32, #tpu.memory_space<vmem>>, vector<16xf32>,
      %mul3A_515 = arith.constant 16 : i32
      %mul3A_516 = arith.muli %scan3A_211, %mul3A_515 : i32
      %add3A_517 = arith.constant 8 : i32
      %add3A_518 = arith.addi %mul3A_516, %add3A_517 : i32
      %broadcast_in_dim3A_519 = arith.constant 8 : i32
      %broadcast_in_dim3A_520 = vector.broadcast %broadcast_in_dim3A_519 : i32 to vector<16xi32>
      %lt3A_521 = arith.constant 0 : i32
      %lt3A_522 = vector.broadcast %lt3A_521 : i32 to vector<16xi32>
      %lt3A_523 = arith.cmpi slt, %broadcast_in_dim3A_520, %lt3A_522 : vector<16xi32>
      %add3A_524 = arith.constant 16 : i32
      %add3A_525 = vector.broadcast %add3A_524 : i32 to vector<16xi32>
      %add3A_526 = arith.addi %broadcast_in_dim3A_520, %add3A_525 : vector<16xi32>
      %select_n3A_527 = arith.select %lt3A_523, %add3A_526, %broadcast_in_dim3A_520 : vector<16xi1>, vector<16xi32>
      %broadcast_in_dim3A_528 = vector.shape_cast %select_n3A_527 : vector<16xi32> to vector<16x1xi32>
      %gather3A_529 = vector.shape_cast %broadcast_in_dim3A_528 : vector<16x1xi32> to vector<16xi32>
      %gather3A_530 = tpu.dynamic_gather %mul3A_231[%gather3A_529] in [0] : vector<16xi32>, vector<16xi32> -> vector<16xi32>
      %add3A_531 = arith.addi %gather3A_530, %add3A_39 : vector<16xi32>
      %gather3A_532 = tpu.vector_load_idx %arg8[%add3A_531] : memref<38400xf32, #tpu.memory_space<vmem>>[vector<16xi32>], vector<16xf32>,
      %swap3A_533 = arith.index_cast %add3A_518 : i32 to index
      %swap3A_534 = arith.constant 0 : index
      %swap3A_535 = tpu.vector_load %arg13[%swap3A_533, %swap3A_534] {strides = array<i32>} : memref<256x64xf32, #tpu.memory_space<vmem>>, vector<16xf32>,
      tpu.vector_store %arg13[%swap3A_533, %swap3A_534], %gather3A_532 {add = true, strides = array<i32>} : memref<256x64xf32, #tpu.memory_space<vmem>>, vector<16xf32>,
      %add3A_536 = arith.addi %gather3A_530, %add3A_42 : vector<16xi32>
      %gather3A_537 = tpu.vector_load_idx %arg8[%add3A_536] : memref<38400xf32, #tpu.memory_space<vmem>>[vector<16xi32>], vector<16xf32>,
      %swap3A_538 = arith.index_cast %add3A_518 : i32 to index
      %swap3A_539 = arith.constant 16 : index
      %swap3A_540 = tpu.vector_load %arg13[%swap3A_538, %swap3A_539] {strides = array<i32>} : memref<256x64xf32, #tpu.memory_space<vmem>>, vector<16xf32>,
      tpu.vector_store %arg13[%swap3A_538, %swap3A_539], %gather3A_537 {add = true, strides = array<i32>} : memref<256x64xf32, #tpu.memory_space<vmem>>, vector<16xf32>,
      %add3A_541 = arith.addi %gather3A_530, %add3A_45 : vector<16xi32>
      %gather3A_542 = tpu.vector_load_idx %arg8[%add3A_541] : memref<38400xf32, #tpu.memory_space<vmem>>[vector<16xi32>], vector<16xf32>,
      %swap3A_543 = arith.index_cast %add3A_518 : i32 to index
      %swap3A_544 = arith.constant 32 : index
      %swap3A_545 = tpu.vector_load %arg13[%swap3A_543, %swap3A_544] {strides = array<i32>} : memref<256x64xf32, #tpu.memory_space<vmem>>, vector<16xf32>,
      tpu.vector_store %arg13[%swap3A_543, %swap3A_544], %gather3A_542 {add = true, strides = array<i32>} : memref<256x64xf32, #tpu.memory_space<vmem>>, vector<16xf32>,
      %add3A_546 = arith.addi %gather3A_530, %add3A_48 : vector<16xi32>
      %gather3A_547 = tpu.vector_load_idx %arg8[%add3A_546] : memref<38400xf32, #tpu.memory_space<vmem>>[vector<16xi32>], vector<16xf32>,
      %swap3A_548 = arith.index_cast %add3A_518 : i32 to index
      %swap3A_549 = arith.constant 48 : index
      %swap3A_550 = tpu.vector_load %arg13[%swap3A_548, %swap3A_549] {strides = array<i32>} : memref<256x64xf32, #tpu.memory_space<vmem>>, vector<16xf32>,
      tpu.vector_store %arg13[%swap3A_548, %swap3A_549], %gather3A_547 {add = true, strides = array<i32>} : memref<256x64xf32, #tpu.memory_space<vmem>>, vector<16xf32>,
      %mul3A_551 = arith.constant 16 : i32
      %mul3A_552 = arith.muli %scan3A_211, %mul3A_551 : i32
      %add3A_553 = arith.constant 9 : i32
      %add3A_554 = arith.addi %mul3A_552, %add3A_553 : i32
      %broadcast_in_dim3A_555 = arith.constant 9 : i32
      %broadcast_in_dim3A_556 = vector.broadcast %broadcast_in_dim3A_555 : i32 to vector<16xi32>
      %lt3A_557 = arith.constant 0 : i32
      %lt3A_558 = vector.broadcast %lt3A_557 : i32 to vector<16xi32>
      %lt3A_559 = arith.cmpi slt, %broadcast_in_dim3A_556, %lt3A_558 : vector<16xi32>
      %add3A_560 = arith.constant 16 : i32
      %add3A_561 = vector.broadcast %add3A_560 : i32 to vector<16xi32>
      %add3A_562 = arith.addi %broadcast_in_dim3A_556, %add3A_561 : vector<16xi32>
      %select_n3A_563 = arith.select %lt3A_559, %add3A_562, %broadcast_in_dim3A_556 : vector<16xi1>, vector<16xi32>
      %broadcast_in_dim3A_564 = vector.shape_cast %select_n3A_563 : vector<16xi32> to vector<16x1xi32>
      %gather3A_565 = vector.shape_cast %broadcast_in_dim3A_564 : vector<16x1xi32> to vector<16xi32>
      %gather3A_566 = tpu.dynamic_gather %mul3A_231[%gather3A_565] in [0] : vector<16xi32>, vector<16xi32> -> vector<16xi32>
      %add3A_567 = arith.addi %gather3A_566, %add3A_39 : vector<16xi32>
      %gather3A_568 = tpu.vector_load_idx %arg8[%add3A_567] : memref<38400xf32, #tpu.memory_space<vmem>>[vector<16xi32>], vector<16xf32>,
      %swap3A_569 = arith.index_cast %add3A_554 : i32 to index
      %swap3A_570 = arith.constant 0 : index
      %swap3A_571 = tpu.vector_load %arg13[%swap3A_569, %swap3A_570] {strides = array<i32>} : memref<256x64xf32, #tpu.memory_space<vmem>>, vector<16xf32>,
      tpu.vector_store %arg13[%swap3A_569, %swap3A_570], %gather3A_568 {add = true, strides = array<i32>} : memref<256x64xf32, #tpu.memory_space<vmem>>, vector<16xf32>,
      %add3A_572 = arith.addi %gather3A_566, %add3A_42 : vector<16xi32>
      %gather3A_573 = tpu.vector_load_idx %arg8[%add3A_572] : memref<38400xf32, #tpu.memory_space<vmem>>[vector<16xi32>], vector<16xf32>,
      %swap3A_574 = arith.index_cast %add3A_554 : i32 to index
      %swap3A_575 = arith.constant 16 : index
      %swap3A_576 = tpu.vector_load %arg13[%swap3A_574, %swap3A_575] {strides = array<i32>} : memref<256x64xf32, #tpu.memory_space<vmem>>, vector<16xf32>,
      tpu.vector_store %arg13[%swap3A_574, %swap3A_575], %gather3A_573 {add = true, strides = array<i32>} : memref<256x64xf32, #tpu.memory_space<vmem>>, vector<16xf32>,
      %add3A_577 = arith.addi %gather3A_566, %add3A_45 : vector<16xi32>
      %gather3A_578 = tpu.vector_load_idx %arg8[%add3A_577] : memref<38400xf32, #tpu.memory_space<vmem>>[vector<16xi32>], vector<16xf32>,
      %swap3A_579 = arith.index_cast %add3A_554 : i32 to index
      %swap3A_580 = arith.constant 32 : index
      %swap3A_581 = tpu.vector_load %arg13[%swap3A_579, %swap3A_580] {strides = array<i32>} : memref<256x64xf32, #tpu.memory_space<vmem>>, vector<16xf32>,
      tpu.vector_store %arg13[%swap3A_579, %swap3A_580], %gather3A_578 {add = true, strides = array<i32>} : memref<256x64xf32, #tpu.memory_space<vmem>>, vector<16xf32>,
      %add3A_582 = arith.addi %gather3A_566, %add3A_48 : vector<16xi32>
      %gather3A_583 = tpu.vector_load_idx %arg8[%add3A_582] : memref<38400xf32, #tpu.memory_space<vmem>>[vector<16xi32>], vector<16xf32>,
      %swap3A_584 = arith.index_cast %add3A_554 : i32 to index
      %swap3A_585 = arith.constant 48 : index
      %swap3A_586 = tpu.vector_load %arg13[%swap3A_584, %swap3A_585] {strides = array<i32>} : memref<256x64xf32, #tpu.memory_space<vmem>>, vector<16xf32>,
      tpu.vector_store %arg13[%swap3A_584, %swap3A_585], %gather3A_583 {add = true, strides = array<i32>} : memref<256x64xf32, #tpu.memory_space<vmem>>, vector<16xf32>,
      %mul3A_587 = arith.constant 16 : i32
      %mul3A_588 = arith.muli %scan3A_211, %mul3A_587 : i32
      %add3A_589 = arith.constant 10 : i32
      %add3A_590 = arith.addi %mul3A_588, %add3A_589 : i32
      %broadcast_in_dim3A_591 = arith.constant 10 : i32
      %broadcast_in_dim3A_592 = vector.broadcast %broadcast_in_dim3A_591 : i32 to vector<16xi32>
      %lt3A_593 = arith.constant 0 : i32
      %lt3A_594 = vector.broadcast %lt3A_593 : i32 to vector<16xi32>
      %lt3A_595 = arith.cmpi slt, %broadcast_in_dim3A_592, %lt3A_594 : vector<16xi32>
      %add3A_596 = arith.constant 16 : i32
      %add3A_597 = vector.broadcast %add3A_596 : i32 to vector<16xi32>
      %add3A_598 = arith.addi %broadcast_in_dim3A_592, %add3A_597 : vector<16xi32>
      %select_n3A_599 = arith.select %lt3A_595, %add3A_598, %broadcast_in_dim3A_592 : vector<16xi1>, vector<16xi32>
      %broadcast_in_dim3A_600 = vector.shape_cast %select_n3A_599 : vector<16xi32> to vector<16x1xi32>
      %gather3A_601 = vector.shape_cast %broadcast_in_dim3A_600 : vector<16x1xi32> to vector<16xi32>
      %gather3A_602 = tpu.dynamic_gather %mul3A_231[%gather3A_601] in [0] : vector<16xi32>, vector<16xi32> -> vector<16xi32>
      %add3A_603 = arith.addi %gather3A_602, %add3A_39 : vector<16xi32>
      %gather3A_604 = tpu.vector_load_idx %arg8[%add3A_603] : memref<38400xf32, #tpu.memory_space<vmem>>[vector<16xi32>], vector<16xf32>,
      %swap3A_605 = arith.index_cast %add3A_590 : i32 to index
      %swap3A_606 = arith.constant 0 : index
      %swap3A_607 = tpu.vector_load %arg13[%swap3A_605, %swap3A_606] {strides = array<i32>} : memref<256x64xf32, #tpu.memory_space<vmem>>, vector<16xf32>,
      tpu.vector_store %arg13[%swap3A_605, %swap3A_606], %gather3A_604 {add = true, strides = array<i32>} : memref<256x64xf32, #tpu.memory_space<vmem>>, vector<16xf32>,
      %add3A_608 = arith.addi %gather3A_602, %add3A_42 : vector<16xi32>
      %gather3A_609 = tpu.vector_load_idx %arg8[%add3A_608] : memref<38400xf32, #tpu.memory_space<vmem>>[vector<16xi32>], vector<16xf32>,
      %swap3A_610 = arith.index_cast %add3A_590 : i32 to index
      %swap3A_611 = arith.constant 16 : index
      %swap3A_612 = tpu.vector_load %arg13[%swap3A_610, %swap3A_611] {strides = array<i32>} : memref<256x64xf32, #tpu.memory_space<vmem>>, vector<16xf32>,
      tpu.vector_store %arg13[%swap3A_610, %swap3A_611], %gather3A_609 {add = true, strides = array<i32>} : memref<256x64xf32, #tpu.memory_space<vmem>>, vector<16xf32>,
      %add3A_613 = arith.addi %gather3A_602, %add3A_45 : vector<16xi32>
      %gather3A_614 = tpu.vector_load_idx %arg8[%add3A_613] : memref<38400xf32, #tpu.memory_space<vmem>>[vector<16xi32>], vector<16xf32>,
      %swap3A_615 = arith.index_cast %add3A_590 : i32 to index
      %swap3A_616 = arith.constant 32 : index
      %swap3A_617 = tpu.vector_load %arg13[%swap3A_615, %swap3A_616] {strides = array<i32>} : memref<256x64xf32, #tpu.memory_space<vmem>>, vector<16xf32>,
      tpu.vector_store %arg13[%swap3A_615, %swap3A_616], %gather3A_614 {add = true, strides = array<i32>} : memref<256x64xf32, #tpu.memory_space<vmem>>, vector<16xf32>,
      %add3A_618 = arith.addi %gather3A_602, %add3A_48 : vector<16xi32>
      %gather3A_619 = tpu.vector_load_idx %arg8[%add3A_618] : memref<38400xf32, #tpu.memory_space<vmem>>[vector<16xi32>], vector<16xf32>,
      %swap3A_620 = arith.index_cast %add3A_590 : i32 to index
      %swap3A_621 = arith.constant 48 : index
      %swap3A_622 = tpu.vector_load %arg13[%swap3A_620, %swap3A_621] {strides = array<i32>} : memref<256x64xf32, #tpu.memory_space<vmem>>, vector<16xf32>,
      tpu.vector_store %arg13[%swap3A_620, %swap3A_621], %gather3A_619 {add = true, strides = array<i32>} : memref<256x64xf32, #tpu.memory_space<vmem>>, vector<16xf32>,
      %mul3A_623 = arith.constant 16 : i32
      %mul3A_624 = arith.muli %scan3A_211, %mul3A_623 : i32
      %add3A_625 = arith.constant 11 : i32
      %add3A_626 = arith.addi %mul3A_624, %add3A_625 : i32
      %broadcast_in_dim3A_627 = arith.constant 11 : i32
      %broadcast_in_dim3A_628 = vector.broadcast %broadcast_in_dim3A_627 : i32 to vector<16xi32>
      %lt3A_629 = arith.constant 0 : i32
      %lt3A_630 = vector.broadcast %lt3A_629 : i32 to vector<16xi32>
      %lt3A_631 = arith.cmpi slt, %broadcast_in_dim3A_628, %lt3A_630 : vector<16xi32>
      %add3A_632 = arith.constant 16 : i32
      %add3A_633 = vector.broadcast %add3A_632 : i32 to vector<16xi32>
      %add3A_634 = arith.addi %broadcast_in_dim3A_628, %add3A_633 : vector<16xi32>
      %select_n3A_635 = arith.select %lt3A_631, %add3A_634, %broadcast_in_dim3A_628 : vector<16xi1>, vector<16xi32>
      %broadcast_in_dim3A_636 = vector.shape_cast %select_n3A_635 : vector<16xi32> to vector<16x1xi32>
      %gather3A_637 = vector.shape_cast %broadcast_in_dim3A_636 : vector<16x1xi32> to vector<16xi32>
      %gather3A_638 = tpu.dynamic_gather %mul3A_231[%gather3A_637] in [0] : vector<16xi32>, vector<16xi32> -> vector<16xi32>
      %add3A_639 = arith.addi %gather3A_638, %add3A_39 : vector<16xi32>
      %gather3A_640 = tpu.vector_load_idx %arg8[%add3A_639] : memref<38400xf32, #tpu.memory_space<vmem>>[vector<16xi32>], vector<16xf32>,
      %swap3A_641 = arith.index_cast %add3A_626 : i32 to index
      %swap3A_642 = arith.constant 0 : index
      %swap3A_643 = tpu.vector_load %arg13[%swap3A_641, %swap3A_642] {strides = array<i32>} : memref<256x64xf32, #tpu.memory_space<vmem>>, vector<16xf32>,
      tpu.vector_store %arg13[%swap3A_641, %swap3A_642], %gather3A_640 {add = true, strides = array<i32>} : memref<256x64xf32, #tpu.memory_space<vmem>>, vector<16xf32>,
      %add3A_644 = arith.addi %gather3A_638, %add3A_42 : vector<16xi32>
      %gather3A_645 = tpu.vector_load_idx %arg8[%add3A_644] : memref<38400xf32, #tpu.memory_space<vmem>>[vector<16xi32>], vector<16xf32>,
      %swap3A_646 = arith.index_cast %add3A_626 : i32 to index
      %swap3A_647 = arith.constant 16 : index
      %swap3A_648 = tpu.vector_load %arg13[%swap3A_646, %swap3A_647] {strides = array<i32>} : memref<256x64xf32, #tpu.memory_space<vmem>>, vector<16xf32>,
      tpu.vector_store %arg13[%swap3A_646, %swap3A_647], %gather3A_645 {add = true, strides = array<i32>} : memref<256x64xf32, #tpu.memory_space<vmem>>, vector<16xf32>,
      %add3A_649 = arith.addi %gather3A_638, %add3A_45 : vector<16xi32>
      %gather3A_650 = tpu.vector_load_idx %arg8[%add3A_649] : memref<38400xf32, #tpu.memory_space<vmem>>[vector<16xi32>], vector<16xf32>,
      %swap3A_651 = arith.index_cast %add3A_626 : i32 to index
      %swap3A_652 = arith.constant 32 : index
      %swap3A_653 = tpu.vector_load %arg13[%swap3A_651, %swap3A_652] {strides = array<i32>} : memref<256x64xf32, #tpu.memory_space<vmem>>, vector<16xf32>,
      tpu.vector_store %arg13[%swap3A_651, %swap3A_652], %gather3A_650 {add = true, strides = array<i32>} : memref<256x64xf32, #tpu.memory_space<vmem>>, vector<16xf32>,
      %add3A_654 = arith.addi %gather3A_638, %add3A_48 : vector<16xi32>
      %gather3A_655 = tpu.vector_load_idx %arg8[%add3A_654] : memref<38400xf32, #tpu.memory_space<vmem>>[vector<16xi32>], vector<16xf32>,
      %swap3A_656 = arith.index_cast %add3A_626 : i32 to index
      %swap3A_657 = arith.constant 48 : index
      %swap3A_658 = tpu.vector_load %arg13[%swap3A_656, %swap3A_657] {strides = array<i32>} : memref<256x64xf32, #tpu.memory_space<vmem>>, vector<16xf32>,
      tpu.vector_store %arg13[%swap3A_656, %swap3A_657], %gather3A_655 {add = true, strides = array<i32>} : memref<256x64xf32, #tpu.memory_space<vmem>>, vector<16xf32>,
      %mul3A_659 = arith.constant 16 : i32
      %mul3A_660 = arith.muli %scan3A_211, %mul3A_659 : i32
      %add3A_661 = arith.constant 12 : i32
      %add3A_662 = arith.addi %mul3A_660, %add3A_661 : i32
      %broadcast_in_dim3A_663 = arith.constant 12 : i32
      %broadcast_in_dim3A_664 = vector.broadcast %broadcast_in_dim3A_663 : i32 to vector<16xi32>
      %lt3A_665 = arith.constant 0 : i32
      %lt3A_666 = vector.broadcast %lt3A_665 : i32 to vector<16xi32>
      %lt3A_667 = arith.cmpi slt, %broadcast_in_dim3A_664, %lt3A_666 : vector<16xi32>
      %add3A_668 = arith.constant 16 : i32
      %add3A_669 = vector.broadcast %add3A_668 : i32 to vector<16xi32>
      %add3A_670 = arith.addi %broadcast_in_dim3A_664, %add3A_669 : vector<16xi32>
      %select_n3A_671 = arith.select %lt3A_667, %add3A_670, %broadcast_in_dim3A_664 : vector<16xi1>, vector<16xi32>
      %broadcast_in_dim3A_672 = vector.shape_cast %select_n3A_671 : vector<16xi32> to vector<16x1xi32>
      %gather3A_673 = vector.shape_cast %broadcast_in_dim3A_672 : vector<16x1xi32> to vector<16xi32>
      %gather3A_674 = tpu.dynamic_gather %mul3A_231[%gather3A_673] in [0] : vector<16xi32>, vector<16xi32> -> vector<16xi32>
      %add3A_675 = arith.addi %gather3A_674, %add3A_39 : vector<16xi32>
      %gather3A_676 = tpu.vector_load_idx %arg8[%add3A_675] : memref<38400xf32, #tpu.memory_space<vmem>>[vector<16xi32>], vector<16xf32>,
      %swap3A_677 = arith.index_cast %add3A_662 : i32 to index
      %swap3A_678 = arith.constant 0 : index
      %swap3A_679 = tpu.vector_load %arg13[%swap3A_677, %swap3A_678] {strides = array<i32>} : memref<256x64xf32, #tpu.memory_space<vmem>>, vector<16xf32>,
      tpu.vector_store %arg13[%swap3A_677, %swap3A_678], %gather3A_676 {add = true, strides = array<i32>} : memref<256x64xf32, #tpu.memory_space<vmem>>, vector<16xf32>,
      %add3A_680 = arith.addi %gather3A_674, %add3A_42 : vector<16xi32>
      %gather3A_681 = tpu.vector_load_idx %arg8[%add3A_680] : memref<38400xf32, #tpu.memory_space<vmem>>[vector<16xi32>], vector<16xf32>,
      %swap3A_682 = arith.index_cast %add3A_662 : i32 to index
      %swap3A_683 = arith.constant 16 : index
      %swap3A_684 = tpu.vector_load %arg13[%swap3A_682, %swap3A_683] {strides = array<i32>} : memref<256x64xf32, #tpu.memory_space<vmem>>, vector<16xf32>,
      tpu.vector_store %arg13[%swap3A_682, %swap3A_683], %gather3A_681 {add = true, strides = array<i32>} : memref<256x64xf32, #tpu.memory_space<vmem>>, vector<16xf32>,
      %add3A_685 = arith.addi %gather3A_674, %add3A_45 : vector<16xi32>
      %gather3A_686 = tpu.vector_load_idx %arg8[%add3A_685] : memref<38400xf32, #tpu.memory_space<vmem>>[vector<16xi32>], vector<16xf32>,
      %swap3A_687 = arith.index_cast %add3A_662 : i32 to index
      %swap3A_688 = arith.constant 32 : index
      %swap3A_689 = tpu.vector_load %arg13[%swap3A_687, %swap3A_688] {strides = array<i32>} : memref<256x64xf32, #tpu.memory_space<vmem>>, vector<16xf32>,
      tpu.vector_store %arg13[%swap3A_687, %swap3A_688], %gather3A_686 {add = true, strides = array<i32>} : memref<256x64xf32, #tpu.memory_space<vmem>>, vector<16xf32>,
      %add3A_690 = arith.addi %gather3A_674, %add3A_48 : vector<16xi32>
      %gather3A_691 = tpu.vector_load_idx %arg8[%add3A_690] : memref<38400xf32, #tpu.memory_space<vmem>>[vector<16xi32>], vector<16xf32>,
      %swap3A_692 = arith.index_cast %add3A_662 : i32 to index
      %swap3A_693 = arith.constant 48 : index
      %swap3A_694 = tpu.vector_load %arg13[%swap3A_692, %swap3A_693] {strides = array<i32>} : memref<256x64xf32, #tpu.memory_space<vmem>>, vector<16xf32>,
      tpu.vector_store %arg13[%swap3A_692, %swap3A_693], %gather3A_691 {add = true, strides = array<i32>} : memref<256x64xf32, #tpu.memory_space<vmem>>, vector<16xf32>,
      %mul3A_695 = arith.constant 16 : i32
      %mul3A_696 = arith.muli %scan3A_211, %mul3A_695 : i32
      %add3A_697 = arith.constant 13 : i32
      %add3A_698 = arith.addi %mul3A_696, %add3A_697 : i32
      %broadcast_in_dim3A_699 = arith.constant 13 : i32
      %broadcast_in_dim3A_700 = vector.broadcast %broadcast_in_dim3A_699 : i32 to vector<16xi32>
      %lt3A_701 = arith.constant 0 : i32
      %lt3A_702 = vector.broadcast %lt3A_701 : i32 to vector<16xi32>
      %lt3A_703 = arith.cmpi slt, %broadcast_in_dim3A_700, %lt3A_702 : vector<16xi32>
      %add3A_704 = arith.constant 16 : i32
      %add3A_705 = vector.broadcast %add3A_704 : i32 to vector<16xi32>
      %add3A_706 = arith.addi %broadcast_in_dim3A_700, %add3A_705 : vector<16xi32>
      %select_n3A_707 = arith.select %lt3A_703, %add3A_706, %broadcast_in_dim3A_700 : vector<16xi1>, vector<16xi32>
      %broadcast_in_dim3A_708 = vector.shape_cast %select_n3A_707 : vector<16xi32> to vector<16x1xi32>
      %gather3A_709 = vector.shape_cast %broadcast_in_dim3A_708 : vector<16x1xi32> to vector<16xi32>
      %gather3A_710 = tpu.dynamic_gather %mul3A_231[%gather3A_709] in [0] : vector<16xi32>, vector<16xi32> -> vector<16xi32>
      %add3A_711 = arith.addi %gather3A_710, %add3A_39 : vector<16xi32>
      %gather3A_712 = tpu.vector_load_idx %arg8[%add3A_711] : memref<38400xf32, #tpu.memory_space<vmem>>[vector<16xi32>], vector<16xf32>,
      %swap3A_713 = arith.index_cast %add3A_698 : i32 to index
      %swap3A_714 = arith.constant 0 : index
      %swap3A_715 = tpu.vector_load %arg13[%swap3A_713, %swap3A_714] {strides = array<i32>} : memref<256x64xf32, #tpu.memory_space<vmem>>, vector<16xf32>,
      tpu.vector_store %arg13[%swap3A_713, %swap3A_714], %gather3A_712 {add = true, strides = array<i32>} : memref<256x64xf32, #tpu.memory_space<vmem>>, vector<16xf32>,
      %add3A_716 = arith.addi %gather3A_710, %add3A_42 : vector<16xi32>
      %gather3A_717 = tpu.vector_load_idx %arg8[%add3A_716] : memref<38400xf32, #tpu.memory_space<vmem>>[vector<16xi32>], vector<16xf32>,
      %swap3A_718 = arith.index_cast %add3A_698 : i32 to index
      %swap3A_719 = arith.constant 16 : index
      %swap3A_720 = tpu.vector_load %arg13[%swap3A_718, %swap3A_719] {strides = array<i32>} : memref<256x64xf32, #tpu.memory_space<vmem>>, vector<16xf32>,
      tpu.vector_store %arg13[%swap3A_718, %swap3A_719], %gather3A_717 {add = true, strides = array<i32>} : memref<256x64xf32, #tpu.memory_space<vmem>>, vector<16xf32>,
      %add3A_721 = arith.addi %gather3A_710, %add3A_45 : vector<16xi32>
      %gather3A_722 = tpu.vector_load_idx %arg8[%add3A_721] : memref<38400xf32, #tpu.memory_space<vmem>>[vector<16xi32>], vector<16xf32>,
      %swap3A_723 = arith.index_cast %add3A_698 : i32 to index
      %swap3A_724 = arith.constant 32 : index
      %swap3A_725 = tpu.vector_load %arg13[%swap3A_723, %swap3A_724] {strides = array<i32>} : memref<256x64xf32, #tpu.memory_space<vmem>>, vector<16xf32>,
      tpu.vector_store %arg13[%swap3A_723, %swap3A_724], %gather3A_722 {add = true, strides = array<i32>} : memref<256x64xf32, #tpu.memory_space<vmem>>, vector<16xf32>,
      %add3A_726 = arith.addi %gather3A_710, %add3A_48 : vector<16xi32>
      %gather3A_727 = tpu.vector_load_idx %arg8[%add3A_726] : memref<38400xf32, #tpu.memory_space<vmem>>[vector<16xi32>], vector<16xf32>,
      %swap3A_728 = arith.index_cast %add3A_698 : i32 to index
      %swap3A_729 = arith.constant 48 : index
      %swap3A_730 = tpu.vector_load %arg13[%swap3A_728, %swap3A_729] {strides = array<i32>} : memref<256x64xf32, #tpu.memory_space<vmem>>, vector<16xf32>,
      tpu.vector_store %arg13[%swap3A_728, %swap3A_729], %gather3A_727 {add = true, strides = array<i32>} : memref<256x64xf32, #tpu.memory_space<vmem>>, vector<16xf32>,
      %mul3A_731 = arith.constant 16 : i32
      %mul3A_732 = arith.muli %scan3A_211, %mul3A_731 : i32
      %add3A_733 = arith.constant 14 : i32
      %add3A_734 = arith.addi %mul3A_732, %add3A_733 : i32
      %broadcast_in_dim3A_735 = arith.constant 14 : i32
      %broadcast_in_dim3A_736 = vector.broadcast %broadcast_in_dim3A_735 : i32 to vector<16xi32>
      %lt3A_737 = arith.constant 0 : i32
      %lt3A_738 = vector.broadcast %lt3A_737 : i32 to vector<16xi32>
      %lt3A_739 = arith.cmpi slt, %broadcast_in_dim3A_736, %lt3A_738 : vector<16xi32>
      %add3A_740 = arith.constant 16 : i32
      %add3A_741 = vector.broadcast %add3A_740 : i32 to vector<16xi32>
      %add3A_742 = arith.addi %broadcast_in_dim3A_736, %add3A_741 : vector<16xi32>
      %select_n3A_743 = arith.select %lt3A_739, %add3A_742, %broadcast_in_dim3A_736 : vector<16xi1>, vector<16xi32>
      %broadcast_in_dim3A_744 = vector.shape_cast %select_n3A_743 : vector<16xi32> to vector<16x1xi32>
      %gather3A_745 = vector.shape_cast %broadcast_in_dim3A_744 : vector<16x1xi32> to vector<16xi32>
      %gather3A_746 = tpu.dynamic_gather %mul3A_231[%gather3A_745] in [0] : vector<16xi32>, vector<16xi32> -> vector<16xi32>
      %add3A_747 = arith.addi %gather3A_746, %add3A_39 : vector<16xi32>
      %gather3A_748 = tpu.vector_load_idx %arg8[%add3A_747] : memref<38400xf32, #tpu.memory_space<vmem>>[vector<16xi32>], vector<16xf32>,
      %swap3A_749 = arith.index_cast %add3A_734 : i32 to index
      %swap3A_750 = arith.constant 0 : index
      %swap3A_751 = tpu.vector_load %arg13[%swap3A_749, %swap3A_750] {strides = array<i32>} : memref<256x64xf32, #tpu.memory_space<vmem>>, vector<16xf32>,
      tpu.vector_store %arg13[%swap3A_749, %swap3A_750], %gather3A_748 {add = true, strides = array<i32>} : memref<256x64xf32, #tpu.memory_space<vmem>>, vector<16xf32>,
      %add3A_752 = arith.addi %gather3A_746, %add3A_42 : vector<16xi32>
      %gather3A_753 = tpu.vector_load_idx %arg8[%add3A_752] : memref<38400xf32, #tpu.memory_space<vmem>>[vector<16xi32>], vector<16xf32>,
      %swap3A_754 = arith.index_cast %add3A_734 : i32 to index
      %swap3A_755 = arith.constant 16 : index
      %swap3A_756 = tpu.vector_load %arg13[%swap3A_754, %swap3A_755] {strides = array<i32>} : memref<256x64xf32, #tpu.memory_space<vmem>>, vector<16xf32>,
      tpu.vector_store %arg13[%swap3A_754, %swap3A_755], %gather3A_753 {add = true, strides = array<i32>} : memref<256x64xf32, #tpu.memory_space<vmem>>, vector<16xf32>,
      %add3A_757 = arith.addi %gather3A_746, %add3A_45 : vector<16xi32>
      %gather3A_758 = tpu.vector_load_idx %arg8[%add3A_757] : memref<38400xf32, #tpu.memory_space<vmem>>[vector<16xi32>], vector<16xf32>,
      %swap3A_759 = arith.index_cast %add3A_734 : i32 to index
      %swap3A_760 = arith.constant 32 : index
      %swap3A_761 = tpu.vector_load %arg13[%swap3A_759, %swap3A_760] {strides = array<i32>} : memref<256x64xf32, #tpu.memory_space<vmem>>, vector<16xf32>,
      tpu.vector_store %arg13[%swap3A_759, %swap3A_760], %gather3A_758 {add = true, strides = array<i32>} : memref<256x64xf32, #tpu.memory_space<vmem>>, vector<16xf32>,
      %add3A_762 = arith.addi %gather3A_746, %add3A_48 : vector<16xi32>
      %gather3A_763 = tpu.vector_load_idx %arg8[%add3A_762] : memref<38400xf32, #tpu.memory_space<vmem>>[vector<16xi32>], vector<16xf32>,
      %swap3A_764 = arith.index_cast %add3A_734 : i32 to index
      %swap3A_765 = arith.constant 48 : index
      %swap3A_766 = tpu.vector_load %arg13[%swap3A_764, %swap3A_765] {strides = array<i32>} : memref<256x64xf32, #tpu.memory_space<vmem>>, vector<16xf32>,
      tpu.vector_store %arg13[%swap3A_764, %swap3A_765], %gather3A_763 {add = true, strides = array<i32>} : memref<256x64xf32, #tpu.memory_space<vmem>>, vector<16xf32>,
      %mul3A_767 = arith.constant 16 : i32
      %mul3A_768 = arith.muli %scan3A_211, %mul3A_767 : i32
      %add3A_769 = arith.constant 15 : i32
      %add3A_770 = arith.addi %mul3A_768, %add3A_769 : i32
      %broadcast_in_dim3A_771 = arith.constant 15 : i32
      %broadcast_in_dim3A_772 = vector.broadcast %broadcast_in_dim3A_771 : i32 to vector<16xi32>
      %lt3A_773 = arith.constant 0 : i32
      %lt3A_774 = vector.broadcast %lt3A_773 : i32 to vector<16xi32>
      %lt3A_775 = arith.cmpi slt, %broadcast_in_dim3A_772, %lt3A_774 : vector<16xi32>
      %add3A_776 = arith.constant 16 : i32
      %add3A_777 = vector.broadcast %add3A_776 : i32 to vector<16xi32>
      %add3A_778 = arith.addi %broadcast_in_dim3A_772, %add3A_777 : vector<16xi32>
      %select_n3A_779 = arith.select %lt3A_775, %add3A_778, %broadcast_in_dim3A_772 : vector<16xi1>, vector<16xi32>
      %broadcast_in_dim3A_780 = vector.shape_cast %select_n3A_779 : vector<16xi32> to vector<16x1xi32>
      %gather3A_781 = vector.shape_cast %broadcast_in_dim3A_780 : vector<16x1xi32> to vector<16xi32>
      %gather3A_782 = tpu.dynamic_gather %mul3A_231[%gather3A_781] in [0] : vector<16xi32>, vector<16xi32> -> vector<16xi32>
      %add3A_783 = arith.addi %gather3A_782, %add3A_39 : vector<16xi32>
      %gather3A_784 = tpu.vector_load_idx %arg8[%add3A_783] : memref<38400xf32, #tpu.memory_space<vmem>>[vector<16xi32>], vector<16xf32>,
      %swap3A_785 = arith.index_cast %add3A_770 : i32 to index
      %swap3A_786 = arith.constant 0 : index
      %swap3A_787 = tpu.vector_load %arg13[%swap3A_785, %swap3A_786] {strides = array<i32>} : memref<256x64xf32, #tpu.memory_space<vmem>>, vector<16xf32>,
      tpu.vector_store %arg13[%swap3A_785, %swap3A_786], %gather3A_784 {add = true, strides = array<i32>} : memref<256x64xf32, #tpu.memory_space<vmem>>, vector<16xf32>,
      %add3A_788 = arith.addi %gather3A_782, %add3A_42 : vector<16xi32>
      %gather3A_789 = tpu.vector_load_idx %arg8[%add3A_788] : memref<38400xf32, #tpu.memory_space<vmem>>[vector<16xi32>], vector<16xf32>,
      %swap3A_790 = arith.index_cast %add3A_770 : i32 to index
      %swap3A_791 = arith.constant 16 : index
      %swap3A_792 = tpu.vector_load %arg13[%swap3A_790, %swap3A_791] {strides = array<i32>} : memref<256x64xf32, #tpu.memory_space<vmem>>, vector<16xf32>,
      tpu.vector_store %arg13[%swap3A_790, %swap3A_791], %gather3A_789 {add = true, strides = array<i32>} : memref<256x64xf32, #tpu.memory_space<vmem>>, vector<16xf32>,
      %add3A_793 = arith.addi %gather3A_782, %add3A_45 : vector<16xi32>
      %gather3A_794 = tpu.vector_load_idx %arg8[%add3A_793] : memref<38400xf32, #tpu.memory_space<vmem>>[vector<16xi32>], vector<16xf32>,
      %swap3A_795 = arith.index_cast %add3A_770 : i32 to index
      %swap3A_796 = arith.constant 32 : index
      %swap3A_797 = tpu.vector_load %arg13[%swap3A_795, %swap3A_796] {strides = array<i32>} : memref<256x64xf32, #tpu.memory_space<vmem>>, vector<16xf32>,
      tpu.vector_store %arg13[%swap3A_795, %swap3A_796], %gather3A_794 {add = true, strides = array<i32>} : memref<256x64xf32, #tpu.memory_space<vmem>>, vector<16xf32>,
      %add3A_798 = arith.addi %gather3A_782, %add3A_48 : vector<16xi32>
      %gather3A_799 = tpu.vector_load_idx %arg8[%add3A_798] : memref<38400xf32, #tpu.memory_space<vmem>>[vector<16xi32>], vector<16xf32>,
      %swap3A_800 = arith.index_cast %add3A_770 : i32 to index
      %swap3A_801 = arith.constant 48 : index
      %swap3A_802 = tpu.vector_load %arg13[%swap3A_800, %swap3A_801] {strides = array<i32>} : memref<256x64xf32, #tpu.memory_space<vmem>>, vector<16xf32>,
      tpu.vector_store %arg13[%swap3A_800, %swap3A_801], %gather3A_799 {add = true, strides = array<i32>} : memref<256x64xf32, #tpu.memory_space<vmem>>, vector<16xf32>,
    }
    %scan3A_162 = arith.constant 16 : i32
    %add3A_163 = arith.constant 5888 : i32
    %add3A_164 = arith.addi %mul3A_2, %add3A_163 : i32
    %dma_start3A_165 = arith.constant 0 : i32
    %dma_start3A_166 = tpu.memref_slice %arg7[%add3A_164, %dma_start3A_165] : memref<204800x64xf32, #tpu.memory_space<hbm>> -> memref<256x64xf32, #tpu.memory_space<hbm>>
    %dma_start3A_167 = arith.constant 0 : i32
    %dma_start3A_168 = tpu.memref_slice %arg7[%add3A_164, %dma_start3A_167] : memref<204800x64xf32, #tpu.memory_space<hbm>> -> memref<256x64xf32, #tpu.memory_space<hbm>>
    tpu.enqueue_dma source(%arg13 : memref<256x64xf32, #tpu.memory_space<vmem>>) target(%dma_start3A_168 : memref<256x64xf32, #tpu.memory_space<hbm>>) target_semaphore(%arg18 : memref<!tpu.dma_semaphore, #tpu.memory_space<semaphore_mem>>)
    %add3A_169 = arith.constant 5888 : i32
    %add3A_170 = arith.addi %mul3A_2, %add3A_169 : i32
    %dma_wait3A_171 = arith.constant 0 : i32
    %dma_wait3A_172 = tpu.memref_slice %arg7[%add3A_170, %dma_wait3A_171] : memref<204800x64xf32, #tpu.memory_space<hbm>> -> memref<256x64xf32, #tpu.memory_space<hbm>>
    %dma_wait3A_173 = arith.constant 0 : i32
    %dma_wait3A_174 = tpu.memref_slice %arg7[%add3A_170, %dma_wait3A_173] : memref<204800x64xf32, #tpu.memory_space<hbm>> -> memref<256x64xf32, #tpu.memory_space<hbm>>
    tpu.wait_dma2 semaphore(%arg18 : memref<!tpu.dma_semaphore, #tpu.memory_space<semaphore_mem>>) src(%arg13 : memref<256x64xf32, #tpu.memory_space<vmem>>) dst(%dma_wait3A_174 : memref<256x64xf32, #tpu.memory_space<hbm>>)
    %dma_wait3A_175 = arith.constant 0 : i32
    %dma_wait3A_176 = arith.constant 0 : i32
    %dma_wait3A_177 = tpu.memref_slice %arg12[%dma_wait3A_175, %dma_wait3A_176] : memref<256x64xf32, #tpu.memory_space<vmem>> -> memref<128x64xf32, #tpu.memory_space<vmem>>
    %dma_wait3A_178 = arith.constant 6144 : i32
    %dma_wait3A_179 = tpu.memref_slice %arg10[%dma_wait3A_178] : memref<6400xi32, #tpu.memory_space<vmem>> -> memref<128xi32, #tpu.memory_space<vmem>>
    %dma_wait3A_180 = arith.constant 0 : i32
    %dma_wait3A_181 = arith.constant 0 : i32
    %dma_wait3A_182 = tpu.memref_slice %arg4[%dma_wait3A_180, %dma_wait3A_181] : memref<1000000x64xf32, #tpu.memory_space<hbm>> -> memref<1000000x64xf32, #tpu.memory_space<hbm>>
    tpu.wait_indirect_dma semaphore(%arg15 : memref<!tpu.dma_semaphore, #tpu.memory_space<semaphore_mem>>) src(%dma_wait3A_182 : memref<1000000x64xf32, #tpu.memory_space<hbm>>) dst(%dma_wait3A_177 : memref<128x64xf32, #tpu.memory_space<vmem>>)
    %dma_wait3A_183 = arith.constant 128 : i32
    %dma_wait3A_184 = arith.constant 0 : i32
    %dma_wait3A_185 = tpu.memref_slice %arg12[%dma_wait3A_183, %dma_wait3A_184] : memref<256x64xf32, #tpu.memory_space<vmem>> -> memref<128x64xf32, #tpu.memory_space<vmem>>
    %dma_wait3A_186 = arith.constant 6272 : i32
    %dma_wait3A_187 = tpu.memref_slice %arg10[%dma_wait3A_186] : memref<6400xi32, #tpu.memory_space<vmem>> -> memref<128xi32, #tpu.memory_space<vmem>>
    %dma_wait3A_188 = arith.constant 0 : i32
    %dma_wait3A_189 = arith.constant 0 : i32
    %dma_wait3A_190 = tpu.memref_slice %arg4[%dma_wait3A_188, %dma_wait3A_189] : memref<1000000x64xf32, #tpu.memory_space<hbm>> -> memref<1000000x64xf32, #tpu.memory_space<hbm>>
    tpu.wait_indirect_dma semaphore(%arg15 : memref<!tpu.dma_semaphore, #tpu.memory_space<semaphore_mem>>) src(%dma_wait3A_190 : memref<1000000x64xf32, #tpu.memory_space<hbm>>) dst(%dma_wait3A_185 : memref<128x64xf32, #tpu.memory_space<vmem>>)
    %add3A_191 = arith.constant 6144 : i32
    %add3A_192 = arith.addi %mul3A_2, %add3A_191 : i32
    %scan3A_193 = arith.constant 0 : i32
    %scan3A_194 = arith.constant 0 : i32
    %scan3A_195 = arith.constant 16 : i32
    %scan3A_196 = arith.addi %scan3A_194, %scan3A_195 : i32
    %scan3A_197 = arith.constant 1 : i32
    scf.for %scan3A_211 = %scan3A_194 to %scan3A_196 step %scan3A_197  : i32 {
      %mul3A_212 = arith.constant 16 : i32
      %mul3A_213 = arith.muli %scan3A_211, %mul3A_212 : i32
      %add3A_214 = arith.addi %add3A_192, %mul3A_213 : i32
      %add3A_215 = vector.broadcast %add3A_214 : i32 to vector<16xi32>
      %add3A_216 = arith.addi %add3A_215, %iota3A : vector<16xi32>
      %rem3A = arith.constant 200 : i32
      %rem3A_217 = vector.broadcast %rem3A : i32 to vector<16xi32>
      %rem3A_218 = arith.remsi %add3A_216, %rem3A_217 : vector<16xi32>
      %mul3A_219 = arith.constant 16 : i32
      %mul3A_220 = arith.muli %scan3A_211, %mul3A_219 : i32
      %add3A_221 = arith.constant 6144 : i32
      %add3A_222 = arith.addi %add3A_221, %mul3A_220 : i32
      %get3A_223 = arith.index_cast %add3A_222 : i32 to index
      %get3A_224 = tpu.vector_load %arg11[%get3A_223] {strides = array<i32>} : memref<6400xi32, #tpu.memory_space<vmem>>, vector<16xi32>,
      %mul3A_225 = arith.constant 200 : i32
      %mul3A_226 = vector.broadcast %mul3A_225 : i32 to vector<16xi32>
      %mul3A_227 = arith.muli %get3A_224, %mul3A_226 : vector<16xi32>
      %add3A_228 = arith.addi %mul3A_227, %rem3A_218 : vector<16xi32>
      %mul3A_229 = arith.constant 64 : i32
      %mul3A_230 = vector.broadcast %mul3A_229 : i32 to vector<16xi32>
      %mul3A_231 = arith.muli %add3A_228, %mul3A_230 : vector<16xi32>
      %mul3A_232 = arith.constant 16 : i32
      %mul3A_233 = arith.muli %scan3A_211, %mul3A_232 : i32
      %add3A_234 = arith.constant 0 : i32
      %add3A_235 = arith.addi %mul3A_233, %add3A_234 : i32
      %broadcast_in_dim3A = arith.constant 0 : i32
      %broadcast_in_dim3A_236 = vector.broadcast %broadcast_in_dim3A : i32 to vector<16xi32>
      %lt3A = arith.constant 0 : i32
      %lt3A_237 = vector.broadcast %lt3A : i32 to vector<16xi32>
      %lt3A_238 = arith.cmpi slt, %broadcast_in_dim3A_236, %lt3A_237 : vector<16xi32>
      %add3A_239 = arith.constant 16 : i32
      %add3A_240 = vector.broadcast %add3A_239 : i32 to vector<16xi32>
      %add3A_241 = arith.addi %broadcast_in_dim3A_236, %add3A_240 : vector<16xi32>
      %select_n3A = arith.select %lt3A_238, %add3A_241, %broadcast_in_dim3A_236 : vector<16xi1>, vector<16xi32>
      %broadcast_in_dim3A_242 = vector.shape_cast %select_n3A : vector<16xi32> to vector<16x1xi32>
      %gather3A = vector.shape_cast %broadcast_in_dim3A_242 : vector<16x1xi32> to vector<16xi32>
      %gather3A_243 = tpu.dynamic_gather %mul3A_231[%gather3A] in [0] : vector<16xi32>, vector<16xi32> -> vector<16xi32>
      %add3A_244 = arith.addi %gather3A_243, %add3A_39 : vector<16xi32>
      %gather3A_245 = tpu.vector_load_idx %arg8[%add3A_244] : memref<38400xf32, #tpu.memory_space<vmem>>[vector<16xi32>], vector<16xf32>,
      %swap3A = arith.index_cast %add3A_235 : i32 to index
      %swap3A_246 = arith.constant 0 : index
      %swap3A_247 = tpu.vector_load %arg12[%swap3A, %swap3A_246] {strides = array<i32>} : memref<256x64xf32, #tpu.memory_space<vmem>>, vector<16xf32>,
      tpu.vector_store %arg12[%swap3A, %swap3A_246], %gather3A_245 {add = true, strides = array<i32>} : memref<256x64xf32, #tpu.memory_space<vmem>>, vector<16xf32>,
      %add3A_248 = arith.addi %gather3A_243, %add3A_42 : vector<16xi32>
      %gather3A_249 = tpu.vector_load_idx %arg8[%add3A_248] : memref<38400xf32, #tpu.memory_space<vmem>>[vector<16xi32>], vector<16xf32>,
      %swap3A_250 = arith.index_cast %add3A_235 : i32 to index
      %swap3A_251 = arith.constant 16 : index
      %swap3A_252 = tpu.vector_load %arg12[%swap3A_250, %swap3A_251] {strides = array<i32>} : memref<256x64xf32, #tpu.memory_space<vmem>>, vector<16xf32>,
      tpu.vector_store %arg12[%swap3A_250, %swap3A_251], %gather3A_249 {add = true, strides = array<i32>} : memref<256x64xf32, #tpu.memory_space<vmem>>, vector<16xf32>,
      %add3A_253 = arith.addi %gather3A_243, %add3A_45 : vector<16xi32>
      %gather3A_254 = tpu.vector_load_idx %arg8[%add3A_253] : memref<38400xf32, #tpu.memory_space<vmem>>[vector<16xi32>], vector<16xf32>,
      %swap3A_255 = arith.index_cast %add3A_235 : i32 to index
      %swap3A_256 = arith.constant 32 : index
      %swap3A_257 = tpu.vector_load %arg12[%swap3A_255, %swap3A_256] {strides = array<i32>} : memref<256x64xf32, #tpu.memory_space<vmem>>, vector<16xf32>,
      tpu.vector_store %arg12[%swap3A_255, %swap3A_256], %gather3A_254 {add = true, strides = array<i32>} : memref<256x64xf32, #tpu.memory_space<vmem>>, vector<16xf32>,
      %add3A_258 = arith.addi %gather3A_243, %add3A_48 : vector<16xi32>
      %gather3A_259 = tpu.vector_load_idx %arg8[%add3A_258] : memref<38400xf32, #tpu.memory_space<vmem>>[vector<16xi32>], vector<16xf32>,
      %swap3A_260 = arith.index_cast %add3A_235 : i32 to index
      %swap3A_261 = arith.constant 48 : index
      %swap3A_262 = tpu.vector_load %arg12[%swap3A_260, %swap3A_261] {strides = array<i32>} : memref<256x64xf32, #tpu.memory_space<vmem>>, vector<16xf32>,
      tpu.vector_store %arg12[%swap3A_260, %swap3A_261], %gather3A_259 {add = true, strides = array<i32>} : memref<256x64xf32, #tpu.memory_space<vmem>>, vector<16xf32>,
      %mul3A_263 = arith.constant 16 : i32
      %mul3A_264 = arith.muli %scan3A_211, %mul3A_263 : i32
      %add3A_265 = arith.constant 1 : i32
      %add3A_266 = arith.addi %mul3A_264, %add3A_265 : i32
      %broadcast_in_dim3A_267 = arith.constant 1 : i32
      %broadcast_in_dim3A_268 = vector.broadcast %broadcast_in_dim3A_267 : i32 to vector<16xi32>
      %lt3A_269 = arith.constant 0 : i32
      %lt3A_270 = vector.broadcast %lt3A_269 : i32 to vector<16xi32>
      %lt3A_271 = arith.cmpi slt, %broadcast_in_dim3A_268, %lt3A_270 : vector<16xi32>
      %add3A_272 = arith.constant 16 : i32
      %add3A_273 = vector.broadcast %add3A_272 : i32 to vector<16xi32>
      %add3A_274 = arith.addi %broadcast_in_dim3A_268, %add3A_273 : vector<16xi32>
      %select_n3A_275 = arith.select %lt3A_271, %add3A_274, %broadcast_in_dim3A_268 : vector<16xi1>, vector<16xi32>
      %broadcast_in_dim3A_276 = vector.shape_cast %select_n3A_275 : vector<16xi32> to vector<16x1xi32>
      %gather3A_277 = vector.shape_cast %broadcast_in_dim3A_276 : vector<16x1xi32> to vector<16xi32>
      %gather3A_278 = tpu.dynamic_gather %mul3A_231[%gather3A_277] in [0] : vector<16xi32>, vector<16xi32> -> vector<16xi32>
      %add3A_279 = arith.addi %gather3A_278, %add3A_39 : vector<16xi32>
      %gather3A_280 = tpu.vector_load_idx %arg8[%add3A_279] : memref<38400xf32, #tpu.memory_space<vmem>>[vector<16xi32>], vector<16xf32>,
      %swap3A_281 = arith.index_cast %add3A_266 : i32 to index
      %swap3A_282 = arith.constant 0 : index
      %swap3A_283 = tpu.vector_load %arg12[%swap3A_281, %swap3A_282] {strides = array<i32>} : memref<256x64xf32, #tpu.memory_space<vmem>>, vector<16xf32>,
      tpu.vector_store %arg12[%swap3A_281, %swap3A_282], %gather3A_280 {add = true, strides = array<i32>} : memref<256x64xf32, #tpu.memory_space<vmem>>, vector<16xf32>,
      %add3A_284 = arith.addi %gather3A_278, %add3A_42 : vector<16xi32>
      %gather3A_285 = tpu.vector_load_idx %arg8[%add3A_284] : memref<38400xf32, #tpu.memory_space<vmem>>[vector<16xi32>], vector<16xf32>,
      %swap3A_286 = arith.index_cast %add3A_266 : i32 to index
      %swap3A_287 = arith.constant 16 : index
      %swap3A_288 = tpu.vector_load %arg12[%swap3A_286, %swap3A_287] {strides = array<i32>} : memref<256x64xf32, #tpu.memory_space<vmem>>, vector<16xf32>,
      tpu.vector_store %arg12[%swap3A_286, %swap3A_287], %gather3A_285 {add = true, strides = array<i32>} : memref<256x64xf32, #tpu.memory_space<vmem>>, vector<16xf32>,
      %add3A_289 = arith.addi %gather3A_278, %add3A_45 : vector<16xi32>
      %gather3A_290 = tpu.vector_load_idx %arg8[%add3A_289] : memref<38400xf32, #tpu.memory_space<vmem>>[vector<16xi32>], vector<16xf32>,
      %swap3A_291 = arith.index_cast %add3A_266 : i32 to index
      %swap3A_292 = arith.constant 32 : index
      %swap3A_293 = tpu.vector_load %arg12[%swap3A_291, %swap3A_292] {strides = array<i32>} : memref<256x64xf32, #tpu.memory_space<vmem>>, vector<16xf32>,
      tpu.vector_store %arg12[%swap3A_291, %swap3A_292], %gather3A_290 {add = true, strides = array<i32>} : memref<256x64xf32, #tpu.memory_space<vmem>>, vector<16xf32>,
      %add3A_294 = arith.addi %gather3A_278, %add3A_48 : vector<16xi32>
      %gather3A_295 = tpu.vector_load_idx %arg8[%add3A_294] : memref<38400xf32, #tpu.memory_space<vmem>>[vector<16xi32>], vector<16xf32>,
      %swap3A_296 = arith.index_cast %add3A_266 : i32 to index
      %swap3A_297 = arith.constant 48 : index
      %swap3A_298 = tpu.vector_load %arg12[%swap3A_296, %swap3A_297] {strides = array<i32>} : memref<256x64xf32, #tpu.memory_space<vmem>>, vector<16xf32>,
      tpu.vector_store %arg12[%swap3A_296, %swap3A_297], %gather3A_295 {add = true, strides = array<i32>} : memref<256x64xf32, #tpu.memory_space<vmem>>, vector<16xf32>,
      %mul3A_299 = arith.constant 16 : i32
      %mul3A_300 = arith.muli %scan3A_211, %mul3A_299 : i32
      %add3A_301 = arith.constant 2 : i32
      %add3A_302 = arith.addi %mul3A_300, %add3A_301 : i32
      %broadcast_in_dim3A_303 = arith.constant 2 : i32
      %broadcast_in_dim3A_304 = vector.broadcast %broadcast_in_dim3A_303 : i32 to vector<16xi32>
      %lt3A_305 = arith.constant 0 : i32
      %lt3A_306 = vector.broadcast %lt3A_305 : i32 to vector<16xi32>
      %lt3A_307 = arith.cmpi slt, %broadcast_in_dim3A_304, %lt3A_306 : vector<16xi32>
      %add3A_308 = arith.constant 16 : i32
      %add3A_309 = vector.broadcast %add3A_308 : i32 to vector<16xi32>
      %add3A_310 = arith.addi %broadcast_in_dim3A_304, %add3A_309 : vector<16xi32>
      %select_n3A_311 = arith.select %lt3A_307, %add3A_310, %broadcast_in_dim3A_304 : vector<16xi1>, vector<16xi32>
      %broadcast_in_dim3A_312 = vector.shape_cast %select_n3A_311 : vector<16xi32> to vector<16x1xi32>
      %gather3A_313 = vector.shape_cast %broadcast_in_dim3A_312 : vector<16x1xi32> to vector<16xi32>
      %gather3A_314 = tpu.dynamic_gather %mul3A_231[%gather3A_313] in [0] : vector<16xi32>, vector<16xi32> -> vector<16xi32>
      %add3A_315 = arith.addi %gather3A_314, %add3A_39 : vector<16xi32>
      %gather3A_316 = tpu.vector_load_idx %arg8[%add3A_315] : memref<38400xf32, #tpu.memory_space<vmem>>[vector<16xi32>], vector<16xf32>,
      %swap3A_317 = arith.index_cast %add3A_302 : i32 to index
      %swap3A_318 = arith.constant 0 : index
      %swap3A_319 = tpu.vector_load %arg12[%swap3A_317, %swap3A_318] {strides = array<i32>} : memref<256x64xf32, #tpu.memory_space<vmem>>, vector<16xf32>,
      tpu.vector_store %arg12[%swap3A_317, %swap3A_318], %gather3A_316 {add = true, strides = array<i32>} : memref<256x64xf32, #tpu.memory_space<vmem>>, vector<16xf32>,
      %add3A_320 = arith.addi %gather3A_314, %add3A_42 : vector<16xi32>
      %gather3A_321 = tpu.vector_load_idx %arg8[%add3A_320] : memref<38400xf32, #tpu.memory_space<vmem>>[vector<16xi32>], vector<16xf32>,
      %swap3A_322 = arith.index_cast %add3A_302 : i32 to index
      %swap3A_323 = arith.constant 16 : index
      %swap3A_324 = tpu.vector_load %arg12[%swap3A_322, %swap3A_323] {strides = array<i32>} : memref<256x64xf32, #tpu.memory_space<vmem>>, vector<16xf32>,
      tpu.vector_store %arg12[%swap3A_322, %swap3A_323], %gather3A_321 {add = true, strides = array<i32>} : memref<256x64xf32, #tpu.memory_space<vmem>>, vector<16xf32>,
      %add3A_325 = arith.addi %gather3A_314, %add3A_45 : vector<16xi32>
      %gather3A_326 = tpu.vector_load_idx %arg8[%add3A_325] : memref<38400xf32, #tpu.memory_space<vmem>>[vector<16xi32>], vector<16xf32>,
      %swap3A_327 = arith.index_cast %add3A_302 : i32 to index
      %swap3A_328 = arith.constant 32 : index
      %swap3A_329 = tpu.vector_load %arg12[%swap3A_327, %swap3A_328] {strides = array<i32>} : memref<256x64xf32, #tpu.memory_space<vmem>>, vector<16xf32>,
      tpu.vector_store %arg12[%swap3A_327, %swap3A_328], %gather3A_326 {add = true, strides = array<i32>} : memref<256x64xf32, #tpu.memory_space<vmem>>, vector<16xf32>,
      %add3A_330 = arith.addi %gather3A_314, %add3A_48 : vector<16xi32>
      %gather3A_331 = tpu.vector_load_idx %arg8[%add3A_330] : memref<38400xf32, #tpu.memory_space<vmem>>[vector<16xi32>], vector<16xf32>,
      %swap3A_332 = arith.index_cast %add3A_302 : i32 to index
      %swap3A_333 = arith.constant 48 : index
      %swap3A_334 = tpu.vector_load %arg12[%swap3A_332, %swap3A_333] {strides = array<i32>} : memref<256x64xf32, #tpu.memory_space<vmem>>, vector<16xf32>,
      tpu.vector_store %arg12[%swap3A_332, %swap3A_333], %gather3A_331 {add = true, strides = array<i32>} : memref<256x64xf32, #tpu.memory_space<vmem>>, vector<16xf32>,
      %mul3A_335 = arith.constant 16 : i32
      %mul3A_336 = arith.muli %scan3A_211, %mul3A_335 : i32
      %add3A_337 = arith.constant 3 : i32
      %add3A_338 = arith.addi %mul3A_336, %add3A_337 : i32
      %broadcast_in_dim3A_339 = arith.constant 3 : i32
      %broadcast_in_dim3A_340 = vector.broadcast %broadcast_in_dim3A_339 : i32 to vector<16xi32>
      %lt3A_341 = arith.constant 0 : i32
      %lt3A_342 = vector.broadcast %lt3A_341 : i32 to vector<16xi32>
      %lt3A_343 = arith.cmpi slt, %broadcast_in_dim3A_340, %lt3A_342 : vector<16xi32>
      %add3A_344 = arith.constant 16 : i32
      %add3A_345 = vector.broadcast %add3A_344 : i32 to vector<16xi32>
      %add3A_346 = arith.addi %broadcast_in_dim3A_340, %add3A_345 : vector<16xi32>
      %select_n3A_347 = arith.select %lt3A_343, %add3A_346, %broadcast_in_dim3A_340 : vector<16xi1>, vector<16xi32>
      %broadcast_in_dim3A_348 = vector.shape_cast %select_n3A_347 : vector<16xi32> to vector<16x1xi32>
      %gather3A_349 = vector.shape_cast %broadcast_in_dim3A_348 : vector<16x1xi32> to vector<16xi32>
      %gather3A_350 = tpu.dynamic_gather %mul3A_231[%gather3A_349] in [0] : vector<16xi32>, vector<16xi32> -> vector<16xi32>
      %add3A_351 = arith.addi %gather3A_350, %add3A_39 : vector<16xi32>
      %gather3A_352 = tpu.vector_load_idx %arg8[%add3A_351] : memref<38400xf32, #tpu.memory_space<vmem>>[vector<16xi32>], vector<16xf32>,
      %swap3A_353 = arith.index_cast %add3A_338 : i32 to index
      %swap3A_354 = arith.constant 0 : index
      %swap3A_355 = tpu.vector_load %arg12[%swap3A_353, %swap3A_354] {strides = array<i32>} : memref<256x64xf32, #tpu.memory_space<vmem>>, vector<16xf32>,
      tpu.vector_store %arg12[%swap3A_353, %swap3A_354], %gather3A_352 {add = true, strides = array<i32>} : memref<256x64xf32, #tpu.memory_space<vmem>>, vector<16xf32>,
      %add3A_356 = arith.addi %gather3A_350, %add3A_42 : vector<16xi32>
      %gather3A_357 = tpu.vector_load_idx %arg8[%add3A_356] : memref<38400xf32, #tpu.memory_space<vmem>>[vector<16xi32>], vector<16xf32>,
      %swap3A_358 = arith.index_cast %add3A_338 : i32 to index
      %swap3A_359 = arith.constant 16 : index
      %swap3A_360 = tpu.vector_load %arg12[%swap3A_358, %swap3A_359] {strides = array<i32>} : memref<256x64xf32, #tpu.memory_space<vmem>>, vector<16xf32>,
      tpu.vector_store %arg12[%swap3A_358, %swap3A_359], %gather3A_357 {add = true, strides = array<i32>} : memref<256x64xf32, #tpu.memory_space<vmem>>, vector<16xf32>,
      %add3A_361 = arith.addi %gather3A_350, %add3A_45 : vector<16xi32>
      %gather3A_362 = tpu.vector_load_idx %arg8[%add3A_361] : memref<38400xf32, #tpu.memory_space<vmem>>[vector<16xi32>], vector<16xf32>,
      %swap3A_363 = arith.index_cast %add3A_338 : i32 to index
      %swap3A_364 = arith.constant 32 : index
      %swap3A_365 = tpu.vector_load %arg12[%swap3A_363, %swap3A_364] {strides = array<i32>} : memref<256x64xf32, #tpu.memory_space<vmem>>, vector<16xf32>,
      tpu.vector_store %arg12[%swap3A_363, %swap3A_364], %gather3A_362 {add = true, strides = array<i32>} : memref<256x64xf32, #tpu.memory_space<vmem>>, vector<16xf32>,
      %add3A_366 = arith.addi %gather3A_350, %add3A_48 : vector<16xi32>
      %gather3A_367 = tpu.vector_load_idx %arg8[%add3A_366] : memref<38400xf32, #tpu.memory_space<vmem>>[vector<16xi32>], vector<16xf32>,
      %swap3A_368 = arith.index_cast %add3A_338 : i32 to index
      %swap3A_369 = arith.constant 48 : index
      %swap3A_370 = tpu.vector_load %arg12[%swap3A_368, %swap3A_369] {strides = array<i32>} : memref<256x64xf32, #tpu.memory_space<vmem>>, vector<16xf32>,
      tpu.vector_store %arg12[%swap3A_368, %swap3A_369], %gather3A_367 {add = true, strides = array<i32>} : memref<256x64xf32, #tpu.memory_space<vmem>>, vector<16xf32>,
      %mul3A_371 = arith.constant 16 : i32
      %mul3A_372 = arith.muli %scan3A_211, %mul3A_371 : i32
      %add3A_373 = arith.constant 4 : i32
      %add3A_374 = arith.addi %mul3A_372, %add3A_373 : i32
      %broadcast_in_dim3A_375 = arith.constant 4 : i32
      %broadcast_in_dim3A_376 = vector.broadcast %broadcast_in_dim3A_375 : i32 to vector<16xi32>
      %lt3A_377 = arith.constant 0 : i32
      %lt3A_378 = vector.broadcast %lt3A_377 : i32 to vector<16xi32>
      %lt3A_379 = arith.cmpi slt, %broadcast_in_dim3A_376, %lt3A_378 : vector<16xi32>
      %add3A_380 = arith.constant 16 : i32
      %add3A_381 = vector.broadcast %add3A_380 : i32 to vector<16xi32>
      %add3A_382 = arith.addi %broadcast_in_dim3A_376, %add3A_381 : vector<16xi32>
      %select_n3A_383 = arith.select %lt3A_379, %add3A_382, %broadcast_in_dim3A_376 : vector<16xi1>, vector<16xi32>
      %broadcast_in_dim3A_384 = vector.shape_cast %select_n3A_383 : vector<16xi32> to vector<16x1xi32>
      %gather3A_385 = vector.shape_cast %broadcast_in_dim3A_384 : vector<16x1xi32> to vector<16xi32>
      %gather3A_386 = tpu.dynamic_gather %mul3A_231[%gather3A_385] in [0] : vector<16xi32>, vector<16xi32> -> vector<16xi32>
      %add3A_387 = arith.addi %gather3A_386, %add3A_39 : vector<16xi32>
      %gather3A_388 = tpu.vector_load_idx %arg8[%add3A_387] : memref<38400xf32, #tpu.memory_space<vmem>>[vector<16xi32>], vector<16xf32>,
      %swap3A_389 = arith.index_cast %add3A_374 : i32 to index
      %swap3A_390 = arith.constant 0 : index
      %swap3A_391 = tpu.vector_load %arg12[%swap3A_389, %swap3A_390] {strides = array<i32>} : memref<256x64xf32, #tpu.memory_space<vmem>>, vector<16xf32>,
      tpu.vector_store %arg12[%swap3A_389, %swap3A_390], %gather3A_388 {add = true, strides = array<i32>} : memref<256x64xf32, #tpu.memory_space<vmem>>, vector<16xf32>,
      %add3A_392 = arith.addi %gather3A_386, %add3A_42 : vector<16xi32>
      %gather3A_393 = tpu.vector_load_idx %arg8[%add3A_392] : memref<38400xf32, #tpu.memory_space<vmem>>[vector<16xi32>], vector<16xf32>,
      %swap3A_394 = arith.index_cast %add3A_374 : i32 to index
      %swap3A_395 = arith.constant 16 : index
      %swap3A_396 = tpu.vector_load %arg12[%swap3A_394, %swap3A_395] {strides = array<i32>} : memref<256x64xf32, #tpu.memory_space<vmem>>, vector<16xf32>,
      tpu.vector_store %arg12[%swap3A_394, %swap3A_395], %gather3A_393 {add = true, strides = array<i32>} : memref<256x64xf32, #tpu.memory_space<vmem>>, vector<16xf32>,
      %add3A_397 = arith.addi %gather3A_386, %add3A_45 : vector<16xi32>
      %gather3A_398 = tpu.vector_load_idx %arg8[%add3A_397] : memref<38400xf32, #tpu.memory_space<vmem>>[vector<16xi32>], vector<16xf32>,
      %swap3A_399 = arith.index_cast %add3A_374 : i32 to index
      %swap3A_400 = arith.constant 32 : index
      %swap3A_401 = tpu.vector_load %arg12[%swap3A_399, %swap3A_400] {strides = array<i32>} : memref<256x64xf32, #tpu.memory_space<vmem>>, vector<16xf32>,
      tpu.vector_store %arg12[%swap3A_399, %swap3A_400], %gather3A_398 {add = true, strides = array<i32>} : memref<256x64xf32, #tpu.memory_space<vmem>>, vector<16xf32>,
      %add3A_402 = arith.addi %gather3A_386, %add3A_48 : vector<16xi32>
      %gather3A_403 = tpu.vector_load_idx %arg8[%add3A_402] : memref<38400xf32, #tpu.memory_space<vmem>>[vector<16xi32>], vector<16xf32>,
      %swap3A_404 = arith.index_cast %add3A_374 : i32 to index
      %swap3A_405 = arith.constant 48 : index
      %swap3A_406 = tpu.vector_load %arg12[%swap3A_404, %swap3A_405] {strides = array<i32>} : memref<256x64xf32, #tpu.memory_space<vmem>>, vector<16xf32>,
      tpu.vector_store %arg12[%swap3A_404, %swap3A_405], %gather3A_403 {add = true, strides = array<i32>} : memref<256x64xf32, #tpu.memory_space<vmem>>, vector<16xf32>,
      %mul3A_407 = arith.constant 16 : i32
      %mul3A_408 = arith.muli %scan3A_211, %mul3A_407 : i32
      %add3A_409 = arith.constant 5 : i32
      %add3A_410 = arith.addi %mul3A_408, %add3A_409 : i32
      %broadcast_in_dim3A_411 = arith.constant 5 : i32
      %broadcast_in_dim3A_412 = vector.broadcast %broadcast_in_dim3A_411 : i32 to vector<16xi32>
      %lt3A_413 = arith.constant 0 : i32
      %lt3A_414 = vector.broadcast %lt3A_413 : i32 to vector<16xi32>
      %lt3A_415 = arith.cmpi slt, %broadcast_in_dim3A_412, %lt3A_414 : vector<16xi32>
      %add3A_416 = arith.constant 16 : i32
      %add3A_417 = vector.broadcast %add3A_416 : i32 to vector<16xi32>
      %add3A_418 = arith.addi %broadcast_in_dim3A_412, %add3A_417 : vector<16xi32>
      %select_n3A_419 = arith.select %lt3A_415, %add3A_418, %broadcast_in_dim3A_412 : vector<16xi1>, vector<16xi32>
      %broadcast_in_dim3A_420 = vector.shape_cast %select_n3A_419 : vector<16xi32> to vector<16x1xi32>
      %gather3A_421 = vector.shape_cast %broadcast_in_dim3A_420 : vector<16x1xi32> to vector<16xi32>
      %gather3A_422 = tpu.dynamic_gather %mul3A_231[%gather3A_421] in [0] : vector<16xi32>, vector<16xi32> -> vector<16xi32>
      %add3A_423 = arith.addi %gather3A_422, %add3A_39 : vector<16xi32>
      %gather3A_424 = tpu.vector_load_idx %arg8[%add3A_423] : memref<38400xf32, #tpu.memory_space<vmem>>[vector<16xi32>], vector<16xf32>,
      %swap3A_425 = arith.index_cast %add3A_410 : i32 to index
      %swap3A_426 = arith.constant 0 : index
      %swap3A_427 = tpu.vector_load %arg12[%swap3A_425, %swap3A_426] {strides = array<i32>} : memref<256x64xf32, #tpu.memory_space<vmem>>, vector<16xf32>,
      tpu.vector_store %arg12[%swap3A_425, %swap3A_426], %gather3A_424 {add = true, strides = array<i32>} : memref<256x64xf32, #tpu.memory_space<vmem>>, vector<16xf32>,
      %add3A_428 = arith.addi %gather3A_422, %add3A_42 : vector<16xi32>
      %gather3A_429 = tpu.vector_load_idx %arg8[%add3A_428] : memref<38400xf32, #tpu.memory_space<vmem>>[vector<16xi32>], vector<16xf32>,
      %swap3A_430 = arith.index_cast %add3A_410 : i32 to index
      %swap3A_431 = arith.constant 16 : index
      %swap3A_432 = tpu.vector_load %arg12[%swap3A_430, %swap3A_431] {strides = array<i32>} : memref<256x64xf32, #tpu.memory_space<vmem>>, vector<16xf32>,
      tpu.vector_store %arg12[%swap3A_430, %swap3A_431], %gather3A_429 {add = true, strides = array<i32>} : memref<256x64xf32, #tpu.memory_space<vmem>>, vector<16xf32>,
      %add3A_433 = arith.addi %gather3A_422, %add3A_45 : vector<16xi32>
      %gather3A_434 = tpu.vector_load_idx %arg8[%add3A_433] : memref<38400xf32, #tpu.memory_space<vmem>>[vector<16xi32>], vector<16xf32>,
      %swap3A_435 = arith.index_cast %add3A_410 : i32 to index
      %swap3A_436 = arith.constant 32 : index
      %swap3A_437 = tpu.vector_load %arg12[%swap3A_435, %swap3A_436] {strides = array<i32>} : memref<256x64xf32, #tpu.memory_space<vmem>>, vector<16xf32>,
      tpu.vector_store %arg12[%swap3A_435, %swap3A_436], %gather3A_434 {add = true, strides = array<i32>} : memref<256x64xf32, #tpu.memory_space<vmem>>, vector<16xf32>,
      %add3A_438 = arith.addi %gather3A_422, %add3A_48 : vector<16xi32>
      %gather3A_439 = tpu.vector_load_idx %arg8[%add3A_438] : memref<38400xf32, #tpu.memory_space<vmem>>[vector<16xi32>], vector<16xf32>,
      %swap3A_440 = arith.index_cast %add3A_410 : i32 to index
      %swap3A_441 = arith.constant 48 : index
      %swap3A_442 = tpu.vector_load %arg12[%swap3A_440, %swap3A_441] {strides = array<i32>} : memref<256x64xf32, #tpu.memory_space<vmem>>, vector<16xf32>,
      tpu.vector_store %arg12[%swap3A_440, %swap3A_441], %gather3A_439 {add = true, strides = array<i32>} : memref<256x64xf32, #tpu.memory_space<vmem>>, vector<16xf32>,
      %mul3A_443 = arith.constant 16 : i32
      %mul3A_444 = arith.muli %scan3A_211, %mul3A_443 : i32
      %add3A_445 = arith.constant 6 : i32
      %add3A_446 = arith.addi %mul3A_444, %add3A_445 : i32
      %broadcast_in_dim3A_447 = arith.constant 6 : i32
      %broadcast_in_dim3A_448 = vector.broadcast %broadcast_in_dim3A_447 : i32 to vector<16xi32>
      %lt3A_449 = arith.constant 0 : i32
      %lt3A_450 = vector.broadcast %lt3A_449 : i32 to vector<16xi32>
      %lt3A_451 = arith.cmpi slt, %broadcast_in_dim3A_448, %lt3A_450 : vector<16xi32>
      %add3A_452 = arith.constant 16 : i32
      %add3A_453 = vector.broadcast %add3A_452 : i32 to vector<16xi32>
      %add3A_454 = arith.addi %broadcast_in_dim3A_448, %add3A_453 : vector<16xi32>
      %select_n3A_455 = arith.select %lt3A_451, %add3A_454, %broadcast_in_dim3A_448 : vector<16xi1>, vector<16xi32>
      %broadcast_in_dim3A_456 = vector.shape_cast %select_n3A_455 : vector<16xi32> to vector<16x1xi32>
      %gather3A_457 = vector.shape_cast %broadcast_in_dim3A_456 : vector<16x1xi32> to vector<16xi32>
      %gather3A_458 = tpu.dynamic_gather %mul3A_231[%gather3A_457] in [0] : vector<16xi32>, vector<16xi32> -> vector<16xi32>
      %add3A_459 = arith.addi %gather3A_458, %add3A_39 : vector<16xi32>
      %gather3A_460 = tpu.vector_load_idx %arg8[%add3A_459] : memref<38400xf32, #tpu.memory_space<vmem>>[vector<16xi32>], vector<16xf32>,
      %swap3A_461 = arith.index_cast %add3A_446 : i32 to index
      %swap3A_462 = arith.constant 0 : index
      %swap3A_463 = tpu.vector_load %arg12[%swap3A_461, %swap3A_462] {strides = array<i32>} : memref<256x64xf32, #tpu.memory_space<vmem>>, vector<16xf32>,
      tpu.vector_store %arg12[%swap3A_461, %swap3A_462], %gather3A_460 {add = true, strides = array<i32>} : memref<256x64xf32, #tpu.memory_space<vmem>>, vector<16xf32>,
      %add3A_464 = arith.addi %gather3A_458, %add3A_42 : vector<16xi32>
      %gather3A_465 = tpu.vector_load_idx %arg8[%add3A_464] : memref<38400xf32, #tpu.memory_space<vmem>>[vector<16xi32>], vector<16xf32>,
      %swap3A_466 = arith.index_cast %add3A_446 : i32 to index
      %swap3A_467 = arith.constant 16 : index
      %swap3A_468 = tpu.vector_load %arg12[%swap3A_466, %swap3A_467] {strides = array<i32>} : memref<256x64xf32, #tpu.memory_space<vmem>>, vector<16xf32>,
      tpu.vector_store %arg12[%swap3A_466, %swap3A_467], %gather3A_465 {add = true, strides = array<i32>} : memref<256x64xf32, #tpu.memory_space<vmem>>, vector<16xf32>,
      %add3A_469 = arith.addi %gather3A_458, %add3A_45 : vector<16xi32>
      %gather3A_470 = tpu.vector_load_idx %arg8[%add3A_469] : memref<38400xf32, #tpu.memory_space<vmem>>[vector<16xi32>], vector<16xf32>,
      %swap3A_471 = arith.index_cast %add3A_446 : i32 to index
      %swap3A_472 = arith.constant 32 : index
      %swap3A_473 = tpu.vector_load %arg12[%swap3A_471, %swap3A_472] {strides = array<i32>} : memref<256x64xf32, #tpu.memory_space<vmem>>, vector<16xf32>,
      tpu.vector_store %arg12[%swap3A_471, %swap3A_472], %gather3A_470 {add = true, strides = array<i32>} : memref<256x64xf32, #tpu.memory_space<vmem>>, vector<16xf32>,
      %add3A_474 = arith.addi %gather3A_458, %add3A_48 : vector<16xi32>
      %gather3A_475 = tpu.vector_load_idx %arg8[%add3A_474] : memref<38400xf32, #tpu.memory_space<vmem>>[vector<16xi32>], vector<16xf32>,
      %swap3A_476 = arith.index_cast %add3A_446 : i32 to index
      %swap3A_477 = arith.constant 48 : index
      %swap3A_478 = tpu.vector_load %arg12[%swap3A_476, %swap3A_477] {strides = array<i32>} : memref<256x64xf32, #tpu.memory_space<vmem>>, vector<16xf32>,
      tpu.vector_store %arg12[%swap3A_476, %swap3A_477], %gather3A_475 {add = true, strides = array<i32>} : memref<256x64xf32, #tpu.memory_space<vmem>>, vector<16xf32>,
      %mul3A_479 = arith.constant 16 : i32
      %mul3A_480 = arith.muli %scan3A_211, %mul3A_479 : i32
      %add3A_481 = arith.constant 7 : i32
      %add3A_482 = arith.addi %mul3A_480, %add3A_481 : i32
      %broadcast_in_dim3A_483 = arith.constant 7 : i32
      %broadcast_in_dim3A_484 = vector.broadcast %broadcast_in_dim3A_483 : i32 to vector<16xi32>
      %lt3A_485 = arith.constant 0 : i32
      %lt3A_486 = vector.broadcast %lt3A_485 : i32 to vector<16xi32>
      %lt3A_487 = arith.cmpi slt, %broadcast_in_dim3A_484, %lt3A_486 : vector<16xi32>
      %add3A_488 = arith.constant 16 : i32
      %add3A_489 = vector.broadcast %add3A_488 : i32 to vector<16xi32>
      %add3A_490 = arith.addi %broadcast_in_dim3A_484, %add3A_489 : vector<16xi32>
      %select_n3A_491 = arith.select %lt3A_487, %add3A_490, %broadcast_in_dim3A_484 : vector<16xi1>, vector<16xi32>
      %broadcast_in_dim3A_492 = vector.shape_cast %select_n3A_491 : vector<16xi32> to vector<16x1xi32>
      %gather3A_493 = vector.shape_cast %broadcast_in_dim3A_492 : vector<16x1xi32> to vector<16xi32>
      %gather3A_494 = tpu.dynamic_gather %mul3A_231[%gather3A_493] in [0] : vector<16xi32>, vector<16xi32> -> vector<16xi32>
      %add3A_495 = arith.addi %gather3A_494, %add3A_39 : vector<16xi32>
      %gather3A_496 = tpu.vector_load_idx %arg8[%add3A_495] : memref<38400xf32, #tpu.memory_space<vmem>>[vector<16xi32>], vector<16xf32>,
      %swap3A_497 = arith.index_cast %add3A_482 : i32 to index
      %swap3A_498 = arith.constant 0 : index
      %swap3A_499 = tpu.vector_load %arg12[%swap3A_497, %swap3A_498] {strides = array<i32>} : memref<256x64xf32, #tpu.memory_space<vmem>>, vector<16xf32>,
      tpu.vector_store %arg12[%swap3A_497, %swap3A_498], %gather3A_496 {add = true, strides = array<i32>} : memref<256x64xf32, #tpu.memory_space<vmem>>, vector<16xf32>,
      %add3A_500 = arith.addi %gather3A_494, %add3A_42 : vector<16xi32>
      %gather3A_501 = tpu.vector_load_idx %arg8[%add3A_500] : memref<38400xf32, #tpu.memory_space<vmem>>[vector<16xi32>], vector<16xf32>,
      %swap3A_502 = arith.index_cast %add3A_482 : i32 to index
      %swap3A_503 = arith.constant 16 : index
      %swap3A_504 = tpu.vector_load %arg12[%swap3A_502, %swap3A_503] {strides = array<i32>} : memref<256x64xf32, #tpu.memory_space<vmem>>, vector<16xf32>,
      tpu.vector_store %arg12[%swap3A_502, %swap3A_503], %gather3A_501 {add = true, strides = array<i32>} : memref<256x64xf32, #tpu.memory_space<vmem>>, vector<16xf32>,
      %add3A_505 = arith.addi %gather3A_494, %add3A_45 : vector<16xi32>
      %gather3A_506 = tpu.vector_load_idx %arg8[%add3A_505] : memref<38400xf32, #tpu.memory_space<vmem>>[vector<16xi32>], vector<16xf32>,
      %swap3A_507 = arith.index_cast %add3A_482 : i32 to index
      %swap3A_508 = arith.constant 32 : index
      %swap3A_509 = tpu.vector_load %arg12[%swap3A_507, %swap3A_508] {strides = array<i32>} : memref<256x64xf32, #tpu.memory_space<vmem>>, vector<16xf32>,
      tpu.vector_store %arg12[%swap3A_507, %swap3A_508], %gather3A_506 {add = true, strides = array<i32>} : memref<256x64xf32, #tpu.memory_space<vmem>>, vector<16xf32>,
      %add3A_510 = arith.addi %gather3A_494, %add3A_48 : vector<16xi32>
      %gather3A_511 = tpu.vector_load_idx %arg8[%add3A_510] : memref<38400xf32, #tpu.memory_space<vmem>>[vector<16xi32>], vector<16xf32>,
      %swap3A_512 = arith.index_cast %add3A_482 : i32 to index
      %swap3A_513 = arith.constant 48 : index
      %swap3A_514 = tpu.vector_load %arg12[%swap3A_512, %swap3A_513] {strides = array<i32>} : memref<256x64xf32, #tpu.memory_space<vmem>>, vector<16xf32>,
      tpu.vector_store %arg12[%swap3A_512, %swap3A_513], %gather3A_511 {add = true, strides = array<i32>} : memref<256x64xf32, #tpu.memory_space<vmem>>, vector<16xf32>,
      %mul3A_515 = arith.constant 16 : i32
      %mul3A_516 = arith.muli %scan3A_211, %mul3A_515 : i32
      %add3A_517 = arith.constant 8 : i32
      %add3A_518 = arith.addi %mul3A_516, %add3A_517 : i32
      %broadcast_in_dim3A_519 = arith.constant 8 : i32
      %broadcast_in_dim3A_520 = vector.broadcast %broadcast_in_dim3A_519 : i32 to vector<16xi32>
      %lt3A_521 = arith.constant 0 : i32
      %lt3A_522 = vector.broadcast %lt3A_521 : i32 to vector<16xi32>
      %lt3A_523 = arith.cmpi slt, %broadcast_in_dim3A_520, %lt3A_522 : vector<16xi32>
      %add3A_524 = arith.constant 16 : i32
      %add3A_525 = vector.broadcast %add3A_524 : i32 to vector<16xi32>
      %add3A_526 = arith.addi %broadcast_in_dim3A_520, %add3A_525 : vector<16xi32>
      %select_n3A_527 = arith.select %lt3A_523, %add3A_526, %broadcast_in_dim3A_520 : vector<16xi1>, vector<16xi32>
      %broadcast_in_dim3A_528 = vector.shape_cast %select_n3A_527 : vector<16xi32> to vector<16x1xi32>
      %gather3A_529 = vector.shape_cast %broadcast_in_dim3A_528 : vector<16x1xi32> to vector<16xi32>
      %gather3A_530 = tpu.dynamic_gather %mul3A_231[%gather3A_529] in [0] : vector<16xi32>, vector<16xi32> -> vector<16xi32>
      %add3A_531 = arith.addi %gather3A_530, %add3A_39 : vector<16xi32>
      %gather3A_532 = tpu.vector_load_idx %arg8[%add3A_531] : memref<38400xf32, #tpu.memory_space<vmem>>[vector<16xi32>], vector<16xf32>,
      %swap3A_533 = arith.index_cast %add3A_518 : i32 to index
      %swap3A_534 = arith.constant 0 : index
      %swap3A_535 = tpu.vector_load %arg12[%swap3A_533, %swap3A_534] {strides = array<i32>} : memref<256x64xf32, #tpu.memory_space<vmem>>, vector<16xf32>,
      tpu.vector_store %arg12[%swap3A_533, %swap3A_534], %gather3A_532 {add = true, strides = array<i32>} : memref<256x64xf32, #tpu.memory_space<vmem>>, vector<16xf32>,
      %add3A_536 = arith.addi %gather3A_530, %add3A_42 : vector<16xi32>
      %gather3A_537 = tpu.vector_load_idx %arg8[%add3A_536] : memref<38400xf32, #tpu.memory_space<vmem>>[vector<16xi32>], vector<16xf32>,
      %swap3A_538 = arith.index_cast %add3A_518 : i32 to index
      %swap3A_539 = arith.constant 16 : index
      %swap3A_540 = tpu.vector_load %arg12[%swap3A_538, %swap3A_539] {strides = array<i32>} : memref<256x64xf32, #tpu.memory_space<vmem>>, vector<16xf32>,
      tpu.vector_store %arg12[%swap3A_538, %swap3A_539], %gather3A_537 {add = true, strides = array<i32>} : memref<256x64xf32, #tpu.memory_space<vmem>>, vector<16xf32>,
      %add3A_541 = arith.addi %gather3A_530, %add3A_45 : vector<16xi32>
      %gather3A_542 = tpu.vector_load_idx %arg8[%add3A_541] : memref<38400xf32, #tpu.memory_space<vmem>>[vector<16xi32>], vector<16xf32>,
      %swap3A_543 = arith.index_cast %add3A_518 : i32 to index
      %swap3A_544 = arith.constant 32 : index
      %swap3A_545 = tpu.vector_load %arg12[%swap3A_543, %swap3A_544] {strides = array<i32>} : memref<256x64xf32, #tpu.memory_space<vmem>>, vector<16xf32>,
      tpu.vector_store %arg12[%swap3A_543, %swap3A_544], %gather3A_542 {add = true, strides = array<i32>} : memref<256x64xf32, #tpu.memory_space<vmem>>, vector<16xf32>,
      %add3A_546 = arith.addi %gather3A_530, %add3A_48 : vector<16xi32>
      %gather3A_547 = tpu.vector_load_idx %arg8[%add3A_546] : memref<38400xf32, #tpu.memory_space<vmem>>[vector<16xi32>], vector<16xf32>,
      %swap3A_548 = arith.index_cast %add3A_518 : i32 to index
      %swap3A_549 = arith.constant 48 : index
      %swap3A_550 = tpu.vector_load %arg12[%swap3A_548, %swap3A_549] {strides = array<i32>} : memref<256x64xf32, #tpu.memory_space<vmem>>, vector<16xf32>,
      tpu.vector_store %arg12[%swap3A_548, %swap3A_549], %gather3A_547 {add = true, strides = array<i32>} : memref<256x64xf32, #tpu.memory_space<vmem>>, vector<16xf32>,
      %mul3A_551 = arith.constant 16 : i32
      %mul3A_552 = arith.muli %scan3A_211, %mul3A_551 : i32
      %add3A_553 = arith.constant 9 : i32
      %add3A_554 = arith.addi %mul3A_552, %add3A_553 : i32
      %broadcast_in_dim3A_555 = arith.constant 9 : i32
      %broadcast_in_dim3A_556 = vector.broadcast %broadcast_in_dim3A_555 : i32 to vector<16xi32>
      %lt3A_557 = arith.constant 0 : i32
      %lt3A_558 = vector.broadcast %lt3A_557 : i32 to vector<16xi32>
      %lt3A_559 = arith.cmpi slt, %broadcast_in_dim3A_556, %lt3A_558 : vector<16xi32>
      %add3A_560 = arith.constant 16 : i32
      %add3A_561 = vector.broadcast %add3A_560 : i32 to vector<16xi32>
      %add3A_562 = arith.addi %broadcast_in_dim3A_556, %add3A_561 : vector<16xi32>
      %select_n3A_563 = arith.select %lt3A_559, %add3A_562, %broadcast_in_dim3A_556 : vector<16xi1>, vector<16xi32>
      %broadcast_in_dim3A_564 = vector.shape_cast %select_n3A_563 : vector<16xi32> to vector<16x1xi32>
      %gather3A_565 = vector.shape_cast %broadcast_in_dim3A_564 : vector<16x1xi32> to vector<16xi32>
      %gather3A_566 = tpu.dynamic_gather %mul3A_231[%gather3A_565] in [0] : vector<16xi32>, vector<16xi32> -> vector<16xi32>
      %add3A_567 = arith.addi %gather3A_566, %add3A_39 : vector<16xi32>
      %gather3A_568 = tpu.vector_load_idx %arg8[%add3A_567] : memref<38400xf32, #tpu.memory_space<vmem>>[vector<16xi32>], vector<16xf32>,
      %swap3A_569 = arith.index_cast %add3A_554 : i32 to index
      %swap3A_570 = arith.constant 0 : index
      %swap3A_571 = tpu.vector_load %arg12[%swap3A_569, %swap3A_570] {strides = array<i32>} : memref<256x64xf32, #tpu.memory_space<vmem>>, vector<16xf32>,
      tpu.vector_store %arg12[%swap3A_569, %swap3A_570], %gather3A_568 {add = true, strides = array<i32>} : memref<256x64xf32, #tpu.memory_space<vmem>>, vector<16xf32>,
      %add3A_572 = arith.addi %gather3A_566, %add3A_42 : vector<16xi32>
      %gather3A_573 = tpu.vector_load_idx %arg8[%add3A_572] : memref<38400xf32, #tpu.memory_space<vmem>>[vector<16xi32>], vector<16xf32>,
      %swap3A_574 = arith.index_cast %add3A_554 : i32 to index
      %swap3A_575 = arith.constant 16 : index
      %swap3A_576 = tpu.vector_load %arg12[%swap3A_574, %swap3A_575] {strides = array<i32>} : memref<256x64xf32, #tpu.memory_space<vmem>>, vector<16xf32>,
      tpu.vector_store %arg12[%swap3A_574, %swap3A_575], %gather3A_573 {add = true, strides = array<i32>} : memref<256x64xf32, #tpu.memory_space<vmem>>, vector<16xf32>,
      %add3A_577 = arith.addi %gather3A_566, %add3A_45 : vector<16xi32>
      %gather3A_578 = tpu.vector_load_idx %arg8[%add3A_577] : memref<38400xf32, #tpu.memory_space<vmem>>[vector<16xi32>], vector<16xf32>,
      %swap3A_579 = arith.index_cast %add3A_554 : i32 to index
      %swap3A_580 = arith.constant 32 : index
      %swap3A_581 = tpu.vector_load %arg12[%swap3A_579, %swap3A_580] {strides = array<i32>} : memref<256x64xf32, #tpu.memory_space<vmem>>, vector<16xf32>,
      tpu.vector_store %arg12[%swap3A_579, %swap3A_580], %gather3A_578 {add = true, strides = array<i32>} : memref<256x64xf32, #tpu.memory_space<vmem>>, vector<16xf32>,
      %add3A_582 = arith.addi %gather3A_566, %add3A_48 : vector<16xi32>
      %gather3A_583 = tpu.vector_load_idx %arg8[%add3A_582] : memref<38400xf32, #tpu.memory_space<vmem>>[vector<16xi32>], vector<16xf32>,
      %swap3A_584 = arith.index_cast %add3A_554 : i32 to index
      %swap3A_585 = arith.constant 48 : index
      %swap3A_586 = tpu.vector_load %arg12[%swap3A_584, %swap3A_585] {strides = array<i32>} : memref<256x64xf32, #tpu.memory_space<vmem>>, vector<16xf32>,
      tpu.vector_store %arg12[%swap3A_584, %swap3A_585], %gather3A_583 {add = true, strides = array<i32>} : memref<256x64xf32, #tpu.memory_space<vmem>>, vector<16xf32>,
      %mul3A_587 = arith.constant 16 : i32
      %mul3A_588 = arith.muli %scan3A_211, %mul3A_587 : i32
      %add3A_589 = arith.constant 10 : i32
      %add3A_590 = arith.addi %mul3A_588, %add3A_589 : i32
      %broadcast_in_dim3A_591 = arith.constant 10 : i32
      %broadcast_in_dim3A_592 = vector.broadcast %broadcast_in_dim3A_591 : i32 to vector<16xi32>
      %lt3A_593 = arith.constant 0 : i32
      %lt3A_594 = vector.broadcast %lt3A_593 : i32 to vector<16xi32>
      %lt3A_595 = arith.cmpi slt, %broadcast_in_dim3A_592, %lt3A_594 : vector<16xi32>
      %add3A_596 = arith.constant 16 : i32
      %add3A_597 = vector.broadcast %add3A_596 : i32 to vector<16xi32>
      %add3A_598 = arith.addi %broadcast_in_dim3A_592, %add3A_597 : vector<16xi32>
      %select_n3A_599 = arith.select %lt3A_595, %add3A_598, %broadcast_in_dim3A_592 : vector<16xi1>, vector<16xi32>
      %broadcast_in_dim3A_600 = vector.shape_cast %select_n3A_599 : vector<16xi32> to vector<16x1xi32>
      %gather3A_601 = vector.shape_cast %broadcast_in_dim3A_600 : vector<16x1xi32> to vector<16xi32>
      %gather3A_602 = tpu.dynamic_gather %mul3A_231[%gather3A_601] in [0] : vector<16xi32>, vector<16xi32> -> vector<16xi32>
      %add3A_603 = arith.addi %gather3A_602, %add3A_39 : vector<16xi32>
      %gather3A_604 = tpu.vector_load_idx %arg8[%add3A_603] : memref<38400xf32, #tpu.memory_space<vmem>>[vector<16xi32>], vector<16xf32>,
      %swap3A_605 = arith.index_cast %add3A_590 : i32 to index
      %swap3A_606 = arith.constant 0 : index
      %swap3A_607 = tpu.vector_load %arg12[%swap3A_605, %swap3A_606] {strides = array<i32>} : memref<256x64xf32, #tpu.memory_space<vmem>>, vector<16xf32>,
      tpu.vector_store %arg12[%swap3A_605, %swap3A_606], %gather3A_604 {add = true, strides = array<i32>} : memref<256x64xf32, #tpu.memory_space<vmem>>, vector<16xf32>,
      %add3A_608 = arith.addi %gather3A_602, %add3A_42 : vector<16xi32>
      %gather3A_609 = tpu.vector_load_idx %arg8[%add3A_608] : memref<38400xf32, #tpu.memory_space<vmem>>[vector<16xi32>], vector<16xf32>,
      %swap3A_610 = arith.index_cast %add3A_590 : i32 to index
      %swap3A_611 = arith.constant 16 : index
      %swap3A_612 = tpu.vector_load %arg12[%swap3A_610, %swap3A_611] {strides = array<i32>} : memref<256x64xf32, #tpu.memory_space<vmem>>, vector<16xf32>,
      tpu.vector_store %arg12[%swap3A_610, %swap3A_611], %gather3A_609 {add = true, strides = array<i32>} : memref<256x64xf32, #tpu.memory_space<vmem>>, vector<16xf32>,
      %add3A_613 = arith.addi %gather3A_602, %add3A_45 : vector<16xi32>
      %gather3A_614 = tpu.vector_load_idx %arg8[%add3A_613] : memref<38400xf32, #tpu.memory_space<vmem>>[vector<16xi32>], vector<16xf32>,
      %swap3A_615 = arith.index_cast %add3A_590 : i32 to index
      %swap3A_616 = arith.constant 32 : index
      %swap3A_617 = tpu.vector_load %arg12[%swap3A_615, %swap3A_616] {strides = array<i32>} : memref<256x64xf32, #tpu.memory_space<vmem>>, vector<16xf32>,
      tpu.vector_store %arg12[%swap3A_615, %swap3A_616], %gather3A_614 {add = true, strides = array<i32>} : memref<256x64xf32, #tpu.memory_space<vmem>>, vector<16xf32>,
      %add3A_618 = arith.addi %gather3A_602, %add3A_48 : vector<16xi32>
      %gather3A_619 = tpu.vector_load_idx %arg8[%add3A_618] : memref<38400xf32, #tpu.memory_space<vmem>>[vector<16xi32>], vector<16xf32>,
      %swap3A_620 = arith.index_cast %add3A_590 : i32 to index
      %swap3A_621 = arith.constant 48 : index
      %swap3A_622 = tpu.vector_load %arg12[%swap3A_620, %swap3A_621] {strides = array<i32>} : memref<256x64xf32, #tpu.memory_space<vmem>>, vector<16xf32>,
      tpu.vector_store %arg12[%swap3A_620, %swap3A_621], %gather3A_619 {add = true, strides = array<i32>} : memref<256x64xf32, #tpu.memory_space<vmem>>, vector<16xf32>,
      %mul3A_623 = arith.constant 16 : i32
      %mul3A_624 = arith.muli %scan3A_211, %mul3A_623 : i32
      %add3A_625 = arith.constant 11 : i32
      %add3A_626 = arith.addi %mul3A_624, %add3A_625 : i32
      %broadcast_in_dim3A_627 = arith.constant 11 : i32
      %broadcast_in_dim3A_628 = vector.broadcast %broadcast_in_dim3A_627 : i32 to vector<16xi32>
      %lt3A_629 = arith.constant 0 : i32
      %lt3A_630 = vector.broadcast %lt3A_629 : i32 to vector<16xi32>
      %lt3A_631 = arith.cmpi slt, %broadcast_in_dim3A_628, %lt3A_630 : vector<16xi32>
      %add3A_632 = arith.constant 16 : i32
      %add3A_633 = vector.broadcast %add3A_632 : i32 to vector<16xi32>
      %add3A_634 = arith.addi %broadcast_in_dim3A_628, %add3A_633 : vector<16xi32>
      %select_n3A_635 = arith.select %lt3A_631, %add3A_634, %broadcast_in_dim3A_628 : vector<16xi1>, vector<16xi32>
      %broadcast_in_dim3A_636 = vector.shape_cast %select_n3A_635 : vector<16xi32> to vector<16x1xi32>
      %gather3A_637 = vector.shape_cast %broadcast_in_dim3A_636 : vector<16x1xi32> to vector<16xi32>
      %gather3A_638 = tpu.dynamic_gather %mul3A_231[%gather3A_637] in [0] : vector<16xi32>, vector<16xi32> -> vector<16xi32>
      %add3A_639 = arith.addi %gather3A_638, %add3A_39 : vector<16xi32>
      %gather3A_640 = tpu.vector_load_idx %arg8[%add3A_639] : memref<38400xf32, #tpu.memory_space<vmem>>[vector<16xi32>], vector<16xf32>,
      %swap3A_641 = arith.index_cast %add3A_626 : i32 to index
      %swap3A_642 = arith.constant 0 : index
      %swap3A_643 = tpu.vector_load %arg12[%swap3A_641, %swap3A_642] {strides = array<i32>} : memref<256x64xf32, #tpu.memory_space<vmem>>, vector<16xf32>,
      tpu.vector_store %arg12[%swap3A_641, %swap3A_642], %gather3A_640 {add = true, strides = array<i32>} : memref<256x64xf32, #tpu.memory_space<vmem>>, vector<16xf32>,
      %add3A_644 = arith.addi %gather3A_638, %add3A_42 : vector<16xi32>
      %gather3A_645 = tpu.vector_load_idx %arg8[%add3A_644] : memref<38400xf32, #tpu.memory_space<vmem>>[vector<16xi32>], vector<16xf32>,
      %swap3A_646 = arith.index_cast %add3A_626 : i32 to index
      %swap3A_647 = arith.constant 16 : index
      %swap3A_648 = tpu.vector_load %arg12[%swap3A_646, %swap3A_647] {strides = array<i32>} : memref<256x64xf32, #tpu.memory_space<vmem>>, vector<16xf32>,
      tpu.vector_store %arg12[%swap3A_646, %swap3A_647], %gather3A_645 {add = true, strides = array<i32>} : memref<256x64xf32, #tpu.memory_space<vmem>>, vector<16xf32>,
      %add3A_649 = arith.addi %gather3A_638, %add3A_45 : vector<16xi32>
      %gather3A_650 = tpu.vector_load_idx %arg8[%add3A_649] : memref<38400xf32, #tpu.memory_space<vmem>>[vector<16xi32>], vector<16xf32>,
      %swap3A_651 = arith.index_cast %add3A_626 : i32 to index
      %swap3A_652 = arith.constant 32 : index
      %swap3A_653 = tpu.vector_load %arg12[%swap3A_651, %swap3A_652] {strides = array<i32>} : memref<256x64xf32, #tpu.memory_space<vmem>>, vector<16xf32>,
      tpu.vector_store %arg12[%swap3A_651, %swap3A_652], %gather3A_650 {add = true, strides = array<i32>} : memref<256x64xf32, #tpu.memory_space<vmem>>, vector<16xf32>,
      %add3A_654 = arith.addi %gather3A_638, %add3A_48 : vector<16xi32>
      %gather3A_655 = tpu.vector_load_idx %arg8[%add3A_654] : memref<38400xf32, #tpu.memory_space<vmem>>[vector<16xi32>], vector<16xf32>,
      %swap3A_656 = arith.index_cast %add3A_626 : i32 to index
      %swap3A_657 = arith.constant 48 : index
      %swap3A_658 = tpu.vector_load %arg12[%swap3A_656, %swap3A_657] {strides = array<i32>} : memref<256x64xf32, #tpu.memory_space<vmem>>, vector<16xf32>,
      tpu.vector_store %arg12[%swap3A_656, %swap3A_657], %gather3A_655 {add = true, strides = array<i32>} : memref<256x64xf32, #tpu.memory_space<vmem>>, vector<16xf32>,
      %mul3A_659 = arith.constant 16 : i32
      %mul3A_660 = arith.muli %scan3A_211, %mul3A_659 : i32
      %add3A_661 = arith.constant 12 : i32
      %add3A_662 = arith.addi %mul3A_660, %add3A_661 : i32
      %broadcast_in_dim3A_663 = arith.constant 12 : i32
      %broadcast_in_dim3A_664 = vector.broadcast %broadcast_in_dim3A_663 : i32 to vector<16xi32>
      %lt3A_665 = arith.constant 0 : i32
      %lt3A_666 = vector.broadcast %lt3A_665 : i32 to vector<16xi32>
      %lt3A_667 = arith.cmpi slt, %broadcast_in_dim3A_664, %lt3A_666 : vector<16xi32>
      %add3A_668 = arith.constant 16 : i32
      %add3A_669 = vector.broadcast %add3A_668 : i32 to vector<16xi32>
      %add3A_670 = arith.addi %broadcast_in_dim3A_664, %add3A_669 : vector<16xi32>
      %select_n3A_671 = arith.select %lt3A_667, %add3A_670, %broadcast_in_dim3A_664 : vector<16xi1>, vector<16xi32>
      %broadcast_in_dim3A_672 = vector.shape_cast %select_n3A_671 : vector<16xi32> to vector<16x1xi32>
      %gather3A_673 = vector.shape_cast %broadcast_in_dim3A_672 : vector<16x1xi32> to vector<16xi32>
      %gather3A_674 = tpu.dynamic_gather %mul3A_231[%gather3A_673] in [0] : vector<16xi32>, vector<16xi32> -> vector<16xi32>
      %add3A_675 = arith.addi %gather3A_674, %add3A_39 : vector<16xi32>
      %gather3A_676 = tpu.vector_load_idx %arg8[%add3A_675] : memref<38400xf32, #tpu.memory_space<vmem>>[vector<16xi32>], vector<16xf32>,
      %swap3A_677 = arith.index_cast %add3A_662 : i32 to index
      %swap3A_678 = arith.constant 0 : index
      %swap3A_679 = tpu.vector_load %arg12[%swap3A_677, %swap3A_678] {strides = array<i32>} : memref<256x64xf32, #tpu.memory_space<vmem>>, vector<16xf32>,
      tpu.vector_store %arg12[%swap3A_677, %swap3A_678], %gather3A_676 {add = true, strides = array<i32>} : memref<256x64xf32, #tpu.memory_space<vmem>>, vector<16xf32>,
      %add3A_680 = arith.addi %gather3A_674, %add3A_42 : vector<16xi32>
      %gather3A_681 = tpu.vector_load_idx %arg8[%add3A_680] : memref<38400xf32, #tpu.memory_space<vmem>>[vector<16xi32>], vector<16xf32>,
      %swap3A_682 = arith.index_cast %add3A_662 : i32 to index
      %swap3A_683 = arith.constant 16 : index
      %swap3A_684 = tpu.vector_load %arg12[%swap3A_682, %swap3A_683] {strides = array<i32>} : memref<256x64xf32, #tpu.memory_space<vmem>>, vector<16xf32>,
      tpu.vector_store %arg12[%swap3A_682, %swap3A_683], %gather3A_681 {add = true, strides = array<i32>} : memref<256x64xf32, #tpu.memory_space<vmem>>, vector<16xf32>,
      %add3A_685 = arith.addi %gather3A_674, %add3A_45 : vector<16xi32>
      %gather3A_686 = tpu.vector_load_idx %arg8[%add3A_685] : memref<38400xf32, #tpu.memory_space<vmem>>[vector<16xi32>], vector<16xf32>,
      %swap3A_687 = arith.index_cast %add3A_662 : i32 to index
      %swap3A_688 = arith.constant 32 : index
      %swap3A_689 = tpu.vector_load %arg12[%swap3A_687, %swap3A_688] {strides = array<i32>} : memref<256x64xf32, #tpu.memory_space<vmem>>, vector<16xf32>,
      tpu.vector_store %arg12[%swap3A_687, %swap3A_688], %gather3A_686 {add = true, strides = array<i32>} : memref<256x64xf32, #tpu.memory_space<vmem>>, vector<16xf32>,
      %add3A_690 = arith.addi %gather3A_674, %add3A_48 : vector<16xi32>
      %gather3A_691 = tpu.vector_load_idx %arg8[%add3A_690] : memref<38400xf32, #tpu.memory_space<vmem>>[vector<16xi32>], vector<16xf32>,
      %swap3A_692 = arith.index_cast %add3A_662 : i32 to index
      %swap3A_693 = arith.constant 48 : index
      %swap3A_694 = tpu.vector_load %arg12[%swap3A_692, %swap3A_693] {strides = array<i32>} : memref<256x64xf32, #tpu.memory_space<vmem>>, vector<16xf32>,
      tpu.vector_store %arg12[%swap3A_692, %swap3A_693], %gather3A_691 {add = true, strides = array<i32>} : memref<256x64xf32, #tpu.memory_space<vmem>>, vector<16xf32>,
      %mul3A_695 = arith.constant 16 : i32
      %mul3A_696 = arith.muli %scan3A_211, %mul3A_695 : i32
      %add3A_697 = arith.constant 13 : i32
      %add3A_698 = arith.addi %mul3A_696, %add3A_697 : i32
      %broadcast_in_dim3A_699 = arith.constant 13 : i32
      %broadcast_in_dim3A_700 = vector.broadcast %broadcast_in_dim3A_699 : i32 to vector<16xi32>
      %lt3A_701 = arith.constant 0 : i32
      %lt3A_702 = vector.broadcast %lt3A_701 : i32 to vector<16xi32>
      %lt3A_703 = arith.cmpi slt, %broadcast_in_dim3A_700, %lt3A_702 : vector<16xi32>
      %add3A_704 = arith.constant 16 : i32
      %add3A_705 = vector.broadcast %add3A_704 : i32 to vector<16xi32>
      %add3A_706 = arith.addi %broadcast_in_dim3A_700, %add3A_705 : vector<16xi32>
      %select_n3A_707 = arith.select %lt3A_703, %add3A_706, %broadcast_in_dim3A_700 : vector<16xi1>, vector<16xi32>
      %broadcast_in_dim3A_708 = vector.shape_cast %select_n3A_707 : vector<16xi32> to vector<16x1xi32>
      %gather3A_709 = vector.shape_cast %broadcast_in_dim3A_708 : vector<16x1xi32> to vector<16xi32>
      %gather3A_710 = tpu.dynamic_gather %mul3A_231[%gather3A_709] in [0] : vector<16xi32>, vector<16xi32> -> vector<16xi32>
      %add3A_711 = arith.addi %gather3A_710, %add3A_39 : vector<16xi32>
      %gather3A_712 = tpu.vector_load_idx %arg8[%add3A_711] : memref<38400xf32, #tpu.memory_space<vmem>>[vector<16xi32>], vector<16xf32>,
      %swap3A_713 = arith.index_cast %add3A_698 : i32 to index
      %swap3A_714 = arith.constant 0 : index
      %swap3A_715 = tpu.vector_load %arg12[%swap3A_713, %swap3A_714] {strides = array<i32>} : memref<256x64xf32, #tpu.memory_space<vmem>>, vector<16xf32>,
      tpu.vector_store %arg12[%swap3A_713, %swap3A_714], %gather3A_712 {add = true, strides = array<i32>} : memref<256x64xf32, #tpu.memory_space<vmem>>, vector<16xf32>,
      %add3A_716 = arith.addi %gather3A_710, %add3A_42 : vector<16xi32>
      %gather3A_717 = tpu.vector_load_idx %arg8[%add3A_716] : memref<38400xf32, #tpu.memory_space<vmem>>[vector<16xi32>], vector<16xf32>,
      %swap3A_718 = arith.index_cast %add3A_698 : i32 to index
      %swap3A_719 = arith.constant 16 : index
      %swap3A_720 = tpu.vector_load %arg12[%swap3A_718, %swap3A_719] {strides = array<i32>} : memref<256x64xf32, #tpu.memory_space<vmem>>, vector<16xf32>,
      tpu.vector_store %arg12[%swap3A_718, %swap3A_719], %gather3A_717 {add = true, strides = array<i32>} : memref<256x64xf32, #tpu.memory_space<vmem>>, vector<16xf32>,
      %add3A_721 = arith.addi %gather3A_710, %add3A_45 : vector<16xi32>
      %gather3A_722 = tpu.vector_load_idx %arg8[%add3A_721] : memref<38400xf32, #tpu.memory_space<vmem>>[vector<16xi32>], vector<16xf32>,
      %swap3A_723 = arith.index_cast %add3A_698 : i32 to index
      %swap3A_724 = arith.constant 32 : index
      %swap3A_725 = tpu.vector_load %arg12[%swap3A_723, %swap3A_724] {strides = array<i32>} : memref<256x64xf32, #tpu.memory_space<vmem>>, vector<16xf32>,
      tpu.vector_store %arg12[%swap3A_723, %swap3A_724], %gather3A_722 {add = true, strides = array<i32>} : memref<256x64xf32, #tpu.memory_space<vmem>>, vector<16xf32>,
      %add3A_726 = arith.addi %gather3A_710, %add3A_48 : vector<16xi32>
      %gather3A_727 = tpu.vector_load_idx %arg8[%add3A_726] : memref<38400xf32, #tpu.memory_space<vmem>>[vector<16xi32>], vector<16xf32>,
      %swap3A_728 = arith.index_cast %add3A_698 : i32 to index
      %swap3A_729 = arith.constant 48 : index
      %swap3A_730 = tpu.vector_load %arg12[%swap3A_728, %swap3A_729] {strides = array<i32>} : memref<256x64xf32, #tpu.memory_space<vmem>>, vector<16xf32>,
      tpu.vector_store %arg12[%swap3A_728, %swap3A_729], %gather3A_727 {add = true, strides = array<i32>} : memref<256x64xf32, #tpu.memory_space<vmem>>, vector<16xf32>,
      %mul3A_731 = arith.constant 16 : i32
      %mul3A_732 = arith.muli %scan3A_211, %mul3A_731 : i32
      %add3A_733 = arith.constant 14 : i32
      %add3A_734 = arith.addi %mul3A_732, %add3A_733 : i32
      %broadcast_in_dim3A_735 = arith.constant 14 : i32
      %broadcast_in_dim3A_736 = vector.broadcast %broadcast_in_dim3A_735 : i32 to vector<16xi32>
      %lt3A_737 = arith.constant 0 : i32
      %lt3A_738 = vector.broadcast %lt3A_737 : i32 to vector<16xi32>
      %lt3A_739 = arith.cmpi slt, %broadcast_in_dim3A_736, %lt3A_738 : vector<16xi32>
      %add3A_740 = arith.constant 16 : i32
      %add3A_741 = vector.broadcast %add3A_740 : i32 to vector<16xi32>
      %add3A_742 = arith.addi %broadcast_in_dim3A_736, %add3A_741 : vector<16xi32>
      %select_n3A_743 = arith.select %lt3A_739, %add3A_742, %broadcast_in_dim3A_736 : vector<16xi1>, vector<16xi32>
      %broadcast_in_dim3A_744 = vector.shape_cast %select_n3A_743 : vector<16xi32> to vector<16x1xi32>
      %gather3A_745 = vector.shape_cast %broadcast_in_dim3A_744 : vector<16x1xi32> to vector<16xi32>
      %gather3A_746 = tpu.dynamic_gather %mul3A_231[%gather3A_745] in [0] : vector<16xi32>, vector<16xi32> -> vector<16xi32>
      %add3A_747 = arith.addi %gather3A_746, %add3A_39 : vector<16xi32>
      %gather3A_748 = tpu.vector_load_idx %arg8[%add3A_747] : memref<38400xf32, #tpu.memory_space<vmem>>[vector<16xi32>], vector<16xf32>,
      %swap3A_749 = arith.index_cast %add3A_734 : i32 to index
      %swap3A_750 = arith.constant 0 : index
      %swap3A_751 = tpu.vector_load %arg12[%swap3A_749, %swap3A_750] {strides = array<i32>} : memref<256x64xf32, #tpu.memory_space<vmem>>, vector<16xf32>,
      tpu.vector_store %arg12[%swap3A_749, %swap3A_750], %gather3A_748 {add = true, strides = array<i32>} : memref<256x64xf32, #tpu.memory_space<vmem>>, vector<16xf32>,
      %add3A_752 = arith.addi %gather3A_746, %add3A_42 : vector<16xi32>
      %gather3A_753 = tpu.vector_load_idx %arg8[%add3A_752] : memref<38400xf32, #tpu.memory_space<vmem>>[vector<16xi32>], vector<16xf32>,
      %swap3A_754 = arith.index_cast %add3A_734 : i32 to index
      %swap3A_755 = arith.constant 16 : index
      %swap3A_756 = tpu.vector_load %arg12[%swap3A_754, %swap3A_755] {strides = array<i32>} : memref<256x64xf32, #tpu.memory_space<vmem>>, vector<16xf32>,
      tpu.vector_store %arg12[%swap3A_754, %swap3A_755], %gather3A_753 {add = true, strides = array<i32>} : memref<256x64xf32, #tpu.memory_space<vmem>>, vector<16xf32>,
      %add3A_757 = arith.addi %gather3A_746, %add3A_45 : vector<16xi32>
      %gather3A_758 = tpu.vector_load_idx %arg8[%add3A_757] : memref<38400xf32, #tpu.memory_space<vmem>>[vector<16xi32>], vector<16xf32>,
      %swap3A_759 = arith.index_cast %add3A_734 : i32 to index
      %swap3A_760 = arith.constant 32 : index
      %swap3A_761 = tpu.vector_load %arg12[%swap3A_759, %swap3A_760] {strides = array<i32>} : memref<256x64xf32, #tpu.memory_space<vmem>>, vector<16xf32>,
      tpu.vector_store %arg12[%swap3A_759, %swap3A_760], %gather3A_758 {add = true, strides = array<i32>} : memref<256x64xf32, #tpu.memory_space<vmem>>, vector<16xf32>,
      %add3A_762 = arith.addi %gather3A_746, %add3A_48 : vector<16xi32>
      %gather3A_763 = tpu.vector_load_idx %arg8[%add3A_762] : memref<38400xf32, #tpu.memory_space<vmem>>[vector<16xi32>], vector<16xf32>,
      %swap3A_764 = arith.index_cast %add3A_734 : i32 to index
      %swap3A_765 = arith.constant 48 : index
      %swap3A_766 = tpu.vector_load %arg12[%swap3A_764, %swap3A_765] {strides = array<i32>} : memref<256x64xf32, #tpu.memory_space<vmem>>, vector<16xf32>,
      tpu.vector_store %arg12[%swap3A_764, %swap3A_765], %gather3A_763 {add = true, strides = array<i32>} : memref<256x64xf32, #tpu.memory_space<vmem>>, vector<16xf32>,
      %mul3A_767 = arith.constant 16 : i32
      %mul3A_768 = arith.muli %scan3A_211, %mul3A_767 : i32
      %add3A_769 = arith.constant 15 : i32
      %add3A_770 = arith.addi %mul3A_768, %add3A_769 : i32
      %broadcast_in_dim3A_771 = arith.constant 15 : i32
      %broadcast_in_dim3A_772 = vector.broadcast %broadcast_in_dim3A_771 : i32 to vector<16xi32>
      %lt3A_773 = arith.constant 0 : i32
      %lt3A_774 = vector.broadcast %lt3A_773 : i32 to vector<16xi32>
      %lt3A_775 = arith.cmpi slt, %broadcast_in_dim3A_772, %lt3A_774 : vector<16xi32>
      %add3A_776 = arith.constant 16 : i32
      %add3A_777 = vector.broadcast %add3A_776 : i32 to vector<16xi32>
      %add3A_778 = arith.addi %broadcast_in_dim3A_772, %add3A_777 : vector<16xi32>
      %select_n3A_779 = arith.select %lt3A_775, %add3A_778, %broadcast_in_dim3A_772 : vector<16xi1>, vector<16xi32>
      %broadcast_in_dim3A_780 = vector.shape_cast %select_n3A_779 : vector<16xi32> to vector<16x1xi32>
      %gather3A_781 = vector.shape_cast %broadcast_in_dim3A_780 : vector<16x1xi32> to vector<16xi32>
      %gather3A_782 = tpu.dynamic_gather %mul3A_231[%gather3A_781] in [0] : vector<16xi32>, vector<16xi32> -> vector<16xi32>
      %add3A_783 = arith.addi %gather3A_782, %add3A_39 : vector<16xi32>
      %gather3A_784 = tpu.vector_load_idx %arg8[%add3A_783] : memref<38400xf32, #tpu.memory_space<vmem>>[vector<16xi32>], vector<16xf32>,
      %swap3A_785 = arith.index_cast %add3A_770 : i32 to index
      %swap3A_786 = arith.constant 0 : index
      %swap3A_787 = tpu.vector_load %arg12[%swap3A_785, %swap3A_786] {strides = array<i32>} : memref<256x64xf32, #tpu.memory_space<vmem>>, vector<16xf32>,
      tpu.vector_store %arg12[%swap3A_785, %swap3A_786], %gather3A_784 {add = true, strides = array<i32>} : memref<256x64xf32, #tpu.memory_space<vmem>>, vector<16xf32>,
      %add3A_788 = arith.addi %gather3A_782, %add3A_42 : vector<16xi32>
      %gather3A_789 = tpu.vector_load_idx %arg8[%add3A_788] : memref<38400xf32, #tpu.memory_space<vmem>>[vector<16xi32>], vector<16xf32>,
      %swap3A_790 = arith.index_cast %add3A_770 : i32 to index
      %swap3A_791 = arith.constant 16 : index
      %swap3A_792 = tpu.vector_load %arg12[%swap3A_790, %swap3A_791] {strides = array<i32>} : memref<256x64xf32, #tpu.memory_space<vmem>>, vector<16xf32>,
      tpu.vector_store %arg12[%swap3A_790, %swap3A_791], %gather3A_789 {add = true, strides = array<i32>} : memref<256x64xf32, #tpu.memory_space<vmem>>, vector<16xf32>,
      %add3A_793 = arith.addi %gather3A_782, %add3A_45 : vector<16xi32>
      %gather3A_794 = tpu.vector_load_idx %arg8[%add3A_793] : memref<38400xf32, #tpu.memory_space<vmem>>[vector<16xi32>], vector<16xf32>,
      %swap3A_795 = arith.index_cast %add3A_770 : i32 to index
      %swap3A_796 = arith.constant 32 : index
      %swap3A_797 = tpu.vector_load %arg12[%swap3A_795, %swap3A_796] {strides = array<i32>} : memref<256x64xf32, #tpu.memory_space<vmem>>, vector<16xf32>,
      tpu.vector_store %arg12[%swap3A_795, %swap3A_796], %gather3A_794 {add = true, strides = array<i32>} : memref<256x64xf32, #tpu.memory_space<vmem>>, vector<16xf32>,
      %add3A_798 = arith.addi %gather3A_782, %add3A_48 : vector<16xi32>
      %gather3A_799 = tpu.vector_load_idx %arg8[%add3A_798] : memref<38400xf32, #tpu.memory_space<vmem>>[vector<16xi32>], vector<16xf32>,
      %swap3A_800 = arith.index_cast %add3A_770 : i32 to index
      %swap3A_801 = arith.constant 48 : index
      %swap3A_802 = tpu.vector_load %arg12[%swap3A_800, %swap3A_801] {strides = array<i32>} : memref<256x64xf32, #tpu.memory_space<vmem>>, vector<16xf32>,
      tpu.vector_store %arg12[%swap3A_800, %swap3A_801], %gather3A_799 {add = true, strides = array<i32>} : memref<256x64xf32, #tpu.memory_space<vmem>>, vector<16xf32>,
    }
    %scan3A_198 = arith.constant 16 : i32
    %add3A_199 = arith.constant 6144 : i32
    %add3A_200 = arith.addi %mul3A_2, %add3A_199 : i32
    %dma_start3A_201 = arith.constant 0 : i32
    %dma_start3A_202 = tpu.memref_slice %arg7[%add3A_200, %dma_start3A_201] : memref<204800x64xf32, #tpu.memory_space<hbm>> -> memref<256x64xf32, #tpu.memory_space<hbm>>
    %dma_start3A_203 = arith.constant 0 : i32
    %dma_start3A_204 = tpu.memref_slice %arg7[%add3A_200, %dma_start3A_203] : memref<204800x64xf32, #tpu.memory_space<hbm>> -> memref<256x64xf32, #tpu.memory_space<hbm>>
    tpu.enqueue_dma source(%arg12 : memref<256x64xf32, #tpu.memory_space<vmem>>) target(%dma_start3A_204 : memref<256x64xf32, #tpu.memory_space<hbm>>) target_semaphore(%arg17 : memref<!tpu.dma_semaphore, #tpu.memory_space<semaphore_mem>>)
    %add3A_205 = arith.constant 6144 : i32
    %add3A_206 = arith.addi %mul3A_2, %add3A_205 : i32
    %dma_wait3A_207 = arith.constant 0 : i32
    %dma_wait3A_208 = tpu.memref_slice %arg7[%add3A_206, %dma_wait3A_207] : memref<204800x64xf32, #tpu.memory_space<hbm>> -> memref<256x64xf32, #tpu.memory_space<hbm>>
    %dma_wait3A_209 = arith.constant 0 : i32
    %dma_wait3A_210 = tpu.memref_slice %arg7[%add3A_206, %dma_wait3A_209] : memref<204800x64xf32, #tpu.memory_space<hbm>> -> memref<256x64xf32, #tpu.memory_space<hbm>>
    tpu.wait_dma2 semaphore(%arg17 : memref<!tpu.dma_semaphore, #tpu.memory_space<semaphore_mem>>) src(%arg12 : memref<256x64xf32, #tpu.memory_space<vmem>>) dst(%dma_wait3A_210 : memref<256x64xf32, #tpu.memory_space<hbm>>)
    return
  }
}

</mosaic_0001>

<sc_bundles>
// kernel: kernel.3.cloned.1.call-start
scs
__scs_entry_jumppad:
0x0: {  	(pc) =	sbr.rel $0x88, $3  }
0x1: {  	(tag) =	ssettag $0x0;
	lr =	simm.s32 $0x1  }
0x2: {  	[smem:$0x3F9C] =	sst lr;
	_ =	strace $0xD0000000  }
0x3: {  	_ = 	snop  }
0x4: {  	_ = 	snop  }
0x5: {  	_ = 	snop  }
0x6: {  	_ = 	snop  }
0x7: {  	_ = 	snop  }
__scs_overlays_trampoline_lowered:
0x8: {  	[smem:$0x3FAB] =	sst s0  }
0x9: {  	[smem:$0x3FAC] =	sst s1  }
0xa: {  	[smem:$0x3FAD] =	sst s2  }
0xb: {  	[smem:$0x3FAE] =	sst s3  }
0xc: {  	[smem:$0x3FAF] =	sst s4  }
0xd: {  	[smem:$0x3FB0] =	sst s5  }
0xe: {  	[smem:$0x3FB1] =	sst s6  }
0xf: {  	[smem:$0x3FB2] =	sst s7  }
0x10: {  	[smem:$0x3FB3] =	sst s8  }
0x11: {  	[smem:$0x3FB4] =	sst s9;
	s0 =	simm.s32 @!p0 $0x0  }
0x12: {  	s1 =	sld [smem:$0x3F9A];
	s0 =	simm.s32 @p0 $0x1  }
0x13: {  	[smem:$0x3FB5] =	sst s0;
	s0 =	simm.s32 @!p1 $0x0  }
0x14: {  	s2 =	sld [smem:$0x3F99];
	s0 =	simm.s32 @p1 $0x1  }
0x15: {  	[smem:$0x3FB6] =	sst s0;
	s0 =	simm.s32 @!p2 $0x0  }
0x16: {  	s3 =	sld [smem:$0x3FDB];
	s0 =	simm.s32 @p2 $0x1  }
0x17: {  	s4 =	simm.s32 $0x1BF5;
	[smem:$0x3FB8] =	sst s0  }
0x18: {  	s0 =	sld [smem:$0x3F9B];
	_ =	swait.ge [sflag:s4], $0x0  }
0x19: {  	s7 =	sld [smem:$0x3F9C]  }
0x1a: {  	s8 =	sadd.s32 $0xFFFFE003, lr  }
0x1b: {  	s9 =	sadd.s32 $0xFFFFFEF7, lr;
	s5 =	simm.s32 $0xFFFFFFFF;
	p2 =	slt.u32 s8, $0xFFFFF086  }
0x1c: {  	p1 =	slt.u32 s9, $0xF7A;
	s5 =	simm.s32 @!p2 $0x0  }
0x1d: {  	s5 =	simm.s32 @p1 $0x1;
	p0 =	seq.s32 s7, s2  }
0x1e: {  	s7 =	smul.u32 @!p0 $0xF7A, s2;
	p2 =	seq.s32 @!p0 s5, $0x0  }
0x1f: {  	s9 =	smul.u32 $0xF7A, s1;
	s8 =	simm.s32 @!p0 $0x1BF5;
	p2 =	por !p2, p0  }
0x20: {  	[sflag:s8] =	ssyncset.s32 @!p0 $0xFFFFF086;
	s6 =	sadd.s32 @!p0 s3, s7;
	s7 =	simm.s32 @!p0 $0x108  }
0x21: {  	s3 =	sadd.s32 s3, s9;
	s6 =	sadd.s32 @!p0 $0x88, s6;
	s7 =	simm.s32 @p2 $0x1082  }
0x22: {  	[simem:s7], [sflag:s8] =	dma.local @!p0 [hbm:s6], $0xF7A  }
0x23: {  	s9 =	sor.u32 $0xD0000000, s2;
	s6 =	simm.s32 $0x108;
	_ =	swait.ge @!p0 [sflag:s8], $0x0  }
0x24: {  	s3 =	sadd.s32 $0x88, s3;
	s6 =	simm.s32 @!p1 $0x1082;
	[sflag:s4] =	ssyncset.s32 $0xFFFFF086  }
0x25: {  	[simem:s6], [sflag:s4] =	dma.local [hbm:s3], $0xF7A  }
0x26: {  	[smem:$0x3F9C] =	sst s1;
	(tag) =	ssettag s2;
	_ =	strace s9  }
0x27: {  	s1 =	sld [smem:$0x3FAC]  }
0x28: {  	s2 =	sld [smem:$0x3FAD]  }
0x29: {  	s4 =	sld [smem:$0x3FAF]  }
0x2a: {  	p0 =	seq.s32 s5, $0x0;
	s5 =	sld [smem:$0x3FB0]  }
0x2b: {  	s6 =	sld [smem:$0x3FB1]  }
0x2c: {  	s7 =	sld [smem:$0x3FB2]  }
0x2d: {  	s3 =	simm.s32 $0x108;
	s8 =	sld [smem:$0x3FB3]  }
0x2e: {  	s3 =	simm.s32 @!p0 $0x1082;
	s9 =	sld [smem:$0x3FB4]  }
0x2f: {  	lr =	sadd.s32 s0, s3;
	s0 =	sld [smem:$0x3FAB]  }
0x30: {  	s3 =	sld [smem:$0x3FAE]  }
0x31: {  	[smem:$0x3FB7] =	sst s10  }
0x32: {  	s10 =	sld [smem:$0x3FB5];
	_ =	sdelay $0x3  }
0x33: {  	p0 =	seq.s32 s10, $0x1;
	s10 =	sld [smem:$0x3FB7];
	_ =	sdelay $0x3  }
0x34: {  	[smem:$0x3FB7] =	sst s10  }
0x35: {  	s10 =	sld [smem:$0x3FB6];
	_ =	sdelay $0x3  }
0x36: {  	p1 =	seq.s32 s10, $0x1;
	s10 =	sld [smem:$0x3FB7];
	_ =	sdelay $0x3  }
0x37: {  	[smem:$0x3FB7] =	sst s10  }
0x38: {  	s10 =	sld [smem:$0x3FB8]  }
0x39: {  	_ = 	snop;
	(pc) =	sbr.ind lr, $3  }
0x3a: {  	_ = 	snop  }
0x3b: {  	_ = 	snop  }
0x3c: {  	p2 =	seq.s32 s10, $0x1;
	s10 =	sld [smem:$0x3FB7]  }
0x3d: {  	_ =	shalt  }
0x3e: {  	_ =	shalt  }
0x3f: {  	_ =	shalt  }
0x40: {  	_ =	shalt  }
0x41: {  	_ =	shalt  }
0x42: {  	_ =	shalt  }
0x43: {  	_ =	shalt  }
0x44: {  	_ =	shalt  }
0x45: {  	_ =	shalt  }
0x46: {  	_ =	shalt  }
0x47: {  	_ =	shalt  }
0x48: {  	_ =	shalt  }
0x49: {  	_ =	shalt  }
0x4a: {  	_ =	shalt  }
0x4b: {  	_ =	shalt  }
0x4c: {  	_ =	shalt  }
0x4d: {  	_ =	shalt  }
0x4e: {  	_ =	shalt  }
0x4f: {  	_ =	shalt  }
0x50: {  	_ =	shalt  }
0x51: {  	_ =	shalt  }
0x52: {  	_ =	shalt  }
0x53: {  	_ =	shalt  }
0x54: {  	_ =	shalt  }
0x55: {  	_ =	shalt  }
0x56: {  	_ =	shalt  }
0x57: {  	_ =	shalt  }
0x58: {  	_ =	shalt  }
0x59: {  	_ =	shalt  }
0x5a: {  	_ =	shalt  }
0x5b: {  	_ =	shalt  }
0x5c: {  	_ =	shalt  }
0x5d: {  	_ =	shalt  }
0x5e: {  	_ =	shalt  }
0x5f: {  	_ =	shalt  }
0x60: {  	_ =	shalt  }
0x61: {  	_ =	shalt  }
0x62: {  	_ =	shalt  }
0x63: {  	_ =	shalt  }
0x64: {  	_ =	shalt  }
0x65: {  	_ =	shalt  }
0x66: {  	_ =	shalt  }
0x67: {  	_ =	shalt  }
0x68: {  	_ =	shalt  }
0x69: {  	_ =	shalt  }
0x6a: {  	_ =	shalt  }
0x6b: {  	_ =	shalt  }
0x6c: {  	_ =	shalt  }
0x6d: {  	_ =	shalt  }
0x6e: {  	_ =	shalt  }
0x6f: {  	_ =	shalt  }
0x70: {  	_ =	shalt  }
0x71: {  	_ =	shalt  }
0x72: {  	_ =	shalt  }
0x73: {  	_ =	shalt  }
0x74: {  	_ =	shalt  }
0x75: {  	_ =	shalt  }
0x76: {  	_ =	shalt  }
0x77: {  	_ =	shalt  }
0x78: {  	_ =	shalt  }
0x79: {  	_ =	shalt  }
0x7a: {  	_ =	shalt  }
0x7b: {  	_ =	shalt  }
0x7c: {  	_ =	shalt  }
0x7d: {  	_ =	shalt  }
0x7e: {  	_ =	shalt  }
0x7f: {  	_ =	shalt  }
0x80: {  	_ =	shalt  }
0x81: {  	_ =	shalt  }
0x82: {  	_ =	shalt  }
0x83: {  	_ =	shalt  }
0x84: {  	_ =	shalt  }
0x85: {  	_ =	shalt  }
0x86: {  	_ =	shalt  }
0x87: {  	_ =	shalt  }
.Lfunc_end0:
.L_simem_size_0:
called_computation.1_lowered:
.L_overlay_start_0:
0x88: {  	s2 =	sld [smem:$0x3FD9]  }
0x89: {  	s3 =	sld [smem:$0x3FFE];
	_ =	sdelay $0x1  }
0x8a: {  	s1 =	srdreg.scid  }
0x8b: {  	s0 =	sand.u32 $0x1, s1  }
0x8c: {  	s17 =	sshll.u32 s0, $0xA;
	s2 =	sadd.s32 s3, s2  }
0x8d: {  	s2 =	sadd.s32 s2, s17  }
0x8e: {  	[smem:$0x3FC3] =	sst s2  }
0x8f: {  	_ = 	snop  }
0x90: {  	s2 =	sld [smem:$0x3FD0];
	(tm) =	ssettm $0x1  }
0x91: {  	s18 =	sld [smem:$0x3FFB];
	_ =	sdelay $0x3  }
0x92: {  	_ =	strace s18  }
0x93: {  	s3 =	sld [smem:$0x3FFC];
	_ =	sdelay $0x3  }
0x94: {  	_ =	strace s3  }
0x95: {  	s3 =	sld [smem:$0x3FFD];
	_ =	sdelay $0x3  }
0x96: {  	_ =	strace s3  }
0x97: {  	_ =	strace $0x8FFFFFFF  }
0x98: {  	s19 =	sld [smem:$0x3FDB];
	_ =	sdelay $0x1  }
0x99: {  	s4 =	simm.s32 $_scs_section_size  }
0x9a: {  	s5 =	simm.s32 $_size__tile_overlayer_lowered;
	s6 =	simm.s32 $_tile_overlayer_lowered  }
0x9b: {  	s22 =	simm.s32 $0x1BFF;
	s21 =	sshll.u32 s6, $0x1;
	s3 =	sadd.s32 s4, s19  }
0x9c: {  	s7 =	simm.s32 $0x0;
	s20 =	sshll.u32 s5, $0x1;
	s5 =	sadd.s32 s21, s3  }
0x9d: {  	[timem:s7], [sflag:s22] =	dma.local [hbm:s5], s20  }
0x9e: {  	_ =	swait.ge [sflag:s22], s20  }
0x9f: {  	s4 =	ssub.s32 $0x0, s20;
	[sflag:s22] =	ssyncset.done $0x0  }
0xa0: {  	[sflag:s22] =	ssyncadd.s32 s4;
	_ =	sdelay $0x1  }
0xa1: {  	s23 =	simm.s32 $0x1B8B  }
0xa2: {  	_ =	swait.ge [sflag:s23], $0x1  }
0xa3: {  	[sflag:s23] =	ssyncset.done $0x0  }
0xa4: {  	s25 =	simm.s32 $0x1B8E;
	s24 =	sld [smem:$0x3FFE];
	[sflag:s23] =	ssyncadd.s32 $0xFFFFFFFF  }
0xa5: {  	s26 =	simm.s32 $execute0_lowered;
	[smem:$0x3FD2] =	sst s25  }
0xa6: {  	s5 =	sshll.u32 s26, $0x1;
	_ =	strace $0x80000046;
	[dreg:$0x1] =	wrdreg $0xFFFFFFFF  }
0xa7: {  	s28 =	simm.s32 $_size_execute0_lowered;
	s3 =	sadd.s32 s3, s5;
	[dreg:$0x0] =	wrdreg $0x0  }
0xa8: {  	s5 =	sshll.u32 s28, $0x1;
	[dreg:$0x2] =	wrdreg s3  }
0xa9: {  	[dreg:$0x3] =	wrdreg s5  }
0xaa: {  	[dreg:$0x4] =	wrdreg $0xC0  }
0xab: {  	_ =	task [dreg:s7], $0x5FFFF  }
0xac: {  	[dreg:$0x1] =	wrdreg $0xFFFFFFFF  }
0xad: {  	[dreg:$0x0] =	wrdreg $0x60  }
0xae: {  	[dreg:$0x2] =	wrdreg s24  }
0xaf: {  	[dreg:$0x3] =	wrdreg s2  }
0xb0: {  	[dreg:$0x4] =	wrdreg $0x9  }
0xb1: {  	_ =	task.clear_ibuf [dreg:s7], $0x5FFFF;
	_ =	strace $0x90000046  }
0xb2: {  	s29 =	simm.s32 $0x9;
	_ =	strace $0x80000048  }
0xb3: {  	_ =	swait.ge [sflag:s29], $0x1  }
0xb4: {  	[sflag:s29] =	ssyncadd.s32 $0xFFFFFFFF  }
0xb5: {  	_ =	strace $0x90000048  }
0xb6: {  	_ =	sfence  }
0xb7: {  	s30 =	sld [smem:$0x0];
	_ =	sdelay $0x2  }
0xb8: {  	s31 =	sshll.u32 s1, $0xD;
	s1 =	sshrl.u32 s1, $0x2  }
0xb9: {  	s3 =	sand.u32 $0x4000, s31;
	s1 =	sadd.s32 s1, s30  }
0xba: {  	s0 =	sor.u32 s3, s0;
	s1 =	sshll.u32 s1, $0x11  }
0xbb: {  	s0 =	sor.u32 s1, s0  }
0xbc: {  	s0 =	sadd.s32 $0x8F2B, s0  }
0xbd: {  	[sflag:s0] =	ssyncadd.remote.s32 $0x1  }
0xbe: {  	_ =	sfence.sel $0xFFFF  }
0xbf: {  	[dreg:$0x0] =	wrdreg $0xFFFFFFFF;
	(pc) =	sbr.abs _section_cstart, $3  }
0xc0: {  	[dreg:$0x1] =	wrdreg $0xFFFFFFFF  }
0xc1: {  	_ =	task.clear_ibuf [dreg:s7], $0x2FFFF;
	_ =	strace $0x9FFFFFFF  }
0xc2: {  	(tm) =	ssettm $0x7FFFFFFF  }
0xc3: {  	_ =	shalt  }
tec
execute0_lowered:
.L_overlay_start_1:
0x0: {  	(tag) =	ssettag $0x1  }
0x1: {  	s0 =	srdreg.scid  }
0x2: {  	s11 =	stileid.u32;
	s1 =	rddreg [dreg:$0x0]  }
0x3: {  	s2 =	rddreg [dreg:$0x1];
	s28 =	simm.s32 $0xC8C0;
	s30 =	simm.s32 $0xE8C0  }
0x4: {  	s29 =	simm.s32 $0x5;
	s0 =	sand.u32 $0x1, s0;
	s3 =	sshll.u32 s11, $0x1  }
0x5: {  	s31 =	simm.s32 $0x0;
	s19 =	smul.u32 $0x3200, s11;
	s6 =	sor.u32 s0, s3  }
0x6: {  	s3 =	simm.s32 $0x0;
	s9 =	ssub.s32 $0x2, s0;
	s0 =	smul.u32 $0x1900, s0  }
0x7: {  	s7 =	sadd.s32 $0xE200, s1;
	s4 =	smul.u32 $0x1900, s6;
	[smem:$0x7FF] =	sst s3  }
0x8: {  	s10 =	sshrl.u32 s9, $0x1;
	s6 =	smul.u32 $0xC800, s6;
	_ =	strace $0x80000047  }
0x9: {  	[dreg:$0x3] =	wrdreg s7;
	s7 =	sadd.s32 $0xDA00, s1;
	s18 =	ssub.s32 s9, s10  }
0xa: {  	s13 =	sadd.s32 s0, s19;
	s9 =	simm.s32 $0x96C0;
	s5 =	sshrl.u32 s4, $0x3  }
0xb: {  	s21 =	sshll.u32 s4, $0x3;
	s6 =	sadd.s32 s2, s6;
	s24 =	smax.u32 s18, $0x1  }
0xc: {  	s25 =	sadd.s32 $0x100, s13;
	s26 =	sadd.s32 $0x200, s13;
	[dreg:$0x6] =	wrdreg s6  }
0xd: {  	s17 =	sadd.s32 $0x1700, s13;
	s18 =	sadd.s32 $0x1800, s13;
	[dreg:$0x9] =	wrdreg s24  }
0xe: {  	v0 =	vlaneseq.u32;
	v1 =	vimm.s32 $0x6;
	s8 =	sadd.s32 s5, s1;
	s5 =	sadd.s32 $0xF43600, s1;
	[dreg:$0xa] =	wrdreg s25  }
0xf: {  	v2 =	vimm.s32 $0x0;
	v6 =	vimm.s32 $0x1;
	v7 =	vimm.s32 $0x2;
	s22 =	sadd.s32 s2, s21;
	[dreg:$0xb] =	wrdreg s26;
	s25 =	simm.s32 $0x1  }
0x10: {  	v8 =	vimm.s32 $0x3;
	v9 =	vimm.s32 $0x4;
	v10 =	vimm.s32 $0x5;
	s26 =	simm.s32 $0x80;
	s1 =	simm.s32 $0x108C0;
	s20 =	sadd.s32 $0x7600, s8  }
0x11: {  	v11 =	vimm.s32 $0x7;
	v12 =	vimm.s32 $0x8;
	v13 =	vimm.s32 $0x9;
	s21 =	simm.s32 $0x2;
	s8 =	sadd.s32 $0x1200, s8;
	[dreg:$0x4] =	wrdreg s20  }
0x12: {  	v14 =	vimm.s32 $0xA;
	v15 =	vimm.s32 $0xB;
	v16 =	vimm.s32 $0xC;
	s24 =	simm.s32 $0x3;
	s23 =	sadd.s32 $0xB800, s22;
	[dreg:$0x5] =	wrdreg s8  }
0x13: {  	v17 =	vimm.s32 $0xD;
	v18 =	vimm.s32 $0xE;
	v19 =	vimm.s32 $0xF;
	s6 =	sadd.s32 $0xC000, s22;
	s22 =	simm.s32 $0x6;
	[dreg:$0x7] =	wrdreg s23  }
0x14: {  	v3 =	vor.u32 $0x10, v0;
	v4 =	vor.u32 $0x20, v0;
	v5 =	vor.u32 $0x30, v0;
	[dreg:$0x8] =	wrdreg s6;
	s20 =	simm.s32 $0x128C0;
	s23 =	simm.s32 $0x4  }
.LBB2_1:
0x15: {  	s0 =	rddreg [dreg:$0x4]  }
0x16: {  	[tilespmem:s9], [sflag:$0x1] =	stream.linear.gather [hbm4b:s0+s3], $0x1900, $0x38;
	[tilespmem:$0x148C0] =	vst v63  }
0x17: {  	s12 =	rddreg [dreg:$0x5];
	s6 =	simm.s32 $0xAFC0  }
0x18: {  	[tilespmem:s6], [sflag:$0x1] =	stream.linear.gather [hbm4b:s12+s3], $0x1900, $0x38;
	[tilespmem:$0x148C0] =	vst v63  }
0x19: {  	s14 =	rddreg [dreg:$0x3];
	s15 =	simm.s32 $0x9600  }
0x1a: {  	[tilespmem:s15], [sflag:$0x6] =	stream.linear.gather [hbm4b:s14+s3], $0xC0, $0x38;
	[tilespmem:$0x148C0] =	vst v63  }
0x1b: {  	_ =	swait.ge [sflag:s22], $0xC0  }
0x1c: {  	[sflag:s22] =	ssyncset.done $0x0  }
0x1d: {  	[sflag:s22] =	ssyncadd.s32 $0xFFFFFF40  }
0x1e: {  	[tilespmem:s3], [sflag:$0x6] =	stream.linear.gather [hbm4b:s7+s3], $0x3200, $0x38;
	[tilespmem:$0x148C0] =	vst v63  }
0x1f: {  	_ =	swait.ge [sflag:s22], $0x3200  }
0x20: {  	[sflag:s22] =	ssyncset.done $0x0  }
0x21: {  	s16 =	simm.s32 $0x3200;
	[sflag:s22] =	ssyncadd.s32 $0xFFFFCE00  }
0x22: {  	[tilespmem:s16], [sflag:$0x6] =	stream.linear.gather [hbm4b:s7+s3], $0x3200, $0x38;
	[tilespmem:$0x148C0] =	vst v63  }
0x23: {  	_ =	swait.ge [sflag:s22], $0x3200  }
0x24: {  	[sflag:s22] =	ssyncset.done $0x0  }
0x25: {  	s19 =	simm.s32 $0x6400;
	[sflag:s22] =	ssyncadd.s32 $0xFFFFCE00  }
0x26: {  	[tilespmem:s19], [sflag:$0x6] =	stream.linear.gather [hbm4b:s7+s3], $0x3200, $0x38;
	[tilespmem:$0x148C0] =	vst v63  }
0x27: {  	_ =	swait.ge [sflag:s22], $0x3200  }
0x28: {  	[sflag:s22] =	ssyncset.done $0x0  }
0x29: {  	[sflag:s22] =	ssyncadd.s32 $0xFFFFCE00  }
0x2a: {  	v23 =	vld [tilespmem:$0x9600]  }
0x2b: {  	v25 =	vld [tilespmem:$0x9610]  }
0x2c: {  	v27 =	vld [tilespmem:$0x9620]  }
0x2d: {  	v28 =	vld [tilespmem:$0x9630]  }
0x2e: {  	v30 =	vld [tilespmem:$0x9640]  }
0x2f: {  	v31 =	vld [tilespmem:$0x9650]  }
0x30: {  	v29 =	vld [tilespmem:$0x9660]  }
0x31: {  	v26 =	vld [tilespmem:$0x9670]  }
0x32: {  	v24 =	vld [tilespmem:$0x9680]  }
0x33: {  	v22 =	vld [tilespmem:$0x9690]  }
0x34: {  	v21 =	vld [tilespmem:$0x96A0]  }
0x35: {  	s0 =	simm.s32 $0x0;
	v20 =	vld [tilespmem:$0x96B0]  }
0x36: {  	v32 =	vld [tilespmem:s0+$0x0]  }
0x37: {  	v33 =	vld [tilespmem:s0+$0x10]  }
0x38: {  	v34 =	vld [tilespmem:s0+$0x20]  }
0x39: {  	v35 =	vld [tilespmem:s0+$0x30]  }
0x3a: {  	v36 =	vld [tilespmem:s0+$0x3200]  }
0x3b: {  	v39 =	vld [tilespmem:s0+$0x3210];
	v37 =	vadd.f32 v32, v23  }
0x3c: {  	v32 =	vld [tilespmem:s0+$0x3220];
	v38 =	vadd.f32 v33, v25  }
0x3d: {  	v33 =	vld [tilespmem:s0+$0x3230];
	v62 =	vadd.f32 v34, v27;
	[tilespmem:s0+$0x0] =	vst v37  }
0x3e: {  	v34 =	vld [tilespmem:s0+$0x6400];
	v63 =	vadd.f32 v35, v28;
	[tilespmem:s0+$0x10] =	vst v38  }
0x3f: {  	v35 =	vld [tilespmem:s0+$0x6410];
	[tilespmem:s0+$0x20] =	vst v62;
	v38 =	vadd.f32 v36, v30  }
0x40: {  	s6 =	simm.s32 $0x100;
	[tilespmem:s0+$0x30] =	vst v63;
	v37 =	vadd.f32 v39, v31;
	v36 =	vld [tilespmem:s0+$0x6420]  }
.LBB2_2:
0x41: {  	s8 =	sshra.s32 s6, $0x2;
	p0 =	sne.s32 s6, $0xC700;
	[tilespmem:s0+$0x3200] =	vst v38;
	v32 =	vadd.f32 v32, v29;
	v38 =	vld [tilespmem:s0+$0x6430]  }
0x42: {  	v39 =	vld [tilespmem:s8+$0x0];
	[tilespmem:s0+$0x3210] =	vst v37;
	v33 =	vadd.f32 v33, v26  }
0x43: {  	v37 =	vld [tilespmem:s8+$0x10];
	[tilespmem:s0+$0x3220] =	vst v32;
	v32 =	vadd.f32 v34, v24  }
0x44: {  	v34 =	vld [tilespmem:s8+$0x20];
	[tilespmem:s0+$0x3230] =	vst v33;
	v33 =	vadd.f32 v35, v22  }
0x45: {  	v35 =	vld [tilespmem:s8+$0x30];
	[tilespmem:s0+$0x6400] =	vst v32;
	v32 =	vadd.f32 v36, v21  }
0x46: {  	v36 =	vld [tilespmem:s8+$0x3200];
	[tilespmem:s0+$0x6410] =	vst v33;
	v33 =	vadd.f32 v38, v20  }
0x47: {  	v38 =	vadd.f32 v39, v23;
	v39 =	vld [tilespmem:s8+$0x3210];
	[tilespmem:s0+$0x6420] =	vst v32  }
.Ltmp0:
0x48: {  	v37 =	vadd.f32 v37, v25;
	v32 =	vld [tilespmem:s8+$0x3220];
	[tilespmem:s0+$0x6430] =	vst v33;
	s0 =	smov.u32 s8;
	(pc) =	sbr.rel @p0 .LBB2_2-.Ltmp0, $4  }
0x49: {  	[tilespmem:s0+$0x0] =	vst v38;
	v38 =	vadd.f32 v34, v27;
	v33 =	vld [tilespmem:s0+$0x3230]  }
0x4a: {  	[tilespmem:s0+$0x10] =	vst v37;
	v37 =	vadd.f32 v35, v28;
	v34 =	vld [tilespmem:s0+$0x6400]  }
0x4b: {  	[tilespmem:s0+$0x20] =	vst v38;
	v38 =	vadd.f32 v36, v30;
	v35 =	vld [tilespmem:s0+$0x6410]  }
0x4c: {  	s6 =	sadd.s32 $0x100, s6;
	[tilespmem:s0+$0x30] =	vst v37;
	v37 =	vadd.f32 v39, v31;
	v36 =	vld [tilespmem:s0+$0x6420]  }
0x4d: {  	[tilespmem:s0+$0x3200] =	vst v38;
	v23 =	vadd.f32 v32, v29;
	v25 =	vld [tilespmem:s0+$0x6430]  }
0x4e: {  	[tilespmem:s0+$0x3210] =	vst v37;
	v26 =	vadd.f32 v33, v26  }
0x4f: {  	[tilespmem:s0+$0x3220] =	vst v23;
	v63 =	vadd.f32 v34, v24  }
0x50: {  	[tilespmem:s0+$0x3230] =	vst v26;
	v22 =	vadd.f32 v35, v22  }
0x51: {  	[tilespmem:s0+$0x6400] =	vst v63;
	v21 =	vadd.f32 v36, v21  }
0x52: {  	[tilespmem:s0+$0x6410] =	vst v22;
	v20 =	vadd.f32 v25, v20  }
0x53: {  	[tilespmem:s0+$0x6420] =	vst v21  }
0x54: {  	[tilespmem:s0+$0x6430] =	vst v20  }
0x55: {  	_ =	swait.ge [sflag:s25], $0x1900  }
0x56: {  	[sflag:s25] =	ssyncset.done $0x0  }
0x57: {  	[sflag:s25] =	ssyncadd.s32 $0xFFFFE700  }
0x58: {  	_ =	swait.ge [sflag:s25], $0x1900  }
0x59: {  	[sflag:s25] =	ssyncset.done $0x0  }
0x5a: {  	[sflag:s25] =	ssyncadd.s32 $0xFFFFE700  }
0x5b: {  	[tilespmem:s28], [sflag:$0x2] =	stream.indirect.gather [hbm4b:s5+s26], $0x40, s9, s26, $0xb8;
	[tilespmem:$0x148C0] =	vst v63  }
0x5c: {  	s15 =	simm.s32 $0x9740  }
0x5d: {  	[tilespmem:s30], [sflag:$0x2] =	stream.indirect.gather [hbm4b:s5+s26], $0x40, s15, s26, $0xb8;
	[tilespmem:$0x148C0] =	vst v63  }
0x5e: {  	s16 =	simm.s32 $0x97C0  }
0x5f: {  	[tilespmem:s1], [sflag:$0x3] =	stream.indirect.gather [hbm4b:s5+s26], $0x40, s16, s26, $0xb8;
	[tilespmem:$0x148C0] =	vst v63  }
0x60: {  	s19 =	simm.s32 $0x9840  }
0x61: {  	[tilespmem:s20], [sflag:$0x3] =	stream.indirect.gather [hbm4b:s5+s26], $0x40, s19, s26, $0xb8;
	[tilespmem:$0x148C0] =	vst v63  }
0x62: {  	_ =	swait.ge [sflag:s21], $0x2000  }
0x63: {  	[sflag:s21] =	ssyncset.done $0x0  }
0x64: {  	[sflag:s21] =	ssyncadd.s32 $0xFFFFE000  }
0x65: {  	_ =	swait.ge [sflag:s21], $0x2000  }
0x66: {  	s6 =	simm.s32 $0xAFC0;
	[sflag:s21] =	ssyncset.done $0x0  }
0x67: {  	s0 =	simm.s32 $0x0;
	s9 =	smov.u32 s13;
	[sflag:s21] =	ssyncadd.s32 $0xFFFFE000  }
.LBB2_4:
0x68: {  	v20 =	vor.u32 s9, v0;
	v21 =	vld [tilespmem:s6+$0x0]  }
0x69: {  	v22 =	vmulhi.u32 $0x51EB851F, v20;
	_ =	sdelay $0x1  }
0x6a: {  	v22 =	vshrl.u32 v22, $0x6  }
0x6b: {  	v22 =	vmul.u32 $0xC8, v22  }
0x6c: {  	v21 =	vmul.u32 $0xC8, v21  }
0x6d: {  	v20 =	vsub.s32 v20, v22  }
0x6e: {  	v20 =	vadd.s32 v20, v21  }
0x6f: {  	v20 =	vshll.u32 v20, $0x6  }
0x70: {  	v42 =	vperm.xlane v20, v2;
	_ =	sdelay $0x1  }
0x71: {  	v43 =	vadd.s32 v0, v42;
	_ =	sdelay $0x4  }
0x72: {  	v22 =	vld.idx.msk [tilespmem:v43+s3+$0x0], $0xffff  }
0x73: {  	v23 =	vadd.s32 v3, v42;
	_ =	sdelay $0x2  }
0x74: {  	s10 =	sshra.s32 s0, $0x2  }
0x75: {  	[tilespmem:s10+$0xC8C0] =	vst.add.f32.msk $0xffff, v22  }
0x76: {  	v22 =	vld.idx.msk [tilespmem:v23+s3+$0x0], $0xffff  }
0x77: {  	v44 =	vadd.s32 v4, v42;
	_ =	sdelay $0x3  }
0x78: {  	[tilespmem:s10+$0xC8D0] =	vst.add.f32.msk $0xffff, v22  }
0x79: {  	v22 =	vld.idx.msk [tilespmem:v44+s3+$0x0], $0xffff  }
0x7a: {  	v21 =	vadd.s32 v5, v42;
	_ =	sdelay $0x3  }
0x7b: {  	v45 =	vperm.xlane v20, v6;
	[tilespmem:s10+$0xC8E0] =	vst.add.f32.msk $0xffff, v22  }
0x7c: {  	v21 =	vld.idx.msk [tilespmem:v21+s3+$0x0], $0xffff  }
0x7d: {  	v46 =	vadd.s32 v0, v45;
	_ =	sdelay $0x3  }
0x7e: {  	[tilespmem:s10+$0xC8F0] =	vst.add.f32.msk $0xffff, v21  }
0x7f: {  	v21 =	vld.idx.msk [tilespmem:v46+s3+$0x0], $0xffff  }
0x80: {  	v47 =	vadd.s32 v3, v45;
	_ =	sdelay $0x3  }
0x81: {  	[tilespmem:s10+$0xC900] =	vst.add.f32.msk $0xffff, v21  }
0x82: {  	v21 =	vld.idx.msk [tilespmem:v47+s3+$0x0], $0xffff  }
0x83: {  	v48 =	vadd.s32 v4, v45;
	_ =	sdelay $0x3  }
0x84: {  	[tilespmem:s10+$0xC910] =	vst.add.f32.msk $0xffff, v21  }
0x85: {  	v21 =	vld.idx.msk [tilespmem:v48+s3+$0x0], $0xffff  }
0x86: {  	v22 =	vadd.s32 v5, v45;
	_ =	sdelay $0x3  }
0x87: {  	v49 =	vperm.xlane v20, v7;
	[tilespmem:s10+$0xC920] =	vst.add.f32.msk $0xffff, v21  }
0x88: {  	v22 =	vld.idx.msk [tilespmem:v22+s3+$0x0], $0xffff  }
0x89: {  	v50 =	vadd.s32 v0, v49;
	_ =	sdelay $0x3  }
0x8a: {  	[tilespmem:s10+$0xC930] =	vst.add.f32.msk $0xffff, v22  }
0x8b: {  	v22 =	vld.idx.msk [tilespmem:v50+s3+$0x0], $0xffff  }
0x8c: {  	v51 =	vadd.s32 v3, v49;
	_ =	sdelay $0x3  }
0x8d: {  	[tilespmem:s10+$0xC940] =	vst.add.f32.msk $0xffff, v22  }
0x8e: {  	v22 =	vld.idx.msk [tilespmem:v51+s3+$0x0], $0xffff  }
0x8f: {  	v52 =	vadd.s32 v4, v49;
	_ =	sdelay $0x3  }
0x90: {  	[tilespmem:s10+$0xC950] =	vst.add.f32.msk $0xffff, v22  }
0x91: {  	v22 =	vld.idx.msk [tilespmem:v52+s3+$0x0], $0xffff  }
0x92: {  	v21 =	vadd.s32 v5, v49;
	_ =	sdelay $0x3  }
0x93: {  	v53 =	vperm.xlane v20, v8;
	[tilespmem:s10+$0xC960] =	vst.add.f32.msk $0xffff, v22  }
0x94: {  	v21 =	vld.idx.msk [tilespmem:v21+s3+$0x0], $0xffff  }
0x95: {  	v54 =	vadd.s32 v0, v53;
	_ =	sdelay $0x3  }
0x96: {  	[tilespmem:s10+$0xC970] =	vst.add.f32.msk $0xffff, v21  }
0x97: {  	v21 =	vld.idx.msk [tilespmem:v54+s3+$0x0], $0xffff  }
0x98: {  	v55 =	vadd.s32 v3, v53;
	_ =	sdelay $0x3  }
0x99: {  	[tilespmem:s10+$0xC980] =	vst.add.f32.msk $0xffff, v21  }
0x9a: {  	v21 =	vld.idx.msk [tilespmem:v55+s3+$0x0], $0xffff  }
0x9b: {  	v56 =	vadd.s32 v4, v53;
	_ =	sdelay $0x3  }
0x9c: {  	[tilespmem:s10+$0xC990] =	vst.add.f32.msk $0xffff, v21  }
0x9d: {  	v21 =	vld.idx.msk [tilespmem:v56+s3+$0x0], $0xffff  }
0x9e: {  	v22 =	vadd.s32 v5, v53;
	_ =	sdelay $0x3  }
0x9f: {  	v57 =	vperm.xlane v20, v9;
	[tilespmem:s10+$0xC9A0] =	vst.add.f32.msk $0xffff, v21  }
0xa0: {  	v22 =	vld.idx.msk [tilespmem:v22+s3+$0x0], $0xffff  }
0xa1: {  	v58 =	vadd.s32 v0, v57;
	_ =	sdelay $0x3  }
0xa2: {  	[tilespmem:s10+$0xC9B0] =	vst.add.f32.msk $0xffff, v22  }
0xa3: {  	v22 =	vld.idx.msk [tilespmem:v58+s3+$0x0], $0xffff  }
0xa4: {  	v59 =	vadd.s32 v3, v57;
	_ =	sdelay $0x3  }
0xa5: {  	[tilespmem:s10+$0xC9C0] =	vst.add.f32.msk $0xffff, v22  }
0xa6: {  	v22 =	vld.idx.msk [tilespmem:v59+s3+$0x0], $0xffff  }
0xa7: {  	v60 =	vadd.s32 v4, v57;
	_ =	sdelay $0x3  }
0xa8: {  	[tilespmem:s10+$0xC9D0] =	vst.add.f32.msk $0xffff, v22  }
0xa9: {  	v22 =	vld.idx.msk [tilespmem:v60+s3+$0x0], $0xffff  }
0xaa: {  	v21 =	vadd.s32 v5, v57;
	_ =	sdelay $0x3  }
0xab: {  	v61 =	vperm.xlane v20, v10;
	[tilespmem:s10+$0xC9E0] =	vst.add.f32.msk $0xffff, v22  }
0xac: {  	v21 =	vld.idx.msk [tilespmem:v21+s3+$0x0], $0xffff  }
0xad: {  	v62 =	vadd.s32 v0, v61;
	_ =	sdelay $0x3  }
0xae: {  	[tilespmem:s10+$0xC9F0] =	vst.add.f32.msk $0xffff, v21  }
0xaf: {  	v21 =	vld.idx.msk [tilespmem:v62+s3+$0x0], $0xffff  }
0xb0: {  	v63 =	vadd.s32 v3, v61;
	_ =	sdelay $0x3  }
0xb1: {  	[tilespmem:s10+$0xCA00] =	vst.add.f32.msk $0xffff, v21  }
0xb2: {  	v21 =	vld.idx.msk [tilespmem:v63+s3+$0x0], $0xffff  }
0xb3: {  	v24 =	vadd.s32 v4, v61;
	_ =	sdelay $0x3  }
0xb4: {  	[tilespmem:s10+$0xCA10] =	vst.add.f32.msk $0xffff, v21  }
0xb5: {  	v21 =	vld.idx.msk [tilespmem:v24+s3+$0x0], $0xffff  }
0xb6: {  	v22 =	vadd.s32 v5, v61;
	_ =	sdelay $0x3  }
0xb7: {  	v25 =	vperm.xlane v20, v1;
	[tilespmem:s10+$0xCA20] =	vst.add.f32.msk $0xffff, v21  }
0xb8: {  	v22 =	vld.idx.msk [tilespmem:v22+s3+$0x0], $0xffff  }
0xb9: {  	v26 =	vadd.s32 v0, v25;
	_ =	sdelay $0x3  }
0xba: {  	[tilespmem:s10+$0xCA30] =	vst.add.f32.msk $0xffff, v22  }
0xbb: {  	v22 =	vld.idx.msk [tilespmem:v26+s3+$0x0], $0xffff  }
0xbc: {  	v27 =	vadd.s32 v3, v25;
	_ =	sdelay $0x3  }
0xbd: {  	[tilespmem:s10+$0xCA40] =	vst.add.f32.msk $0xffff, v22  }
0xbe: {  	v22 =	vld.idx.msk [tilespmem:v27+s3+$0x0], $0xffff  }
0xbf: {  	v28 =	vadd.s32 v4, v25;
	_ =	sdelay $0x3  }
0xc0: {  	[tilespmem:s10+$0xCA50] =	vst.add.f32.msk $0xffff, v22  }
0xc1: {  	v22 =	vld.idx.msk [tilespmem:v28+s3+$0x0], $0xffff  }
0xc2: {  	v21 =	vadd.s32 v5, v25;
	_ =	sdelay $0x3  }
0xc3: {  	v29 =	vperm.xlane v20, v11;
	[tilespmem:s10+$0xCA60] =	vst.add.f32.msk $0xffff, v22  }
0xc4: {  	v21 =	vld.idx.msk [tilespmem:v21+s3+$0x0], $0xffff  }
0xc5: {  	v30 =	vadd.s32 v0, v29;
	_ =	sdelay $0x3  }
0xc6: {  	[tilespmem:s10+$0xCA70] =	vst.add.f32.msk $0xffff, v21  }
0xc7: {  	v21 =	vld.idx.msk [tilespmem:v30+s3+$0x0], $0xffff  }
0xc8: {  	v31 =	vadd.s32 v3, v29;
	_ =	sdelay $0x3  }
0xc9: {  	[tilespmem:s10+$0xCA80] =	vst.add.f32.msk $0xffff, v21  }
0xca: {  	v21 =	vld.idx.msk [tilespmem:v31+s3+$0x0], $0xffff  }
0xcb: {  	v32 =	vadd.s32 v4, v29;
	_ =	sdelay $0x3  }
0xcc: {  	[tilespmem:s10+$0xCA90] =	vst.add.f32.msk $0xffff, v21  }
0xcd: {  	v21 =	vld.idx.msk [tilespmem:v32+s3+$0x0], $0xffff  }
0xce: {  	v22 =	vadd.s32 v5, v29;
	_ =	sdelay $0x3  }
0xcf: {  	v33 =	vperm.xlane v20, v12;
	[tilespmem:s10+$0xCAA0] =	vst.add.f32.msk $0xffff, v21  }
0xd0: {  	v22 =	vld.idx.msk [tilespmem:v22+s3+$0x0], $0xffff  }
0xd1: {  	v34 =	vadd.s32 v0, v33;
	_ =	sdelay $0x3  }
0xd2: {  	[tilespmem:s10+$0xCAB0] =	vst.add.f32.msk $0xffff, v22  }
0xd3: {  	v22 =	vld.idx.msk [tilespmem:v34+s3+$0x0], $0xffff  }
0xd4: {  	v35 =	vadd.s32 v3, v33;
	_ =	sdelay $0x3  }
0xd5: {  	[tilespmem:s10+$0xCAC0] =	vst.add.f32.msk $0xffff, v22  }
0xd6: {  	v22 =	vld.idx.msk [tilespmem:v35+s3+$0x0], $0xffff  }
0xd7: {  	v36 =	vadd.s32 v4, v33;
	_ =	sdelay $0x3  }
0xd8: {  	[tilespmem:s10+$0xCAD0] =	vst.add.f32.msk $0xffff, v22  }
0xd9: {  	v22 =	vld.idx.msk [tilespmem:v36+s3+$0x0], $0xffff  }
0xda: {  	v21 =	vadd.s32 v5, v33;
	_ =	sdelay $0x3  }
0xdb: {  	v37 =	vperm.xlane v20, v13;
	[tilespmem:s10+$0xCAE0] =	vst.add.f32.msk $0xffff, v22  }
0xdc: {  	v21 =	vld.idx.msk [tilespmem:v21+s3+$0x0], $0xffff  }
0xdd: {  	v38 =	vadd.s32 v0, v37;
	_ =	sdelay $0x3  }
0xde: {  	[tilespmem:s10+$0xCAF0] =	vst.add.f32.msk $0xffff, v21  }
0xdf: {  	v21 =	vld.idx.msk [tilespmem:v38+s3+$0x0], $0xffff  }
0xe0: {  	v39 =	vadd.s32 v3, v37;
	_ =	sdelay $0x3  }
0xe1: {  	[tilespmem:s10+$0xCB00] =	vst.add.f32.msk $0xffff, v21  }
0xe2: {  	v21 =	vld.idx.msk [tilespmem:v39+s3+$0x0], $0xffff  }
0xe3: {  	v40 =	vadd.s32 v4, v37;
	_ =	sdelay $0x3  }
0xe4: {  	[tilespmem:s10+$0xCB10] =	vst.add.f32.msk $0xffff, v21  }
0xe5: {  	v21 =	vld.idx.msk [tilespmem:v40+s3+$0x0], $0xffff  }
0xe6: {  	v22 =	vadd.s32 v5, v37;
	_ =	sdelay $0x3  }
0xe7: {  	v41 =	vperm.xlane v20, v14;
	[tilespmem:s10+$0xCB20] =	vst.add.f32.msk $0xffff, v21  }
0xe8: {  	v22 =	vld.idx.msk [tilespmem:v22+s3+$0x0], $0xffff  }
0xe9: {  	v42 =	vadd.s32 v0, v41;
	_ =	sdelay $0x3  }
0xea: {  	[tilespmem:s10+$0xCB30] =	vst.add.f32.msk $0xffff, v22  }
0xeb: {  	v22 =	vld.idx.msk [tilespmem:v42+s3+$0x0], $0xffff  }
0xec: {  	v43 =	vadd.s32 v3, v41;
	_ =	sdelay $0x3  }
0xed: {  	[tilespmem:s10+$0xCB40] =	vst.add.f32.msk $0xffff, v22  }
0xee: {  	v22 =	vld.idx.msk [tilespmem:v43+s3+$0x0], $0xffff  }
0xef: {  	v44 =	vadd.s32 v4, v41;
	_ =	sdelay $0x3  }
0xf0: {  	[tilespmem:s10+$0xCB50] =	vst.add.f32.msk $0xffff, v22  }
0xf1: {  	v22 =	vld.idx.msk [tilespmem:v44+s3+$0x0], $0xffff  }
0xf2: {  	v21 =	vadd.s32 v5, v41;
	_ =	sdelay $0x3  }
0xf3: {  	v45 =	vperm.xlane v20, v15;
	[tilespmem:s10+$0xCB60] =	vst.add.f32.msk $0xffff, v22  }
0xf4: {  	v21 =	vld.idx.msk [tilespmem:v21+s3+$0x0], $0xffff  }
0xf5: {  	v46 =	vadd.s32 v0, v45;
	_ =	sdelay $0x3  }
0xf6: {  	[tilespmem:s10+$0xCB70] =	vst.add.f32.msk $0xffff, v21  }
0xf7: {  	v21 =	vld.idx.msk [tilespmem:v46+s3+$0x0], $0xffff  }
0xf8: {  	v47 =	vadd.s32 v3, v45;
	_ =	sdelay $0x3  }
0xf9: {  	[tilespmem:s10+$0xCB80] =	vst.add.f32.msk $0xffff, v21  }
0xfa: {  	v21 =	vld.idx.msk [tilespmem:v47+s3+$0x0], $0xffff  }
0xfb: {  	v48 =	vadd.s32 v4, v45;
	_ =	sdelay $0x3  }
0xfc: {  	[tilespmem:s10+$0xCB90] =	vst.add.f32.msk $0xffff, v21  }
0xfd: {  	v21 =	vld.idx.msk [tilespmem:v48+s3+$0x0], $0xffff  }
0xfe: {  	v22 =	vadd.s32 v5, v45;
	_ =	sdelay $0x3  }
0xff: {  	v49 =	vperm.xlane v20, v16;
	[tilespmem:s10+$0xCBA0] =	vst.add.f32.msk $0xffff, v21  }
0x100: {  	v22 =	vld.idx.msk [tilespmem:v22+s3+$0x0], $0xffff  }
0x101: {  	v50 =	vadd.s32 v0, v49;
	_ =	sdelay $0x3  }
0x102: {  	[tilespmem:s10+$0xCBB0] =	vst.add.f32.msk $0xffff, v22  }
0x103: {  	v22 =	vld.idx.msk [tilespmem:v50+s3+$0x0], $0xffff  }
0x104: {  	v51 =	vadd.s32 v3, v49;
	_ =	sdelay $0x3  }
0x105: {  	[tilespmem:s10+$0xCBC0] =	vst.add.f32.msk $0xffff, v22  }
0x106: {  	v22 =	vld.idx.msk [tilespmem:v51+s3+$0x0], $0xffff  }
0x107: {  	v52 =	vadd.s32 v4, v49;
	_ =	sdelay $0x3  }
0x108: {  	[tilespmem:s10+$0xCBD0] =	vst.add.f32.msk $0xffff, v22  }
0x109: {  	v22 =	vld.idx.msk [tilespmem:v52+s3+$0x0], $0xffff  }
0x10a: {  	v21 =	vadd.s32 v5, v49;
	_ =	sdelay $0x3  }
0x10b: {  	v53 =	vperm.xlane v20, v17;
	[tilespmem:s10+$0xCBE0] =	vst.add.f32.msk $0xffff, v22  }
0x10c: {  	v21 =	vld.idx.msk [tilespmem:v21+s3+$0x0], $0xffff  }
0x10d: {  	v54 =	vadd.s32 v0, v53;
	_ =	sdelay $0x3  }
0x10e: {  	[tilespmem:s10+$0xCBF0] =	vst.add.f32.msk $0xffff, v21  }
0x10f: {  	v21 =	vld.idx.msk [tilespmem:v54+s3+$0x0], $0xffff  }
0x110: {  	v55 =	vadd.s32 v3, v53;
	_ =	sdelay $0x3  }
0x111: {  	[tilespmem:s10+$0xCC00] =	vst.add.f32.msk $0xffff, v21  }
0x112: {  	v21 =	vld.idx.msk [tilespmem:v55+s3+$0x0], $0xffff  }
0x113: {  	v56 =	vadd.s32 v4, v53;
	_ =	sdelay $0x3  }
0x114: {  	[tilespmem:s10+$0xCC10] =	vst.add.f32.msk $0xffff, v21  }
0x115: {  	v21 =	vld.idx.msk [tilespmem:v56+s3+$0x0], $0xffff  }
0x116: {  	v22 =	vadd.s32 v5, v53;
	_ =	sdelay $0x3  }
0x117: {  	v57 =	vperm.xlane v20, v18;
	[tilespmem:s10+$0xCC20] =	vst.add.f32.msk $0xffff, v21  }
0x118: {  	v22 =	vld.idx.msk [tilespmem:v22+s3+$0x0], $0xffff  }
0x119: {  	v58 =	vadd.s32 v0, v57;
	_ =	sdelay $0x3  }
0x11a: {  	[tilespmem:s10+$0xCC30] =	vst.add.f32.msk $0xffff, v22  }
0x11b: {  	v22 =	vld.idx.msk [tilespmem:v58+s3+$0x0], $0xffff  }
0x11c: {  	v59 =	vadd.s32 v3, v57;
	_ =	sdelay $0x3  }
0x11d: {  	[tilespmem:s10+$0xCC40] =	vst.add.f32.msk $0xffff, v22  }
0x11e: {  	v22 =	vld.idx.msk [tilespmem:v59+s3+$0x0], $0xffff  }
0x11f: {  	v60 =	vadd.s32 v4, v57;
	_ =	sdelay $0x3  }
0x120: {  	[tilespmem:s10+$0xCC50] =	vst.add.f32.msk $0xffff, v22  }
0x121: {  	v22 =	vld.idx.msk [tilespmem:v60+s3+$0x0], $0xffff  }
0x122: {  	v21 =	vadd.s32 v5, v57;
	_ =	sdelay $0x3  }
0x123: {  	v20 =	vperm.xlane v20, v19;
	[tilespmem:s10+$0xCC60] =	vst.add.f32.msk $0xffff, v22  }
0x124: {  	v21 =	vld.idx.msk [tilespmem:v21+s3+$0x0], $0xffff  }
0x125: {  	v61 =	vadd.s32 v0, v20;
	_ =	sdelay $0x3  }
0x126: {  	[tilespmem:s10+$0xCC70] =	vst.add.f32.msk $0xffff, v21  }
0x127: {  	v21 =	vld.idx.msk [tilespmem:v61+s3+$0x0], $0xffff  }
0x128: {  	v62 =	vadd.s32 v3, v20;
	_ =	sdelay $0x3  }
0x129: {  	[tilespmem:s10+$0xCC80] =	vst.add.f32.msk $0xffff, v21  }
0x12a: {  	v21 =	vld.idx.msk [tilespmem:v62+s3+$0x0], $0xffff  }
0x12b: {  	v63 =	vadd.s32 v4, v20;
	_ =	sdelay $0x3  }
0x12c: {  	[tilespmem:s10+$0xCC90] =	vst.add.f32.msk $0xffff, v21  }
0x12d: {  	v21 =	vld.idx.msk [tilespmem:v63+s3+$0x0], $0xffff  }
0x12e: {  	v20 =	vadd.s32 v5, v20;
	_ =	sdelay $0x3  }
0x12f: {  	[tilespmem:s10+$0xCCA0] =	vst.add.f32.msk $0xffff, v21  }
0x130: {  	p0 =	sne.s32 s0, $0xF000;
	v20 =	vld.idx.msk [tilespmem:v20+s3+$0x0], $0xffff  }
.Ltmp1:
0x131: {  	_ = 	snop;
	(pc) =	sbr.rel @p0 .LBB2_4-.Ltmp1, $2  }
0x132: {  	_ =	sdelay $0x2  }
0x133: {  	s9 =	sadd.s32 $0x10, s9;
	s6 =	sadd.s32 $0x10, s6;
	s0 =	sadd.s32 $0x1000, s0;
	[tilespmem:s10+$0xCCB0] =	vst.add.f32.msk $0xffff, v20  }
0x134: {  	s6 =	rddreg [dreg:$0x6]  }
0x135: {  	s0 =	simm.s32 $0x0;
	s16 =	rddreg [dreg:$0xb]  }
0x136: {  	[hbm4b:s6+s0] =	stream.linear.scatter [tilespmem:s28], [sflag:$0x4], $0x4000, $0x38;
	[tilespmem:$0x148C0] =	vst v63  }
0x137: {  	s12 =	simm.s32 $0xB0C0;
	s9 =	rddreg [dreg:$0xa];
	s6 =	simm.s32 $0xB1C0  }
.LBB2_6:
0x138: {  	_ =	swait.ge [sflag:s23], $0x4000  }
0x139: {  	s10 =	sshll.u32 s0, $0x9;
	[sflag:s23] =	ssyncset.done $0x0  }
0x13a: {  	s8 =	sadd.s32 $0x98C0, s10;
	[sflag:s23] =	ssyncadd.s32 $0xFFFFC000  }
0x13b: {  	[tilespmem:s28], [sflag:$0x2] =	stream.indirect.gather [hbm4b:s5+s26], $0x40, s8, s26, $0xb8;
	[tilespmem:$0x148C0] =	vst v63  }
0x13c: {  	s15 =	sadd.s32 $0x9940, s10  }
0x13d: {  	[tilespmem:s30], [sflag:$0x2] =	stream.indirect.gather [hbm4b:s5+s26], $0x40, s15, s26, $0xb8;
	[tilespmem:$0x148C0] =	vst v63  }
0x13e: {  	_ =	swait.ge [sflag:s24], $0x2000  }
0x13f: {  	[sflag:s24] =	ssyncset.done $0x0  }
0x140: {  	[sflag:s24] =	ssyncadd.s32 $0xFFFFE000  }
0x141: {  	s19 =	sadd.s32 s10, s4;
	_ =	swait.ge [sflag:s24], $0x2000  }
0x142: {  	s14 =	simm.s32 $0x0;
	s11 =	sadd.s32 $0x100, s19;
	[sflag:s24] =	ssyncset.done $0x0  }
0x143: {  	s19 =	smov.u32 s12;
	s15 =	smov.u32 s9;
	[sflag:s24] =	ssyncadd.s32 $0xFFFFE000  }
.LBB2_7:
0x144: {  	v20 =	vor.u32 s15, v0;
	v21 =	vld [tilespmem:s19+$0x0]  }
0x145: {  	v22 =	vmulhi.u32 $0x51EB851F, v20;
	_ =	sdelay $0x1  }
0x146: {  	v22 =	vshrl.u32 v22, $0x6  }
0x147: {  	v22 =	vmul.u32 $0xC8, v22  }
0x148: {  	v21 =	vmul.u32 $0xC8, v21  }
0x149: {  	v20 =	vsub.s32 v20, v22  }
0x14a: {  	v20 =	vadd.s32 v20, v21  }
0x14b: {  	v20 =	vshll.u32 v20, $0x6  }
0x14c: {  	v42 =	vperm.xlane v20, v2;
	_ =	sdelay $0x1  }
0x14d: {  	v43 =	vadd.s32 v0, v42;
	_ =	sdelay $0x4  }
0x14e: {  	v22 =	vld.idx.msk [tilespmem:v43+s3+$0x0], $0xffff  }
0x14f: {  	v23 =	vadd.s32 v3, v42;
	_ =	sdelay $0x2  }
0x150: {  	s8 =	sshra.s32 s14, $0x2  }
0x151: {  	[tilespmem:s8+$0x108C0] =	vst.add.f32.msk $0xffff, v22  }
0x152: {  	v22 =	vld.idx.msk [tilespmem:v23+s3+$0x0], $0xffff  }
0x153: {  	v44 =	vadd.s32 v4, v42;
	_ =	sdelay $0x3  }
0x154: {  	[tilespmem:s8+$0x108D0] =	vst.add.f32.msk $0xffff, v22  }
0x155: {  	v22 =	vld.idx.msk [tilespmem:v44+s3+$0x0], $0xffff  }
0x156: {  	v21 =	vadd.s32 v5, v42;
	_ =	sdelay $0x3  }
0x157: {  	v45 =	vperm.xlane v20, v6;
	[tilespmem:s8+$0x108E0] =	vst.add.f32.msk $0xffff, v22  }
0x158: {  	v21 =	vld.idx.msk [tilespmem:v21+s3+$0x0], $0xffff  }
0x159: {  	v46 =	vadd.s32 v0, v45;
	_ =	sdelay $0x3  }
0x15a: {  	[tilespmem:s8+$0x108F0] =	vst.add.f32.msk $0xffff, v21  }
0x15b: {  	v21 =	vld.idx.msk [tilespmem:v46+s3+$0x0], $0xffff  }
0x15c: {  	v47 =	vadd.s32 v3, v45;
	_ =	sdelay $0x3  }
0x15d: {  	[tilespmem:s8+$0x10900] =	vst.add.f32.msk $0xffff, v21  }
0x15e: {  	v21 =	vld.idx.msk [tilespmem:v47+s3+$0x0], $0xffff  }
0x15f: {  	v48 =	vadd.s32 v4, v45;
	_ =	sdelay $0x3  }
0x160: {  	[tilespmem:s8+$0x10910] =	vst.add.f32.msk $0xffff, v21  }
0x161: {  	v21 =	vld.idx.msk [tilespmem:v48+s3+$0x0], $0xffff  }
0x162: {  	v22 =	vadd.s32 v5, v45;
	_ =	sdelay $0x3  }
0x163: {  	v49 =	vperm.xlane v20, v7;
	[tilespmem:s8+$0x10920] =	vst.add.f32.msk $0xffff, v21  }
0x164: {  	v22 =	vld.idx.msk [tilespmem:v22+s3+$0x0], $0xffff  }
0x165: {  	v50 =	vadd.s32 v0, v49;
	_ =	sdelay $0x3  }
0x166: {  	[tilespmem:s8+$0x10930] =	vst.add.f32.msk $0xffff, v22  }
0x167: {  	v22 =	vld.idx.msk [tilespmem:v50+s3+$0x0], $0xffff  }
0x168: {  	v51 =	vadd.s32 v3, v49;
	_ =	sdelay $0x3  }
0x169: {  	[tilespmem:s8+$0x10940] =	vst.add.f32.msk $0xffff, v22  }
0x16a: {  	v22 =	vld.idx.msk [tilespmem:v51+s3+$0x0], $0xffff  }
0x16b: {  	v52 =	vadd.s32 v4, v49;
	_ =	sdelay $0x3  }
0x16c: {  	[tilespmem:s8+$0x10950] =	vst.add.f32.msk $0xffff, v22  }
0x16d: {  	v22 =	vld.idx.msk [tilespmem:v52+s3+$0x0], $0xffff  }
0x16e: {  	v21 =	vadd.s32 v5, v49;
	_ =	sdelay $0x3  }
0x16f: {  	v53 =	vperm.xlane v20, v8;
	[tilespmem:s8+$0x10960] =	vst.add.f32.msk $0xffff, v22  }
0x170: {  	v21 =	vld.idx.msk [tilespmem:v21+s3+$0x0], $0xffff  }
0x171: {  	v54 =	vadd.s32 v0, v53;
	_ =	sdelay $0x3  }
0x172: {  	[tilespmem:s8+$0x10970] =	vst.add.f32.msk $0xffff, v21  }
0x173: {  	v21 =	vld.idx.msk [tilespmem:v54+s3+$0x0], $0xffff  }
0x174: {  	v55 =	vadd.s32 v3, v53;
	_ =	sdelay $0x3  }
0x175: {  	[tilespmem:s8+$0x10980] =	vst.add.f32.msk $0xffff, v21  }
0x176: {  	v21 =	vld.idx.msk [tilespmem:v55+s3+$0x0], $0xffff  }
0x177: {  	v56 =	vadd.s32 v4, v53;
	_ =	sdelay $0x3  }
0x178: {  	[tilespmem:s8+$0x10990] =	vst.add.f32.msk $0xffff, v21  }
0x179: {  	v21 =	vld.idx.msk [tilespmem:v56+s3+$0x0], $0xffff  }
0x17a: {  	v22 =	vadd.s32 v5, v53;
	_ =	sdelay $0x3  }
0x17b: {  	v57 =	vperm.xlane v20, v9;
	[tilespmem:s8+$0x109A0] =	vst.add.f32.msk $0xffff, v21  }
0x17c: {  	v22 =	vld.idx.msk [tilespmem:v22+s3+$0x0], $0xffff  }
0x17d: {  	v58 =	vadd.s32 v0, v57;
	_ =	sdelay $0x3  }
0x17e: {  	[tilespmem:s8+$0x109B0] =	vst.add.f32.msk $0xffff, v22  }
0x17f: {  	v22 =	vld.idx.msk [tilespmem:v58+s3+$0x0], $0xffff  }
0x180: {  	v59 =	vadd.s32 v3, v57;
	_ =	sdelay $0x3  }
0x181: {  	[tilespmem:s8+$0x109C0] =	vst.add.f32.msk $0xffff, v22  }
0x182: {  	v22 =	vld.idx.msk [tilespmem:v59+s3+$0x0], $0xffff  }
0x183: {  	v60 =	vadd.s32 v4, v57;
	_ =	sdelay $0x3  }
0x184: {  	[tilespmem:s8+$0x109D0] =	vst.add.f32.msk $0xffff, v22  }
0x185: {  	v22 =	vld.idx.msk [tilespmem:v60+s3+$0x0], $0xffff  }
0x186: {  	v21 =	vadd.s32 v5, v57;
	_ =	sdelay $0x3  }
0x187: {  	v61 =	vperm.xlane v20, v10;
	[tilespmem:s8+$0x109E0] =	vst.add.f32.msk $0xffff, v22  }
0x188: {  	v21 =	vld.idx.msk [tilespmem:v21+s3+$0x0], $0xffff  }
0x189: {  	v62 =	vadd.s32 v0, v61;
	_ =	sdelay $0x3  }
0x18a: {  	[tilespmem:s8+$0x109F0] =	vst.add.f32.msk $0xffff, v21  }
0x18b: {  	v21 =	vld.idx.msk [tilespmem:v62+s3+$0x0], $0xffff  }
0x18c: {  	v63 =	vadd.s32 v3, v61;
	_ =	sdelay $0x3  }
0x18d: {  	[tilespmem:s8+$0x10A00] =	vst.add.f32.msk $0xffff, v21  }
0x18e: {  	v21 =	vld.idx.msk [tilespmem:v63+s3+$0x0], $0xffff  }
0x18f: {  	v24 =	vadd.s32 v4, v61;
	_ =	sdelay $0x3  }
0x190: {  	[tilespmem:s8+$0x10A10] =	vst.add.f32.msk $0xffff, v21  }
0x191: {  	v21 =	vld.idx.msk [tilespmem:v24+s3+$0x0], $0xffff  }
0x192: {  	v22 =	vadd.s32 v5, v61;
	_ =	sdelay $0x3  }
0x193: {  	v25 =	vperm.xlane v20, v1;
	[tilespmem:s8+$0x10A20] =	vst.add.f32.msk $0xffff, v21  }
0x194: {  	v22 =	vld.idx.msk [tilespmem:v22+s3+$0x0], $0xffff  }
0x195: {  	v26 =	vadd.s32 v0, v25;
	_ =	sdelay $0x3  }
0x196: {  	[tilespmem:s8+$0x10A30] =	vst.add.f32.msk $0xffff, v22  }
0x197: {  	v22 =	vld.idx.msk [tilespmem:v26+s3+$0x0], $0xffff  }
0x198: {  	v27 =	vadd.s32 v3, v25;
	_ =	sdelay $0x3  }
0x199: {  	[tilespmem:s8+$0x10A40] =	vst.add.f32.msk $0xffff, v22  }
0x19a: {  	v22 =	vld.idx.msk [tilespmem:v27+s3+$0x0], $0xffff  }
0x19b: {  	v28 =	vadd.s32 v4, v25;
	_ =	sdelay $0x3  }
0x19c: {  	[tilespmem:s8+$0x10A50] =	vst.add.f32.msk $0xffff, v22  }
0x19d: {  	v22 =	vld.idx.msk [tilespmem:v28+s3+$0x0], $0xffff  }
0x19e: {  	v21 =	vadd.s32 v5, v25;
	_ =	sdelay $0x3  }
0x19f: {  	v29 =	vperm.xlane v20, v11;
	[tilespmem:s8+$0x10A60] =	vst.add.f32.msk $0xffff, v22  }
0x1a0: {  	v21 =	vld.idx.msk [tilespmem:v21+s3+$0x0], $0xffff  }
0x1a1: {  	v30 =	vadd.s32 v0, v29;
	_ =	sdelay $0x3  }
0x1a2: {  	[tilespmem:s8+$0x10A70] =	vst.add.f32.msk $0xffff, v21  }
0x1a3: {  	v21 =	vld.idx.msk [tilespmem:v30+s3+$0x0], $0xffff  }
0x1a4: {  	v31 =	vadd.s32 v3, v29;
	_ =	sdelay $0x3  }
0x1a5: {  	[tilespmem:s8+$0x10A80] =	vst.add.f32.msk $0xffff, v21  }
0x1a6: {  	v21 =	vld.idx.msk [tilespmem:v31+s3+$0x0], $0xffff  }
0x1a7: {  	v32 =	vadd.s32 v4, v29;
	_ =	sdelay $0x3  }
0x1a8: {  	[tilespmem:s8+$0x10A90] =	vst.add.f32.msk $0xffff, v21  }
0x1a9: {  	v21 =	vld.idx.msk [tilespmem:v32+s3+$0x0], $0xffff  }
0x1aa: {  	v22 =	vadd.s32 v5, v29;
	_ =	sdelay $0x3  }
0x1ab: {  	v33 =	vperm.xlane v20, v12;
	[tilespmem:s8+$0x10AA0] =	vst.add.f32.msk $0xffff, v21  }
0x1ac: {  	v22 =	vld.idx.msk [tilespmem:v22+s3+$0x0], $0xffff  }
0x1ad: {  	v34 =	vadd.s32 v0, v33;
	_ =	sdelay $0x3  }
0x1ae: {  	[tilespmem:s8+$0x10AB0] =	vst.add.f32.msk $0xffff, v22  }
0x1af: {  	v22 =	vld.idx.msk [tilespmem:v34+s3+$0x0], $0xffff  }
0x1b0: {  	v35 =	vadd.s32 v3, v33;
	_ =	sdelay $0x3  }
0x1b1: {  	[tilespmem:s8+$0x10AC0] =	vst.add.f32.msk $0xffff, v22  }
0x1b2: {  	v22 =	vld.idx.msk [tilespmem:v35+s3+$0x0], $0xffff  }
0x1b3: {  	v36 =	vadd.s32 v4, v33;
	_ =	sdelay $0x3  }
0x1b4: {  	[tilespmem:s8+$0x10AD0] =	vst.add.f32.msk $0xffff, v22  }
0x1b5: {  	v22 =	vld.idx.msk [tilespmem:v36+s3+$0x0], $0xffff  }
0x1b6: {  	v21 =	vadd.s32 v5, v33;
	_ =	sdelay $0x3  }
0x1b7: {  	v37 =	vperm.xlane v20, v13;
	[tilespmem:s8+$0x10AE0] =	vst.add.f32.msk $0xffff, v22  }
0x1b8: {  	v21 =	vld.idx.msk [tilespmem:v21+s3+$0x0], $0xffff  }
0x1b9: {  	v38 =	vadd.s32 v0, v37;
	_ =	sdelay $0x3  }
0x1ba: {  	[tilespmem:s8+$0x10AF0] =	vst.add.f32.msk $0xffff, v21  }
0x1bb: {  	v21 =	vld.idx.msk [tilespmem:v38+s3+$0x0], $0xffff  }
0x1bc: {  	v39 =	vadd.s32 v3, v37;
	_ =	sdelay $0x3  }
0x1bd: {  	[tilespmem:s8+$0x10B00] =	vst.add.f32.msk $0xffff, v21  }
0x1be: {  	v21 =	vld.idx.msk [tilespmem:v39+s3+$0x0], $0xffff  }
0x1bf: {  	v40 =	vadd.s32 v4, v37;
	_ =	sdelay $0x3  }
0x1c0: {  	[tilespmem:s8+$0x10B10] =	vst.add.f32.msk $0xffff, v21  }
0x1c1: {  	v21 =	vld.idx.msk [tilespmem:v40+s3+$0x0], $0xffff  }
0x1c2: {  	v22 =	vadd.s32 v5, v37;
	_ =	sdelay $0x3  }
0x1c3: {  	v41 =	vperm.xlane v20, v14;
	[tilespmem:s8+$0x10B20] =	vst.add.f32.msk $0xffff, v21  }
0x1c4: {  	v22 =	vld.idx.msk [tilespmem:v22+s3+$0x0], $0xffff  }
0x1c5: {  	v42 =	vadd.s32 v0, v41;
	_ =	sdelay $0x3  }
0x1c6: {  	[tilespmem:s8+$0x10B30] =	vst.add.f32.msk $0xffff, v22  }
0x1c7: {  	v22 =	vld.idx.msk [tilespmem:v42+s3+$0x0], $0xffff  }
0x1c8: {  	v43 =	vadd.s32 v3, v41;
	_ =	sdelay $0x3  }
0x1c9: {  	[tilespmem:s8+$0x10B40] =	vst.add.f32.msk $0xffff, v22  }
0x1ca: {  	v22 =	vld.idx.msk [tilespmem:v43+s3+$0x0], $0xffff  }
0x1cb: {  	v44 =	vadd.s32 v4, v41;
	_ =	sdelay $0x3  }
0x1cc: {  	[tilespmem:s8+$0x10B50] =	vst.add.f32.msk $0xffff, v22  }
0x1cd: {  	v22 =	vld.idx.msk [tilespmem:v44+s3+$0x0], $0xffff  }
0x1ce: {  	v21 =	vadd.s32 v5, v41;
	_ =	sdelay $0x3  }
0x1cf: {  	v45 =	vperm.xlane v20, v15;
	[tilespmem:s8+$0x10B60] =	vst.add.f32.msk $0xffff, v22  }
0x1d0: {  	v21 =	vld.idx.msk [tilespmem:v21+s3+$0x0], $0xffff  }
0x1d1: {  	v46 =	vadd.s32 v0, v45;
	_ =	sdelay $0x3  }
0x1d2: {  	[tilespmem:s8+$0x10B70] =	vst.add.f32.msk $0xffff, v21  }
0x1d3: {  	v21 =	vld.idx.msk [tilespmem:v46+s3+$0x0], $0xffff  }
0x1d4: {  	v47 =	vadd.s32 v3, v45;
	_ =	sdelay $0x3  }
0x1d5: {  	[tilespmem:s8+$0x10B80] =	vst.add.f32.msk $0xffff, v21  }
0x1d6: {  	v21 =	vld.idx.msk [tilespmem:v47+s3+$0x0], $0xffff  }
0x1d7: {  	v48 =	vadd.s32 v4, v45;
	_ =	sdelay $0x3  }
0x1d8: {  	[tilespmem:s8+$0x10B90] =	vst.add.f32.msk $0xffff, v21  }
0x1d9: {  	v21 =	vld.idx.msk [tilespmem:v48+s3+$0x0], $0xffff  }
0x1da: {  	v22 =	vadd.s32 v5, v45;
	_ =	sdelay $0x3  }
0x1db: {  	v49 =	vperm.xlane v20, v16;
	[tilespmem:s8+$0x10BA0] =	vst.add.f32.msk $0xffff, v21  }
0x1dc: {  	v22 =	vld.idx.msk [tilespmem:v22+s3+$0x0], $0xffff  }
0x1dd: {  	v50 =	vadd.s32 v0, v49;
	_ =	sdelay $0x3  }
0x1de: {  	[tilespmem:s8+$0x10BB0] =	vst.add.f32.msk $0xffff, v22  }
0x1df: {  	v22 =	vld.idx.msk [tilespmem:v50+s3+$0x0], $0xffff  }
0x1e0: {  	v51 =	vadd.s32 v3, v49;
	_ =	sdelay $0x3  }
0x1e1: {  	[tilespmem:s8+$0x10BC0] =	vst.add.f32.msk $0xffff, v22  }
0x1e2: {  	v22 =	vld.idx.msk [tilespmem:v51+s3+$0x0], $0xffff  }
0x1e3: {  	v52 =	vadd.s32 v4, v49;
	_ =	sdelay $0x3  }
0x1e4: {  	[tilespmem:s8+$0x10BD0] =	vst.add.f32.msk $0xffff, v22  }
0x1e5: {  	v22 =	vld.idx.msk [tilespmem:v52+s3+$0x0], $0xffff  }
0x1e6: {  	v21 =	vadd.s32 v5, v49;
	_ =	sdelay $0x3  }
0x1e7: {  	v53 =	vperm.xlane v20, v17;
	[tilespmem:s8+$0x10BE0] =	vst.add.f32.msk $0xffff, v22  }
0x1e8: {  	v21 =	vld.idx.msk [tilespmem:v21+s3+$0x0], $0xffff  }
0x1e9: {  	v54 =	vadd.s32 v0, v53;
	_ =	sdelay $0x3  }
0x1ea: {  	[tilespmem:s8+$0x10BF0] =	vst.add.f32.msk $0xffff, v21  }
0x1eb: {  	v21 =	vld.idx.msk [tilespmem:v54+s3+$0x0], $0xffff  }
0x1ec: {  	v55 =	vadd.s32 v3, v53;
	_ =	sdelay $0x3  }
0x1ed: {  	[tilespmem:s8+$0x10C00] =	vst.add.f32.msk $0xffff, v21  }
0x1ee: {  	v21 =	vld.idx.msk [tilespmem:v55+s3+$0x0], $0xffff  }
0x1ef: {  	v56 =	vadd.s32 v4, v53;
	_ =	sdelay $0x3  }
0x1f0: {  	[tilespmem:s8+$0x10C10] =	vst.add.f32.msk $0xffff, v21  }
0x1f1: {  	v21 =	vld.idx.msk [tilespmem:v56+s3+$0x0], $0xffff  }
0x1f2: {  	v22 =	vadd.s32 v5, v53;
	_ =	sdelay $0x3  }
0x1f3: {  	v57 =	vperm.xlane v20, v18;
	[tilespmem:s8+$0x10C20] =	vst.add.f32.msk $0xffff, v21  }
0x1f4: {  	v22 =	vld.idx.msk [tilespmem:v22+s3+$0x0], $0xffff  }
0x1f5: {  	v58 =	vadd.s32 v0, v57;
	_ =	sdelay $0x3  }
0x1f6: {  	[tilespmem:s8+$0x10C30] =	vst.add.f32.msk $0xffff, v22  }
0x1f7: {  	v22 =	vld.idx.msk [tilespmem:v58+s3+$0x0], $0xffff  }
0x1f8: {  	v59 =	vadd.s32 v3, v57;
	_ =	sdelay $0x3  }
0x1f9: {  	[tilespmem:s8+$0x10C40] =	vst.add.f32.msk $0xffff, v22  }
0x1fa: {  	v22 =	vld.idx.msk [tilespmem:v59+s3+$0x0], $0xffff  }
0x1fb: {  	v60 =	vadd.s32 v4, v57;
	_ =	sdelay $0x3  }
0x1fc: {  	[tilespmem:s8+$0x10C50] =	vst.add.f32.msk $0xffff, v22  }
0x1fd: {  	v22 =	vld.idx.msk [tilespmem:v60+s3+$0x0], $0xffff  }
0x1fe: {  	v21 =	vadd.s32 v5, v57;
	_ =	sdelay $0x3  }
0x1ff: {  	v20 =	vperm.xlane v20, v19;
	[tilespmem:s8+$0x10C60] =	vst.add.f32.msk $0xffff, v22  }
0x200: {  	v21 =	vld.idx.msk [tilespmem:v21+s3+$0x0], $0xffff  }
0x201: {  	v61 =	vadd.s32 v0, v20;
	_ =	sdelay $0x3  }
0x202: {  	[tilespmem:s8+$0x10C70] =	vst.add.f32.msk $0xffff, v21  }
0x203: {  	v21 =	vld.idx.msk [tilespmem:v61+s3+$0x0], $0xffff  }
0x204: {  	v62 =	vadd.s32 v3, v20;
	_ =	sdelay $0x3  }
0x205: {  	[tilespmem:s8+$0x10C80] =	vst.add.f32.msk $0xffff, v21  }
0x206: {  	v21 =	vld.idx.msk [tilespmem:v62+s3+$0x0], $0xffff  }
0x207: {  	v63 =	vadd.s32 v4, v20;
	_ =	sdelay $0x3  }
0x208: {  	[tilespmem:s8+$0x10C90] =	vst.add.f32.msk $0xffff, v21  }
0x209: {  	v21 =	vld.idx.msk [tilespmem:v63+s3+$0x0], $0xffff  }
0x20a: {  	v20 =	vadd.s32 v5, v20;
	_ =	sdelay $0x3  }
0x20b: {  	[tilespmem:s8+$0x10CA0] =	vst.add.f32.msk $0xffff, v21  }
0x20c: {  	p0 =	sne.s32 s14, $0xF000;
	v20 =	vld.idx.msk [tilespmem:v20+s3+$0x0], $0xffff  }
.Ltmp2:
0x20d: {  	_ = 	snop;
	(pc) =	sbr.rel @p0 .LBB2_7-.Ltmp2, $2  }
0x20e: {  	_ =	sdelay $0x2  }
0x20f: {  	s15 =	sadd.s32 $0x10, s15;
	s19 =	sadd.s32 $0x10, s19;
	s14 =	sadd.s32 $0x1000, s14;
	[tilespmem:s8+$0x10CB0] =	vst.add.f32.msk $0xffff, v20  }
0x210: {  	s8 =	sshll.u32 s11, $0x3  }
0x211: {  	s8 =	sand.u32 $0x1FFFF800, s8  }
0x212: {  	s11 =	simm.s32 $0x0;
	s8 =	sadd.s32 s2, s8  }
0x213: {  	[hbm4b:s8+s11] =	stream.linear.scatter [tilespmem:s1], [sflag:$0x5], $0x4000, $0x38;
	[tilespmem:$0x148C0] =	vst v63  }
0x214: {  	_ =	swait.ge [sflag:s29], $0x4000  }
0x215: {  	[sflag:s29] =	ssyncset.done $0x0  }
0x216: {  	s14 =	sadd.s32 $0x99C0, s10;
	[sflag:s29] =	ssyncadd.s32 $0xFFFFC000  }
0x217: {  	[tilespmem:s1], [sflag:$0x3] =	stream.indirect.gather [hbm4b:s5+s26], $0x40, s14, s26, $0xb8;
	[tilespmem:$0x148C0] =	vst v63  }
0x218: {  	s15 =	sadd.s32 $0x9A40, s10  }
0x219: {  	[tilespmem:s20], [sflag:$0x3] =	stream.indirect.gather [hbm4b:s5+s26], $0x40, s15, s26, $0xb8;
	[tilespmem:$0x148C0] =	vst v63  }
0x21a: {  	_ =	swait.ge [sflag:s21], $0x2000  }
0x21b: {  	[sflag:s21] =	ssyncset.done $0x0  }
0x21c: {  	[sflag:s21] =	ssyncadd.s32 $0xFFFFE000  }
0x21d: {  	s19 =	sadd.s32 s4, s10;
	_ =	swait.ge [sflag:s21], $0x2000  }
0x21e: {  	s10 =	sadd.s32 $0x200, s19;
	[sflag:s21] =	ssyncset.done $0x0  }
0x21f: {  	s14 =	smov.u32 s16;
	s15 =	smov.u32 s6;
	[sflag:s21] =	ssyncadd.s32 $0xFFFFE000  }
.LBB2_9:
0x220: {  	v20 =	vor.u32 s14, v0;
	v21 =	vld [tilespmem:s15+$0x0]  }
0x221: {  	v22 =	vmulhi.u32 $0x51EB851F, v20;
	_ =	sdelay $0x1  }
0x222: {  	v22 =	vshrl.u32 v22, $0x6  }
0x223: {  	v22 =	vmul.u32 $0xC8, v22  }
0x224: {  	v21 =	vmul.u32 $0xC8, v21  }
0x225: {  	v20 =	vsub.s32 v20, v22  }
0x226: {  	v20 =	vadd.s32 v20, v21  }
0x227: {  	v20 =	vshll.u32 v20, $0x6  }
0x228: {  	v42 =	vperm.xlane v20, v2;
	_ =	sdelay $0x1  }
0x229: {  	v43 =	vadd.s32 v0, v42;
	_ =	sdelay $0x4  }
0x22a: {  	v22 =	vld.idx.msk [tilespmem:v43+s3+$0x0], $0xffff  }
0x22b: {  	v23 =	vadd.s32 v3, v42;
	_ =	sdelay $0x2  }
0x22c: {  	s8 =	sshra.s32 s11, $0x2  }
0x22d: {  	[tilespmem:s8+$0xC8C0] =	vst.add.f32.msk $0xffff, v22  }
0x22e: {  	v22 =	vld.idx.msk [tilespmem:v23+s3+$0x0], $0xffff  }
0x22f: {  	v44 =	vadd.s32 v4, v42;
	_ =	sdelay $0x3  }
0x230: {  	[tilespmem:s8+$0xC8D0] =	vst.add.f32.msk $0xffff, v22  }
0x231: {  	v22 =	vld.idx.msk [tilespmem:v44+s3+$0x0], $0xffff  }
0x232: {  	v21 =	vadd.s32 v5, v42;
	_ =	sdelay $0x3  }
0x233: {  	v45 =	vperm.xlane v20, v6;
	[tilespmem:s8+$0xC8E0] =	vst.add.f32.msk $0xffff, v22  }
0x234: {  	v21 =	vld.idx.msk [tilespmem:v21+s3+$0x0], $0xffff  }
0x235: {  	v46 =	vadd.s32 v0, v45;
	_ =	sdelay $0x3  }
0x236: {  	[tilespmem:s8+$0xC8F0] =	vst.add.f32.msk $0xffff, v21  }
0x237: {  	v21 =	vld.idx.msk [tilespmem:v46+s3+$0x0], $0xffff  }
0x238: {  	v47 =	vadd.s32 v3, v45;
	_ =	sdelay $0x3  }
0x239: {  	[tilespmem:s8+$0xC900] =	vst.add.f32.msk $0xffff, v21  }
0x23a: {  	v21 =	vld.idx.msk [tilespmem:v47+s3+$0x0], $0xffff  }
0x23b: {  	v48 =	vadd.s32 v4, v45;
	_ =	sdelay $0x3  }
0x23c: {  	[tilespmem:s8+$0xC910] =	vst.add.f32.msk $0xffff, v21  }
0x23d: {  	v21 =	vld.idx.msk [tilespmem:v48+s3+$0x0], $0xffff  }
0x23e: {  	v22 =	vadd.s32 v5, v45;
	_ =	sdelay $0x3  }
0x23f: {  	v49 =	vperm.xlane v20, v7;
	[tilespmem:s8+$0xC920] =	vst.add.f32.msk $0xffff, v21  }
0x240: {  	v22 =	vld.idx.msk [tilespmem:v22+s3+$0x0], $0xffff  }
0x241: {  	v50 =	vadd.s32 v0, v49;
	_ =	sdelay $0x3  }
0x242: {  	[tilespmem:s8+$0xC930] =	vst.add.f32.msk $0xffff, v22  }
0x243: {  	v22 =	vld.idx.msk [tilespmem:v50+s3+$0x0], $0xffff  }
0x244: {  	v51 =	vadd.s32 v3, v49;
	_ =	sdelay $0x3  }
0x245: {  	[tilespmem:s8+$0xC940] =	vst.add.f32.msk $0xffff, v22  }
0x246: {  	v22 =	vld.idx.msk [tilespmem:v51+s3+$0x0], $0xffff  }
0x247: {  	v52 =	vadd.s32 v4, v49;
	_ =	sdelay $0x3  }
0x248: {  	[tilespmem:s8+$0xC950] =	vst.add.f32.msk $0xffff, v22  }
0x249: {  	v22 =	vld.idx.msk [tilespmem:v52+s3+$0x0], $0xffff  }
0x24a: {  	v21 =	vadd.s32 v5, v49;
	_ =	sdelay $0x3  }
0x24b: {  	v53 =	vperm.xlane v20, v8;
	[tilespmem:s8+$0xC960] =	vst.add.f32.msk $0xffff, v22  }
0x24c: {  	v21 =	vld.idx.msk [tilespmem:v21+s3+$0x0], $0xffff  }
0x24d: {  	v54 =	vadd.s32 v0, v53;
	_ =	sdelay $0x3  }
0x24e: {  	[tilespmem:s8+$0xC970] =	vst.add.f32.msk $0xffff, v21  }
0x24f: {  	v21 =	vld.idx.msk [tilespmem:v54+s3+$0x0], $0xffff  }
0x250: {  	v55 =	vadd.s32 v3, v53;
	_ =	sdelay $0x3  }
0x251: {  	[tilespmem:s8+$0xC980] =	vst.add.f32.msk $0xffff, v21  }
0x252: {  	v21 =	vld.idx.msk [tilespmem:v55+s3+$0x0], $0xffff  }
0x253: {  	v56 =	vadd.s32 v4, v53;
	_ =	sdelay $0x3  }
0x254: {  	[tilespmem:s8+$0xC990] =	vst.add.f32.msk $0xffff, v21  }
0x255: {  	v21 =	vld.idx.msk [tilespmem:v56+s3+$0x0], $0xffff  }
0x256: {  	v22 =	vadd.s32 v5, v53;
	_ =	sdelay $0x3  }
0x257: {  	v57 =	vperm.xlane v20, v9;
	[tilespmem:s8+$0xC9A0] =	vst.add.f32.msk $0xffff, v21  }
0x258: {  	v22 =	vld.idx.msk [tilespmem:v22+s3+$0x0], $0xffff  }
0x259: {  	v58 =	vadd.s32 v0, v57;
	_ =	sdelay $0x3  }
0x25a: {  	[tilespmem:s8+$0xC9B0] =	vst.add.f32.msk $0xffff, v22  }
0x25b: {  	v22 =	vld.idx.msk [tilespmem:v58+s3+$0x0], $0xffff  }
0x25c: {  	v59 =	vadd.s32 v3, v57;
	_ =	sdelay $0x3  }
0x25d: {  	[tilespmem:s8+$0xC9C0] =	vst.add.f32.msk $0xffff, v22  }
0x25e: {  	v22 =	vld.idx.msk [tilespmem:v59+s3+$0x0], $0xffff  }
0x25f: {  	v60 =	vadd.s32 v4, v57;
	_ =	sdelay $0x3  }
0x260: {  	[tilespmem:s8+$0xC9D0] =	vst.add.f32.msk $0xffff, v22  }
0x261: {  	v22 =	vld.idx.msk [tilespmem:v60+s3+$0x0], $0xffff  }
0x262: {  	v21 =	vadd.s32 v5, v57;
	_ =	sdelay $0x3  }
0x263: {  	v61 =	vperm.xlane v20, v10;
	[tilespmem:s8+$0xC9E0] =	vst.add.f32.msk $0xffff, v22  }
0x264: {  	v21 =	vld.idx.msk [tilespmem:v21+s3+$0x0], $0xffff  }
0x265: {  	v62 =	vadd.s32 v0, v61;
	_ =	sdelay $0x3  }
0x266: {  	[tilespmem:s8+$0xC9F0] =	vst.add.f32.msk $0xffff, v21  }
0x267: {  	v21 =	vld.idx.msk [tilespmem:v62+s3+$0x0], $0xffff  }
0x268: {  	v63 =	vadd.s32 v3, v61;
	_ =	sdelay $0x3  }
0x269: {  	[tilespmem:s8+$0xCA00] =	vst.add.f32.msk $0xffff, v21  }
0x26a: {  	v21 =	vld.idx.msk [tilespmem:v63+s3+$0x0], $0xffff  }
0x26b: {  	v24 =	vadd.s32 v4, v61;
	_ =	sdelay $0x3  }
0x26c: {  	[tilespmem:s8+$0xCA10] =	vst.add.f32.msk $0xffff, v21  }
0x26d: {  	v21 =	vld.idx.msk [tilespmem:v24+s3+$0x0], $0xffff  }
0x26e: {  	v22 =	vadd.s32 v5, v61;
	_ =	sdelay $0x3  }
0x26f: {  	v25 =	vperm.xlane v20, v1;
	[tilespmem:s8+$0xCA20] =	vst.add.f32.msk $0xffff, v21  }
0x270: {  	v22 =	vld.idx.msk [tilespmem:v22+s3+$0x0], $0xffff  }
0x271: {  	v26 =	vadd.s32 v0, v25;
	_ =	sdelay $0x3  }
0x272: {  	[tilespmem:s8+$0xCA30] =	vst.add.f32.msk $0xffff, v22  }
0x273: {  	v22 =	vld.idx.msk [tilespmem:v26+s3+$0x0], $0xffff  }
0x274: {  	v27 =	vadd.s32 v3, v25;
	_ =	sdelay $0x3  }
0x275: {  	[tilespmem:s8+$0xCA40] =	vst.add.f32.msk $0xffff, v22  }
0x276: {  	v22 =	vld.idx.msk [tilespmem:v27+s3+$0x0], $0xffff  }
0x277: {  	v28 =	vadd.s32 v4, v25;
	_ =	sdelay $0x3  }
0x278: {  	[tilespmem:s8+$0xCA50] =	vst.add.f32.msk $0xffff, v22  }
0x279: {  	v22 =	vld.idx.msk [tilespmem:v28+s3+$0x0], $0xffff  }
0x27a: {  	v21 =	vadd.s32 v5, v25;
	_ =	sdelay $0x3  }
0x27b: {  	v29 =	vperm.xlane v20, v11;
	[tilespmem:s8+$0xCA60] =	vst.add.f32.msk $0xffff, v22  }
0x27c: {  	v21 =	vld.idx.msk [tilespmem:v21+s3+$0x0], $0xffff  }
0x27d: {  	v30 =	vadd.s32 v0, v29;
	_ =	sdelay $0x3  }
0x27e: {  	[tilespmem:s8+$0xCA70] =	vst.add.f32.msk $0xffff, v21  }
0x27f: {  	v21 =	vld.idx.msk [tilespmem:v30+s3+$0x0], $0xffff  }
0x280: {  	v31 =	vadd.s32 v3, v29;
	_ =	sdelay $0x3  }
0x281: {  	[tilespmem:s8+$0xCA80] =	vst.add.f32.msk $0xffff, v21  }
0x282: {  	v21 =	vld.idx.msk [tilespmem:v31+s3+$0x0], $0xffff  }
0x283: {  	v32 =	vadd.s32 v4, v29;
	_ =	sdelay $0x3  }
0x284: {  	[tilespmem:s8+$0xCA90] =	vst.add.f32.msk $0xffff, v21  }
0x285: {  	v21 =	vld.idx.msk [tilespmem:v32+s3+$0x0], $0xffff  }
0x286: {  	v22 =	vadd.s32 v5, v29;
	_ =	sdelay $0x3  }
0x287: {  	v33 =	vperm.xlane v20, v12;
	[tilespmem:s8+$0xCAA0] =	vst.add.f32.msk $0xffff, v21  }
0x288: {  	v22 =	vld.idx.msk [tilespmem:v22+s3+$0x0], $0xffff  }
0x289: {  	v34 =	vadd.s32 v0, v33;
	_ =	sdelay $0x3  }
0x28a: {  	[tilespmem:s8+$0xCAB0] =	vst.add.f32.msk $0xffff, v22  }
0x28b: {  	v22 =	vld.idx.msk [tilespmem:v34+s3+$0x0], $0xffff  }
0x28c: {  	v35 =	vadd.s32 v3, v33;
	_ =	sdelay $0x3  }
0x28d: {  	[tilespmem:s8+$0xCAC0] =	vst.add.f32.msk $0xffff, v22  }
0x28e: {  	v22 =	vld.idx.msk [tilespmem:v35+s3+$0x0], $0xffff  }
0x28f: {  	v36 =	vadd.s32 v4, v33;
	_ =	sdelay $0x3  }
0x290: {  	[tilespmem:s8+$0xCAD0] =	vst.add.f32.msk $0xffff, v22  }
0x291: {  	v22 =	vld.idx.msk [tilespmem:v36+s3+$0x0], $0xffff  }
0x292: {  	v21 =	vadd.s32 v5, v33;
	_ =	sdelay $0x3  }
0x293: {  	v37 =	vperm.xlane v20, v13;
	[tilespmem:s8+$0xCAE0] =	vst.add.f32.msk $0xffff, v22  }
0x294: {  	v21 =	vld.idx.msk [tilespmem:v21+s3+$0x0], $0xffff  }
0x295: {  	v38 =	vadd.s32 v0, v37;
	_ =	sdelay $0x3  }
0x296: {  	[tilespmem:s8+$0xCAF0] =	vst.add.f32.msk $0xffff, v21  }
0x297: {  	v21 =	vld.idx.msk [tilespmem:v38+s3+$0x0], $0xffff  }
0x298: {  	v39 =	vadd.s32 v3, v37;
	_ =	sdelay $0x3  }
0x299: {  	[tilespmem:s8+$0xCB00] =	vst.add.f32.msk $0xffff, v21  }
0x29a: {  	v21 =	vld.idx.msk [tilespmem:v39+s3+$0x0], $0xffff  }
0x29b: {  	v40 =	vadd.s32 v4, v37;
	_ =	sdelay $0x3  }
0x29c: {  	[tilespmem:s8+$0xCB10] =	vst.add.f32.msk $0xffff, v21  }
0x29d: {  	v21 =	vld.idx.msk [tilespmem:v40+s3+$0x0], $0xffff  }
0x29e: {  	v22 =	vadd.s32 v5, v37;
	_ =	sdelay $0x3  }
0x29f: {  	v41 =	vperm.xlane v20, v14;
	[tilespmem:s8+$0xCB20] =	vst.add.f32.msk $0xffff, v21  }
0x2a0: {  	v22 =	vld.idx.msk [tilespmem:v22+s3+$0x0], $0xffff  }
0x2a1: {  	v42 =	vadd.s32 v0, v41;
	_ =	sdelay $0x3  }
0x2a2: {  	[tilespmem:s8+$0xCB30] =	vst.add.f32.msk $0xffff, v22  }
0x2a3: {  	v22 =	vld.idx.msk [tilespmem:v42+s3+$0x0], $0xffff  }
0x2a4: {  	v43 =	vadd.s32 v3, v41;
	_ =	sdelay $0x3  }
0x2a5: {  	[tilespmem:s8+$0xCB40] =	vst.add.f32.msk $0xffff, v22  }
0x2a6: {  	v22 =	vld.idx.msk [tilespmem:v43+s3+$0x0], $0xffff  }
0x2a7: {  	v44 =	vadd.s32 v4, v41;
	_ =	sdelay $0x3  }
0x2a8: {  	[tilespmem:s8+$0xCB50] =	vst.add.f32.msk $0xffff, v22  }
0x2a9: {  	v22 =	vld.idx.msk [tilespmem:v44+s3+$0x0], $0xffff  }
0x2aa: {  	v21 =	vadd.s32 v5, v41;
	_ =	sdelay $0x3  }
0x2ab: {  	v45 =	vperm.xlane v20, v15;
	[tilespmem:s8+$0xCB60] =	vst.add.f32.msk $0xffff, v22  }
0x2ac: {  	v21 =	vld.idx.msk [tilespmem:v21+s3+$0x0], $0xffff  }
0x2ad: {  	v46 =	vadd.s32 v0, v45;
	_ =	sdelay $0x3  }
0x2ae: {  	[tilespmem:s8+$0xCB70] =	vst.add.f32.msk $0xffff, v21  }
0x2af: {  	v21 =	vld.idx.msk [tilespmem:v46+s3+$0x0], $0xffff  }
0x2b0: {  	v47 =	vadd.s32 v3, v45;
	_ =	sdelay $0x3  }
0x2b1: {  	[tilespmem:s8+$0xCB80] =	vst.add.f32.msk $0xffff, v21  }
0x2b2: {  	v21 =	vld.idx.msk [tilespmem:v47+s3+$0x0], $0xffff  }
0x2b3: {  	v48 =	vadd.s32 v4, v45;
	_ =	sdelay $0x3  }
0x2b4: {  	[tilespmem:s8+$0xCB90] =	vst.add.f32.msk $0xffff, v21  }
0x2b5: {  	v21 =	vld.idx.msk [tilespmem:v48+s3+$0x0], $0xffff  }
0x2b6: {  	v22 =	vadd.s32 v5, v45;
	_ =	sdelay $0x3  }
0x2b7: {  	v49 =	vperm.xlane v20, v16;
	[tilespmem:s8+$0xCBA0] =	vst.add.f32.msk $0xffff, v21  }
0x2b8: {  	v22 =	vld.idx.msk [tilespmem:v22+s3+$0x0], $0xffff  }
0x2b9: {  	v50 =	vadd.s32 v0, v49;
	_ =	sdelay $0x3  }
0x2ba: {  	[tilespmem:s8+$0xCBB0] =	vst.add.f32.msk $0xffff, v22  }
0x2bb: {  	v22 =	vld.idx.msk [tilespmem:v50+s3+$0x0], $0xffff  }
0x2bc: {  	v51 =	vadd.s32 v3, v49;
	_ =	sdelay $0x3  }
0x2bd: {  	[tilespmem:s8+$0xCBC0] =	vst.add.f32.msk $0xffff, v22  }
0x2be: {  	v22 =	vld.idx.msk [tilespmem:v51+s3+$0x0], $0xffff  }
0x2bf: {  	v52 =	vadd.s32 v4, v49;
	_ =	sdelay $0x3  }
0x2c0: {  	[tilespmem:s8+$0xCBD0] =	vst.add.f32.msk $0xffff, v22  }
0x2c1: {  	v22 =	vld.idx.msk [tilespmem:v52+s3+$0x0], $0xffff  }
0x2c2: {  	v21 =	vadd.s32 v5, v49;
	_ =	sdelay $0x3  }
0x2c3: {  	v53 =	vperm.xlane v20, v17;
	[tilespmem:s8+$0xCBE0] =	vst.add.f32.msk $0xffff, v22  }
0x2c4: {  	v21 =	vld.idx.msk [tilespmem:v21+s3+$0x0], $0xffff  }
0x2c5: {  	v54 =	vadd.s32 v0, v53;
	_ =	sdelay $0x3  }
0x2c6: {  	[tilespmem:s8+$0xCBF0] =	vst.add.f32.msk $0xffff, v21  }
0x2c7: {  	v21 =	vld.idx.msk [tilespmem:v54+s3+$0x0], $0xffff  }
0x2c8: {  	v55 =	vadd.s32 v3, v53;
	_ =	sdelay $0x3  }
0x2c9: {  	[tilespmem:s8+$0xCC00] =	vst.add.f32.msk $0xffff, v21  }
0x2ca: {  	v21 =	vld.idx.msk [tilespmem:v55+s3+$0x0], $0xffff  }
0x2cb: {  	v56 =	vadd.s32 v4, v53;
	_ =	sdelay $0x3  }
0x2cc: {  	[tilespmem:s8+$0xCC10] =	vst.add.f32.msk $0xffff, v21  }
0x2cd: {  	v21 =	vld.idx.msk [tilespmem:v56+s3+$0x0], $0xffff  }
0x2ce: {  	v22 =	vadd.s32 v5, v53;
	_ =	sdelay $0x3  }
0x2cf: {  	v57 =	vperm.xlane v20, v18;
	[tilespmem:s8+$0xCC20] =	vst.add.f32.msk $0xffff, v21  }
0x2d0: {  	v22 =	vld.idx.msk [tilespmem:v22+s3+$0x0], $0xffff  }
0x2d1: {  	v58 =	vadd.s32 v0, v57;
	_ =	sdelay $0x3  }
0x2d2: {  	[tilespmem:s8+$0xCC30] =	vst.add.f32.msk $0xffff, v22  }
0x2d3: {  	v22 =	vld.idx.msk [tilespmem:v58+s3+$0x0], $0xffff  }
0x2d4: {  	v59 =	vadd.s32 v3, v57;
	_ =	sdelay $0x3  }
0x2d5: {  	[tilespmem:s8+$0xCC40] =	vst.add.f32.msk $0xffff, v22  }
0x2d6: {  	v22 =	vld.idx.msk [tilespmem:v59+s3+$0x0], $0xffff  }
0x2d7: {  	v60 =	vadd.s32 v4, v57;
	_ =	sdelay $0x3  }
0x2d8: {  	[tilespmem:s8+$0xCC50] =	vst.add.f32.msk $0xffff, v22  }
0x2d9: {  	v22 =	vld.idx.msk [tilespmem:v60+s3+$0x0], $0xffff  }
0x2da: {  	v21 =	vadd.s32 v5, v57;
	_ =	sdelay $0x3  }
0x2db: {  	v20 =	vperm.xlane v20, v19;
	[tilespmem:s8+$0xCC60] =	vst.add.f32.msk $0xffff, v22  }
0x2dc: {  	v21 =	vld.idx.msk [tilespmem:v21+s3+$0x0], $0xffff  }
0x2dd: {  	v61 =	vadd.s32 v0, v20;
	_ =	sdelay $0x3  }
0x2de: {  	[tilespmem:s8+$0xCC70] =	vst.add.f32.msk $0xffff, v21  }
0x2df: {  	v21 =	vld.idx.msk [tilespmem:v61+s3+$0x0], $0xffff  }
0x2e0: {  	v62 =	vadd.s32 v3, v20;
	_ =	sdelay $0x3  }
0x2e1: {  	[tilespmem:s8+$0xCC80] =	vst.add.f32.msk $0xffff, v21  }
0x2e2: {  	v21 =	vld.idx.msk [tilespmem:v62+s3+$0x0], $0xffff  }
0x2e3: {  	v63 =	vadd.s32 v4, v20;
	_ =	sdelay $0x3  }
0x2e4: {  	[tilespmem:s8+$0xCC90] =	vst.add.f32.msk $0xffff, v21  }
0x2e5: {  	v21 =	vld.idx.msk [tilespmem:v63+s3+$0x0], $0xffff  }
0x2e6: {  	v20 =	vadd.s32 v5, v20;
	_ =	sdelay $0x3  }
0x2e7: {  	[tilespmem:s8+$0xCCA0] =	vst.add.f32.msk $0xffff, v21  }
0x2e8: {  	p0 =	sne.s32 s11, $0xF000;
	v20 =	vld.idx.msk [tilespmem:v20+s3+$0x0], $0xffff  }
.Ltmp3:
0x2e9: {  	_ = 	snop;
	(pc) =	sbr.rel @p0 .LBB2_9-.Ltmp3, $2  }
0x2ea: {  	_ =	sdelay $0x2  }
0x2eb: {  	s14 =	sadd.s32 $0x10, s14;
	s15 =	sadd.s32 $0x10, s15;
	s11 =	sadd.s32 $0x1000, s11;
	[tilespmem:s8+$0xCCB0] =	vst.add.f32.msk $0xffff, v20  }
0x2ec: {  	s0 =	sadd.s32 $0x1, s0  }
0x2ed: {  	p0 =	sne.s32 s0, $0xB  }
.Ltmp4:
0x2ee: {  	_ = 	snop;
	(pc) =	sbr.rel @p0 .LBB2_6-.Ltmp4, $4  }
0x2ef: {  	s8 =	sshll.u32 s10, $0x3  }
0x2f0: {  	s9 =	sadd.s32 $0x200, s9;
	s12 =	sadd.s32 $0x200, s12;
	s8 =	sand.u32 $0x1FFFF800, s8  }
0x2f1: {  	s16 =	sadd.s32 $0x200, s16;
	s6 =	sadd.s32 $0x200, s6;
	s8 =	sadd.s32 s2, s8  }
0x2f2: {  	[hbm4b:s8+s3] =	stream.linear.scatter [tilespmem:s28], [sflag:$0x4], $0x4000, $0x38;
	[tilespmem:$0x148C0] =	vst v63  }
0x2f3: {  	_ =	swait.ge [sflag:s23], $0x4000  }
0x2f4: {  	[sflag:s23] =	ssyncset.done $0x0  }
0x2f5: {  	s0 =	simm.s32 $0xAEC0;
	[sflag:s23] =	ssyncadd.s32 $0xFFFFC000  }
0x2f6: {  	[tilespmem:s28], [sflag:$0x2] =	stream.indirect.gather [hbm4b:s5+s26], $0x40, s0, s26, $0xb8;
	[tilespmem:$0x148C0] =	vst v63  }
0x2f7: {  	s19 =	simm.s32 $0xAF40  }
0x2f8: {  	[tilespmem:s30], [sflag:$0x2] =	stream.indirect.gather [hbm4b:s5+s26], $0x40, s19, s26, $0xb8;
	[tilespmem:$0x148C0] =	vst v63  }
0x2f9: {  	_ =	swait.ge [sflag:s24], $0x2000  }
0x2fa: {  	[sflag:s24] =	ssyncset.done $0x0  }
0x2fb: {  	[sflag:s24] =	ssyncadd.s32 $0xFFFFE000  }
0x2fc: {  	_ =	swait.ge [sflag:s24], $0x2000  }
0x2fd: {  	s6 =	simm.s32 $0xC6C0;
	[sflag:s24] =	ssyncset.done $0x0  }
0x2fe: {  	s9 =	smov.u32 s17;
	s0 =	simm.s32 $0x0;
	[sflag:s24] =	ssyncadd.s32 $0xFFFFE000  }
.LBB2_12:
0x2ff: {  	v20 =	vor.u32 s9, v0;
	v21 =	vld [tilespmem:s6+$0x0]  }
0x300: {  	v22 =	vmulhi.u32 $0x51EB851F, v20;
	_ =	sdelay $0x1  }
0x301: {  	v22 =	vshrl.u32 v22, $0x6  }
0x302: {  	v22 =	vmul.u32 $0xC8, v22  }
0x303: {  	v21 =	vmul.u32 $0xC8, v21  }
0x304: {  	v20 =	vsub.s32 v20, v22  }
0x305: {  	v20 =	vadd.s32 v20, v21  }
0x306: {  	v20 =	vshll.u32 v20, $0x6  }
0x307: {  	v42 =	vperm.xlane v20, v2;
	_ =	sdelay $0x1  }
0x308: {  	v43 =	vadd.s32 v0, v42;
	_ =	sdelay $0x4  }
0x309: {  	v22 =	vld.idx.msk [tilespmem:v43+s3+$0x0], $0xffff  }
0x30a: {  	v23 =	vadd.s32 v3, v42;
	_ =	sdelay $0x2  }
0x30b: {  	s8 =	sshra.s32 s0, $0x2  }
0x30c: {  	[tilespmem:s8+$0x108C0] =	vst.add.f32.msk $0xffff, v22  }
0x30d: {  	v22 =	vld.idx.msk [tilespmem:v23+s3+$0x0], $0xffff  }
0x30e: {  	v44 =	vadd.s32 v4, v42;
	_ =	sdelay $0x3  }
0x30f: {  	[tilespmem:s8+$0x108D0] =	vst.add.f32.msk $0xffff, v22  }
0x310: {  	v22 =	vld.idx.msk [tilespmem:v44+s3+$0x0], $0xffff  }
0x311: {  	v21 =	vadd.s32 v5, v42;
	_ =	sdelay $0x3  }
0x312: {  	v45 =	vperm.xlane v20, v6;
	[tilespmem:s8+$0x108E0] =	vst.add.f32.msk $0xffff, v22  }
0x313: {  	v21 =	vld.idx.msk [tilespmem:v21+s3+$0x0], $0xffff  }
0x314: {  	v46 =	vadd.s32 v0, v45;
	_ =	sdelay $0x3  }
0x315: {  	[tilespmem:s8+$0x108F0] =	vst.add.f32.msk $0xffff, v21  }
0x316: {  	v21 =	vld.idx.msk [tilespmem:v46+s3+$0x0], $0xffff  }
0x317: {  	v47 =	vadd.s32 v3, v45;
	_ =	sdelay $0x3  }
0x318: {  	[tilespmem:s8+$0x10900] =	vst.add.f32.msk $0xffff, v21  }
0x319: {  	v21 =	vld.idx.msk [tilespmem:v47+s3+$0x0], $0xffff  }
0x31a: {  	v48 =	vadd.s32 v4, v45;
	_ =	sdelay $0x3  }
0x31b: {  	[tilespmem:s8+$0x10910] =	vst.add.f32.msk $0xffff, v21  }
0x31c: {  	v21 =	vld.idx.msk [tilespmem:v48+s3+$0x0], $0xffff  }
0x31d: {  	v22 =	vadd.s32 v5, v45;
	_ =	sdelay $0x3  }
0x31e: {  	v49 =	vperm.xlane v20, v7;
	[tilespmem:s8+$0x10920] =	vst.add.f32.msk $0xffff, v21  }
0x31f: {  	v22 =	vld.idx.msk [tilespmem:v22+s3+$0x0], $0xffff  }
0x320: {  	v50 =	vadd.s32 v0, v49;
	_ =	sdelay $0x3  }
0x321: {  	[tilespmem:s8+$0x10930] =	vst.add.f32.msk $0xffff, v22  }
0x322: {  	v22 =	vld.idx.msk [tilespmem:v50+s3+$0x0], $0xffff  }
0x323: {  	v51 =	vadd.s32 v3, v49;
	_ =	sdelay $0x3  }
0x324: {  	[tilespmem:s8+$0x10940] =	vst.add.f32.msk $0xffff, v22  }
0x325: {  	v22 =	vld.idx.msk [tilespmem:v51+s3+$0x0], $0xffff  }
0x326: {  	v52 =	vadd.s32 v4, v49;
	_ =	sdelay $0x3  }
0x327: {  	[tilespmem:s8+$0x10950] =	vst.add.f32.msk $0xffff, v22  }
0x328: {  	v22 =	vld.idx.msk [tilespmem:v52+s3+$0x0], $0xffff  }
0x329: {  	v21 =	vadd.s32 v5, v49;
	_ =	sdelay $0x3  }
0x32a: {  	v53 =	vperm.xlane v20, v8;
	[tilespmem:s8+$0x10960] =	vst.add.f32.msk $0xffff, v22  }
0x32b: {  	v21 =	vld.idx.msk [tilespmem:v21+s3+$0x0], $0xffff  }
0x32c: {  	v54 =	vadd.s32 v0, v53;
	_ =	sdelay $0x3  }
0x32d: {  	[tilespmem:s8+$0x10970] =	vst.add.f32.msk $0xffff, v21  }
0x32e: {  	v21 =	vld.idx.msk [tilespmem:v54+s3+$0x0], $0xffff  }
0x32f: {  	v55 =	vadd.s32 v3, v53;
	_ =	sdelay $0x3  }
0x330: {  	[tilespmem:s8+$0x10980] =	vst.add.f32.msk $0xffff, v21  }
0x331: {  	v21 =	vld.idx.msk [tilespmem:v55+s3+$0x0], $0xffff  }
0x332: {  	v56 =	vadd.s32 v4, v53;
	_ =	sdelay $0x3  }
0x333: {  	[tilespmem:s8+$0x10990] =	vst.add.f32.msk $0xffff, v21  }
0x334: {  	v21 =	vld.idx.msk [tilespmem:v56+s3+$0x0], $0xffff  }
0x335: {  	v22 =	vadd.s32 v5, v53;
	_ =	sdelay $0x3  }
0x336: {  	v57 =	vperm.xlane v20, v9;
	[tilespmem:s8+$0x109A0] =	vst.add.f32.msk $0xffff, v21  }
0x337: {  	v22 =	vld.idx.msk [tilespmem:v22+s3+$0x0], $0xffff  }
0x338: {  	v58 =	vadd.s32 v0, v57;
	_ =	sdelay $0x3  }
0x339: {  	[tilespmem:s8+$0x109B0] =	vst.add.f32.msk $0xffff, v22  }
0x33a: {  	v22 =	vld.idx.msk [tilespmem:v58+s3+$0x0], $0xffff  }
0x33b: {  	v59 =	vadd.s32 v3, v57;
	_ =	sdelay $0x3  }
0x33c: {  	[tilespmem:s8+$0x109C0] =	vst.add.f32.msk $0xffff, v22  }
0x33d: {  	v22 =	vld.idx.msk [tilespmem:v59+s3+$0x0], $0xffff  }
0x33e: {  	v60 =	vadd.s32 v4, v57;
	_ =	sdelay $0x3  }
0x33f: {  	[tilespmem:s8+$0x109D0] =	vst.add.f32.msk $0xffff, v22  }
0x340: {  	v22 =	vld.idx.msk [tilespmem:v60+s3+$0x0], $0xffff  }
0x341: {  	v21 =	vadd.s32 v5, v57;
	_ =	sdelay $0x3  }
0x342: {  	v61 =	vperm.xlane v20, v10;
	[tilespmem:s8+$0x109E0] =	vst.add.f32.msk $0xffff, v22  }
0x343: {  	v21 =	vld.idx.msk [tilespmem:v21+s3+$0x0], $0xffff  }
0x344: {  	v62 =	vadd.s32 v0, v61;
	_ =	sdelay $0x3  }
0x345: {  	[tilespmem:s8+$0x109F0] =	vst.add.f32.msk $0xffff, v21  }
0x346: {  	v21 =	vld.idx.msk [tilespmem:v62+s3+$0x0], $0xffff  }
0x347: {  	v63 =	vadd.s32 v3, v61;
	_ =	sdelay $0x3  }
0x348: {  	[tilespmem:s8+$0x10A00] =	vst.add.f32.msk $0xffff, v21  }
0x349: {  	v21 =	vld.idx.msk [tilespmem:v63+s3+$0x0], $0xffff  }
0x34a: {  	v24 =	vadd.s32 v4, v61;
	_ =	sdelay $0x3  }
0x34b: {  	[tilespmem:s8+$0x10A10] =	vst.add.f32.msk $0xffff, v21  }
0x34c: {  	v21 =	vld.idx.msk [tilespmem:v24+s3+$0x0], $0xffff  }
0x34d: {  	v22 =	vadd.s32 v5, v61;
	_ =	sdelay $0x3  }
0x34e: {  	v25 =	vperm.xlane v20, v1;
	[tilespmem:s8+$0x10A20] =	vst.add.f32.msk $0xffff, v21  }
0x34f: {  	v22 =	vld.idx.msk [tilespmem:v22+s3+$0x0], $0xffff  }
0x350: {  	v26 =	vadd.s32 v0, v25;
	_ =	sdelay $0x3  }
0x351: {  	[tilespmem:s8+$0x10A30] =	vst.add.f32.msk $0xffff, v22  }
0x352: {  	v22 =	vld.idx.msk [tilespmem:v26+s3+$0x0], $0xffff  }
0x353: {  	v27 =	vadd.s32 v3, v25;
	_ =	sdelay $0x3  }
0x354: {  	[tilespmem:s8+$0x10A40] =	vst.add.f32.msk $0xffff, v22  }
0x355: {  	v22 =	vld.idx.msk [tilespmem:v27+s3+$0x0], $0xffff  }
0x356: {  	v28 =	vadd.s32 v4, v25;
	_ =	sdelay $0x3  }
0x357: {  	[tilespmem:s8+$0x10A50] =	vst.add.f32.msk $0xffff, v22  }
0x358: {  	v22 =	vld.idx.msk [tilespmem:v28+s3+$0x0], $0xffff  }
0x359: {  	v21 =	vadd.s32 v5, v25;
	_ =	sdelay $0x3  }
0x35a: {  	v29 =	vperm.xlane v20, v11;
	[tilespmem:s8+$0x10A60] =	vst.add.f32.msk $0xffff, v22  }
0x35b: {  	v21 =	vld.idx.msk [tilespmem:v21+s3+$0x0], $0xffff  }
0x35c: {  	v30 =	vadd.s32 v0, v29;
	_ =	sdelay $0x3  }
0x35d: {  	[tilespmem:s8+$0x10A70] =	vst.add.f32.msk $0xffff, v21  }
0x35e: {  	v21 =	vld.idx.msk [tilespmem:v30+s3+$0x0], $0xffff  }
0x35f: {  	v31 =	vadd.s32 v3, v29;
	_ =	sdelay $0x3  }
0x360: {  	[tilespmem:s8+$0x10A80] =	vst.add.f32.msk $0xffff, v21  }
0x361: {  	v21 =	vld.idx.msk [tilespmem:v31+s3+$0x0], $0xffff  }
0x362: {  	v32 =	vadd.s32 v4, v29;
	_ =	sdelay $0x3  }
0x363: {  	[tilespmem:s8+$0x10A90] =	vst.add.f32.msk $0xffff, v21  }
0x364: {  	v21 =	vld.idx.msk [tilespmem:v32+s3+$0x0], $0xffff  }
0x365: {  	v22 =	vadd.s32 v5, v29;
	_ =	sdelay $0x3  }
0x366: {  	v33 =	vperm.xlane v20, v12;
	[tilespmem:s8+$0x10AA0] =	vst.add.f32.msk $0xffff, v21  }
0x367: {  	v22 =	vld.idx.msk [tilespmem:v22+s3+$0x0], $0xffff  }
0x368: {  	v34 =	vadd.s32 v0, v33;
	_ =	sdelay $0x3  }
0x369: {  	[tilespmem:s8+$0x10AB0] =	vst.add.f32.msk $0xffff, v22  }
0x36a: {  	v22 =	vld.idx.msk [tilespmem:v34+s3+$0x0], $0xffff  }
0x36b: {  	v35 =	vadd.s32 v3, v33;
	_ =	sdelay $0x3  }
0x36c: {  	[tilespmem:s8+$0x10AC0] =	vst.add.f32.msk $0xffff, v22  }
0x36d: {  	v22 =	vld.idx.msk [tilespmem:v35+s3+$0x0], $0xffff  }
0x36e: {  	v36 =	vadd.s32 v4, v33;
	_ =	sdelay $0x3  }
0x36f: {  	[tilespmem:s8+$0x10AD0] =	vst.add.f32.msk $0xffff, v22  }
0x370: {  	v22 =	vld.idx.msk [tilespmem:v36+s3+$0x0], $0xffff  }
0x371: {  	v21 =	vadd.s32 v5, v33;
	_ =	sdelay $0x3  }
0x372: {  	v37 =	vperm.xlane v20, v13;
	[tilespmem:s8+$0x10AE0] =	vst.add.f32.msk $0xffff, v22  }
0x373: {  	v21 =	vld.idx.msk [tilespmem:v21+s3+$0x0], $0xffff  }
0x374: {  	v38 =	vadd.s32 v0, v37;
	_ =	sdelay $0x3  }
0x375: {  	[tilespmem:s8+$0x10AF0] =	vst.add.f32.msk $0xffff, v21  }
0x376: {  	v21 =	vld.idx.msk [tilespmem:v38+s3+$0x0], $0xffff  }
0x377: {  	v39 =	vadd.s32 v3, v37;
	_ =	sdelay $0x3  }
0x378: {  	[tilespmem:s8+$0x10B00] =	vst.add.f32.msk $0xffff, v21  }
0x379: {  	v21 =	vld.idx.msk [tilespmem:v39+s3+$0x0], $0xffff  }
0x37a: {  	v40 =	vadd.s32 v4, v37;
	_ =	sdelay $0x3  }
0x37b: {  	[tilespmem:s8+$0x10B10] =	vst.add.f32.msk $0xffff, v21  }
0x37c: {  	v21 =	vld.idx.msk [tilespmem:v40+s3+$0x0], $0xffff  }
0x37d: {  	v22 =	vadd.s32 v5, v37;
	_ =	sdelay $0x3  }
0x37e: {  	v41 =	vperm.xlane v20, v14;
	[tilespmem:s8+$0x10B20] =	vst.add.f32.msk $0xffff, v21  }
0x37f: {  	v22 =	vld.idx.msk [tilespmem:v22+s3+$0x0], $0xffff  }
0x380: {  	v42 =	vadd.s32 v0, v41;
	_ =	sdelay $0x3  }
0x381: {  	[tilespmem:s8+$0x10B30] =	vst.add.f32.msk $0xffff, v22  }
0x382: {  	v22 =	vld.idx.msk [tilespmem:v42+s3+$0x0], $0xffff  }
0x383: {  	v43 =	vadd.s32 v3, v41;
	_ =	sdelay $0x3  }
0x384: {  	[tilespmem:s8+$0x10B40] =	vst.add.f32.msk $0xffff, v22  }
0x385: {  	v22 =	vld.idx.msk [tilespmem:v43+s3+$0x0], $0xffff  }
0x386: {  	v44 =	vadd.s32 v4, v41;
	_ =	sdelay $0x3  }
0x387: {  	[tilespmem:s8+$0x10B50] =	vst.add.f32.msk $0xffff, v22  }
0x388: {  	v22 =	vld.idx.msk [tilespmem:v44+s3+$0x0], $0xffff  }
0x389: {  	v21 =	vadd.s32 v5, v41;
	_ =	sdelay $0x3  }
0x38a: {  	v45 =	vperm.xlane v20, v15;
	[tilespmem:s8+$0x10B60] =	vst.add.f32.msk $0xffff, v22  }
0x38b: {  	v21 =	vld.idx.msk [tilespmem:v21+s3+$0x0], $0xffff  }
0x38c: {  	v46 =	vadd.s32 v0, v45;
	_ =	sdelay $0x3  }
0x38d: {  	[tilespmem:s8+$0x10B70] =	vst.add.f32.msk $0xffff, v21  }
0x38e: {  	v21 =	vld.idx.msk [tilespmem:v46+s3+$0x0], $0xffff  }
0x38f: {  	v47 =	vadd.s32 v3, v45;
	_ =	sdelay $0x3  }
0x390: {  	[tilespmem:s8+$0x10B80] =	vst.add.f32.msk $0xffff, v21  }
0x391: {  	v21 =	vld.idx.msk [tilespmem:v47+s3+$0x0], $0xffff  }
0x392: {  	v48 =	vadd.s32 v4, v45;
	_ =	sdelay $0x3  }
0x393: {  	[tilespmem:s8+$0x10B90] =	vst.add.f32.msk $0xffff, v21  }
0x394: {  	v21 =	vld.idx.msk [tilespmem:v48+s3+$0x0], $0xffff  }
0x395: {  	v22 =	vadd.s32 v5, v45;
	_ =	sdelay $0x3  }
0x396: {  	v49 =	vperm.xlane v20, v16;
	[tilespmem:s8+$0x10BA0] =	vst.add.f32.msk $0xffff, v21  }
0x397: {  	v22 =	vld.idx.msk [tilespmem:v22+s3+$0x0], $0xffff  }
0x398: {  	v50 =	vadd.s32 v0, v49;
	_ =	sdelay $0x3  }
0x399: {  	[tilespmem:s8+$0x10BB0] =	vst.add.f32.msk $0xffff, v22  }
0x39a: {  	v22 =	vld.idx.msk [tilespmem:v50+s3+$0x0], $0xffff  }
0x39b: {  	v51 =	vadd.s32 v3, v49;
	_ =	sdelay $0x3  }
0x39c: {  	[tilespmem:s8+$0x10BC0] =	vst.add.f32.msk $0xffff, v22  }
0x39d: {  	v22 =	vld.idx.msk [tilespmem:v51+s3+$0x0], $0xffff  }
0x39e: {  	v52 =	vadd.s32 v4, v49;
	_ =	sdelay $0x3  }
0x39f: {  	[tilespmem:s8+$0x10BD0] =	vst.add.f32.msk $0xffff, v22  }
0x3a0: {  	v22 =	vld.idx.msk [tilespmem:v52+s3+$0x0], $0xffff  }
0x3a1: {  	v21 =	vadd.s32 v5, v49;
	_ =	sdelay $0x3  }
0x3a2: {  	v53 =	vperm.xlane v20, v17;
	[tilespmem:s8+$0x10BE0] =	vst.add.f32.msk $0xffff, v22  }
0x3a3: {  	v21 =	vld.idx.msk [tilespmem:v21+s3+$0x0], $0xffff  }
0x3a4: {  	v54 =	vadd.s32 v0, v53;
	_ =	sdelay $0x3  }
0x3a5: {  	[tilespmem:s8+$0x10BF0] =	vst.add.f32.msk $0xffff, v21  }
0x3a6: {  	v21 =	vld.idx.msk [tilespmem:v54+s3+$0x0], $0xffff  }
0x3a7: {  	v55 =	vadd.s32 v3, v53;
	_ =	sdelay $0x3  }
0x3a8: {  	[tilespmem:s8+$0x10C00] =	vst.add.f32.msk $0xffff, v21  }
0x3a9: {  	v21 =	vld.idx.msk [tilespmem:v55+s3+$0x0], $0xffff  }
0x3aa: {  	v56 =	vadd.s32 v4, v53;
	_ =	sdelay $0x3  }
0x3ab: {  	[tilespmem:s8+$0x10C10] =	vst.add.f32.msk $0xffff, v21  }
0x3ac: {  	v21 =	vld.idx.msk [tilespmem:v56+s3+$0x0], $0xffff  }
0x3ad: {  	v22 =	vadd.s32 v5, v53;
	_ =	sdelay $0x3  }
0x3ae: {  	v57 =	vperm.xlane v20, v18;
	[tilespmem:s8+$0x10C20] =	vst.add.f32.msk $0xffff, v21  }
0x3af: {  	v22 =	vld.idx.msk [tilespmem:v22+s3+$0x0], $0xffff  }
0x3b0: {  	v58 =	vadd.s32 v0, v57;
	_ =	sdelay $0x3  }
0x3b1: {  	[tilespmem:s8+$0x10C30] =	vst.add.f32.msk $0xffff, v22  }
0x3b2: {  	v22 =	vld.idx.msk [tilespmem:v58+s3+$0x0], $0xffff  }
0x3b3: {  	v59 =	vadd.s32 v3, v57;
	_ =	sdelay $0x3  }
0x3b4: {  	[tilespmem:s8+$0x10C40] =	vst.add.f32.msk $0xffff, v22  }
0x3b5: {  	v22 =	vld.idx.msk [tilespmem:v59+s3+$0x0], $0xffff  }
0x3b6: {  	v60 =	vadd.s32 v4, v57;
	_ =	sdelay $0x3  }
0x3b7: {  	[tilespmem:s8+$0x10C50] =	vst.add.f32.msk $0xffff, v22  }
0x3b8: {  	v22 =	vld.idx.msk [tilespmem:v60+s3+$0x0], $0xffff  }
0x3b9: {  	v21 =	vadd.s32 v5, v57;
	_ =	sdelay $0x3  }
0x3ba: {  	v20 =	vperm.xlane v20, v19;
	[tilespmem:s8+$0x10C60] =	vst.add.f32.msk $0xffff, v22  }
0x3bb: {  	v21 =	vld.idx.msk [tilespmem:v21+s3+$0x0], $0xffff  }
0x3bc: {  	v61 =	vadd.s32 v0, v20;
	_ =	sdelay $0x3  }
0x3bd: {  	[tilespmem:s8+$0x10C70] =	vst.add.f32.msk $0xffff, v21  }
0x3be: {  	v21 =	vld.idx.msk [tilespmem:v61+s3+$0x0], $0xffff  }
0x3bf: {  	v62 =	vadd.s32 v3, v20;
	_ =	sdelay $0x3  }
0x3c0: {  	[tilespmem:s8+$0x10C80] =	vst.add.f32.msk $0xffff, v21  }
0x3c1: {  	v21 =	vld.idx.msk [tilespmem:v62+s3+$0x0], $0xffff  }
0x3c2: {  	v63 =	vadd.s32 v4, v20;
	_ =	sdelay $0x3  }
0x3c3: {  	[tilespmem:s8+$0x10C90] =	vst.add.f32.msk $0xffff, v21  }
0x3c4: {  	v21 =	vld.idx.msk [tilespmem:v63+s3+$0x0], $0xffff  }
0x3c5: {  	v20 =	vadd.s32 v5, v20;
	_ =	sdelay $0x3  }
0x3c6: {  	[tilespmem:s8+$0x10CA0] =	vst.add.f32.msk $0xffff, v21  }
0x3c7: {  	p0 =	sne.s32 s0, $0xF000;
	v20 =	vld.idx.msk [tilespmem:v20+s3+$0x0], $0xffff  }
.Ltmp5:
0x3c8: {  	_ = 	snop;
	(pc) =	sbr.rel @p0 .LBB2_12-.Ltmp5, $2  }
0x3c9: {  	_ =	sdelay $0x2  }
0x3ca: {  	s9 =	sadd.s32 $0x10, s9;
	s6 =	sadd.s32 $0x10, s6;
	s0 =	sadd.s32 $0x1000, s0;
	[tilespmem:s8+$0x10CB0] =	vst.add.f32.msk $0xffff, v20  }
0x3cb: {  	s0 =	simm.s32 $0x0;
	s6 =	rddreg [dreg:$0x7]  }
0x3cc: {  	[hbm4b:s6+s0] =	stream.linear.scatter [tilespmem:s1], [sflag:$0x5], $0x4000, $0x38;
	[tilespmem:$0x148C0] =	vst v63  }
0x3cd: {  	_ =	swait.ge [sflag:s29], $0x4000  }
0x3ce: {  	[sflag:s29] =	ssyncset.done $0x0  }
0x3cf: {  	[sflag:s29] =	ssyncadd.s32 $0xFFFFC000  }
0x3d0: {  	_ =	swait.ge [sflag:s21], $0x2000  }
0x3d1: {  	[sflag:s21] =	ssyncset.done $0x0  }
0x3d2: {  	[sflag:s21] =	ssyncadd.s32 $0xFFFFE000  }
0x3d3: {  	_ =	swait.ge [sflag:s21], $0x2000  }
0x3d4: {  	[sflag:s21] =	ssyncset.done $0x0  }
0x3d5: {  	s9 =	smov.u32 s18;
	s6 =	simm.s32 $0xC7C0;
	[sflag:s21] =	ssyncadd.s32 $0xFFFFE000  }
.LBB2_14:
0x3d6: {  	v20 =	vor.u32 s9, v0;
	v21 =	vld [tilespmem:s6+$0x0]  }
0x3d7: {  	v22 =	vmulhi.u32 $0x51EB851F, v20;
	_ =	sdelay $0x1  }
0x3d8: {  	v22 =	vshrl.u32 v22, $0x6  }
0x3d9: {  	v22 =	vmul.u32 $0xC8, v22  }
0x3da: {  	v21 =	vmul.u32 $0xC8, v21  }
0x3db: {  	v20 =	vsub.s32 v20, v22  }
0x3dc: {  	v20 =	vadd.s32 v20, v21  }
0x3dd: {  	v20 =	vshll.u32 v20, $0x6  }
0x3de: {  	v42 =	vperm.xlane v20, v2;
	_ =	sdelay $0x1  }
0x3df: {  	v43 =	vadd.s32 v0, v42;
	_ =	sdelay $0x4  }
0x3e0: {  	v22 =	vld.idx.msk [tilespmem:v43+s3+$0x0], $0xffff  }
0x3e1: {  	v23 =	vadd.s32 v3, v42;
	_ =	sdelay $0x2  }
0x3e2: {  	s8 =	sshra.s32 s0, $0x2  }
0x3e3: {  	[tilespmem:s8+$0xC8C0] =	vst.add.f32.msk $0xffff, v22  }
0x3e4: {  	v22 =	vld.idx.msk [tilespmem:v23+s3+$0x0], $0xffff  }
0x3e5: {  	v44 =	vadd.s32 v4, v42;
	_ =	sdelay $0x3  }
0x3e6: {  	[tilespmem:s8+$0xC8D0] =	vst.add.f32.msk $0xffff, v22  }
0x3e7: {  	v22 =	vld.idx.msk [tilespmem:v44+s3+$0x0], $0xffff  }
0x3e8: {  	v21 =	vadd.s32 v5, v42;
	_ =	sdelay $0x3  }
0x3e9: {  	v45 =	vperm.xlane v20, v6;
	[tilespmem:s8+$0xC8E0] =	vst.add.f32.msk $0xffff, v22  }
0x3ea: {  	v21 =	vld.idx.msk [tilespmem:v21+s3+$0x0], $0xffff  }
0x3eb: {  	v46 =	vadd.s32 v0, v45;
	_ =	sdelay $0x3  }
0x3ec: {  	[tilespmem:s8+$0xC8F0] =	vst.add.f32.msk $0xffff, v21  }
0x3ed: {  	v21 =	vld.idx.msk [tilespmem:v46+s3+$0x0], $0xffff  }
0x3ee: {  	v47 =	vadd.s32 v3, v45;
	_ =	sdelay $0x3  }
0x3ef: {  	[tilespmem:s8+$0xC900] =	vst.add.f32.msk $0xffff, v21  }
0x3f0: {  	v21 =	vld.idx.msk [tilespmem:v47+s3+$0x0], $0xffff  }
0x3f1: {  	v48 =	vadd.s32 v4, v45;
	_ =	sdelay $0x3  }
0x3f2: {  	[tilespmem:s8+$0xC910] =	vst.add.f32.msk $0xffff, v21  }
0x3f3: {  	v21 =	vld.idx.msk [tilespmem:v48+s3+$0x0], $0xffff  }
0x3f4: {  	v22 =	vadd.s32 v5, v45;
	_ =	sdelay $0x3  }
0x3f5: {  	v49 =	vperm.xlane v20, v7;
	[tilespmem:s8+$0xC920] =	vst.add.f32.msk $0xffff, v21  }
0x3f6: {  	v22 =	vld.idx.msk [tilespmem:v22+s3+$0x0], $0xffff  }
0x3f7: {  	v50 =	vadd.s32 v0, v49;
	_ =	sdelay $0x3  }
0x3f8: {  	[tilespmem:s8+$0xC930] =	vst.add.f32.msk $0xffff, v22  }
0x3f9: {  	v22 =	vld.idx.msk [tilespmem:v50+s3+$0x0], $0xffff  }
0x3fa: {  	v51 =	vadd.s32 v3, v49;
	_ =	sdelay $0x3  }
0x3fb: {  	[tilespmem:s8+$0xC940] =	vst.add.f32.msk $0xffff, v22  }
0x3fc: {  	v22 =	vld.idx.msk [tilespmem:v51+s3+$0x0], $0xffff  }
0x3fd: {  	v52 =	vadd.s32 v4, v49;
	_ =	sdelay $0x3  }
0x3fe: {  	[tilespmem:s8+$0xC950] =	vst.add.f32.msk $0xffff, v22  }
0x3ff: {  	v22 =	vld.idx.msk [tilespmem:v52+s3+$0x0], $0xffff  }
0x400: {  	v21 =	vadd.s32 v5, v49;
	_ =	sdelay $0x3  }
0x401: {  	v53 =	vperm.xlane v20, v8;
	[tilespmem:s8+$0xC960] =	vst.add.f32.msk $0xffff, v22  }
0x402: {  	v21 =	vld.idx.msk [tilespmem:v21+s3+$0x0], $0xffff  }
0x403: {  	v54 =	vadd.s32 v0, v53;
	_ =	sdelay $0x3  }
0x404: {  	[tilespmem:s8+$0xC970] =	vst.add.f32.msk $0xffff, v21  }
0x405: {  	v21 =	vld.idx.msk [tilespmem:v54+s3+$0x0], $0xffff  }
0x406: {  	v55 =	vadd.s32 v3, v53;
	_ =	sdelay $0x3  }
0x407: {  	[tilespmem:s8+$0xC980] =	vst.add.f32.msk $0xffff, v21  }
0x408: {  	v21 =	vld.idx.msk [tilespmem:v55+s3+$0x0], $0xffff  }
0x409: {  	v56 =	vadd.s32 v4, v53;
	_ =	sdelay $0x3  }
0x40a: {  	[tilespmem:s8+$0xC990] =	vst.add.f32.msk $0xffff, v21  }
0x40b: {  	v21 =	vld.idx.msk [tilespmem:v56+s3+$0x0], $0xffff  }
0x40c: {  	v22 =	vadd.s32 v5, v53;
	_ =	sdelay $0x3  }
0x40d: {  	v57 =	vperm.xlane v20, v9;
	[tilespmem:s8+$0xC9A0] =	vst.add.f32.msk $0xffff, v21  }
0x40e: {  	v22 =	vld.idx.msk [tilespmem:v22+s3+$0x0], $0xffff  }
0x40f: {  	v58 =	vadd.s32 v0, v57;
	_ =	sdelay $0x3  }
0x410: {  	[tilespmem:s8+$0xC9B0] =	vst.add.f32.msk $0xffff, v22  }
0x411: {  	v22 =	vld.idx.msk [tilespmem:v58+s3+$0x0], $0xffff  }
0x412: {  	v59 =	vadd.s32 v3, v57;
	_ =	sdelay $0x3  }
0x413: {  	[tilespmem:s8+$0xC9C0] =	vst.add.f32.msk $0xffff, v22  }
0x414: {  	v22 =	vld.idx.msk [tilespmem:v59+s3+$0x0], $0xffff  }
0x415: {  	v60 =	vadd.s32 v4, v57;
	_ =	sdelay $0x3  }
0x416: {  	[tilespmem:s8+$0xC9D0] =	vst.add.f32.msk $0xffff, v22  }
0x417: {  	v22 =	vld.idx.msk [tilespmem:v60+s3+$0x0], $0xffff  }
0x418: {  	v21 =	vadd.s32 v5, v57;
	_ =	sdelay $0x3  }
0x419: {  	v61 =	vperm.xlane v20, v10;
	[tilespmem:s8+$0xC9E0] =	vst.add.f32.msk $0xffff, v22  }
0x41a: {  	v21 =	vld.idx.msk [tilespmem:v21+s3+$0x0], $0xffff  }
0x41b: {  	v62 =	vadd.s32 v0, v61;
	_ =	sdelay $0x3  }
0x41c: {  	[tilespmem:s8+$0xC9F0] =	vst.add.f32.msk $0xffff, v21  }
0x41d: {  	v21 =	vld.idx.msk [tilespmem:v62+s3+$0x0], $0xffff  }
0x41e: {  	v63 =	vadd.s32 v3, v61;
	_ =	sdelay $0x3  }
0x41f: {  	[tilespmem:s8+$0xCA00] =	vst.add.f32.msk $0xffff, v21  }
0x420: {  	v21 =	vld.idx.msk [tilespmem:v63+s3+$0x0], $0xffff  }
0x421: {  	v24 =	vadd.s32 v4, v61;
	_ =	sdelay $0x3  }
0x422: {  	[tilespmem:s8+$0xCA10] =	vst.add.f32.msk $0xffff, v21  }
0x423: {  	v21 =	vld.idx.msk [tilespmem:v24+s3+$0x0], $0xffff  }
0x424: {  	v22 =	vadd.s32 v5, v61;
	_ =	sdelay $0x3  }
0x425: {  	v25 =	vperm.xlane v20, v1;
	[tilespmem:s8+$0xCA20] =	vst.add.f32.msk $0xffff, v21  }
0x426: {  	v22 =	vld.idx.msk [tilespmem:v22+s3+$0x0], $0xffff  }
0x427: {  	v26 =	vadd.s32 v0, v25;
	_ =	sdelay $0x3  }
0x428: {  	[tilespmem:s8+$0xCA30] =	vst.add.f32.msk $0xffff, v22  }
0x429: {  	v22 =	vld.idx.msk [tilespmem:v26+s3+$0x0], $0xffff  }
0x42a: {  	v27 =	vadd.s32 v3, v25;
	_ =	sdelay $0x3  }
0x42b: {  	[tilespmem:s8+$0xCA40] =	vst.add.f32.msk $0xffff, v22  }
0x42c: {  	v22 =	vld.idx.msk [tilespmem:v27+s3+$0x0], $0xffff  }
0x42d: {  	v28 =	vadd.s32 v4, v25;
	_ =	sdelay $0x3  }
0x42e: {  	[tilespmem:s8+$0xCA50] =	vst.add.f32.msk $0xffff, v22  }
0x42f: {  	v22 =	vld.idx.msk [tilespmem:v28+s3+$0x0], $0xffff  }
0x430: {  	v21 =	vadd.s32 v5, v25;
	_ =	sdelay $0x3  }
0x431: {  	v29 =	vperm.xlane v20, v11;
	[tilespmem:s8+$0xCA60] =	vst.add.f32.msk $0xffff, v22  }
0x432: {  	v21 =	vld.idx.msk [tilespmem:v21+s3+$0x0], $0xffff  }
0x433: {  	v30 =	vadd.s32 v0, v29;
	_ =	sdelay $0x3  }
0x434: {  	[tilespmem:s8+$0xCA70] =	vst.add.f32.msk $0xffff, v21  }
0x435: {  	v21 =	vld.idx.msk [tilespmem:v30+s3+$0x0], $0xffff  }
0x436: {  	v31 =	vadd.s32 v3, v29;
	_ =	sdelay $0x3  }
0x437: {  	[tilespmem:s8+$0xCA80] =	vst.add.f32.msk $0xffff, v21  }
0x438: {  	v21 =	vld.idx.msk [tilespmem:v31+s3+$0x0], $0xffff  }
0x439: {  	v32 =	vadd.s32 v4, v29;
	_ =	sdelay $0x3  }
0x43a: {  	[tilespmem:s8+$0xCA90] =	vst.add.f32.msk $0xffff, v21  }
0x43b: {  	v21 =	vld.idx.msk [tilespmem:v32+s3+$0x0], $0xffff  }
0x43c: {  	v22 =	vadd.s32 v5, v29;
	_ =	sdelay $0x3  }
0x43d: {  	v33 =	vperm.xlane v20, v12;
	[tilespmem:s8+$0xCAA0] =	vst.add.f32.msk $0xffff, v21  }
0x43e: {  	v22 =	vld.idx.msk [tilespmem:v22+s3+$0x0], $0xffff  }
0x43f: {  	v34 =	vadd.s32 v0, v33;
	_ =	sdelay $0x3  }
0x440: {  	[tilespmem:s8+$0xCAB0] =	vst.add.f32.msk $0xffff, v22  }
0x441: {  	v22 =	vld.idx.msk [tilespmem:v34+s3+$0x0], $0xffff  }
0x442: {  	v35 =	vadd.s32 v3, v33;
	_ =	sdelay $0x3  }
0x443: {  	[tilespmem:s8+$0xCAC0] =	vst.add.f32.msk $0xffff, v22  }
0x444: {  	v22 =	vld.idx.msk [tilespmem:v35+s3+$0x0], $0xffff  }
0x445: {  	v36 =	vadd.s32 v4, v33;
	_ =	sdelay $0x3  }
0x446: {  	[tilespmem:s8+$0xCAD0] =	vst.add.f32.msk $0xffff, v22  }
0x447: {  	v22 =	vld.idx.msk [tilespmem:v36+s3+$0x0], $0xffff  }
0x448: {  	v21 =	vadd.s32 v5, v33;
	_ =	sdelay $0x3  }
0x449: {  	v37 =	vperm.xlane v20, v13;
	[tilespmem:s8+$0xCAE0] =	vst.add.f32.msk $0xffff, v22  }
0x44a: {  	v21 =	vld.idx.msk [tilespmem:v21+s3+$0x0], $0xffff  }
0x44b: {  	v38 =	vadd.s32 v0, v37;
	_ =	sdelay $0x3  }
0x44c: {  	[tilespmem:s8+$0xCAF0] =	vst.add.f32.msk $0xffff, v21  }
0x44d: {  	v21 =	vld.idx.msk [tilespmem:v38+s3+$0x0], $0xffff  }
0x44e: {  	v39 =	vadd.s32 v3, v37;
	_ =	sdelay $0x3  }
0x44f: {  	[tilespmem:s8+$0xCB00] =	vst.add.f32.msk $0xffff, v21  }
0x450: {  	v21 =	vld.idx.msk [tilespmem:v39+s3+$0x0], $0xffff  }
0x451: {  	v40 =	vadd.s32 v4, v37;
	_ =	sdelay $0x3  }
0x452: {  	[tilespmem:s8+$0xCB10] =	vst.add.f32.msk $0xffff, v21  }
0x453: {  	v21 =	vld.idx.msk [tilespmem:v40+s3+$0x0], $0xffff  }
0x454: {  	v22 =	vadd.s32 v5, v37;
	_ =	sdelay $0x3  }
0x455: {  	v41 =	vperm.xlane v20, v14;
	[tilespmem:s8+$0xCB20] =	vst.add.f32.msk $0xffff, v21  }
0x456: {  	v22 =	vld.idx.msk [tilespmem:v22+s3+$0x0], $0xffff  }
0x457: {  	v42 =	vadd.s32 v0, v41;
	_ =	sdelay $0x3  }
0x458: {  	[tilespmem:s8+$0xCB30] =	vst.add.f32.msk $0xffff, v22  }
0x459: {  	v22 =	vld.idx.msk [tilespmem:v42+s3+$0x0], $0xffff  }
0x45a: {  	v43 =	vadd.s32 v3, v41;
	_ =	sdelay $0x3  }
0x45b: {  	[tilespmem:s8+$0xCB40] =	vst.add.f32.msk $0xffff, v22  }
0x45c: {  	v22 =	vld.idx.msk [tilespmem:v43+s3+$0x0], $0xffff  }
0x45d: {  	v44 =	vadd.s32 v4, v41;
	_ =	sdelay $0x3  }
0x45e: {  	[tilespmem:s8+$0xCB50] =	vst.add.f32.msk $0xffff, v22  }
0x45f: {  	v22 =	vld.idx.msk [tilespmem:v44+s3+$0x0], $0xffff  }
0x460: {  	v21 =	vadd.s32 v5, v41;
	_ =	sdelay $0x3  }
0x461: {  	v45 =	vperm.xlane v20, v15;
	[tilespmem:s8+$0xCB60] =	vst.add.f32.msk $0xffff, v22  }
0x462: {  	v21 =	vld.idx.msk [tilespmem:v21+s3+$0x0], $0xffff  }
0x463: {  	v46 =	vadd.s32 v0, v45;
	_ =	sdelay $0x3  }
0x464: {  	[tilespmem:s8+$0xCB70] =	vst.add.f32.msk $0xffff, v21  }
0x465: {  	v21 =	vld.idx.msk [tilespmem:v46+s3+$0x0], $0xffff  }
0x466: {  	v47 =	vadd.s32 v3, v45;
	_ =	sdelay $0x3  }
0x467: {  	[tilespmem:s8+$0xCB80] =	vst.add.f32.msk $0xffff, v21  }
0x468: {  	v21 =	vld.idx.msk [tilespmem:v47+s3+$0x0], $0xffff  }
0x469: {  	v48 =	vadd.s32 v4, v45;
	_ =	sdelay $0x3  }
0x46a: {  	[tilespmem:s8+$0xCB90] =	vst.add.f32.msk $0xffff, v21  }
0x46b: {  	v21 =	vld.idx.msk [tilespmem:v48+s3+$0x0], $0xffff  }
0x46c: {  	v22 =	vadd.s32 v5, v45;
	_ =	sdelay $0x3  }
0x46d: {  	v49 =	vperm.xlane v20, v16;
	[tilespmem:s8+$0xCBA0] =	vst.add.f32.msk $0xffff, v21  }
0x46e: {  	v22 =	vld.idx.msk [tilespmem:v22+s3+$0x0], $0xffff  }
0x46f: {  	v50 =	vadd.s32 v0, v49;
	_ =	sdelay $0x3  }
0x470: {  	[tilespmem:s8+$0xCBB0] =	vst.add.f32.msk $0xffff, v22  }
0x471: {  	v22 =	vld.idx.msk [tilespmem:v50+s3+$0x0], $0xffff  }
0x472: {  	v51 =	vadd.s32 v3, v49;
	_ =	sdelay $0x3  }
0x473: {  	[tilespmem:s8+$0xCBC0] =	vst.add.f32.msk $0xffff, v22  }
0x474: {  	v22 =	vld.idx.msk [tilespmem:v51+s3+$0x0], $0xffff  }
0x475: {  	v52 =	vadd.s32 v4, v49;
	_ =	sdelay $0x3  }
0x476: {  	[tilespmem:s8+$0xCBD0] =	vst.add.f32.msk $0xffff, v22  }
0x477: {  	v22 =	vld.idx.msk [tilespmem:v52+s3+$0x0], $0xffff  }
0x478: {  	v21 =	vadd.s32 v5, v49;
	_ =	sdelay $0x3  }
0x479: {  	v53 =	vperm.xlane v20, v17;
	[tilespmem:s8+$0xCBE0] =	vst.add.f32.msk $0xffff, v22  }
0x47a: {  	v21 =	vld.idx.msk [tilespmem:v21+s3+$0x0], $0xffff  }
0x47b: {  	v54 =	vadd.s32 v0, v53;
	_ =	sdelay $0x3  }
0x47c: {  	[tilespmem:s8+$0xCBF0] =	vst.add.f32.msk $0xffff, v21  }
0x47d: {  	v21 =	vld.idx.msk [tilespmem:v54+s3+$0x0], $0xffff  }
0x47e: {  	v55 =	vadd.s32 v3, v53;
	_ =	sdelay $0x3  }
0x47f: {  	[tilespmem:s8+$0xCC00] =	vst.add.f32.msk $0xffff, v21  }
0x480: {  	v21 =	vld.idx.msk [tilespmem:v55+s3+$0x0], $0xffff  }
0x481: {  	v56 =	vadd.s32 v4, v53;
	_ =	sdelay $0x3  }
0x482: {  	[tilespmem:s8+$0xCC10] =	vst.add.f32.msk $0xffff, v21  }
0x483: {  	v21 =	vld.idx.msk [tilespmem:v56+s3+$0x0], $0xffff  }
0x484: {  	v22 =	vadd.s32 v5, v53;
	_ =	sdelay $0x3  }
0x485: {  	v57 =	vperm.xlane v20, v18;
	[tilespmem:s8+$0xCC20] =	vst.add.f32.msk $0xffff, v21  }
0x486: {  	v22 =	vld.idx.msk [tilespmem:v22+s3+$0x0], $0xffff  }
0x487: {  	v58 =	vadd.s32 v0, v57;
	_ =	sdelay $0x3  }
0x488: {  	[tilespmem:s8+$0xCC30] =	vst.add.f32.msk $0xffff, v22  }
0x489: {  	v22 =	vld.idx.msk [tilespmem:v58+s3+$0x0], $0xffff  }
0x48a: {  	v59 =	vadd.s32 v3, v57;
	_ =	sdelay $0x3  }
0x48b: {  	[tilespmem:s8+$0xCC40] =	vst.add.f32.msk $0xffff, v22  }
0x48c: {  	v22 =	vld.idx.msk [tilespmem:v59+s3+$0x0], $0xffff  }
0x48d: {  	v60 =	vadd.s32 v4, v57;
	_ =	sdelay $0x3  }
0x48e: {  	[tilespmem:s8+$0xCC50] =	vst.add.f32.msk $0xffff, v22  }
0x48f: {  	v22 =	vld.idx.msk [tilespmem:v60+s3+$0x0], $0xffff  }
0x490: {  	v21 =	vadd.s32 v5, v57;
	_ =	sdelay $0x3  }
0x491: {  	v20 =	vperm.xlane v20, v19;
	[tilespmem:s8+$0xCC60] =	vst.add.f32.msk $0xffff, v22  }
0x492: {  	v21 =	vld.idx.msk [tilespmem:v21+s3+$0x0], $0xffff  }
0x493: {  	v61 =	vadd.s32 v0, v20;
	_ =	sdelay $0x3  }
0x494: {  	[tilespmem:s8+$0xCC70] =	vst.add.f32.msk $0xffff, v21  }
0x495: {  	v21 =	vld.idx.msk [tilespmem:v61+s3+$0x0], $0xffff  }
0x496: {  	v62 =	vadd.s32 v3, v20;
	_ =	sdelay $0x3  }
0x497: {  	[tilespmem:s8+$0xCC80] =	vst.add.f32.msk $0xffff, v21  }
0x498: {  	v21 =	vld.idx.msk [tilespmem:v62+s3+$0x0], $0xffff  }
0x499: {  	v63 =	vadd.s32 v4, v20;
	_ =	sdelay $0x3  }
0x49a: {  	[tilespmem:s8+$0xCC90] =	vst.add.f32.msk $0xffff, v21  }
0x49b: {  	v21 =	vld.idx.msk [tilespmem:v63+s3+$0x0], $0xffff  }
0x49c: {  	v20 =	vadd.s32 v5, v20;
	_ =	sdelay $0x3  }
0x49d: {  	[tilespmem:s8+$0xCCA0] =	vst.add.f32.msk $0xffff, v21  }
0x49e: {  	p0 =	sne.s32 s0, $0xF000;
	v20 =	vld.idx.msk [tilespmem:v20+s3+$0x0], $0xffff  }
.Ltmp6:
0x49f: {  	_ = 	snop;
	(pc) =	sbr.rel @p0 .LBB2_14-.Ltmp6, $2  }
0x4a0: {  	_ =	sdelay $0x2  }
0x4a1: {  	s9 =	sadd.s32 $0x10, s9;
	s6 =	sadd.s32 $0x10, s6;
	s0 =	sadd.s32 $0x1000, s0;
	[tilespmem:s8+$0xCCB0] =	vst.add.f32.msk $0xffff, v20  }
0x4a2: {  	s0 =	rddreg [dreg:$0x8]  }
0x4a3: {  	[hbm4b:s0+s3] =	stream.linear.scatter [tilespmem:s28], [sflag:$0x4], $0x4000, $0x38;
	[tilespmem:$0x148C0] =	vst v63  }
0x4a4: {  	_ =	swait.ge [sflag:s23], $0x4000  }
0x4a5: {  	s31 =	sadd.s32 $0x1, s31;
	s19 =	rddreg [dreg:$0x9]  }
0x4a6: {  	p0 =	sne.s32 s31, s19  }
.Ltmp7:
0x4a7: {  	_ = 	snop;
	(pc) =	sbr.rel @p0 .LBB2_1-.Ltmp7, $3  }
0x4a8: {  	_ =	sdelay $0x1  }
0x4a9: {  	[sflag:s23] =	ssyncset.done $0x0  }
0x4aa: {  	s9 =	simm.s32 $0x96C0;
	[sflag:s23] =	ssyncadd.s32 $0xFFFFC000  }
0x4ab: {  	_ =	sfence.sel $0x180000  }
0x4ac: {  	[bflag:$0x0] =	sbarrier.arrive $0xFFFF  }
0x4ad: {  	_ =	strace $0x90000047  }
0x4ae: {  	s0 =	stileid.u32;
	[bflag:$0x2] =	sbarrier.arrive $0xFFFF  }
0x4af: {  	p0 =	sne.s32 s0, $0x0;
	s0 =	rddreg [dreg:$0x2]  }
0x4b0: {  	s0 =	sadd.s32 @!p0 $0x100000, s0  }
0x4b1: {  	[sflag:s0] =	ssyncadd.tile.s32 @!p0 $0x1;
	_ =	shalt  }
.Lfunc_end2:
_tile_overlayer_lowered:
.L_overlay_start_2:
0x4b2: {  	(tag) =	ssettag $0x2  }
0x4b3: {  	s0 =	rddreg [dreg:$0x0];
	s2 =	stileid.u32  }
0x4b4: {  	s1 =	rddreg [dreg:$0x1];
	p0 =	sne.s32 s2, $0x0  }
0x4b5: {  	s3 =	rddreg [dreg:$0x2];
	[bflag:$0x3] =	sbarrier.arrive $0xFFFF;
	s2 =	simm.s32 @!p0 $0x1C06  }
0x4b6: {  	[timem:s3], [sflag:s2] =	dma.local @!p0 [hbm:s0], s1  }
0x4b7: {  	s0 =	simm.s32 @!p0 $0x6  }
0x4b8: {  	_ =	swait.ge @!p0 [sflag:s0], s1  }
0x4b9: {  	s1 =	ssub.s32 @!p0 $0x0, s1;
	[sflag:s0] =	ssyncset.done @!p0 $0x0  }
0x4ba: {  	[sflag:s0] =	ssyncadd.s32 @!p0 s1  }
0x4bb: {  	[bflag:$0x3] =	sbarrier.arrive $0xFFFF  }
0x4bc: {  	_ =	shalt  }

// kernel: sparse-core-data-format-call.cloned.1.call-start
scs
called_computation_lowered:
.L_overlay_start_0:
0x0: {  	s2 =	sld [smem:$0x3FD9]  }
0x1: {  	s3 =	sld [smem:$0x3FFE];
	_ =	sdelay $0x1  }
0x2: {  	s1 =	srdreg.scid  }
0x3: {  	s0 =	sand.u32 $0x1, s1  }
0x4: {  	s18 =	sshll.u32 s0, $0xA;
	s2 =	sadd.s32 s3, s2  }
0x5: {  	s2 =	sadd.s32 s2, s18  }
0x6: {  	[smem:$0x3FC3] =	sst s2  }
0x7: {  	_ = 	snop  }
0x8: {  	s2 =	sld [smem:$0x3FD0];
	(tm) =	ssettm $0x1  }
0x9: {  	s19 =	sld [smem:$0x3FFB];
	_ =	sdelay $0x3  }
0xa: {  	_ =	strace s19  }
0xb: {  	s3 =	sld [smem:$0x3FFC];
	_ =	sdelay $0x3  }
0xc: {  	_ =	strace s3  }
0xd: {  	s3 =	sld [smem:$0x3FFD];
	_ =	sdelay $0x3  }
0xe: {  	_ =	strace s3  }
0xf: {  	_ =	strace $0x8FFFFFFF  }
0x10: {  	s20 =	sld [smem:$0x3FDB];
	_ =	sdelay $0x1  }
0x11: {  	s4 =	simm.s32 $_scs_section_size  }
0x12: {  	s5 =	simm.s32 $_size__tile_overlayer_lowered;
	s6 =	simm.s32 $_tile_overlayer_lowered  }
0x13: {  	s23 =	simm.s32 $0x1BFF;
	s22 =	sshll.u32 s6, $0x1;
	s3 =	sadd.s32 s4, s20  }
0x14: {  	s7 =	simm.s32 $0x0;
	s21 =	sshll.u32 s5, $0x1;
	s5 =	sadd.s32 s22, s3  }
0x15: {  	[timem:s7], [sflag:s23] =	dma.local [hbm:s5], s21  }
0x16: {  	_ =	swait.ge [sflag:s23], s21  }
0x17: {  	s4 =	ssub.s32 $0x0, s21;
	[sflag:s23] =	ssyncset.done $0x0  }
0x18: {  	[sflag:s23] =	ssyncadd.s32 s4;
	_ =	sdelay $0x1  }
0x19: {  	s24 =	simm.s32 $0x1B8B  }
0x1a: {  	_ =	swait.ge [sflag:s24], $0x1  }
0x1b: {  	[sflag:s24] =	ssyncset.done $0x0  }
0x1c: {  	s26 =	simm.s32 $0x1B8E;
	s25 =	sld [smem:$0x3FFE];
	[sflag:s24] =	ssyncadd.s32 $0xFFFFFFFF  }
0x1d: {  	s27 =	simm.s32 $execute0_lowered;
	[smem:$0x3FD2] =	sst s26  }
0x1e: {  	s5 =	sshll.u32 s27, $0x1;
	_ =	strace $0x80000049;
	[dreg:$0x1] =	wrdreg $0xFFFFFFFF  }
0x1f: {  	s28 =	simm.s32 $_size_execute0_lowered;
	s3 =	sadd.s32 s3, s5;
	[dreg:$0x0] =	wrdreg $0x0  }
0x20: {  	s5 =	sshll.u32 s28, $0x1;
	[dreg:$0x2] =	wrdreg s3  }
0x21: {  	[dreg:$0x3] =	wrdreg s5  }
0x22: {  	[dreg:$0x4] =	wrdreg $0xC0  }
0x23: {  	_ =	task [dreg:s7], $0x5FFFF  }
0x24: {  	[dreg:$0x1] =	wrdreg $0xFFFFFFFF  }
0x25: {  	[dreg:$0x0] =	wrdreg $0x60  }
0x26: {  	[dreg:$0x2] =	wrdreg s25  }
0x27: {  	[dreg:$0x3] =	wrdreg s2  }
0x28: {  	[dreg:$0x4] =	wrdreg $0x9  }
0x29: {  	_ =	task.clear_ibuf [dreg:s7], $0x5FFFF;
	_ =	strace $0x90000049  }
0x2a: {  	s29 =	simm.s32 $0x9;
	_ =	strace $0x8000004B  }
0x2b: {  	_ =	swait.ge [sflag:s29], $0x1  }
0x2c: {  	[sflag:s29] =	ssyncadd.s32 $0xFFFFFFFF  }
0x2d: {  	_ =	strace $0x9000004B  }
0x2e: {  	_ =	sfence  }
0x2f: {  	s30 =	sld [smem:$0x0];
	_ =	sdelay $0x2  }
0x30: {  	s31 =	sshll.u32 s1, $0xD;
	s1 =	sshrl.u32 s1, $0x2  }
0x31: {  	s3 =	sand.u32 $0x4000, s31;
	s1 =	sadd.s32 s1, s30  }
0x32: {  	s0 =	sor.u32 s3, s0;
	s1 =	sshll.u32 s1, $0x11  }
0x33: {  	s0 =	sor.u32 s1, s0  }
0x34: {  	s0 =	sadd.s32 $0x8F2B, s0  }
0x35: {  	[sflag:s0] =	ssyncadd.remote.s32 $0x1  }
0x36: {  	_ =	sfence.sel $0xFFFF  }
0x37: {  	[dreg:$0x0] =	wrdreg $0xFFFFFFFF;
	(pc) =	sbr.abs _section_cstart, $3  }
0x38: {  	[dreg:$0x1] =	wrdreg $0xFFFFFFFF  }
0x39: {  	_ =	task.clear_ibuf [dreg:s7], $0x2FFFF;
	_ =	strace $0x9FFFFFFF  }
0x3a: {  	(tm) =	ssettm $0x7FFFFFFF  }
0x3b: {  	_ =	shalt  }
tec
execute0_lowered:
.L_overlay_start_1:
0x0: {  	(tag) =	ssettag $0x1  }
0x1: {  	s0 =	stileid.u32;
	s6 =	rddreg [dreg:$0x0]  }
0x2: {  	s2 =	rddreg [dreg:$0x1];
	s5 =	srdreg.scid  }
0x3: {  	s31 =	simm.s32 $0x2;
	s13 =	simm.s32 $0x0;
	s1 =	sshll.u32 s0, $0x7  }
0x4: {  	s14 =	simm.s32 $0x0;
	s12 =	simm.s32 $0x0;
	s3 =	sand.u32 $0x380, s1  }
0x5: {  	s5 =	sshll.u32 s5, $0x4;
	s6 =	sadd.s32 $0x1200, s6;
	s4 =	ssub.s32 $0x400, s3  }
0x6: {  	s1 =	rddreg [dreg:$0x2];
	_ =	strace $0x8000004A;
	s7 =	sand.u32 $0x380, s4  }
0x7: {  	s5 =	sand.u32 $0x10, s5;
	p0 =	sne.s32 s7, $0x0;
	s7 =	simm.s32 $0x1  }
.Ltmp0:
0x8: {  	s8 =	sshrl.u32 s4, $0xA;
	s7 =	simm.s32 @!p0 $0x0;
	(pc) =	sbr.rel .LBB1_1-.Ltmp0, $4  }
0x9: {  	s9 =	sor.u32 s0, s5;
	s4 =	simm.s32 $0x1;
	s30 =	sadd.s32 s7, s8  }
0xa: {  	s11 =	smov.u32 s3;
	[sflag:s4] =	ssyncpa.u1 $0x0;
	s5 =	smul.u32 $0x32, s30  }
0xb: {  	[sflag:s31] =	ssyncpa.u1 $0x0;
	p0 =	por $0x0, $0x0;
	s7 =	sshrl.u32 s9, $0x3  }
0xc: {  	s9 =	simm.s32 $0x2000;
	s10 =	smov.u32 s7;
	s8 =	sor.u32 $0x1, s5  }
.LBB1_4:
0xd: {  	s17 =	sand.u32 $0x1F80, s14;
	s13 =	sshll.u32 s13, $0xD  }
0xe: {  	[tilespmem:s16+$0x810 ss:$0x81] =	vst.msk $0xffff, v2;
	s18 =	sshrl.u32 s14, $0x3;
	s31 =	sand.u32 $0x7, s14;
	s17 =	sadd.s32 s2, s17  }
0xf: {  	[tilespmem:s16+$0x1020 ss:$0x81] =	vst.msk $0xffff, v0;
	s18 =	sand.u32 $0xF, s18;
	s14 =	sshll.u32 s31, $0x12;
	s13 =	sadd.s32 s13, s17  }
0x10: {  	[tilespmem:s16+$0x0 ss:$0x81] =	vst.msk $0xffff, v1;
	s14 =	sor.u32 $0x400, s14;
	s13 =	sadd.s32 s18, s13  }
0x11: {  	[hbm4b:s13+s14] =	stream.strided.scatter [tilespmem:s15], [sflag:$0x2], $0x2000, s9, s14, $0x20;
	[tilespmem:$0x8080] =	vst v63  }
.LBB1_5:
0x12: {  	s15 =	sadd.s32 $0x4, s10  }
0x13: {  	s13 =	sadd.s32 $0x400, s11;
	s17 =	smov.u32 s11;
	p2 =	sgt.s32 s15, $0xC7  }
0x14: {  	s17 =	smov.u32 @p2 s13  }
0x15: {  	s15 =	smov.u32 @p2 s7;
	p2 =	sgt.s32 s17, $0x3FF  }
0x16: {  	s17 =	smov.u32 @p2 s3;
	p2 =	sne.s32 s12, s8  }
.Ltmp1:
0x17: {  	p1 =	slt.u32 s12, $0x2;
	(pc) =	sbr.rel @!p2 .LBB1_6-.Ltmp1, $4  }
0x18: {  	s16 =	simm.s32 @!p1 $0x2  }
0x19: {  	s14 =	smov.u32 s11;
	p0 =	por !p0, !p0;
	_ =	swait.ge @!p1 [sflag:s16], $0x2000  }
0x1a: {  	s13 =	smov.u32 s10;
	[sflag:s16] =	ssyncset.done @!p1 $0x0;
	s10 =	smov.u32 s15  }
0x1b: {  	s12 =	sadd.s32 $0x1, s12;
	[sflag:s16] =	ssyncadd.s32 @!p1 $0xFFFFE000;
	s11 =	smov.u32 s17  }
.LBB1_1:
0x1c: {  	p1 =	sge.u32 s12, s5  }
0x1d: {  	s15 =	sand.u32 @!p1 $0x1FFFFFF, s10  }
0x1e: {  	s16 =	smulhi.u32 @!p1 $0x147AE15, s15;
	_ =	sdelay $0x1  }
0x1f: {  	s16 =	smul.u32 @!p1 $0xC8, s16  }
0x20: {  	s17 =	sxor.u32 @!p1 $0xFFFFFFFF, s12;
	s18 =	smul.u32 @!p1 $0xC80, s11  }
0x21: {  	s31 =	sadd.s32 $0xFFFFFFFF, s12;
	s17 =	sshll.u32 @!p1 s17, $0xD;
	s15 =	ssub.s32 @!p1 s15, s16  }
0x22: {  	s16 =	sand.u32 @!p1 $0x2000, s17;
	s17 =	sadd.s32 @!p1 s6, s18;
	s15 =	sshll.u32 @!p1 s15, $0x4  }
0x23: {  	s18 =	simm.s32 @!p1 $0x6400;
	s15 =	sadd.s32 @!p1 s15, s17;
	s17 =	simm.s32 @!p1 $0x40  }
0x24: {  	[tilespmem:s16], [sflag:$0x1] =	stream.strided.gather @!p1 [hbm4b:s15+s17], $0x2000, s18, s17, $0x38;
	[tilespmem:$0x8080] =	vst v63  }
0x25: {  	p1 =	sge.u32 s31, s5  }
.Ltmp2:
0x26: {  	_ = 	snop;
	(pc) =	sbr.rel @p1 .LBB1_5-.Ltmp2, $1  }
0x27: {  	_ =	sdelay $0x3  }
0x28: {  	s15 =	simm.s32 $0x1  }
0x29: {  	_ =	swait.ge [sflag:s4], $0x2000;
	s15 =	simm.s32 @!p0 $0x0  }
0x2a: {  	[sflag:s4] =	ssyncset.done $0x0;
	s16 =	sshll.u32 s15, $0xD  }
0x2b: {  	[sflag:s4] =	ssyncadd.s32 $0xFFFFE000;
	s19 =	sor.u32 $0x20, s16  }
0x2c: {  	s15 =	smul.u32 $0x8100, s15;
	v3 =	vld [tilespmem:s19+$0x10]  }
0x2d: {  	s30 =	sand.u32 $0x1, s12;
	v2 =	vld [tilespmem:s19+$0xFFFFFFF0]  }
0x2e: {  	s16 =	smul.u32 $0x8100, s30;
	s15 =	sshrl.u32 s15, $0x2;
	v0 =	vld [tilespmem:s19+$0x0]  }
0x2f: {  	v1 =	vld [tilespmem:s19+$0xFFFFFFE0];
	s17 =	sor.u32 $0x4000, s15  }
0x30: {  	s31 =	sshrl.u32 s16, $0x2;
	s16 =	sadd.s32 $0x0, s17  }
0x31: {  	s18 =	simm.s32 $0x4;
	s19 =	sadd.s32 $0x40, s19;
	s15 =	sor.u32 $0x4000, s31;
	[tilespmem:s16+$0x1830 ss:$0x81] =	vst.msk $0xffff, v3  }
.LBB1_3:
0x32: {  	v3 =	vld [tilespmem:s19+$0x10];
	p1 =	sne.s32 s18, $0x1FC;
	[tilespmem:s16+$0x810 ss:$0x81] =	vst.msk $0xffff, v2;
	s20 =	smov.u32 s18;
	s18 =	sadd.s32 $0x4, s18  }
.Ltmp3:
0x33: {  	v2 =	vld [tilespmem:s19+$0xFFFFFFF0];
	[tilespmem:s16+$0x1020 ss:$0x81] =	vst.msk $0xffff, v0;
	(pc) =	sbr.rel @p1 .LBB1_3-.Ltmp3, $4  }
0x34: {  	v0 =	vld [tilespmem:s19+$0x0];
	[tilespmem:s16+$0x0 ss:$0x81] =	vst.msk $0xffff, v1  }
0x35: {  	s16 =	sshra.s32 s20, $0x2;
	v1 =	vld [tilespmem:s19+$0xFFFFFFE0]  }
0x36: {  	s16 =	sadd.s32 s16, s17  }
0x37: {  	s19 =	sadd.s32 $0x40, s19;
	[tilespmem:s16+$0x1830 ss:$0x81] =	vst.msk $0xffff, v3  }
.Ltmp4:
0x38: {  	_ = 	snop;
	(pc) =	sbr.rel .LBB1_4-.Ltmp4, $1  }
0x39: {  	_ =	sdelay $0x3  }
.LBB1_6:
0x3a: {  	_ =	sfence.sel $0x180000  }
0x3b: {  	s2 =	simm.s32 $0x1;
	[bflag:$0x0] =	sbarrier.arrive $0xFFFF  }
0x3c: {  	s31 =	simm.s32 $0x2;
	[sflag:s2] =	ssyncpa.u1 $0x1  }
0x3d: {  	[sflag:s31] =	ssyncpa.u1 $0x1  }
0x3e: {  	p0 =	sne.s32 s0, $0x0;
	_ =	strace $0x9000004A  }
0x3f: {  	s0 =	sadd.s32 @!p0 $0x100000, s1;
	[bflag:$0x2] =	sbarrier.arrive $0xFFFF  }
0x40: {  	[sflag:s0] =	ssyncadd.tile.s32 @!p0 $0x1;
	_ =	shalt  }
.Lfunc_end1:
_tile_overlayer_lowered:
.L_overlay_start_2:
0x41: {  	(tag) =	ssettag $0x2  }
0x42: {  	s0 =	rddreg [dreg:$0x0];
	s2 =	stileid.u32  }
0x43: {  	s1 =	rddreg [dreg:$0x1];
	p0 =	sne.s32 s2, $0x0  }
0x44: {  	s3 =	rddreg [dreg:$0x2];
	[bflag:$0x3] =	sbarrier.arrive $0xFFFF;
	s2 =	simm.s32 @!p0 $0x1C01  }
0x45: {  	[timem:s3], [sflag:s2] =	dma.local @!p0 [hbm:s0], s1  }
0x46: {  	s0 =	simm.s32 @!p0 $0x1  }
0x47: {  	_ =	swait.ge @!p0 [sflag:s0], s1  }
0x48: {  	s1 =	ssub.s32 @!p0 $0x0, s1;
	[sflag:s0] =	ssyncset.done @!p0 $0x0  }
0x49: {  	[sflag:s0] =	ssyncadd.s32 @!p0 s1  }
0x4a: {  	[bflag:$0x3] =	sbarrier.arrive $0xFFFF  }
0x4b: {  	_ =	shalt  }

</sc_bundles>
